<compile_context>
chip_gen: v7x
topology: tpu7x:2x2x1
jax: 0.10.2.dev20260603
libtpu: 0.0.44.dev20260713+nightly
codegen_flags: <defaults>
</compile_context>

<pallas_src>
import jax
import jax.numpy as jnp
import numpy as np
from jax import lax
from jax.experimental import pallas as pl
from jax.experimental.pallas import tpu as pltpu
from jax.experimental.pallas import tpu_sc as plsc

N_NODES = 10000
N_EDGES = 320000
D = 128
NR = 16

NC = 2
NS = 16
NW = NC * NS
EPW = N_EDGES // NW
CHUNK = 80
N_CHUNKS = EPW // CHUNK
N_PAIRS = (N_CHUNKS - 1) // 2
EB = 4
LANES = 16

ACC_BLOCK = 8000

_PERM = np.concatenate(
    [np.arange(32 * blk, 32 * (blk + 1)).reshape(16, 2).T.reshape(32)
     for blk in range(D // 32)])


def _tc1_body(x_ref, wji_ref, b_ref, idxj_ref, idxi_ref, t_ref, idx_ref):
    x = x_ref[...]
    t_ref[0:N_NODES, :] = jnp.dot(x, wji_ref[0:D, :],
                                  preferred_element_type=jnp.float32)
    t_ref[N_NODES:2 * N_NODES, :] = (
        jnp.dot(x, wji_ref[D:2 * D, :], preferred_element_type=jnp.float32)
        + b_ref[...]
    )
    idx_ref[0] = idxj_ref[...]
    idx_ref[1] = idxi_ref[...] + N_NODES


def _tc1(x, wji_perm, b_perm, idx_j, idx_i):
    n_idx_rows = N_EDGES // D
    return pl.pallas_call(
        _tc1_body,
        out_shape=[
            jax.ShapeDtypeStruct((2 * N_NODES, D), jnp.float32),
            jax.ShapeDtypeStruct((2, n_idx_rows, D), jnp.int32),
        ],
    )(x, wji_perm, b_perm.reshape(1, D),
      idx_j.reshape(n_idx_rows, D), idx_i.reshape(n_idx_rows, D))


def _sc_body(t_hbm, idx_hbm, gsum_hbm,
             idx_v0, idx_v1, rows_j, rows_i, out_v,
             sem_g0, sem_g1, sem_o0, sem_o1):
    wid = lax.axis_index("s") * NC + lax.axis_index("c")
    base_w = wid * EPW
    sem_g = (sem_g0, sem_g1)
    sem_o = (sem_o0, sem_o1)
    rows = ((rows_j.at[0], rows_i.at[0]), (rows_j.at[1], rows_i.at[1]))
    outb = (out_v.at[0], out_v.at[1])

    pltpu.sync_copy(idx_hbm.at[0, wid, 0, :], idx_v0)
    pltpu.sync_copy(idx_hbm.at[1, wid, 0, :], idx_v1)

    def issue_in(c, b):
        off = c * CHUNK
        pltpu.async_copy(t_hbm.at[idx_v0.at[pl.ds(off, CHUNK)]],
                         rows[b][0], sem_g[b])
        pltpu.async_copy(t_hbm.at[idx_v1.at[pl.ds(off, CHUNK)]],
                         rows[b][1], sem_g[b])

    def wait_in(b):
        pltpu.make_async_copy(t_hbm.at[idx_v0.at[pl.ds(0, CHUNK)]],
                              rows[b][0], sem_g[b]).wait()
        pltpu.make_async_copy(t_hbm.at[idx_v1.at[pl.ds(0, CHUNK)]],
                              rows[b][1], sem_g[b]).wait()

    def wait_out(b):
        pltpu.make_async_copy(outb[b], gsum_hbm.at[pl.ds(0, CHUNK)],
                              sem_o[b]).wait()

    def compute_store(c, b):
        rj, ri = rows[b]
        ov = outb[b]

        def eb_body(i, _):
            e0 = i * EB
            for ep in range(EB):
                e = e0 + ep
                for g in range(D // 32):
                    s0l = pl.ds(32 * g, LANES)
                    s1l = pl.ds(32 * g + LANES, LANES)
                    s0 = rj[e, s0l] + ri[e, s0l]
                    s1 = rj[e, s1l] + ri[e, s1l]
                    ov[e, pl.ds(LANES * g, LANES)] = plsc.bitcast(
                        plsc.pack(s0, s1, format=plsc.PackFormat.INTERLEAVED),
                        jnp.int32)
            return 0

        lax.fori_loop(0, CHUNK // EB, eb_body, 0)
        pltpu.async_copy(ov, gsum_hbm.at[pl.ds(base_w + c * CHUNK, CHUNK)],
                         sem_o[b])

    issue_in(0, 0)
    issue_in(1, 1)

    def pair_body(p, _):
        c0 = 2 * p
        for b in (0, 1):
            c = c0 + b
            wait_in(b)

            @pl.when(c >= 2)
            def _():
                wait_out(b)

            compute_store(c, b)

            @pl.when(c + 2 < N_CHUNKS)
            def _():
                issue_in(c + 2, b)

        return 0

    lax.fori_loop(0, N_PAIRS, pair_body, 0)
    wait_in(0)
    wait_out(0)
    compute_store(N_CHUNKS - 1, 0)
    wait_out(1)
    wait_out(0)


def _sc_gsum(t, idx_cat):
    mesh = plsc.VectorSubcoreMesh(core_axis_name="c", subcore_axis_name="s")
    return pl.kernel(
        _sc_body,
        out_type=jax.ShapeDtypeStruct((N_EDGES, D // 2), jnp.int32),
        mesh=mesh,
        compiler_params=pltpu.CompilerParams(needs_layout_passes=False),
        scratch_types=[
            pltpu.VMEM((EPW,), jnp.int32),
            pltpu.VMEM((EPW,), jnp.int32),
            pltpu.VMEM((2, CHUNK, D), jnp.float32),
            pltpu.VMEM((2, CHUNK, D), jnp.float32),
            pltpu.VMEM((2, CHUNK, D // 2), jnp.int32),
        ] + [pltpu.SemaphoreType.DMA] * 4,
    )(t, idx_cat)


def _tc2_body(gsum_ref, rbf_ref, wrbf_ref, wedge_ref, out_ref):
    wr = jnp.dot(wrbf_ref[...], wedge_ref[2 * D:3 * D, :],
                 preferred_element_type=jnp.float32)
    acc = jnp.dot(rbf_ref[...], wr, preferred_element_type=jnp.float32)
    t = gsum_ref[...].astype(jnp.float32) + acc
    out_ref[...] = t / (1.0 + jnp.exp(-t))


def _tc2(gsum, rbf, W_rbf, W_edge):
    full = lambda shape: pl.BlockSpec(shape, lambda i: tuple(0 for _ in shape))
    return pl.pallas_call(
        _tc2_body,
        grid=(N_EDGES // ACC_BLOCK,),
        in_specs=[
            pl.BlockSpec((ACC_BLOCK, D), lambda i: (i, 0)),
            pl.BlockSpec((ACC_BLOCK, NR), lambda i: (i, 0)),
            full((NR, D)),
            full((3 * D, D)),
        ],
        out_specs=pl.BlockSpec((ACC_BLOCK, D), lambda i: (i, 0)),
        out_shape=jax.ShapeDtypeStruct((N_EDGES, D), jnp.float32),
    )(gsum, rbf, W_rbf, W_edge)


def kernel(x, rbf, idx_i, idx_j, W_rbf, W_edge, b_edge):
    idx_i = idx_i.astype(jnp.int32)
    idx_j = idx_j.astype(jnp.int32)
    wji_perm = W_edge[0:2 * D][:, _PERM]
    b_perm = b_edge[_PERM]
    t, idx_cat = _tc1(x, wji_perm, b_perm, idx_j, idx_i)
    gsum_i32 = _sc_gsum(t, idx_cat.reshape(2, NW, 1, EPW))
    gsum = lax.bitcast_convert_type(gsum_i32, jnp.bfloat16).reshape(N_EDGES, D)
    return _tc2(gsum, rbf, W_rbf, W_edge)

# --- scband reference (transcript-rebuilt; emitter-appended) ---
"""Pipeline reference for scband-edge-embed-15152644620439 (READ-ONLY COPY).

The authoritative reference and input builder live on the scoring server;
editing this copy changes nothing except your own understanding.
"""

import jax, jax.numpy as jnp
import numpy as np


def setup_inputs(seed: int = 0) -> dict:
    key = jax.random.key(seed)
    ks = jax.random.split(key, 8)
    n_nodes = 10000
    n_edges = 320000
    node_dim = 128
    edge_dim = 128
    n_radial = 16
    x = jax.random.normal(ks[0], (n_nodes, node_dim), dtype=jnp.float32)
    rbf = jax.random.uniform(ks[1], (n_edges, n_radial), dtype=jnp.float32)
    idx_i = jax.random.randint(ks[2], (n_edges,), 0, n_nodes, dtype=jnp.int64)
    idx_j = jax.random.randint(ks[3], (n_edges,), 0, n_nodes, dtype=jnp.int64)
    # rbf_lin: Dense(n_radial -> edge_dim, bias=False), glorot-style scaling
    W_rbf = jax.random.normal(ks[4], (n_radial, edge_dim), dtype=jnp.float32) * np.sqrt(2.0 / (n_radial + edge_dim))
    # edge_embed Dense(2*node_dim + edge_dim -> edge_dim, bias=True)
    fan_in = 2 * node_dim + edge_dim
    W_edge = jax.random.normal(ks[5], (fan_in, edge_dim), dtype=jnp.float32) * np.sqrt(2.0 / (fan_in + edge_dim))
    b_edge = jnp.zeros((edge_dim,), dtype=jnp.float32)
    return {"x": x, "rbf": rbf, "idx_i": idx_i, "idx_j": idx_j, "W_rbf": W_rbf, "W_edge": W_edge, "b_edge": b_edge}


def _swish(t, beta=1.0):
    return t * jax.nn.sigmoid(beta * t)


def reference(x, rbf, idx_i, idx_j, W_rbf, W_edge, b_edge):
    # rbf = self.rbf_lin(rbf)
    rbf_p = jnp.dot(rbf, W_rbf)
    # gather node embeddings for both endpoints of each edge
    xj = jnp.take(x, idx_j, axis=0)
    xi = jnp.take(x, idx_i, axis=0)
    h = jnp.concatenate([xj, xi, rbf_p], axis=-1)
    # Dense(bias=True) followed by Swish(beta=1.0)
    out = jnp.dot(h, W_edge) + b_edge
    return _swish(out, 1.0)

if __name__ == "__main__":
    import jax
    _d = setup_inputs()
    print(jax.jit(kernel)(*tuple(_d.values())))

</pallas_src>

<mosaic_0001>
#map = affine_map<(d0, d1) -> (0, 0)>
#map1 = affine_map<(d0, d1) -> (0, 0, 0, 0)>
module attributes {stable_mosaic.version = 14 : i64} {
  func.func @_sc_body(%arg0: i32, %arg1: i32, %arg2: memref<20000x128xf32, #tpu.memory_space<hbm>>, %arg3: memref<2x32x1x10000xi32, #tpu.memory_space<hbm>>, %arg4: memref<320000x64xi32, #tpu.memory_space<hbm>>, %arg5: memref<10000xi32, #tpu.memory_space<vmem>>, %arg6: memref<10000xi32, #tpu.memory_space<vmem>>, %arg7: memref<2x80x128xf32, #tpu.memory_space<vmem>>, %arg8: memref<2x80x128xf32, #tpu.memory_space<vmem>>, %arg9: memref<2x80x64xi32, #tpu.memory_space<vmem>>, %arg10: memref<!tpu.dma_semaphore, #tpu.memory_space<semaphore_mem>>, %arg11: memref<!tpu.dma_semaphore, #tpu.memory_space<semaphore_mem>>, %arg12: memref<!tpu.dma_semaphore, #tpu.memory_space<semaphore_mem>>, %arg13: memref<!tpu.dma_semaphore, #tpu.memory_space<semaphore_mem>>) attributes {dimension_semantics = [#tpu.dimension_semantics<core_parallel>, #tpu.dimension_semantics<subcore_parallel>], iteration_bounds = array<i64: 2, 16>, scalar_prefetch = 0 : i64, scratch_operands = 9 : i64, tpu.core_type = #tpu.core_type<sc_vector_subcore>, window_params = [{transform_indices = #map}, {transform_indices = #map1}, {transform_indices = #map}]} {
    %mul3A = arith.constant 2 : i32
    %mul3A_0 = arith.muli %arg1, %mul3A : i32
    %add3A = arith.addi %mul3A_0, %arg0 : i32
    %mul3A_1 = arith.constant 10000 : i32
    %mul3A_2 = arith.muli %add3A, %mul3A_1 : i32
    %run_scoped3A = arith.constant 0 : i32
    %run_scoped3A_3 = arith.constant 0 : i32
    "tpu.region"() ({
      %run_scoped3A_146 = tpu.sem_alloc : memref<!tpu.dma_semaphore, #tpu.memory_space<semaphore_mem>>
      %dma_start3A_147 = arith.constant 0 : i32
      %dma_start3A_148 = tpu.memref_slice %arg3[%run_scoped3A, %add3A, %run_scoped3A_3, %dma_start3A_147] : memref<2x32x1x10000xi32, #tpu.memory_space<hbm>> -> memref<1x1x1x10000xi32, #tpu.memory_space<hbm>>
      %dma_start3A_149 = tpu.memref_squeeze %dma_start3A_148 : memref<1x1x1x10000xi32, #tpu.memory_space<hbm>> -> memref<10000xi32, #tpu.memory_space<hbm>>
      %dma_start3A_150 = arith.constant 0 : i32
      %dma_start3A_151 = tpu.memref_slice %arg3[%run_scoped3A, %add3A, %run_scoped3A_3, %dma_start3A_150] : memref<2x32x1x10000xi32, #tpu.memory_space<hbm>> -> memref<1x1x1x10000xi32, #tpu.memory_space<hbm>>
      %dma_start3A_152 = tpu.memref_squeeze %dma_start3A_151 : memref<1x1x1x10000xi32, #tpu.memory_space<hbm>> -> memref<10000xi32, #tpu.memory_space<hbm>>
      tpu.enqueue_dma source(%dma_start3A_152 : memref<10000xi32, #tpu.memory_space<hbm>>) target(%arg5 : memref<10000xi32, #tpu.memory_space<vmem>>) target_semaphore(%run_scoped3A_146 : memref<!tpu.dma_semaphore, #tpu.memory_space<semaphore_mem>>)
      %dma_wait3A_153 = arith.constant 0 : i32
      %dma_wait3A_154 = tpu.memref_slice %arg3[%run_scoped3A, %add3A, %run_scoped3A_3, %dma_wait3A_153] : memref<2x32x1x10000xi32, #tpu.memory_space<hbm>> -> memref<1x1x1x10000xi32, #tpu.memory_space<hbm>>
      %dma_wait3A_155 = tpu.memref_squeeze %dma_wait3A_154 : memref<1x1x1x10000xi32, #tpu.memory_space<hbm>> -> memref<10000xi32, #tpu.memory_space<hbm>>
      %dma_wait3A_156 = arith.constant 0 : i32
      %dma_wait3A_157 = tpu.memref_slice %arg3[%run_scoped3A, %add3A, %run_scoped3A_3, %dma_wait3A_156] : memref<2x32x1x10000xi32, #tpu.memory_space<hbm>> -> memref<1x1x1x10000xi32, #tpu.memory_space<hbm>>
      %dma_wait3A_158 = tpu.memref_squeeze %dma_wait3A_157 : memref<1x1x1x10000xi32, #tpu.memory_space<hbm>> -> memref<10000xi32, #tpu.memory_space<hbm>>
      tpu.wait_dma2 semaphore(%run_scoped3A_146 : memref<!tpu.dma_semaphore, #tpu.memory_space<semaphore_mem>>) src(%dma_wait3A_158 : memref<10000xi32, #tpu.memory_space<hbm>>) dst(%arg5 : memref<10000xi32, #tpu.memory_space<vmem>>)
      tpu.yield
    }) : () -> ()
    %run_scoped3A_4 = arith.constant 1 : i32
    %run_scoped3A_5 = arith.constant 0 : i32
    "tpu.region"() ({
      %run_scoped3A_146 = tpu.sem_alloc : memref<!tpu.dma_semaphore, #tpu.memory_space<semaphore_mem>>
      %dma_start3A_147 = arith.constant 0 : i32
      %dma_start3A_148 = tpu.memref_slice %arg3[%run_scoped3A_4, %add3A, %run_scoped3A_5, %dma_start3A_147] : memref<2x32x1x10000xi32, #tpu.memory_space<hbm>> -> memref<1x1x1x10000xi32, #tpu.memory_space<hbm>>
      %dma_start3A_149 = tpu.memref_squeeze %dma_start3A_148 : memref<1x1x1x10000xi32, #tpu.memory_space<hbm>> -> memref<10000xi32, #tpu.memory_space<hbm>>
      %dma_start3A_150 = arith.constant 0 : i32
      %dma_start3A_151 = tpu.memref_slice %arg3[%run_scoped3A_4, %add3A, %run_scoped3A_5, %dma_start3A_150] : memref<2x32x1x10000xi32, #tpu.memory_space<hbm>> -> memref<1x1x1x10000xi32, #tpu.memory_space<hbm>>
      %dma_start3A_152 = tpu.memref_squeeze %dma_start3A_151 : memref<1x1x1x10000xi32, #tpu.memory_space<hbm>> -> memref<10000xi32, #tpu.memory_space<hbm>>
      tpu.enqueue_dma source(%dma_start3A_152 : memref<10000xi32, #tpu.memory_space<hbm>>) target(%arg6 : memref<10000xi32, #tpu.memory_space<vmem>>) target_semaphore(%run_scoped3A_146 : memref<!tpu.dma_semaphore, #tpu.memory_space<semaphore_mem>>)
      %dma_wait3A_153 = arith.constant 0 : i32
      %dma_wait3A_154 = tpu.memref_slice %arg3[%run_scoped3A_4, %add3A, %run_scoped3A_5, %dma_wait3A_153] : memref<2x32x1x10000xi32, #tpu.memory_space<hbm>> -> memref<1x1x1x10000xi32, #tpu.memory_space<hbm>>
      %dma_wait3A_155 = tpu.memref_squeeze %dma_wait3A_154 : memref<1x1x1x10000xi32, #tpu.memory_space<hbm>> -> memref<10000xi32, #tpu.memory_space<hbm>>
      %dma_wait3A_156 = arith.constant 0 : i32
      %dma_wait3A_157 = tpu.memref_slice %arg3[%run_scoped3A_4, %add3A, %run_scoped3A_5, %dma_wait3A_156] : memref<2x32x1x10000xi32, #tpu.memory_space<hbm>> -> memref<1x1x1x10000xi32, #tpu.memory_space<hbm>>
      %dma_wait3A_158 = tpu.memref_squeeze %dma_wait3A_157 : memref<1x1x1x10000xi32, #tpu.memory_space<hbm>> -> memref<10000xi32, #tpu.memory_space<hbm>>
      tpu.wait_dma2 semaphore(%run_scoped3A_146 : memref<!tpu.dma_semaphore, #tpu.memory_space<semaphore_mem>>) src(%dma_wait3A_158 : memref<10000xi32, #tpu.memory_space<hbm>>) dst(%arg6 : memref<10000xi32, #tpu.memory_space<vmem>>)
      tpu.yield
    }) : () -> ()
    %dma_start3A = arith.constant 0 : i32
    %dma_start3A_6 = arith.constant 0 : i32
    %dma_start3A_7 = arith.constant 0 : i32
    %dma_start3A_8 = tpu.memref_slice %arg7[%dma_start3A, %dma_start3A_6, %dma_start3A_7] : memref<2x80x128xf32, #tpu.memory_space<vmem>> -> memref<1x80x128xf32, #tpu.memory_space<vmem>>
    %dma_start3A_9 = tpu.memref_squeeze %dma_start3A_8 : memref<1x80x128xf32, #tpu.memory_space<vmem>> -> memref<80x128xf32, #tpu.memory_space<vmem>>
    %dma_start3A_10 = arith.constant 0 : i32
    %dma_start3A_11 = tpu.memref_slice %arg5[%dma_start3A_10] : memref<10000xi32, #tpu.memory_space<vmem>> -> memref<80xi32, #tpu.memory_space<vmem>>
    %dma_start3A_12 = arith.constant 0 : i32
    %dma_start3A_13 = arith.constant 0 : i32
    %dma_start3A_14 = tpu.memref_slice %arg2[%dma_start3A_12, %dma_start3A_13] : memref<20000x128xf32, #tpu.memory_space<hbm>> -> memref<20000x128xf32, #tpu.memory_space<hbm>>
    tpu.enqueue_indirect_dma source(%dma_start3A_14 : memref<20000x128xf32, #tpu.memory_space<hbm>>) target(%dma_start3A_9 : memref<80x128xf32, #tpu.memory_space<vmem>>) offsets(%dma_start3A_11 : memref<80xi32, #tpu.memory_space<vmem>>) semaphore(%arg10 : memref<!tpu.dma_semaphore, #tpu.memory_space<semaphore_mem>>)
    %dma_start3A_15 = arith.constant 0 : i32
    %dma_start3A_16 = arith.constant 0 : i32
    %dma_start3A_17 = arith.constant 0 : i32
    %dma_start3A_18 = tpu.memref_slice %arg8[%dma_start3A_15, %dma_start3A_16, %dma_start3A_17] : memref<2x80x128xf32, #tpu.memory_space<vmem>> -> memref<1x80x128xf32, #tpu.memory_space<vmem>>
    %dma_start3A_19 = tpu.memref_squeeze %dma_start3A_18 : memref<1x80x128xf32, #tpu.memory_space<vmem>> -> memref<80x128xf32, #tpu.memory_space<vmem>>
    %dma_start3A_20 = arith.constant 0 : i32
    %dma_start3A_21 = tpu.memref_slice %arg6[%dma_start3A_20] : memref<10000xi32, #tpu.memory_space<vmem>> -> memref<80xi32, #tpu.memory_space<vmem>>
    %dma_start3A_22 = arith.constant 0 : i32
    %dma_start3A_23 = arith.constant 0 : i32
    %dma_start3A_24 = tpu.memref_slice %arg2[%dma_start3A_22, %dma_start3A_23] : memref<20000x128xf32, #tpu.memory_space<hbm>> -> memref<20000x128xf32, #tpu.memory_space<hbm>>
    tpu.enqueue_indirect_dma source(%dma_start3A_24 : memref<20000x128xf32, #tpu.memory_space<hbm>>) target(%dma_start3A_19 : memref<80x128xf32, #tpu.memory_space<vmem>>) offsets(%dma_start3A_21 : memref<80xi32, #tpu.memory_space<vmem>>) semaphore(%arg10 : memref<!tpu.dma_semaphore, #tpu.memory_space<semaphore_mem>>)
    %dma_start3A_25 = arith.constant 1 : i32
    %dma_start3A_26 = arith.constant 0 : i32
    %dma_start3A_27 = arith.constant 0 : i32
    %dma_start3A_28 = tpu.memref_slice %arg7[%dma_start3A_25, %dma_start3A_26, %dma_start3A_27] : memref<2x80x128xf32, #tpu.memory_space<vmem>> -> memref<1x80x128xf32, #tpu.memory_space<vmem>>
    %dma_start3A_29 = tpu.memref_squeeze %dma_start3A_28 : memref<1x80x128xf32, #tpu.memory_space<vmem>> -> memref<80x128xf32, #tpu.memory_space<vmem>>
    %dma_start3A_30 = arith.constant 80 : i32
    %dma_start3A_31 = tpu.memref_slice %arg5[%dma_start3A_30] : memref<10000xi32, #tpu.memory_space<vmem>> -> memref<80xi32, #tpu.memory_space<vmem>>
    %dma_start3A_32 = arith.constant 0 : i32
    %dma_start3A_33 = arith.constant 0 : i32
    %dma_start3A_34 = tpu.memref_slice %arg2[%dma_start3A_32, %dma_start3A_33] : memref<20000x128xf32, #tpu.memory_space<hbm>> -> memref<20000x128xf32, #tpu.memory_space<hbm>>
    tpu.enqueue_indirect_dma source(%dma_start3A_34 : memref<20000x128xf32, #tpu.memory_space<hbm>>) target(%dma_start3A_29 : memref<80x128xf32, #tpu.memory_space<vmem>>) offsets(%dma_start3A_31 : memref<80xi32, #tpu.memory_space<vmem>>) semaphore(%arg11 : memref<!tpu.dma_semaphore, #tpu.memory_space<semaphore_mem>>)
    %dma_start3A_35 = arith.constant 1 : i32
    %dma_start3A_36 = arith.constant 0 : i32
    %dma_start3A_37 = arith.constant 0 : i32
    %dma_start3A_38 = tpu.memref_slice %arg8[%dma_start3A_35, %dma_start3A_36, %dma_start3A_37] : memref<2x80x128xf32, #tpu.memory_space<vmem>> -> memref<1x80x128xf32, #tpu.memory_space<vmem>>
    %dma_start3A_39 = tpu.memref_squeeze %dma_start3A_38 : memref<1x80x128xf32, #tpu.memory_space<vmem>> -> memref<80x128xf32, #tpu.memory_space<vmem>>
    %dma_start3A_40 = arith.constant 80 : i32
    %dma_start3A_41 = tpu.memref_slice %arg6[%dma_start3A_40] : memref<10000xi32, #tpu.memory_space<vmem>> -> memref<80xi32, #tpu.memory_space<vmem>>
    %dma_start3A_42 = arith.constant 0 : i32
    %dma_start3A_43 = arith.constant 0 : i32
    %dma_start3A_44 = tpu.memref_slice %arg2[%dma_start3A_42, %dma_start3A_43] : memref<20000x128xf32, #tpu.memory_space<hbm>> -> memref<20000x128xf32, #tpu.memory_space<hbm>>
    tpu.enqueue_indirect_dma source(%dma_start3A_44 : memref<20000x128xf32, #tpu.memory_space<hbm>>) target(%dma_start3A_39 : memref<80x128xf32, #tpu.memory_space<vmem>>) offsets(%dma_start3A_41 : memref<80xi32, #tpu.memory_space<vmem>>) semaphore(%arg11 : memref<!tpu.dma_semaphore, #tpu.memory_space<semaphore_mem>>)
    %scan3A = arith.constant 0 : i32
    %scan3A_45 = arith.constant 0 : i32
    %scan3A_46 = arith.constant 0 : i32
    %scan3A_47 = arith.constant 1 : i32
    %scan3A_48 = arith.constant 1 : i32
    %scan3A_49 = arith.constant 1 : i32
    %scan3A_50 = arith.constant 0 : i32
    %scan3A_51 = arith.constant 0 : i32
    %scan3A_52 = arith.constant 62 : i32
    %scan3A_53 = arith.addi %scan3A_51, %scan3A_52 : i32
    %scan3A_54 = arith.constant 1 : i32
    %scan3A_55 = scf.for %scan3A_146 = %scan3A_51 to %scan3A_53 step %scan3A_54 iter_args(%scan3A_147 = %scan3A_50) -> (i32)  : i32 {
      %mul3A_148 = arith.constant 2 : i32
      %mul3A_149 = arith.muli %mul3A_148, %scan3A_146 : i32
      %add3A_150 = arith.constant 0 : i32
      %add3A_151 = arith.addi %mul3A_149, %add3A_150 : i32
      %dma_wait3A_152 = arith.constant 0 : i32
      %dma_wait3A_153 = arith.constant 0 : i32
      %dma_wait3A_154 = tpu.memref_slice %arg7[%scan3A, %dma_wait3A_152, %dma_wait3A_153] : memref<2x80x128xf32, #tpu.memory_space<vmem>> -> memref<1x80x128xf32, #tpu.memory_space<vmem>>
      %dma_wait3A_155 = tpu.memref_squeeze %dma_wait3A_154 : memref<1x80x128xf32, #tpu.memory_space<vmem>> -> memref<80x128xf32, #tpu.memory_space<vmem>>
      %dma_wait3A_156 = arith.constant 0 : i32
      %dma_wait3A_157 = tpu.memref_slice %arg5[%dma_wait3A_156] : memref<10000xi32, #tpu.memory_space<vmem>> -> memref<80xi32, #tpu.memory_space<vmem>>
      %dma_wait3A_158 = arith.constant 0 : i32
      %dma_wait3A_159 = arith.constant 0 : i32
      %dma_wait3A_160 = tpu.memref_slice %arg2[%dma_wait3A_158, %dma_wait3A_159] : memref<20000x128xf32, #tpu.memory_space<hbm>> -> memref<20000x128xf32, #tpu.memory_space<hbm>>
      tpu.wait_indirect_dma semaphore(%arg10 : memref<!tpu.dma_semaphore, #tpu.memory_space<semaphore_mem>>) src(%dma_wait3A_160 : memref<20000x128xf32, #tpu.memory_space<hbm>>) dst(%dma_wait3A_155 : memref<80x128xf32, #tpu.memory_space<vmem>>)
      %dma_wait3A_161 = arith.constant 0 : i32
      %dma_wait3A_162 = arith.constant 0 : i32
      %dma_wait3A_163 = tpu.memref_slice %arg8[%scan3A_45, %dma_wait3A_161, %dma_wait3A_162] : memref<2x80x128xf32, #tpu.memory_space<vmem>> -> memref<1x80x128xf32, #tpu.memory_space<vmem>>
      %dma_wait3A_164 = tpu.memref_squeeze %dma_wait3A_163 : memref<1x80x128xf32, #tpu.memory_space<vmem>> -> memref<80x128xf32, #tpu.memory_space<vmem>>
      %dma_wait3A_165 = arith.constant 0 : i32
      %dma_wait3A_166 = tpu.memref_slice %arg6[%dma_wait3A_165] : memref<10000xi32, #tpu.memory_space<vmem>> -> memref<80xi32, #tpu.memory_space<vmem>>
      %dma_wait3A_167 = arith.constant 0 : i32
      %dma_wait3A_168 = arith.constant 0 : i32
      %dma_wait3A_169 = tpu.memref_slice %arg2[%dma_wait3A_167, %dma_wait3A_168] : memref<20000x128xf32, #tpu.memory_space<hbm>> -> memref<20000x128xf32, #tpu.memory_space<hbm>>
      tpu.wait_indirect_dma semaphore(%arg10 : memref<!tpu.dma_semaphore, #tpu.memory_space<semaphore_mem>>) src(%dma_wait3A_169 : memref<20000x128xf32, #tpu.memory_space<hbm>>) dst(%dma_wait3A_164 : memref<80x128xf32, #tpu.memory_space<vmem>>)
      %ge3A = arith.constant 2 : i32
      %ge3A_170 = arith.cmpi sge, %add3A_151, %ge3A : i32
      %convert_element_type3A = arith.extui %ge3A_170 : i1 to i32
      %cond3A = arith.constant 0 : i32
      %cond3A_171 = arith.cmpi ne, %convert_element_type3A, %cond3A : i32
      scf.if %cond3A_171 {
        %dma_wait3A_255 = arith.constant 0 : i32
        %dma_wait3A_256 = arith.constant 0 : i32
        %dma_wait3A_257 = tpu.memref_slice %arg9[%scan3A_46, %dma_wait3A_255, %dma_wait3A_256] : memref<2x80x64xi32, #tpu.memory_space<vmem>> -> memref<1x80x64xi32, #tpu.memory_space<vmem>>
        %dma_wait3A_258 = tpu.memref_squeeze %dma_wait3A_257 : memref<1x80x64xi32, #tpu.memory_space<vmem>> -> memref<80x64xi32, #tpu.memory_space<vmem>>
        %dma_wait3A_259 = arith.constant 0 : i32
        %dma_wait3A_260 = arith.constant 0 : i32
        %dma_wait3A_261 = tpu.memref_slice %arg4[%dma_wait3A_259, %dma_wait3A_260] : memref<320000x64xi32, #tpu.memory_space<hbm>> -> memref<80x64xi32, #tpu.memory_space<hbm>>
        %dma_wait3A_262 = arith.constant 0 : i32
        %dma_wait3A_263 = arith.constant 0 : i32
        %dma_wait3A_264 = tpu.memref_slice %arg4[%dma_wait3A_262, %dma_wait3A_263] : memref<320000x64xi32, #tpu.memory_space<hbm>> -> memref<80x64xi32, #tpu.memory_space<hbm>>
        %dma_wait3A_265 = arith.constant 0 : i32
        %dma_wait3A_266 = arith.constant 0 : i32
        %dma_wait3A_267 = tpu.memref_slice %arg9[%scan3A_46, %dma_wait3A_265, %dma_wait3A_266] : memref<2x80x64xi32, #tpu.memory_space<vmem>> -> memref<1x80x64xi32, #tpu.memory_space<vmem>>
        %dma_wait3A_268 = tpu.memref_squeeze %dma_wait3A_267 : memref<1x80x64xi32, #tpu.memory_space<vmem>> -> memref<80x64xi32, #tpu.memory_space<vmem>>
        tpu.wait_dma2 semaphore(%arg12 : memref<!tpu.dma_semaphore, #tpu.memory_space<semaphore_mem>>) src(%dma_wait3A_268 : memref<80x64xi32, #tpu.memory_space<vmem>>) dst(%dma_wait3A_264 : memref<80x64xi32, #tpu.memory_space<hbm>>)
      } else {
      }
      %scan3A_172 = arith.constant 0 : i32
      %scan3A_173 = arith.constant 0 : i32
      %scan3A_174 = arith.constant 20 : i32
      %scan3A_175 = arith.addi %scan3A_173, %scan3A_174 : i32
      %scan3A_176 = arith.constant 1 : i32
      %scan3A_177 = scf.for %scan3A_255 = %scan3A_173 to %scan3A_175 step %scan3A_176 iter_args(%scan3A_256 = %scan3A_172) -> (i32)  : i32 {
        %mul3A_257 = arith.constant 4 : i32
        %mul3A_258 = arith.muli %scan3A_255, %mul3A_257 : i32
        %add3A_259 = arith.constant 0 : i32
        %add3A_260 = arith.addi %mul3A_258, %add3A_259 : i32
        %get3A = arith.constant 0 : i32
        %get3A_261 = arith.constant 0 : i32
        %get3A_262 = tpu.memref_slice %arg7[%scan3A, %get3A, %get3A_261] : memref<2x80x128xf32, #tpu.memory_space<vmem>> -> memref<1x80x128xf32, #tpu.memory_space<vmem>>
        %get3A_263 = tpu.memref_squeeze %get3A_262 : memref<1x80x128xf32, #tpu.memory_space<vmem>> -> memref<80x128xf32, #tpu.memory_space<vmem>>
        %get3A_264 = arith.index_cast %add3A_260 : i32 to index
        %get3A_265 = arith.constant 0 : index
        %get3A_266 = tpu.vector_load %get3A_263[%get3A_264, %get3A_265] {strides = array<i32>} : memref<80x128xf32, #tpu.memory_space<vmem>>, vector<16xf32>,
        %get3A_267 = arith.constant 0 : i32
        %get3A_268 = arith.constant 0 : i32
        %get3A_269 = tpu.memref_slice %arg8[%scan3A_45, %get3A_267, %get3A_268] : memref<2x80x128xf32, #tpu.memory_space<vmem>> -> memref<1x80x128xf32, #tpu.memory_space<vmem>>
        %get3A_270 = tpu.memref_squeeze %get3A_269 : memref<1x80x128xf32, #tpu.memory_space<vmem>> -> memref<80x128xf32, #tpu.memory_space<vmem>>
        %get3A_271 = arith.index_cast %add3A_260 : i32 to index
        %get3A_272 = arith.constant 0 : index
        %get3A_273 = tpu.vector_load %get3A_270[%get3A_271, %get3A_272] {strides = array<i32>} : memref<80x128xf32, #tpu.memory_space<vmem>>, vector<16xf32>,
        %add3A_274 = arith.addf %get3A_266, %get3A_273 : vector<16xf32>
        %get3A_275 = arith.constant 0 : i32
        %get3A_276 = arith.constant 0 : i32
        %get3A_277 = tpu.memref_slice %arg7[%scan3A, %get3A_275, %get3A_276] : memref<2x80x128xf32, #tpu.memory_space<vmem>> -> memref<1x80x128xf32, #tpu.memory_space<vmem>>
        %get3A_278 = tpu.memref_squeeze %get3A_277 : memref<1x80x128xf32, #tpu.memory_space<vmem>> -> memref<80x128xf32, #tpu.memory_space<vmem>>
        %get3A_279 = arith.index_cast %add3A_260 : i32 to index
        %get3A_280 = arith.constant 16 : index
        %get3A_281 = tpu.vector_load %get3A_278[%get3A_279, %get3A_280] {strides = array<i32>} : memref<80x128xf32, #tpu.memory_space<vmem>>, vector<16xf32>,
        %get3A_282 = arith.constant 0 : i32
        %get3A_283 = arith.constant 0 : i32
        %get3A_284 = tpu.memref_slice %arg8[%scan3A_45, %get3A_282, %get3A_283] : memref<2x80x128xf32, #tpu.memory_space<vmem>> -> memref<1x80x128xf32, #tpu.memory_space<vmem>>
        %get3A_285 = tpu.memref_squeeze %get3A_284 : memref<1x80x128xf32, #tpu.memory_space<vmem>> -> memref<80x128xf32, #tpu.memory_space<vmem>>
        %get3A_286 = arith.index_cast %add3A_260 : i32 to index
        %get3A_287 = arith.constant 16 : index
        %get3A_288 = tpu.vector_load %get3A_285[%get3A_286, %get3A_287] {strides = array<i32>} : memref<80x128xf32, #tpu.memory_space<vmem>>, vector<16xf32>,
        %add3A_289 = arith.addf %get3A_281, %get3A_288 : vector<16xf32>
        %pack3A = tpu.pack_subelements %add3A_274, %add3A_289 {pack_format = #tpu.pack_format<interleaved>, positions = array<i32: 0, 1>} : vector<16xf32>, vector<16xf32> -> vector<32xbf16>
        %bitcast3A = vector.bitcast %pack3A : vector<32xbf16> to vector<16xi32>
        %swap3A = arith.constant 0 : i32
        %swap3A_290 = arith.constant 0 : i32
        %swap3A_291 = tpu.memref_slice %arg9[%scan3A_46, %swap3A, %swap3A_290] : memref<2x80x64xi32, #tpu.memory_space<vmem>> -> memref<1x80x64xi32, #tpu.memory_space<vmem>>
        %swap3A_292 = tpu.memref_squeeze %swap3A_291 : memref<1x80x64xi32, #tpu.memory_space<vmem>> -> memref<80x64xi32, #tpu.memory_space<vmem>>
        %swap3A_293 = arith.index_cast %add3A_260 : i32 to index
        %swap3A_294 = arith.constant 0 : index
        %swap3A_295 = tpu.vector_load %swap3A_292[%swap3A_293, %swap3A_294] {strides = array<i32>} : memref<80x64xi32, #tpu.memory_space<vmem>>, vector<16xi32>,
        tpu.vector_store %swap3A_292[%swap3A_293, %swap3A_294], %bitcast3A {strides = array<i32>} : memref<80x64xi32, #tpu.memory_space<vmem>>, vector<16xi32>,
        %get3A_296 = arith.constant 0 : i32
        %get3A_297 = arith.constant 0 : i32
        %get3A_298 = tpu.memref_slice %arg7[%scan3A, %get3A_296, %get3A_297] : memref<2x80x128xf32, #tpu.memory_space<vmem>> -> memref<1x80x128xf32, #tpu.memory_space<vmem>>
        %get3A_299 = tpu.memref_squeeze %get3A_298 : memref<1x80x128xf32, #tpu.memory_space<vmem>> -> memref<80x128xf32, #tpu.memory_space<vmem>>
        %get3A_300 = arith.index_cast %add3A_260 : i32 to index
        %get3A_301 = arith.constant 32 : index
        %get3A_302 = tpu.vector_load %get3A_299[%get3A_300, %get3A_301] {strides = array<i32>} : memref<80x128xf32, #tpu.memory_space<vmem>>, vector<16xf32>,
        %get3A_303 = arith.constant 0 : i32
        %get3A_304 = arith.constant 0 : i32
        %get3A_305 = tpu.memref_slice %arg8[%scan3A_45, %get3A_303, %get3A_304] : memref<2x80x128xf32, #tpu.memory_space<vmem>> -> memref<1x80x128xf32, #tpu.memory_space<vmem>>
        %get3A_306 = tpu.memref_squeeze %get3A_305 : memref<1x80x128xf32, #tpu.memory_space<vmem>> -> memref<80x128xf32, #tpu.memory_space<vmem>>
        %get3A_307 = arith.index_cast %add3A_260 : i32 to index
        %get3A_308 = arith.constant 32 : index
        %get3A_309 = tpu.vector_load %get3A_306[%get3A_307, %get3A_308] {strides = array<i32>} : memref<80x128xf32, #tpu.memory_space<vmem>>, vector<16xf32>,
        %add3A_310 = arith.addf %get3A_302, %get3A_309 : vector<16xf32>
        %get3A_311 = arith.constant 0 : i32
        %get3A_312 = arith.constant 0 : i32
        %get3A_313 = tpu.memref_slice %arg7[%scan3A, %get3A_311, %get3A_312] : memref<2x80x128xf32, #tpu.memory_space<vmem>> -> memref<1x80x128xf32, #tpu.memory_space<vmem>>
        %get3A_314 = tpu.memref_squeeze %get3A_313 : memref<1x80x128xf32, #tpu.memory_space<vmem>> -> memref<80x128xf32, #tpu.memory_space<vmem>>
        %get3A_315 = arith.index_cast %add3A_260 : i32 to index
        %get3A_316 = arith.constant 48 : index
        %get3A_317 = tpu.vector_load %get3A_314[%get3A_315, %get3A_316] {strides = array<i32>} : memref<80x128xf32, #tpu.memory_space<vmem>>, vector<16xf32>,
        %get3A_318 = arith.constant 0 : i32
        %get3A_319 = arith.constant 0 : i32
        %get3A_320 = tpu.memref_slice %arg8[%scan3A_45, %get3A_318, %get3A_319] : memref<2x80x128xf32, #tpu.memory_space<vmem>> -> memref<1x80x128xf32, #tpu.memory_space<vmem>>
        %get3A_321 = tpu.memref_squeeze %get3A_320 : memref<1x80x128xf32, #tpu.memory_space<vmem>> -> memref<80x128xf32, #tpu.memory_space<vmem>>
        %get3A_322 = arith.index_cast %add3A_260 : i32 to index
        %get3A_323 = arith.constant 48 : index
        %get3A_324 = tpu.vector_load %get3A_321[%get3A_322, %get3A_323] {strides = array<i32>} : memref<80x128xf32, #tpu.memory_space<vmem>>, vector<16xf32>,
        %add3A_325 = arith.addf %get3A_317, %get3A_324 : vector<16xf32>
        %pack3A_326 = tpu.pack_subelements %add3A_310, %add3A_325 {pack_format = #tpu.pack_format<interleaved>, positions = array<i32: 0, 1>} : vector<16xf32>, vector<16xf32> -> vector<32xbf16>
        %bitcast3A_327 = vector.bitcast %pack3A_326 : vector<32xbf16> to vector<16xi32>
        %swap3A_328 = arith.constant 0 : i32
        %swap3A_329 = arith.constant 0 : i32
        %swap3A_330 = tpu.memref_slice %arg9[%scan3A_46, %swap3A_328, %swap3A_329] : memref<2x80x64xi32, #tpu.memory_space<vmem>> -> memref<1x80x64xi32, #tpu.memory_space<vmem>>
        %swap3A_331 = tpu.memref_squeeze %swap3A_330 : memref<1x80x64xi32, #tpu.memory_space<vmem>> -> memref<80x64xi32, #tpu.memory_space<vmem>>
        %swap3A_332 = arith.index_cast %add3A_260 : i32 to index
        %swap3A_333 = arith.constant 16 : index
        %swap3A_334 = tpu.vector_load %swap3A_331[%swap3A_332, %swap3A_333] {strides = array<i32>} : memref<80x64xi32, #tpu.memory_space<vmem>>, vector<16xi32>,
        tpu.vector_store %swap3A_331[%swap3A_332, %swap3A_333], %bitcast3A_327 {strides = array<i32>} : memref<80x64xi32, #tpu.memory_space<vmem>>, vector<16xi32>,
        %get3A_335 = arith.constant 0 : i32
        %get3A_336 = arith.constant 0 : i32
        %get3A_337 = tpu.memref_slice %arg7[%scan3A, %get3A_335, %get3A_336] : memref<2x80x128xf32, #tpu.memory_space<vmem>> -> memref<1x80x128xf32, #tpu.memory_space<vmem>>
        %get3A_338 = tpu.memref_squeeze %get3A_337 : memref<1x80x128xf32, #tpu.memory_space<vmem>> -> memref<80x128xf32, #tpu.memory_space<vmem>>
        %get3A_339 = arith.index_cast %add3A_260 : i32 to index
        %get3A_340 = arith.constant 64 : index
        %get3A_341 = tpu.vector_load %get3A_338[%get3A_339, %get3A_340] {strides = array<i32>} : memref<80x128xf32, #tpu.memory_space<vmem>>, vector<16xf32>,
        %get3A_342 = arith.constant 0 : i32
        %get3A_343 = arith.constant 0 : i32
        %get3A_344 = tpu.memref_slice %arg8[%scan3A_45, %get3A_342, %get3A_343] : memref<2x80x128xf32, #tpu.memory_space<vmem>> -> memref<1x80x128xf32, #tpu.memory_space<vmem>>
        %get3A_345 = tpu.memref_squeeze %get3A_344 : memref<1x80x128xf32, #tpu.memory_space<vmem>> -> memref<80x128xf32, #tpu.memory_space<vmem>>
        %get3A_346 = arith.index_cast %add3A_260 : i32 to index
        %get3A_347 = arith.constant 64 : index
        %get3A_348 = tpu.vector_load %get3A_345[%get3A_346, %get3A_347] {strides = array<i32>} : memref<80x128xf32, #tpu.memory_space<vmem>>, vector<16xf32>,
        %add3A_349 = arith.addf %get3A_341, %get3A_348 : vector<16xf32>
        %get3A_350 = arith.constant 0 : i32
        %get3A_351 = arith.constant 0 : i32
        %get3A_352 = tpu.memref_slice %arg7[%scan3A, %get3A_350, %get3A_351] : memref<2x80x128xf32, #tpu.memory_space<vmem>> -> memref<1x80x128xf32, #tpu.memory_space<vmem>>
        %get3A_353 = tpu.memref_squeeze %get3A_352 : memref<1x80x128xf32, #tpu.memory_space<vmem>> -> memref<80x128xf32, #tpu.memory_space<vmem>>
        %get3A_354 = arith.index_cast %add3A_260 : i32 to index
        %get3A_355 = arith.constant 80 : index
        %get3A_356 = tpu.vector_load %get3A_353[%get3A_354, %get3A_355] {strides = array<i32>} : memref<80x128xf32, #tpu.memory_space<vmem>>, vector<16xf32>,
        %get3A_357 = arith.constant 0 : i32
        %get3A_358 = arith.constant 0 : i32
        %get3A_359 = tpu.memref_slice %arg8[%scan3A_45, %get3A_357, %get3A_358] : memref<2x80x128xf32, #tpu.memory_space<vmem>> -> memref<1x80x128xf32, #tpu.memory_space<vmem>>
        %get3A_360 = tpu.memref_squeeze %get3A_359 : memref<1x80x128xf32, #tpu.memory_space<vmem>> -> memref<80x128xf32, #tpu.memory_space<vmem>>
        %get3A_361 = arith.index_cast %add3A_260 : i32 to index
        %get3A_362 = arith.constant 80 : index
        %get3A_363 = tpu.vector_load %get3A_360[%get3A_361, %get3A_362] {strides = array<i32>} : memref<80x128xf32, #tpu.memory_space<vmem>>, vector<16xf32>,
        %add3A_364 = arith.addf %get3A_356, %get3A_363 : vector<16xf32>
        %pack3A_365 = tpu.pack_subelements %add3A_349, %add3A_364 {pack_format = #tpu.pack_format<interleaved>, positions = array<i32: 0, 1>} : vector<16xf32>, vector<16xf32> -> vector<32xbf16>
        %bitcast3A_366 = vector.bitcast %pack3A_365 : vector<32xbf16> to vector<16xi32>
        %swap3A_367 = arith.constant 0 : i32
        %swap3A_368 = arith.constant 0 : i32
        %swap3A_369 = tpu.memref_slice %arg9[%scan3A_46, %swap3A_367, %swap3A_368] : memref<2x80x64xi32, #tpu.memory_space<vmem>> -> memref<1x80x64xi32, #tpu.memory_space<vmem>>
        %swap3A_370 = tpu.memref_squeeze %swap3A_369 : memref<1x80x64xi32, #tpu.memory_space<vmem>> -> memref<80x64xi32, #tpu.memory_space<vmem>>
        %swap3A_371 = arith.index_cast %add3A_260 : i32 to index
        %swap3A_372 = arith.constant 32 : index
        %swap3A_373 = tpu.vector_load %swap3A_370[%swap3A_371, %swap3A_372] {strides = array<i32>} : memref<80x64xi32, #tpu.memory_space<vmem>>, vector<16xi32>,
        tpu.vector_store %swap3A_370[%swap3A_371, %swap3A_372], %bitcast3A_366 {strides = array<i32>} : memref<80x64xi32, #tpu.memory_space<vmem>>, vector<16xi32>,
        %get3A_374 = arith.constant 0 : i32
        %get3A_375 = arith.constant 0 : i32
        %get3A_376 = tpu.memref_slice %arg7[%scan3A, %get3A_374, %get3A_375] : memref<2x80x128xf32, #tpu.memory_space<vmem>> -> memref<1x80x128xf32, #tpu.memory_space<vmem>>
        %get3A_377 = tpu.memref_squeeze %get3A_376 : memref<1x80x128xf32, #tpu.memory_space<vmem>> -> memref<80x128xf32, #tpu.memory_space<vmem>>
        %get3A_378 = arith.index_cast %add3A_260 : i32 to index
        %get3A_379 = arith.constant 96 : index
        %get3A_380 = tpu.vector_load %get3A_377[%get3A_378, %get3A_379] {strides = array<i32>} : memref<80x128xf32, #tpu.memory_space<vmem>>, vector<16xf32>,
        %get3A_381 = arith.constant 0 : i32
        %get3A_382 = arith.constant 0 : i32
        %get3A_383 = tpu.memref_slice %arg8[%scan3A_45, %get3A_381, %get3A_382] : memref<2x80x128xf32, #tpu.memory_space<vmem>> -> memref<1x80x128xf32, #tpu.memory_space<vmem>>
        %get3A_384 = tpu.memref_squeeze %get3A_383 : memref<1x80x128xf32, #tpu.memory_space<vmem>> -> memref<80x128xf32, #tpu.memory_space<vmem>>
        %get3A_385 = arith.index_cast %add3A_260 : i32 to index
        %get3A_386 = arith.constant 96 : index
        %get3A_387 = tpu.vector_load %get3A_384[%get3A_385, %get3A_386] {strides = array<i32>} : memref<80x128xf32, #tpu.memory_space<vmem>>, vector<16xf32>,
        %add3A_388 = arith.addf %get3A_380, %get3A_387 : vector<16xf32>
        %get3A_389 = arith.constant 0 : i32
        %get3A_390 = arith.constant 0 : i32
        %get3A_391 = tpu.memref_slice %arg7[%scan3A, %get3A_389, %get3A_390] : memref<2x80x128xf32, #tpu.memory_space<vmem>> -> memref<1x80x128xf32, #tpu.memory_space<vmem>>
        %get3A_392 = tpu.memref_squeeze %get3A_391 : memref<1x80x128xf32, #tpu.memory_space<vmem>> -> memref<80x128xf32, #tpu.memory_space<vmem>>
        %get3A_393 = arith.index_cast %add3A_260 : i32 to index
        %get3A_394 = arith.constant 112 : index
        %get3A_395 = tpu.vector_load %get3A_392[%get3A_393, %get3A_394] {strides = array<i32>} : memref<80x128xf32, #tpu.memory_space<vmem>>, vector<16xf32>,
        %get3A_396 = arith.constant 0 : i32
        %get3A_397 = arith.constant 0 : i32
        %get3A_398 = tpu.memref_slice %arg8[%scan3A_45, %get3A_396, %get3A_397] : memref<2x80x128xf32, #tpu.memory_space<vmem>> -> memref<1x80x128xf32, #tpu.memory_space<vmem>>
        %get3A_399 = tpu.memref_squeeze %get3A_398 : memref<1x80x128xf32, #tpu.memory_space<vmem>> -> memref<80x128xf32, #tpu.memory_space<vmem>>
        %get3A_400 = arith.index_cast %add3A_260 : i32 to index
        %get3A_401 = arith.constant 112 : index
        %get3A_402 = tpu.vector_load %get3A_399[%get3A_400, %get3A_401] {strides = array<i32>} : memref<80x128xf32, #tpu.memory_space<vmem>>, vector<16xf32>,
        %add3A_403 = arith.addf %get3A_395, %get3A_402 : vector<16xf32>
        %pack3A_404 = tpu.pack_subelements %add3A_388, %add3A_403 {pack_format = #tpu.pack_format<interleaved>, positions = array<i32: 0, 1>} : vector<16xf32>, vector<16xf32> -> vector<32xbf16>
        %bitcast3A_405 = vector.bitcast %pack3A_404 : vector<32xbf16> to vector<16xi32>
        %swap3A_406 = arith.constant 0 : i32
        %swap3A_407 = arith.constant 0 : i32
        %swap3A_408 = tpu.memref_slice %arg9[%scan3A_46, %swap3A_406, %swap3A_407] : memref<2x80x64xi32, #tpu.memory_space<vmem>> -> memref<1x80x64xi32, #tpu.memory_space<vmem>>
        %swap3A_409 = tpu.memref_squeeze %swap3A_408 : memref<1x80x64xi32, #tpu.memory_space<vmem>> -> memref<80x64xi32, #tpu.memory_space<vmem>>
        %swap3A_410 = arith.index_cast %add3A_260 : i32 to index
        %swap3A_411 = arith.constant 48 : index
        %swap3A_412 = tpu.vector_load %swap3A_409[%swap3A_410, %swap3A_411] {strides = array<i32>} : memref<80x64xi32, #tpu.memory_space<vmem>>, vector<16xi32>,
        tpu.vector_store %swap3A_409[%swap3A_410, %swap3A_411], %bitcast3A_405 {strides = array<i32>} : memref<80x64xi32, #tpu.memory_space<vmem>>, vector<16xi32>,
        %add3A_413 = arith.constant 1 : i32
        %add3A_414 = arith.addi %mul3A_258, %add3A_413 : i32
        %get3A_415 = arith.constant 0 : i32
        %get3A_416 = arith.constant 0 : i32
        %get3A_417 = tpu.memref_slice %arg7[%scan3A, %get3A_415, %get3A_416] : memref<2x80x128xf32, #tpu.memory_space<vmem>> -> memref<1x80x128xf32, #tpu.memory_space<vmem>>
        %get3A_418 = tpu.memref_squeeze %get3A_417 : memref<1x80x128xf32, #tpu.memory_space<vmem>> -> memref<80x128xf32, #tpu.memory_space<vmem>>
        %get3A_419 = arith.index_cast %add3A_414 : i32 to index
        %get3A_420 = arith.constant 0 : index
        %get3A_421 = tpu.vector_load %get3A_418[%get3A_419, %get3A_420] {strides = array<i32>} : memref<80x128xf32, #tpu.memory_space<vmem>>, vector<16xf32>,
        %get3A_422 = arith.constant 0 : i32
        %get3A_423 = arith.constant 0 : i32
        %get3A_424 = tpu.memref_slice %arg8[%scan3A_45, %get3A_422, %get3A_423] : memref<2x80x128xf32, #tpu.memory_space<vmem>> -> memref<1x80x128xf32, #tpu.memory_space<vmem>>
        %get3A_425 = tpu.memref_squeeze %get3A_424 : memref<1x80x128xf32, #tpu.memory_space<vmem>> -> memref<80x128xf32, #tpu.memory_space<vmem>>
        %get3A_426 = arith.index_cast %add3A_414 : i32 to index
        %get3A_427 = arith.constant 0 : index
        %get3A_428 = tpu.vector_load %get3A_425[%get3A_426, %get3A_427] {strides = array<i32>} : memref<80x128xf32, #tpu.memory_space<vmem>>, vector<16xf32>,
        %add3A_429 = arith.addf %get3A_421, %get3A_428 : vector<16xf32>
        %get3A_430 = arith.constant 0 : i32
        %get3A_431 = arith.constant 0 : i32
        %get3A_432 = tpu.memref_slice %arg7[%scan3A, %get3A_430, %get3A_431] : memref<2x80x128xf32, #tpu.memory_space<vmem>> -> memref<1x80x128xf32, #tpu.memory_space<vmem>>
        %get3A_433 = tpu.memref_squeeze %get3A_432 : memref<1x80x128xf32, #tpu.memory_space<vmem>> -> memref<80x128xf32, #tpu.memory_space<vmem>>
        %get3A_434 = arith.index_cast %add3A_414 : i32 to index
        %get3A_435 = arith.constant 16 : index
        %get3A_436 = tpu.vector_load %get3A_433[%get3A_434, %get3A_435] {strides = array<i32>} : memref<80x128xf32, #tpu.memory_space<vmem>>, vector<16xf32>,
        %get3A_437 = arith.constant 0 : i32
        %get3A_438 = arith.constant 0 : i32
        %get3A_439 = tpu.memref_slice %arg8[%scan3A_45, %get3A_437, %get3A_438] : memref<2x80x128xf32, #tpu.memory_space<vmem>> -> memref<1x80x128xf32, #tpu.memory_space<vmem>>
        %get3A_440 = tpu.memref_squeeze %get3A_439 : memref<1x80x128xf32, #tpu.memory_space<vmem>> -> memref<80x128xf32, #tpu.memory_space<vmem>>
        %get3A_441 = arith.index_cast %add3A_414 : i32 to index
        %get3A_442 = arith.constant 16 : index
        %get3A_443 = tpu.vector_load %get3A_440[%get3A_441, %get3A_442] {strides = array<i32>} : memref<80x128xf32, #tpu.memory_space<vmem>>, vector<16xf32>,
        %add3A_444 = arith.addf %get3A_436, %get3A_443 : vector<16xf32>
        %pack3A_445 = tpu.pack_subelements %add3A_429, %add3A_444 {pack_format = #tpu.pack_format<interleaved>, positions = array<i32: 0, 1>} : vector<16xf32>, vector<16xf32> -> vector<32xbf16>
        %bitcast3A_446 = vector.bitcast %pack3A_445 : vector<32xbf16> to vector<16xi32>
        %swap3A_447 = arith.constant 0 : i32
        %swap3A_448 = arith.constant 0 : i32
        %swap3A_449 = tpu.memref_slice %arg9[%scan3A_46, %swap3A_447, %swap3A_448] : memref<2x80x64xi32, #tpu.memory_space<vmem>> -> memref<1x80x64xi32, #tpu.memory_space<vmem>>
        %swap3A_450 = tpu.memref_squeeze %swap3A_449 : memref<1x80x64xi32, #tpu.memory_space<vmem>> -> memref<80x64xi32, #tpu.memory_space<vmem>>
        %swap3A_451 = arith.index_cast %add3A_414 : i32 to index
        %swap3A_452 = arith.constant 0 : index
        %swap3A_453 = tpu.vector_load %swap3A_450[%swap3A_451, %swap3A_452] {strides = array<i32>} : memref<80x64xi32, #tpu.memory_space<vmem>>, vector<16xi32>,
        tpu.vector_store %swap3A_450[%swap3A_451, %swap3A_452], %bitcast3A_446 {strides = array<i32>} : memref<80x64xi32, #tpu.memory_space<vmem>>, vector<16xi32>,
        %get3A_454 = arith.constant 0 : i32
        %get3A_455 = arith.constant 0 : i32
        %get3A_456 = tpu.memref_slice %arg7[%scan3A, %get3A_454, %get3A_455] : memref<2x80x128xf32, #tpu.memory_space<vmem>> -> memref<1x80x128xf32, #tpu.memory_space<vmem>>
        %get3A_457 = tpu.memref_squeeze %get3A_456 : memref<1x80x128xf32, #tpu.memory_space<vmem>> -> memref<80x128xf32, #tpu.memory_space<vmem>>
        %get3A_458 = arith.index_cast %add3A_414 : i32 to index
        %get3A_459 = arith.constant 32 : index
        %get3A_460 = tpu.vector_load %get3A_457[%get3A_458, %get3A_459] {strides = array<i32>} : memref<80x128xf32, #tpu.memory_space<vmem>>, vector<16xf32>,
        %get3A_461 = arith.constant 0 : i32
        %get3A_462 = arith.constant 0 : i32
        %get3A_463 = tpu.memref_slice %arg8[%scan3A_45, %get3A_461, %get3A_462] : memref<2x80x128xf32, #tpu.memory_space<vmem>> -> memref<1x80x128xf32, #tpu.memory_space<vmem>>
        %get3A_464 = tpu.memref_squeeze %get3A_463 : memref<1x80x128xf32, #tpu.memory_space<vmem>> -> memref<80x128xf32, #tpu.memory_space<vmem>>
        %get3A_465 = arith.index_cast %add3A_414 : i32 to index
        %get3A_466 = arith.constant 32 : index
        %get3A_467 = tpu.vector_load %get3A_464[%get3A_465, %get3A_466] {strides = array<i32>} : memref<80x128xf32, #tpu.memory_space<vmem>>, vector<16xf32>,
        %add3A_468 = arith.addf %get3A_460, %get3A_467 : vector<16xf32>
        %get3A_469 = arith.constant 0 : i32
        %get3A_470 = arith.constant 0 : i32
        %get3A_471 = tpu.memref_slice %arg7[%scan3A, %get3A_469, %get3A_470] : memref<2x80x128xf32, #tpu.memory_space<vmem>> -> memref<1x80x128xf32, #tpu.memory_space<vmem>>
        %get3A_472 = tpu.memref_squeeze %get3A_471 : memref<1x80x128xf32, #tpu.memory_space<vmem>> -> memref<80x128xf32, #tpu.memory_space<vmem>>
        %get3A_473 = arith.index_cast %add3A_414 : i32 to index
        %get3A_474 = arith.constant 48 : index
        %get3A_475 = tpu.vector_load %get3A_472[%get3A_473, %get3A_474] {strides = array<i32>} : memref<80x128xf32, #tpu.memory_space<vmem>>, vector<16xf32>,
        %get3A_476 = arith.constant 0 : i32
        %get3A_477 = arith.constant 0 : i32
        %get3A_478 = tpu.memref_slice %arg8[%scan3A_45, %get3A_476, %get3A_477] : memref<2x80x128xf32, #tpu.memory_space<vmem>> -> memref<1x80x128xf32, #tpu.memory_space<vmem>>
        %get3A_479 = tpu.memref_squeeze %get3A_478 : memref<1x80x128xf32, #tpu.memory_space<vmem>> -> memref<80x128xf32, #tpu.memory_space<vmem>>
        %get3A_480 = arith.index_cast %add3A_414 : i32 to index
        %get3A_481 = arith.constant 48 : index
        %get3A_482 = tpu.vector_load %get3A_479[%get3A_480, %get3A_481] {strides = array<i32>} : memref<80x128xf32, #tpu.memory_space<vmem>>, vector<16xf32>,
        %add3A_483 = arith.addf %get3A_475, %get3A_482 : vector<16xf32>
        %pack3A_484 = tpu.pack_subelements %add3A_468, %add3A_483 {pack_format = #tpu.pack_format<interleaved>, positions = array<i32: 0, 1>} : vector<16xf32>, vector<16xf32> -> vector<32xbf16>
        %bitcast3A_485 = vector.bitcast %pack3A_484 : vector<32xbf16> to vector<16xi32>
        %swap3A_486 = arith.constant 0 : i32
        %swap3A_487 = arith.constant 0 : i32
        %swap3A_488 = tpu.memref_slice %arg9[%scan3A_46, %swap3A_486, %swap3A_487] : memref<2x80x64xi32, #tpu.memory_space<vmem>> -> memref<1x80x64xi32, #tpu.memory_space<vmem>>
        %swap3A_489 = tpu.memref_squeeze %swap3A_488 : memref<1x80x64xi32, #tpu.memory_space<vmem>> -> memref<80x64xi32, #tpu.memory_space<vmem>>
        %swap3A_490 = arith.index_cast %add3A_414 : i32 to index
        %swap3A_491 = arith.constant 16 : index
        %swap3A_492 = tpu.vector_load %swap3A_489[%swap3A_490, %swap3A_491] {strides = array<i32>} : memref<80x64xi32, #tpu.memory_space<vmem>>, vector<16xi32>,
        tpu.vector_store %swap3A_489[%swap3A_490, %swap3A_491], %bitcast3A_485 {strides = array<i32>} : memref<80x64xi32, #tpu.memory_space<vmem>>, vector<16xi32>,
        %get3A_493 = arith.constant 0 : i32
        %get3A_494 = arith.constant 0 : i32
        %get3A_495 = tpu.memref_slice %arg7[%scan3A, %get3A_493, %get3A_494] : memref<2x80x128xf32, #tpu.memory_space<vmem>> -> memref<1x80x128xf32, #tpu.memory_space<vmem>>
        %get3A_496 = tpu.memref_squeeze %get3A_495 : memref<1x80x128xf32, #tpu.memory_space<vmem>> -> memref<80x128xf32, #tpu.memory_space<vmem>>
        %get3A_497 = arith.index_cast %add3A_414 : i32 to index
        %get3A_498 = arith.constant 64 : index
        %get3A_499 = tpu.vector_load %get3A_496[%get3A_497, %get3A_498] {strides = array<i32>} : memref<80x128xf32, #tpu.memory_space<vmem>>, vector<16xf32>,
        %get3A_500 = arith.constant 0 : i32
        %get3A_501 = arith.constant 0 : i32
        %get3A_502 = tpu.memref_slice %arg8[%scan3A_45, %get3A_500, %get3A_501] : memref<2x80x128xf32, #tpu.memory_space<vmem>> -> memref<1x80x128xf32, #tpu.memory_space<vmem>>
        %get3A_503 = tpu.memref_squeeze %get3A_502 : memref<1x80x128xf32, #tpu.memory_space<vmem>> -> memref<80x128xf32, #tpu.memory_space<vmem>>
        %get3A_504 = arith.index_cast %add3A_414 : i32 to index
        %get3A_505 = arith.constant 64 : index
        %get3A_506 = tpu.vector_load %get3A_503[%get3A_504, %get3A_505] {strides = array<i32>} : memref<80x128xf32, #tpu.memory_space<vmem>>, vector<16xf32>,
        %add3A_507 = arith.addf %get3A_499, %get3A_506 : vector<16xf32>
        %get3A_508 = arith.constant 0 : i32
        %get3A_509 = arith.constant 0 : i32
        %get3A_510 = tpu.memref_slice %arg7[%scan3A, %get3A_508, %get3A_509] : memref<2x80x128xf32, #tpu.memory_space<vmem>> -> memref<1x80x128xf32, #tpu.memory_space<vmem>>
        %get3A_511 = tpu.memref_squeeze %get3A_510 : memref<1x80x128xf32, #tpu.memory_space<vmem>> -> memref<80x128xf32, #tpu.memory_space<vmem>>
        %get3A_512 = arith.index_cast %add3A_414 : i32 to index
        %get3A_513 = arith.constant 80 : index
        %get3A_514 = tpu.vector_load %get3A_511[%get3A_512, %get3A_513] {strides = array<i32>} : memref<80x128xf32, #tpu.memory_space<vmem>>, vector<16xf32>,
        %get3A_515 = arith.constant 0 : i32
        %get3A_516 = arith.constant 0 : i32
        %get3A_517 = tpu.memref_slice %arg8[%scan3A_45, %get3A_515, %get3A_516] : memref<2x80x128xf32, #tpu.memory_space<vmem>> -> memref<1x80x128xf32, #tpu.memory_space<vmem>>
        %get3A_518 = tpu.memref_squeeze %get3A_517 : memref<1x80x128xf32, #tpu.memory_space<vmem>> -> memref<80x128xf32, #tpu.memory_space<vmem>>
        %get3A_519 = arith.index_cast %add3A_414 : i32 to index
        %get3A_520 = arith.constant 80 : index
        %get3A_521 = tpu.vector_load %get3A_518[%get3A_519, %get3A_520] {strides = array<i32>} : memref<80x128xf32, #tpu.memory_space<vmem>>, vector<16xf32>,
        %add3A_522 = arith.addf %get3A_514, %get3A_521 : vector<16xf32>
        %pack3A_523 = tpu.pack_subelements %add3A_507, %add3A_522 {pack_format = #tpu.pack_format<interleaved>, positions = array<i32: 0, 1>} : vector<16xf32>, vector<16xf32> -> vector<32xbf16>
        %bitcast3A_524 = vector.bitcast %pack3A_523 : vector<32xbf16> to vector<16xi32>
        %swap3A_525 = arith.constant 0 : i32
        %swap3A_526 = arith.constant 0 : i32
        %swap3A_527 = tpu.memref_slice %arg9[%scan3A_46, %swap3A_525, %swap3A_526] : memref<2x80x64xi32, #tpu.memory_space<vmem>> -> memref<1x80x64xi32, #tpu.memory_space<vmem>>
        %swap3A_528 = tpu.memref_squeeze %swap3A_527 : memref<1x80x64xi32, #tpu.memory_space<vmem>> -> memref<80x64xi32, #tpu.memory_space<vmem>>
        %swap3A_529 = arith.index_cast %add3A_414 : i32 to index
        %swap3A_530 = arith.constant 32 : index
        %swap3A_531 = tpu.vector_load %swap3A_528[%swap3A_529, %swap3A_530] {strides = array<i32>} : memref<80x64xi32, #tpu.memory_space<vmem>>, vector<16xi32>,
        tpu.vector_store %swap3A_528[%swap3A_529, %swap3A_530], %bitcast3A_524 {strides = array<i32>} : memref<80x64xi32, #tpu.memory_space<vmem>>, vector<16xi32>,
        %get3A_532 = arith.constant 0 : i32
        %get3A_533 = arith.constant 0 : i32
        %get3A_534 = tpu.memref_slice %arg7[%scan3A, %get3A_532, %get3A_533] : memref<2x80x128xf32, #tpu.memory_space<vmem>> -> memref<1x80x128xf32, #tpu.memory_space<vmem>>
        %get3A_535 = tpu.memref_squeeze %get3A_534 : memref<1x80x128xf32, #tpu.memory_space<vmem>> -> memref<80x128xf32, #tpu.memory_space<vmem>>
        %get3A_536 = arith.index_cast %add3A_414 : i32 to index
        %get3A_537 = arith.constant 96 : index
        %get3A_538 = tpu.vector_load %get3A_535[%get3A_536, %get3A_537] {strides = array<i32>} : memref<80x128xf32, #tpu.memory_space<vmem>>, vector<16xf32>,
        %get3A_539 = arith.constant 0 : i32
        %get3A_540 = arith.constant 0 : i32
        %get3A_541 = tpu.memref_slice %arg8[%scan3A_45, %get3A_539, %get3A_540] : memref<2x80x128xf32, #tpu.memory_space<vmem>> -> memref<1x80x128xf32, #tpu.memory_space<vmem>>
        %get3A_542 = tpu.memref_squeeze %get3A_541 : memref<1x80x128xf32, #tpu.memory_space<vmem>> -> memref<80x128xf32, #tpu.memory_space<vmem>>
        %get3A_543 = arith.index_cast %add3A_414 : i32 to index
        %get3A_544 = arith.constant 96 : index
        %get3A_545 = tpu.vector_load %get3A_542[%get3A_543, %get3A_544] {strides = array<i32>} : memref<80x128xf32, #tpu.memory_space<vmem>>, vector<16xf32>,
        %add3A_546 = arith.addf %get3A_538, %get3A_545 : vector<16xf32>
        %get3A_547 = arith.constant 0 : i32
        %get3A_548 = arith.constant 0 : i32
        %get3A_549 = tpu.memref_slice %arg7[%scan3A, %get3A_547, %get3A_548] : memref<2x80x128xf32, #tpu.memory_space<vmem>> -> memref<1x80x128xf32, #tpu.memory_space<vmem>>
        %get3A_550 = tpu.memref_squeeze %get3A_549 : memref<1x80x128xf32, #tpu.memory_space<vmem>> -> memref<80x128xf32, #tpu.memory_space<vmem>>
        %get3A_551 = arith.index_cast %add3A_414 : i32 to index
        %get3A_552 = arith.constant 112 : index
        %get3A_553 = tpu.vector_load %get3A_550[%get3A_551, %get3A_552] {strides = array<i32>} : memref<80x128xf32, #tpu.memory_space<vmem>>, vector<16xf32>,
        %get3A_554 = arith.constant 0 : i32
        %get3A_555 = arith.constant 0 : i32
        %get3A_556 = tpu.memref_slice %arg8[%scan3A_45, %get3A_554, %get3A_555] : memref<2x80x128xf32, #tpu.memory_space<vmem>> -> memref<1x80x128xf32, #tpu.memory_space<vmem>>
        %get3A_557 = tpu.memref_squeeze %get3A_556 : memref<1x80x128xf32, #tpu.memory_space<vmem>> -> memref<80x128xf32, #tpu.memory_space<vmem>>
        %get3A_558 = arith.index_cast %add3A_414 : i32 to index
        %get3A_559 = arith.constant 112 : index
        %get3A_560 = tpu.vector_load %get3A_557[%get3A_558, %get3A_559] {strides = array<i32>} : memref<80x128xf32, #tpu.memory_space<vmem>>, vector<16xf32>,
        %add3A_561 = arith.addf %get3A_553, %get3A_560 : vector<16xf32>
        %pack3A_562 = tpu.pack_subelements %add3A_546, %add3A_561 {pack_format = #tpu.pack_format<interleaved>, positions = array<i32: 0, 1>} : vector<16xf32>, vector<16xf32> -> vector<32xbf16>
        %bitcast3A_563 = vector.bitcast %pack3A_562 : vector<32xbf16> to vector<16xi32>
        %swap3A_564 = arith.constant 0 : i32
        %swap3A_565 = arith.constant 0 : i32
        %swap3A_566 = tpu.memref_slice %arg9[%scan3A_46, %swap3A_564, %swap3A_565] : memref<2x80x64xi32, #tpu.memory_space<vmem>> -> memref<1x80x64xi32, #tpu.memory_space<vmem>>
        %swap3A_567 = tpu.memref_squeeze %swap3A_566 : memref<1x80x64xi32, #tpu.memory_space<vmem>> -> memref<80x64xi32, #tpu.memory_space<vmem>>
        %swap3A_568 = arith.index_cast %add3A_414 : i32 to index
        %swap3A_569 = arith.constant 48 : index
        %swap3A_570 = tpu.vector_load %swap3A_567[%swap3A_568, %swap3A_569] {strides = array<i32>} : memref<80x64xi32, #tpu.memory_space<vmem>>, vector<16xi32>,
        tpu.vector_store %swap3A_567[%swap3A_568, %swap3A_569], %bitcast3A_563 {strides = array<i32>} : memref<80x64xi32, #tpu.memory_space<vmem>>, vector<16xi32>,
        %add3A_571 = arith.constant 2 : i32
        %add3A_572 = arith.addi %mul3A_258, %add3A_571 : i32
        %get3A_573 = arith.constant 0 : i32
        %get3A_574 = arith.constant 0 : i32
        %get3A_575 = tpu.memref_slice %arg7[%scan3A, %get3A_573, %get3A_574] : memref<2x80x128xf32, #tpu.memory_space<vmem>> -> memref<1x80x128xf32, #tpu.memory_space<vmem>>
        %get3A_576 = tpu.memref_squeeze %get3A_575 : memref<1x80x128xf32, #tpu.memory_space<vmem>> -> memref<80x128xf32, #tpu.memory_space<vmem>>
        %get3A_577 = arith.index_cast %add3A_572 : i32 to index
        %get3A_578 = arith.constant 0 : index
        %get3A_579 = tpu.vector_load %get3A_576[%get3A_577, %get3A_578] {strides = array<i32>} : memref<80x128xf32, #tpu.memory_space<vmem>>, vector<16xf32>,
        %get3A_580 = arith.constant 0 : i32
        %get3A_581 = arith.constant 0 : i32
        %get3A_582 = tpu.memref_slice %arg8[%scan3A_45, %get3A_580, %get3A_581] : memref<2x80x128xf32, #tpu.memory_space<vmem>> -> memref<1x80x128xf32, #tpu.memory_space<vmem>>
        %get3A_583 = tpu.memref_squeeze %get3A_582 : memref<1x80x128xf32, #tpu.memory_space<vmem>> -> memref<80x128xf32, #tpu.memory_space<vmem>>
        %get3A_584 = arith.index_cast %add3A_572 : i32 to index
        %get3A_585 = arith.constant 0 : index
        %get3A_586 = tpu.vector_load %get3A_583[%get3A_584, %get3A_585] {strides = array<i32>} : memref<80x128xf32, #tpu.memory_space<vmem>>, vector<16xf32>,
        %add3A_587 = arith.addf %get3A_579, %get3A_586 : vector<16xf32>
        %get3A_588 = arith.constant 0 : i32
        %get3A_589 = arith.constant 0 : i32
        %get3A_590 = tpu.memref_slice %arg7[%scan3A, %get3A_588, %get3A_589] : memref<2x80x128xf32, #tpu.memory_space<vmem>> -> memref<1x80x128xf32, #tpu.memory_space<vmem>>
        %get3A_591 = tpu.memref_squeeze %get3A_590 : memref<1x80x128xf32, #tpu.memory_space<vmem>> -> memref<80x128xf32, #tpu.memory_space<vmem>>
        %get3A_592 = arith.index_cast %add3A_572 : i32 to index
        %get3A_593 = arith.constant 16 : index
        %get3A_594 = tpu.vector_load %get3A_591[%get3A_592, %get3A_593] {strides = array<i32>} : memref<80x128xf32, #tpu.memory_space<vmem>>, vector<16xf32>,
        %get3A_595 = arith.constant 0 : i32
        %get3A_596 = arith.constant 0 : i32
        %get3A_597 = tpu.memref_slice %arg8[%scan3A_45, %get3A_595, %get3A_596] : memref<2x80x128xf32, #tpu.memory_space<vmem>> -> memref<1x80x128xf32, #tpu.memory_space<vmem>>
        %get3A_598 = tpu.memref_squeeze %get3A_597 : memref<1x80x128xf32, #tpu.memory_space<vmem>> -> memref<80x128xf32, #tpu.memory_space<vmem>>
        %get3A_599 = arith.index_cast %add3A_572 : i32 to index
        %get3A_600 = arith.constant 16 : index
        %get3A_601 = tpu.vector_load %get3A_598[%get3A_599, %get3A_600] {strides = array<i32>} : memref<80x128xf32, #tpu.memory_space<vmem>>, vector<16xf32>,
        %add3A_602 = arith.addf %get3A_594, %get3A_601 : vector<16xf32>
        %pack3A_603 = tpu.pack_subelements %add3A_587, %add3A_602 {pack_format = #tpu.pack_format<interleaved>, positions = array<i32: 0, 1>} : vector<16xf32>, vector<16xf32> -> vector<32xbf16>
        %bitcast3A_604 = vector.bitcast %pack3A_603 : vector<32xbf16> to vector<16xi32>
        %swap3A_605 = arith.constant 0 : i32
        %swap3A_606 = arith.constant 0 : i32
        %swap3A_607 = tpu.memref_slice %arg9[%scan3A_46, %swap3A_605, %swap3A_606] : memref<2x80x64xi32, #tpu.memory_space<vmem>> -> memref<1x80x64xi32, #tpu.memory_space<vmem>>
        %swap3A_608 = tpu.memref_squeeze %swap3A_607 : memref<1x80x64xi32, #tpu.memory_space<vmem>> -> memref<80x64xi32, #tpu.memory_space<vmem>>
        %swap3A_609 = arith.index_cast %add3A_572 : i32 to index
        %swap3A_610 = arith.constant 0 : index
        %swap3A_611 = tpu.vector_load %swap3A_608[%swap3A_609, %swap3A_610] {strides = array<i32>} : memref<80x64xi32, #tpu.memory_space<vmem>>, vector<16xi32>,
        tpu.vector_store %swap3A_608[%swap3A_609, %swap3A_610], %bitcast3A_604 {strides = array<i32>} : memref<80x64xi32, #tpu.memory_space<vmem>>, vector<16xi32>,
        %get3A_612 = arith.constant 0 : i32
        %get3A_613 = arith.constant 0 : i32
        %get3A_614 = tpu.memref_slice %arg7[%scan3A, %get3A_612, %get3A_613] : memref<2x80x128xf32, #tpu.memory_space<vmem>> -> memref<1x80x128xf32, #tpu.memory_space<vmem>>
        %get3A_615 = tpu.memref_squeeze %get3A_614 : memref<1x80x128xf32, #tpu.memory_space<vmem>> -> memref<80x128xf32, #tpu.memory_space<vmem>>
        %get3A_616 = arith.index_cast %add3A_572 : i32 to index
        %get3A_617 = arith.constant 32 : index
        %get3A_618 = tpu.vector_load %get3A_615[%get3A_616, %get3A_617] {strides = array<i32>} : memref<80x128xf32, #tpu.memory_space<vmem>>, vector<16xf32>,
        %get3A_619 = arith.constant 0 : i32
        %get3A_620 = arith.constant 0 : i32
        %get3A_621 = tpu.memref_slice %arg8[%scan3A_45, %get3A_619, %get3A_620] : memref<2x80x128xf32, #tpu.memory_space<vmem>> -> memref<1x80x128xf32, #tpu.memory_space<vmem>>
        %get3A_622 = tpu.memref_squeeze %get3A_621 : memref<1x80x128xf32, #tpu.memory_space<vmem>> -> memref<80x128xf32, #tpu.memory_space<vmem>>
        %get3A_623 = arith.index_cast %add3A_572 : i32 to index
        %get3A_624 = arith.constant 32 : index
        %get3A_625 = tpu.vector_load %get3A_622[%get3A_623, %get3A_624] {strides = array<i32>} : memref<80x128xf32, #tpu.memory_space<vmem>>, vector<16xf32>,
        %add3A_626 = arith.addf %get3A_618, %get3A_625 : vector<16xf32>
        %get3A_627 = arith.constant 0 : i32
        %get3A_628 = arith.constant 0 : i32
        %get3A_629 = tpu.memref_slice %arg7[%scan3A, %get3A_627, %get3A_628] : memref<2x80x128xf32, #tpu.memory_space<vmem>> -> memref<1x80x128xf32, #tpu.memory_space<vmem>>
        %get3A_630 = tpu.memref_squeeze %get3A_629 : memref<1x80x128xf32, #tpu.memory_space<vmem>> -> memref<80x128xf32, #tpu.memory_space<vmem>>
        %get3A_631 = arith.index_cast %add3A_572 : i32 to index
        %get3A_632 = arith.constant 48 : index
        %get3A_633 = tpu.vector_load %get3A_630[%get3A_631, %get3A_632] {strides = array<i32>} : memref<80x128xf32, #tpu.memory_space<vmem>>, vector<16xf32>,
        %get3A_634 = arith.constant 0 : i32
        %get3A_635 = arith.constant 0 : i32
        %get3A_636 = tpu.memref_slice %arg8[%scan3A_45, %get3A_634, %get3A_635] : memref<2x80x128xf32, #tpu.memory_space<vmem>> -> memref<1x80x128xf32, #tpu.memory_space<vmem>>
        %get3A_637 = tpu.memref_squeeze %get3A_636 : memref<1x80x128xf32, #tpu.memory_space<vmem>> -> memref<80x128xf32, #tpu.memory_space<vmem>>
        %get3A_638 = arith.index_cast %add3A_572 : i32 to index
        %get3A_639 = arith.constant 48 : index
        %get3A_640 = tpu.vector_load %get3A_637[%get3A_638, %get3A_639] {strides = array<i32>} : memref<80x128xf32, #tpu.memory_space<vmem>>, vector<16xf32>,
        %add3A_641 = arith.addf %get3A_633, %get3A_640 : vector<16xf32>
        %pack3A_642 = tpu.pack_subelements %add3A_626, %add3A_641 {pack_format = #tpu.pack_format<interleaved>, positions = array<i32: 0, 1>} : vector<16xf32>, vector<16xf32> -> vector<32xbf16>
        %bitcast3A_643 = vector.bitcast %pack3A_642 : vector<32xbf16> to vector<16xi32>
        %swap3A_644 = arith.constant 0 : i32
        %swap3A_645 = arith.constant 0 : i32
        %swap3A_646 = tpu.memref_slice %arg9[%scan3A_46, %swap3A_644, %swap3A_645] : memref<2x80x64xi32, #tpu.memory_space<vmem>> -> memref<1x80x64xi32, #tpu.memory_space<vmem>>
        %swap3A_647 = tpu.memref_squeeze %swap3A_646 : memref<1x80x64xi32, #tpu.memory_space<vmem>> -> memref<80x64xi32, #tpu.memory_space<vmem>>
        %swap3A_648 = arith.index_cast %add3A_572 : i32 to index
        %swap3A_649 = arith.constant 16 : index
        %swap3A_650 = tpu.vector_load %swap3A_647[%swap3A_648, %swap3A_649] {strides = array<i32>} : memref<80x64xi32, #tpu.memory_space<vmem>>, vector<16xi32>,
        tpu.vector_store %swap3A_647[%swap3A_648, %swap3A_649], %bitcast3A_643 {strides = array<i32>} : memref<80x64xi32, #tpu.memory_space<vmem>>, vector<16xi32>,
        %get3A_651 = arith.constant 0 : i32
        %get3A_652 = arith.constant 0 : i32
        %get3A_653 = tpu.memref_slice %arg7[%scan3A, %get3A_651, %get3A_652] : memref<2x80x128xf32, #tpu.memory_space<vmem>> -> memref<1x80x128xf32, #tpu.memory_space<vmem>>
        %get3A_654 = tpu.memref_squeeze %get3A_653 : memref<1x80x128xf32, #tpu.memory_space<vmem>> -> memref<80x128xf32, #tpu.memory_space<vmem>>
        %get3A_655 = arith.index_cast %add3A_572 : i32 to index
        %get3A_656 = arith.constant 64 : index
        %get3A_657 = tpu.vector_load %get3A_654[%get3A_655, %get3A_656] {strides = array<i32>} : memref<80x128xf32, #tpu.memory_space<vmem>>, vector<16xf32>,
        %get3A_658 = arith.constant 0 : i32
        %get3A_659 = arith.constant 0 : i32
        %get3A_660 = tpu.memref_slice %arg8[%scan3A_45, %get3A_658, %get3A_659] : memref<2x80x128xf32, #tpu.memory_space<vmem>> -> memref<1x80x128xf32, #tpu.memory_space<vmem>>
        %get3A_661 = tpu.memref_squeeze %get3A_660 : memref<1x80x128xf32, #tpu.memory_space<vmem>> -> memref<80x128xf32, #tpu.memory_space<vmem>>
        %get3A_662 = arith.index_cast %add3A_572 : i32 to index
        %get3A_663 = arith.constant 64 : index
        %get3A_664 = tpu.vector_load %get3A_661[%get3A_662, %get3A_663] {strides = array<i32>} : memref<80x128xf32, #tpu.memory_space<vmem>>, vector<16xf32>,
        %add3A_665 = arith.addf %get3A_657, %get3A_664 : vector<16xf32>
        %get3A_666 = arith.constant 0 : i32
        %get3A_667 = arith.constant 0 : i32
        %get3A_668 = tpu.memref_slice %arg7[%scan3A, %get3A_666, %get3A_667] : memref<2x80x128xf32, #tpu.memory_space<vmem>> -> memref<1x80x128xf32, #tpu.memory_space<vmem>>
        %get3A_669 = tpu.memref_squeeze %get3A_668 : memref<1x80x128xf32, #tpu.memory_space<vmem>> -> memref<80x128xf32, #tpu.memory_space<vmem>>
        %get3A_670 = arith.index_cast %add3A_572 : i32 to index
        %get3A_671 = arith.constant 80 : index
        %get3A_672 = tpu.vector_load %get3A_669[%get3A_670, %get3A_671] {strides = array<i32>} : memref<80x128xf32, #tpu.memory_space<vmem>>, vector<16xf32>,
        %get3A_673 = arith.constant 0 : i32
        %get3A_674 = arith.constant 0 : i32
        %get3A_675 = tpu.memref_slice %arg8[%scan3A_45, %get3A_673, %get3A_674] : memref<2x80x128xf32, #tpu.memory_space<vmem>> -> memref<1x80x128xf32, #tpu.memory_space<vmem>>
        %get3A_676 = tpu.memref_squeeze %get3A_675 : memref<1x80x128xf32, #tpu.memory_space<vmem>> -> memref<80x128xf32, #tpu.memory_space<vmem>>
        %get3A_677 = arith.index_cast %add3A_572 : i32 to index
        %get3A_678 = arith.constant 80 : index
        %get3A_679 = tpu.vector_load %get3A_676[%get3A_677, %get3A_678] {strides = array<i32>} : memref<80x128xf32, #tpu.memory_space<vmem>>, vector<16xf32>,
        %add3A_680 = arith.addf %get3A_672, %get3A_679 : vector<16xf32>
        %pack3A_681 = tpu.pack_subelements %add3A_665, %add3A_680 {pack_format = #tpu.pack_format<interleaved>, positions = array<i32: 0, 1>} : vector<16xf32>, vector<16xf32> -> vector<32xbf16>
        %bitcast3A_682 = vector.bitcast %pack3A_681 : vector<32xbf16> to vector<16xi32>
        %swap3A_683 = arith.constant 0 : i32
        %swap3A_684 = arith.constant 0 : i32
        %swap3A_685 = tpu.memref_slice %arg9[%scan3A_46, %swap3A_683, %swap3A_684] : memref<2x80x64xi32, #tpu.memory_space<vmem>> -> memref<1x80x64xi32, #tpu.memory_space<vmem>>
        %swap3A_686 = tpu.memref_squeeze %swap3A_685 : memref<1x80x64xi32, #tpu.memory_space<vmem>> -> memref<80x64xi32, #tpu.memory_space<vmem>>
        %swap3A_687 = arith.index_cast %add3A_572 : i32 to index
        %swap3A_688 = arith.constant 32 : index
        %swap3A_689 = tpu.vector_load %swap3A_686[%swap3A_687, %swap3A_688] {strides = array<i32>} : memref<80x64xi32, #tpu.memory_space<vmem>>, vector<16xi32>,
        tpu.vector_store %swap3A_686[%swap3A_687, %swap3A_688], %bitcast3A_682 {strides = array<i32>} : memref<80x64xi32, #tpu.memory_space<vmem>>, vector<16xi32>,
        %get3A_690 = arith.constant 0 : i32
        %get3A_691 = arith.constant 0 : i32
        %get3A_692 = tpu.memref_slice %arg7[%scan3A, %get3A_690, %get3A_691] : memref<2x80x128xf32, #tpu.memory_space<vmem>> -> memref<1x80x128xf32, #tpu.memory_space<vmem>>
        %get3A_693 = tpu.memref_squeeze %get3A_692 : memref<1x80x128xf32, #tpu.memory_space<vmem>> -> memref<80x128xf32, #tpu.memory_space<vmem>>
        %get3A_694 = arith.index_cast %add3A_572 : i32 to index
        %get3A_695 = arith.constant 96 : index
        %get3A_696 = tpu.vector_load %get3A_693[%get3A_694, %get3A_695] {strides = array<i32>} : memref<80x128xf32, #tpu.memory_space<vmem>>, vector<16xf32>,
        %get3A_697 = arith.constant 0 : i32
        %get3A_698 = arith.constant 0 : i32
        %get3A_699 = tpu.memref_slice %arg8[%scan3A_45, %get3A_697, %get3A_698] : memref<2x80x128xf32, #tpu.memory_space<vmem>> -> memref<1x80x128xf32, #tpu.memory_space<vmem>>
        %get3A_700 = tpu.memref_squeeze %get3A_699 : memref<1x80x128xf32, #tpu.memory_space<vmem>> -> memref<80x128xf32, #tpu.memory_space<vmem>>
        %get3A_701 = arith.index_cast %add3A_572 : i32 to index
        %get3A_702 = arith.constant 96 : index
        %get3A_703 = tpu.vector_load %get3A_700[%get3A_701, %get3A_702] {strides = array<i32>} : memref<80x128xf32, #tpu.memory_space<vmem>>, vector<16xf32>,
        %add3A_704 = arith.addf %get3A_696, %get3A_703 : vector<16xf32>
        %get3A_705 = arith.constant 0 : i32
        %get3A_706 = arith.constant 0 : i32
        %get3A_707 = tpu.memref_slice %arg7[%scan3A, %get3A_705, %get3A_706] : memref<2x80x128xf32, #tpu.memory_space<vmem>> -> memref<1x80x128xf32, #tpu.memory_space<vmem>>
        %get3A_708 = tpu.memref_squeeze %get3A_707 : memref<1x80x128xf32, #tpu.memory_space<vmem>> -> memref<80x128xf32, #tpu.memory_space<vmem>>
        %get3A_709 = arith.index_cast %add3A_572 : i32 to index
        %get3A_710 = arith.constant 112 : index
        %get3A_711 = tpu.vector_load %get3A_708[%get3A_709, %get3A_710] {strides = array<i32>} : memref<80x128xf32, #tpu.memory_space<vmem>>, vector<16xf32>,
        %get3A_712 = arith.constant 0 : i32
        %get3A_713 = arith.constant 0 : i32
        %get3A_714 = tpu.memref_slice %arg8[%scan3A_45, %get3A_712, %get3A_713] : memref<2x80x128xf32, #tpu.memory_space<vmem>> -> memref<1x80x128xf32, #tpu.memory_space<vmem>>
        %get3A_715 = tpu.memref_squeeze %get3A_714 : memref<1x80x128xf32, #tpu.memory_space<vmem>> -> memref<80x128xf32, #tpu.memory_space<vmem>>
        %get3A_716 = arith.index_cast %add3A_572 : i32 to index
        %get3A_717 = arith.constant 112 : index
        %get3A_718 = tpu.vector_load %get3A_715[%get3A_716, %get3A_717] {strides = array<i32>} : memref<80x128xf32, #tpu.memory_space<vmem>>, vector<16xf32>,
        %add3A_719 = arith.addf %get3A_711, %get3A_718 : vector<16xf32>
        %pack3A_720 = tpu.pack_subelements %add3A_704, %add3A_719 {pack_format = #tpu.pack_format<interleaved>, positions = array<i32: 0, 1>} : vector<16xf32>, vector<16xf32> -> vector<32xbf16>
        %bitcast3A_721 = vector.bitcast %pack3A_720 : vector<32xbf16> to vector<16xi32>
        %swap3A_722 = arith.constant 0 : i32
        %swap3A_723 = arith.constant 0 : i32
        %swap3A_724 = tpu.memref_slice %arg9[%scan3A_46, %swap3A_722, %swap3A_723] : memref<2x80x64xi32, #tpu.memory_space<vmem>> -> memref<1x80x64xi32, #tpu.memory_space<vmem>>
        %swap3A_725 = tpu.memref_squeeze %swap3A_724 : memref<1x80x64xi32, #tpu.memory_space<vmem>> -> memref<80x64xi32, #tpu.memory_space<vmem>>
        %swap3A_726 = arith.index_cast %add3A_572 : i32 to index
        %swap3A_727 = arith.constant 48 : index
        %swap3A_728 = tpu.vector_load %swap3A_725[%swap3A_726, %swap3A_727] {strides = array<i32>} : memref<80x64xi32, #tpu.memory_space<vmem>>, vector<16xi32>,
        tpu.vector_store %swap3A_725[%swap3A_726, %swap3A_727], %bitcast3A_721 {strides = array<i32>} : memref<80x64xi32, #tpu.memory_space<vmem>>, vector<16xi32>,
        %add3A_729 = arith.constant 3 : i32
        %add3A_730 = arith.addi %mul3A_258, %add3A_729 : i32
        %get3A_731 = arith.constant 0 : i32
        %get3A_732 = arith.constant 0 : i32
        %get3A_733 = tpu.memref_slice %arg7[%scan3A, %get3A_731, %get3A_732] : memref<2x80x128xf32, #tpu.memory_space<vmem>> -> memref<1x80x128xf32, #tpu.memory_space<vmem>>
        %get3A_734 = tpu.memref_squeeze %get3A_733 : memref<1x80x128xf32, #tpu.memory_space<vmem>> -> memref<80x128xf32, #tpu.memory_space<vmem>>
        %get3A_735 = arith.index_cast %add3A_730 : i32 to index
        %get3A_736 = arith.constant 0 : index
        %get3A_737 = tpu.vector_load %get3A_734[%get3A_735, %get3A_736] {strides = array<i32>} : memref<80x128xf32, #tpu.memory_space<vmem>>, vector<16xf32>,
        %get3A_738 = arith.constant 0 : i32
        %get3A_739 = arith.constant 0 : i32
        %get3A_740 = tpu.memref_slice %arg8[%scan3A_45, %get3A_738, %get3A_739] : memref<2x80x128xf32, #tpu.memory_space<vmem>> -> memref<1x80x128xf32, #tpu.memory_space<vmem>>
        %get3A_741 = tpu.memref_squeeze %get3A_740 : memref<1x80x128xf32, #tpu.memory_space<vmem>> -> memref<80x128xf32, #tpu.memory_space<vmem>>
        %get3A_742 = arith.index_cast %add3A_730 : i32 to index
        %get3A_743 = arith.constant 0 : index
        %get3A_744 = tpu.vector_load %get3A_741[%get3A_742, %get3A_743] {strides = array<i32>} : memref<80x128xf32, #tpu.memory_space<vmem>>, vector<16xf32>,
        %add3A_745 = arith.addf %get3A_737, %get3A_744 : vector<16xf32>
        %get3A_746 = arith.constant 0 : i32
        %get3A_747 = arith.constant 0 : i32
        %get3A_748 = tpu.memref_slice %arg7[%scan3A, %get3A_746, %get3A_747] : memref<2x80x128xf32, #tpu.memory_space<vmem>> -> memref<1x80x128xf32, #tpu.memory_space<vmem>>
        %get3A_749 = tpu.memref_squeeze %get3A_748 : memref<1x80x128xf32, #tpu.memory_space<vmem>> -> memref<80x128xf32, #tpu.memory_space<vmem>>
        %get3A_750 = arith.index_cast %add3A_730 : i32 to index
        %get3A_751 = arith.constant 16 : index
        %get3A_752 = tpu.vector_load %get3A_749[%get3A_750, %get3A_751] {strides = array<i32>} : memref<80x128xf32, #tpu.memory_space<vmem>>, vector<16xf32>,
        %get3A_753 = arith.constant 0 : i32
        %get3A_754 = arith.constant 0 : i32
        %get3A_755 = tpu.memref_slice %arg8[%scan3A_45, %get3A_753, %get3A_754] : memref<2x80x128xf32, #tpu.memory_space<vmem>> -> memref<1x80x128xf32, #tpu.memory_space<vmem>>
        %get3A_756 = tpu.memref_squeeze %get3A_755 : memref<1x80x128xf32, #tpu.memory_space<vmem>> -> memref<80x128xf32, #tpu.memory_space<vmem>>
        %get3A_757 = arith.index_cast %add3A_730 : i32 to index
        %get3A_758 = arith.constant 16 : index
        %get3A_759 = tpu.vector_load %get3A_756[%get3A_757, %get3A_758] {strides = array<i32>} : memref<80x128xf32, #tpu.memory_space<vmem>>, vector<16xf32>,
        %add3A_760 = arith.addf %get3A_752, %get3A_759 : vector<16xf32>
        %pack3A_761 = tpu.pack_subelements %add3A_745, %add3A_760 {pack_format = #tpu.pack_format<interleaved>, positions = array<i32: 0, 1>} : vector<16xf32>, vector<16xf32> -> vector<32xbf16>
        %bitcast3A_762 = vector.bitcast %pack3A_761 : vector<32xbf16> to vector<16xi32>
        %swap3A_763 = arith.constant 0 : i32
        %swap3A_764 = arith.constant 0 : i32
        %swap3A_765 = tpu.memref_slice %arg9[%scan3A_46, %swap3A_763, %swap3A_764] : memref<2x80x64xi32, #tpu.memory_space<vmem>> -> memref<1x80x64xi32, #tpu.memory_space<vmem>>
        %swap3A_766 = tpu.memref_squeeze %swap3A_765 : memref<1x80x64xi32, #tpu.memory_space<vmem>> -> memref<80x64xi32, #tpu.memory_space<vmem>>
        %swap3A_767 = arith.index_cast %add3A_730 : i32 to index
        %swap3A_768 = arith.constant 0 : index
        %swap3A_769 = tpu.vector_load %swap3A_766[%swap3A_767, %swap3A_768] {strides = array<i32>} : memref<80x64xi32, #tpu.memory_space<vmem>>, vector<16xi32>,
        tpu.vector_store %swap3A_766[%swap3A_767, %swap3A_768], %bitcast3A_762 {strides = array<i32>} : memref<80x64xi32, #tpu.memory_space<vmem>>, vector<16xi32>,
        %get3A_770 = arith.constant 0 : i32
        %get3A_771 = arith.constant 0 : i32
        %get3A_772 = tpu.memref_slice %arg7[%scan3A, %get3A_770, %get3A_771] : memref<2x80x128xf32, #tpu.memory_space<vmem>> -> memref<1x80x128xf32, #tpu.memory_space<vmem>>
        %get3A_773 = tpu.memref_squeeze %get3A_772 : memref<1x80x128xf32, #tpu.memory_space<vmem>> -> memref<80x128xf32, #tpu.memory_space<vmem>>
        %get3A_774 = arith.index_cast %add3A_730 : i32 to index
        %get3A_775 = arith.constant 32 : index
        %get3A_776 = tpu.vector_load %get3A_773[%get3A_774, %get3A_775] {strides = array<i32>} : memref<80x128xf32, #tpu.memory_space<vmem>>, vector<16xf32>,
        %get3A_777 = arith.constant 0 : i32
        %get3A_778 = arith.constant 0 : i32
        %get3A_779 = tpu.memref_slice %arg8[%scan3A_45, %get3A_777, %get3A_778] : memref<2x80x128xf32, #tpu.memory_space<vmem>> -> memref<1x80x128xf32, #tpu.memory_space<vmem>>
        %get3A_780 = tpu.memref_squeeze %get3A_779 : memref<1x80x128xf32, #tpu.memory_space<vmem>> -> memref<80x128xf32, #tpu.memory_space<vmem>>
        %get3A_781 = arith.index_cast %add3A_730 : i32 to index
        %get3A_782 = arith.constant 32 : index
        %get3A_783 = tpu.vector_load %get3A_780[%get3A_781, %get3A_782] {strides = array<i32>} : memref<80x128xf32, #tpu.memory_space<vmem>>, vector<16xf32>,
        %add3A_784 = arith.addf %get3A_776, %get3A_783 : vector<16xf32>
        %get3A_785 = arith.constant 0 : i32
        %get3A_786 = arith.constant 0 : i32
        %get3A_787 = tpu.memref_slice %arg7[%scan3A, %get3A_785, %get3A_786] : memref<2x80x128xf32, #tpu.memory_space<vmem>> -> memref<1x80x128xf32, #tpu.memory_space<vmem>>
        %get3A_788 = tpu.memref_squeeze %get3A_787 : memref<1x80x128xf32, #tpu.memory_space<vmem>> -> memref<80x128xf32, #tpu.memory_space<vmem>>
        %get3A_789 = arith.index_cast %add3A_730 : i32 to index
        %get3A_790 = arith.constant 48 : index
        %get3A_791 = tpu.vector_load %get3A_788[%get3A_789, %get3A_790] {strides = array<i32>} : memref<80x128xf32, #tpu.memory_space<vmem>>, vector<16xf32>,
        %get3A_792 = arith.constant 0 : i32
        %get3A_793 = arith.constant 0 : i32
        %get3A_794 = tpu.memref_slice %arg8[%scan3A_45, %get3A_792, %get3A_793] : memref<2x80x128xf32, #tpu.memory_space<vmem>> -> memref<1x80x128xf32, #tpu.memory_space<vmem>>
        %get3A_795 = tpu.memref_squeeze %get3A_794 : memref<1x80x128xf32, #tpu.memory_space<vmem>> -> memref<80x128xf32, #tpu.memory_space<vmem>>
        %get3A_796 = arith.index_cast %add3A_730 : i32 to index
        %get3A_797 = arith.constant 48 : index
        %get3A_798 = tpu.vector_load %get3A_795[%get3A_796, %get3A_797] {strides = array<i32>} : memref<80x128xf32, #tpu.memory_space<vmem>>, vector<16xf32>,
        %add3A_799 = arith.addf %get3A_791, %get3A_798 : vector<16xf32>
        %pack3A_800 = tpu.pack_subelements %add3A_784, %add3A_799 {pack_format = #tpu.pack_format<interleaved>, positions = array<i32: 0, 1>} : vector<16xf32>, vector<16xf32> -> vector<32xbf16>
        %bitcast3A_801 = vector.bitcast %pack3A_800 : vector<32xbf16> to vector<16xi32>
        %swap3A_802 = arith.constant 0 : i32
        %swap3A_803 = arith.constant 0 : i32
        %swap3A_804 = tpu.memref_slice %arg9[%scan3A_46, %swap3A_802, %swap3A_803] : memref<2x80x64xi32, #tpu.memory_space<vmem>> -> memref<1x80x64xi32, #tpu.memory_space<vmem>>
        %swap3A_805 = tpu.memref_squeeze %swap3A_804 : memref<1x80x64xi32, #tpu.memory_space<vmem>> -> memref<80x64xi32, #tpu.memory_space<vmem>>
        %swap3A_806 = arith.index_cast %add3A_730 : i32 to index
        %swap3A_807 = arith.constant 16 : index
        %swap3A_808 = tpu.vector_load %swap3A_805[%swap3A_806, %swap3A_807] {strides = array<i32>} : memref<80x64xi32, #tpu.memory_space<vmem>>, vector<16xi32>,
        tpu.vector_store %swap3A_805[%swap3A_806, %swap3A_807], %bitcast3A_801 {strides = array<i32>} : memref<80x64xi32, #tpu.memory_space<vmem>>, vector<16xi32>,
        %get3A_809 = arith.constant 0 : i32
        %get3A_810 = arith.constant 0 : i32
        %get3A_811 = tpu.memref_slice %arg7[%scan3A, %get3A_809, %get3A_810] : memref<2x80x128xf32, #tpu.memory_space<vmem>> -> memref<1x80x128xf32, #tpu.memory_space<vmem>>
        %get3A_812 = tpu.memref_squeeze %get3A_811 : memref<1x80x128xf32, #tpu.memory_space<vmem>> -> memref<80x128xf32, #tpu.memory_space<vmem>>
        %get3A_813 = arith.index_cast %add3A_730 : i32 to index
        %get3A_814 = arith.constant 64 : index
        %get3A_815 = tpu.vector_load %get3A_812[%get3A_813, %get3A_814] {strides = array<i32>} : memref<80x128xf32, #tpu.memory_space<vmem>>, vector<16xf32>,
        %get3A_816 = arith.constant 0 : i32
        %get3A_817 = arith.constant 0 : i32
        %get3A_818 = tpu.memref_slice %arg8[%scan3A_45, %get3A_816, %get3A_817] : memref<2x80x128xf32, #tpu.memory_space<vmem>> -> memref<1x80x128xf32, #tpu.memory_space<vmem>>
        %get3A_819 = tpu.memref_squeeze %get3A_818 : memref<1x80x128xf32, #tpu.memory_space<vmem>> -> memref<80x128xf32, #tpu.memory_space<vmem>>
        %get3A_820 = arith.index_cast %add3A_730 : i32 to index
        %get3A_821 = arith.constant 64 : index
        %get3A_822 = tpu.vector_load %get3A_819[%get3A_820, %get3A_821] {strides = array<i32>} : memref<80x128xf32, #tpu.memory_space<vmem>>, vector<16xf32>,
        %add3A_823 = arith.addf %get3A_815, %get3A_822 : vector<16xf32>
        %get3A_824 = arith.constant 0 : i32
        %get3A_825 = arith.constant 0 : i32
        %get3A_826 = tpu.memref_slice %arg7[%scan3A, %get3A_824, %get3A_825] : memref<2x80x128xf32, #tpu.memory_space<vmem>> -> memref<1x80x128xf32, #tpu.memory_space<vmem>>
        %get3A_827 = tpu.memref_squeeze %get3A_826 : memref<1x80x128xf32, #tpu.memory_space<vmem>> -> memref<80x128xf32, #tpu.memory_space<vmem>>
        %get3A_828 = arith.index_cast %add3A_730 : i32 to index
        %get3A_829 = arith.constant 80 : index
        %get3A_830 = tpu.vector_load %get3A_827[%get3A_828, %get3A_829] {strides = array<i32>} : memref<80x128xf32, #tpu.memory_space<vmem>>, vector<16xf32>,
        %get3A_831 = arith.constant 0 : i32
        %get3A_832 = arith.constant 0 : i32
        %get3A_833 = tpu.memref_slice %arg8[%scan3A_45, %get3A_831, %get3A_832] : memref<2x80x128xf32, #tpu.memory_space<vmem>> -> memref<1x80x128xf32, #tpu.memory_space<vmem>>
        %get3A_834 = tpu.memref_squeeze %get3A_833 : memref<1x80x128xf32, #tpu.memory_space<vmem>> -> memref<80x128xf32, #tpu.memory_space<vmem>>
        %get3A_835 = arith.index_cast %add3A_730 : i32 to index
        %get3A_836 = arith.constant 80 : index
        %get3A_837 = tpu.vector_load %get3A_834[%get3A_835, %get3A_836] {strides = array<i32>} : memref<80x128xf32, #tpu.memory_space<vmem>>, vector<16xf32>,
        %add3A_838 = arith.addf %get3A_830, %get3A_837 : vector<16xf32>
        %pack3A_839 = tpu.pack_subelements %add3A_823, %add3A_838 {pack_format = #tpu.pack_format<interleaved>, positions = array<i32: 0, 1>} : vector<16xf32>, vector<16xf32> -> vector<32xbf16>
        %bitcast3A_840 = vector.bitcast %pack3A_839 : vector<32xbf16> to vector<16xi32>
        %swap3A_841 = arith.constant 0 : i32
        %swap3A_842 = arith.constant 0 : i32
        %swap3A_843 = tpu.memref_slice %arg9[%scan3A_46, %swap3A_841, %swap3A_842] : memref<2x80x64xi32, #tpu.memory_space<vmem>> -> memref<1x80x64xi32, #tpu.memory_space<vmem>>
        %swap3A_844 = tpu.memref_squeeze %swap3A_843 : memref<1x80x64xi32, #tpu.memory_space<vmem>> -> memref<80x64xi32, #tpu.memory_space<vmem>>
        %swap3A_845 = arith.index_cast %add3A_730 : i32 to index
        %swap3A_846 = arith.constant 32 : index
        %swap3A_847 = tpu.vector_load %swap3A_844[%swap3A_845, %swap3A_846] {strides = array<i32>} : memref<80x64xi32, #tpu.memory_space<vmem>>, vector<16xi32>,
        tpu.vector_store %swap3A_844[%swap3A_845, %swap3A_846], %bitcast3A_840 {strides = array<i32>} : memref<80x64xi32, #tpu.memory_space<vmem>>, vector<16xi32>,
        %get3A_848 = arith.constant 0 : i32
        %get3A_849 = arith.constant 0 : i32
        %get3A_850 = tpu.memref_slice %arg7[%scan3A, %get3A_848, %get3A_849] : memref<2x80x128xf32, #tpu.memory_space<vmem>> -> memref<1x80x128xf32, #tpu.memory_space<vmem>>
        %get3A_851 = tpu.memref_squeeze %get3A_850 : memref<1x80x128xf32, #tpu.memory_space<vmem>> -> memref<80x128xf32, #tpu.memory_space<vmem>>
        %get3A_852 = arith.index_cast %add3A_730 : i32 to index
        %get3A_853 = arith.constant 96 : index
        %get3A_854 = tpu.vector_load %get3A_851[%get3A_852, %get3A_853] {strides = array<i32>} : memref<80x128xf32, #tpu.memory_space<vmem>>, vector<16xf32>,
        %get3A_855 = arith.constant 0 : i32
        %get3A_856 = arith.constant 0 : i32
        %get3A_857 = tpu.memref_slice %arg8[%scan3A_45, %get3A_855, %get3A_856] : memref<2x80x128xf32, #tpu.memory_space<vmem>> -> memref<1x80x128xf32, #tpu.memory_space<vmem>>
        %get3A_858 = tpu.memref_squeeze %get3A_857 : memref<1x80x128xf32, #tpu.memory_space<vmem>> -> memref<80x128xf32, #tpu.memory_space<vmem>>
        %get3A_859 = arith.index_cast %add3A_730 : i32 to index
        %get3A_860 = arith.constant 96 : index
        %get3A_861 = tpu.vector_load %get3A_858[%get3A_859, %get3A_860] {strides = array<i32>} : memref<80x128xf32, #tpu.memory_space<vmem>>, vector<16xf32>,
        %add3A_862 = arith.addf %get3A_854, %get3A_861 : vector<16xf32>
        %get3A_863 = arith.constant 0 : i32
        %get3A_864 = arith.constant 0 : i32
        %get3A_865 = tpu.memref_slice %arg7[%scan3A, %get3A_863, %get3A_864] : memref<2x80x128xf32, #tpu.memory_space<vmem>> -> memref<1x80x128xf32, #tpu.memory_space<vmem>>
        %get3A_866 = tpu.memref_squeeze %get3A_865 : memref<1x80x128xf32, #tpu.memory_space<vmem>> -> memref<80x128xf32, #tpu.memory_space<vmem>>
        %get3A_867 = arith.index_cast %add3A_730 : i32 to index
        %get3A_868 = arith.constant 112 : index
        %get3A_869 = tpu.vector_load %get3A_866[%get3A_867, %get3A_868] {strides = array<i32>} : memref<80x128xf32, #tpu.memory_space<vmem>>, vector<16xf32>,
        %get3A_870 = arith.constant 0 : i32
        %get3A_871 = arith.constant 0 : i32
        %get3A_872 = tpu.memref_slice %arg8[%scan3A_45, %get3A_870, %get3A_871] : memref<2x80x128xf32, #tpu.memory_space<vmem>> -> memref<1x80x128xf32, #tpu.memory_space<vmem>>
        %get3A_873 = tpu.memref_squeeze %get3A_872 : memref<1x80x128xf32, #tpu.memory_space<vmem>> -> memref<80x128xf32, #tpu.memory_space<vmem>>
        %get3A_874 = arith.index_cast %add3A_730 : i32 to index
        %get3A_875 = arith.constant 112 : index
        %get3A_876 = tpu.vector_load %get3A_873[%get3A_874, %get3A_875] {strides = array<i32>} : memref<80x128xf32, #tpu.memory_space<vmem>>, vector<16xf32>,
        %add3A_877 = arith.addf %get3A_869, %get3A_876 : vector<16xf32>
        %pack3A_878 = tpu.pack_subelements %add3A_862, %add3A_877 {pack_format = #tpu.pack_format<interleaved>, positions = array<i32: 0, 1>} : vector<16xf32>, vector<16xf32> -> vector<32xbf16>
        %bitcast3A_879 = vector.bitcast %pack3A_878 : vector<32xbf16> to vector<16xi32>
        %swap3A_880 = arith.constant 0 : i32
        %swap3A_881 = arith.constant 0 : i32
        %swap3A_882 = tpu.memref_slice %arg9[%scan3A_46, %swap3A_880, %swap3A_881] : memref<2x80x64xi32, #tpu.memory_space<vmem>> -> memref<1x80x64xi32, #tpu.memory_space<vmem>>
        %swap3A_883 = tpu.memref_squeeze %swap3A_882 : memref<1x80x64xi32, #tpu.memory_space<vmem>> -> memref<80x64xi32, #tpu.memory_space<vmem>>
        %swap3A_884 = arith.index_cast %add3A_730 : i32 to index
        %swap3A_885 = arith.constant 48 : index
        %swap3A_886 = tpu.vector_load %swap3A_883[%swap3A_884, %swap3A_885] {strides = array<i32>} : memref<80x64xi32, #tpu.memory_space<vmem>>, vector<16xi32>,
        tpu.vector_store %swap3A_883[%swap3A_884, %swap3A_885], %bitcast3A_879 {strides = array<i32>} : memref<80x64xi32, #tpu.memory_space<vmem>>, vector<16xi32>,
        %scan3A_887 = arith.constant 0 : i32
        scf.yield %scan3A_887 : i32
      }
      %scan3A_178 = arith.constant 20 : i32
      %mul3A_179 = arith.constant 80 : i32
      %mul3A_180 = arith.muli %add3A_151, %mul3A_179 : i32
      %add3A_181 = arith.addi %mul3A_2, %mul3A_180 : i32
      %dma_start3A_182 = arith.constant 0 : i32
      %dma_start3A_183 = arith.constant 0 : i32
      %dma_start3A_184 = tpu.memref_slice %arg9[%scan3A_46, %dma_start3A_182, %dma_start3A_183] : memref<2x80x64xi32, #tpu.memory_space<vmem>> -> memref<1x80x64xi32, #tpu.memory_space<vmem>>
      %dma_start3A_185 = tpu.memref_squeeze %dma_start3A_184 : memref<1x80x64xi32, #tpu.memory_space<vmem>> -> memref<80x64xi32, #tpu.memory_space<vmem>>
      %dma_start3A_186 = arith.constant 0 : i32
      %dma_start3A_187 = tpu.memref_slice %arg4[%add3A_181, %dma_start3A_186] : memref<320000x64xi32, #tpu.memory_space<hbm>> -> memref<80x64xi32, #tpu.memory_space<hbm>>
      %dma_start3A_188 = arith.constant 0 : i32
      %dma_start3A_189 = tpu.memref_slice %arg4[%add3A_181, %dma_start3A_188] : memref<320000x64xi32, #tpu.memory_space<hbm>> -> memref<80x64xi32, #tpu.memory_space<hbm>>
      %dma_start3A_190 = arith.constant 0 : i32
      %dma_start3A_191 = arith.constant 0 : i32
      %dma_start3A_192 = tpu.memref_slice %arg9[%scan3A_46, %dma_start3A_190, %dma_start3A_191] : memref<2x80x64xi32, #tpu.memory_space<vmem>> -> memref<1x80x64xi32, #tpu.memory_space<vmem>>
      %dma_start3A_193 = tpu.memref_squeeze %dma_start3A_192 : memref<1x80x64xi32, #tpu.memory_space<vmem>> -> memref<80x64xi32, #tpu.memory_space<vmem>>
      tpu.enqueue_dma source(%dma_start3A_193 : memref<80x64xi32, #tpu.memory_space<vmem>>) target(%dma_start3A_189 : memref<80x64xi32, #tpu.memory_space<hbm>>) target_semaphore(%arg12 : memref<!tpu.dma_semaphore, #tpu.memory_space<semaphore_mem>>)
      %add3A_194 = arith.constant 2 : i32
      %add3A_195 = arith.addi %add3A_151, %add3A_194 : i32
      %lt3A = arith.constant 125 : i32
      %lt3A_196 = arith.cmpi slt, %add3A_195, %lt3A : i32
      %convert_element_type3A_197 = arith.extui %lt3A_196 : i1 to i32
      %cond3A_198 = arith.constant 0 : i32
      %cond3A_199 = arith.cmpi ne, %convert_element_type3A_197, %cond3A_198 : i32
      scf.if %cond3A_199 {
        %add3A_255 = arith.constant 2 : i32
        %add3A_256 = arith.addi %add3A_151, %add3A_255 : i32
        %mul3A_257 = arith.constant 80 : i32
        %mul3A_258 = arith.muli %add3A_256, %mul3A_257 : i32
        %dma_start3A_259 = arith.constant 0 : i32
        %dma_start3A_260 = arith.constant 0 : i32
        %dma_start3A_261 = tpu.memref_slice %arg7[%scan3A, %dma_start3A_259, %dma_start3A_260] : memref<2x80x128xf32, #tpu.memory_space<vmem>> -> memref<1x80x128xf32, #tpu.memory_space<vmem>>
        %dma_start3A_262 = tpu.memref_squeeze %dma_start3A_261 : memref<1x80x128xf32, #tpu.memory_space<vmem>> -> memref<80x128xf32, #tpu.memory_space<vmem>>
        %dma_start3A_263 = tpu.memref_slice %arg5[%mul3A_258] : memref<10000xi32, #tpu.memory_space<vmem>> -> memref<80xi32, #tpu.memory_space<vmem>>
        %dma_start3A_264 = arith.constant 0 : i32
        %dma_start3A_265 = arith.constant 0 : i32
        %dma_start3A_266 = tpu.memref_slice %arg2[%dma_start3A_264, %dma_start3A_265] : memref<20000x128xf32, #tpu.memory_space<hbm>> -> memref<20000x128xf32, #tpu.memory_space<hbm>>
        tpu.enqueue_indirect_dma source(%dma_start3A_266 : memref<20000x128xf32, #tpu.memory_space<hbm>>) target(%dma_start3A_262 : memref<80x128xf32, #tpu.memory_space<vmem>>) offsets(%dma_start3A_263 : memref<80xi32, #tpu.memory_space<vmem>>) semaphore(%arg10 : memref<!tpu.dma_semaphore, #tpu.memory_space<semaphore_mem>>)
        %dma_start3A_267 = arith.constant 0 : i32
        %dma_start3A_268 = arith.constant 0 : i32
        %dma_start3A_269 = tpu.memref_slice %arg8[%scan3A_45, %dma_start3A_267, %dma_start3A_268] : memref<2x80x128xf32, #tpu.memory_space<vmem>> -> memref<1x80x128xf32, #tpu.memory_space<vmem>>
        %dma_start3A_270 = tpu.memref_squeeze %dma_start3A_269 : memref<1x80x128xf32, #tpu.memory_space<vmem>> -> memref<80x128xf32, #tpu.memory_space<vmem>>
        %dma_start3A_271 = tpu.memref_slice %arg6[%mul3A_258] : memref<10000xi32, #tpu.memory_space<vmem>> -> memref<80xi32, #tpu.memory_space<vmem>>
        %dma_start3A_272 = arith.constant 0 : i32
        %dma_start3A_273 = arith.constant 0 : i32
        %dma_start3A_274 = tpu.memref_slice %arg2[%dma_start3A_272, %dma_start3A_273] : memref<20000x128xf32, #tpu.memory_space<hbm>> -> memref<20000x128xf32, #tpu.memory_space<hbm>>
        tpu.enqueue_indirect_dma source(%dma_start3A_274 : memref<20000x128xf32, #tpu.memory_space<hbm>>) target(%dma_start3A_270 : memref<80x128xf32, #tpu.memory_space<vmem>>) offsets(%dma_start3A_271 : memref<80xi32, #tpu.memory_space<vmem>>) semaphore(%arg10 : memref<!tpu.dma_semaphore, #tpu.memory_space<semaphore_mem>>)
      } else {
      }
      %add3A_200 = arith.constant 1 : i32
      %add3A_201 = arith.addi %mul3A_149, %add3A_200 : i32
      %dma_wait3A_202 = arith.constant 0 : i32
      %dma_wait3A_203 = arith.constant 0 : i32
      %dma_wait3A_204 = tpu.memref_slice %arg7[%scan3A_47, %dma_wait3A_202, %dma_wait3A_203] : memref<2x80x128xf32, #tpu.memory_space<vmem>> -> memref<1x80x128xf32, #tpu.memory_space<vmem>>
      %dma_wait3A_205 = tpu.memref_squeeze %dma_wait3A_204 : memref<1x80x128xf32, #tpu.memory_space<vmem>> -> memref<80x128xf32, #tpu.memory_space<vmem>>
      %dma_wait3A_206 = arith.constant 0 : i32
      %dma_wait3A_207 = tpu.memref_slice %arg5[%dma_wait3A_206] : memref<10000xi32, #tpu.memory_space<vmem>> -> memref<80xi32, #tpu.memory_space<vmem>>
      %dma_wait3A_208 = arith.constant 0 : i32
      %dma_wait3A_209 = arith.constant 0 : i32
      %dma_wait3A_210 = tpu.memref_slice %arg2[%dma_wait3A_208, %dma_wait3A_209] : memref<20000x128xf32, #tpu.memory_space<hbm>> -> memref<20000x128xf32, #tpu.memory_space<hbm>>
      tpu.wait_indirect_dma semaphore(%arg11 : memref<!tpu.dma_semaphore, #tpu.memory_space<semaphore_mem>>) src(%dma_wait3A_210 : memref<20000x128xf32, #tpu.memory_space<hbm>>) dst(%dma_wait3A_205 : memref<80x128xf32, #tpu.memory_space<vmem>>)
      %dma_wait3A_211 = arith.constant 0 : i32
      %dma_wait3A_212 = arith.constant 0 : i32
      %dma_wait3A_213 = tpu.memref_slice %arg8[%scan3A_48, %dma_wait3A_211, %dma_wait3A_212] : memref<2x80x128xf32, #tpu.memory_space<vmem>> -> memref<1x80x128xf32, #tpu.memory_space<vmem>>
      %dma_wait3A_214 = tpu.memref_squeeze %dma_wait3A_213 : memref<1x80x128xf32, #tpu.memory_space<vmem>> -> memref<80x128xf32, #tpu.memory_space<vmem>>
      %dma_wait3A_215 = arith.constant 0 : i32
      %dma_wait3A_216 = tpu.memref_slice %arg6[%dma_wait3A_215] : memref<10000xi32, #tpu.memory_space<vmem>> -> memref<80xi32, #tpu.memory_space<vmem>>
      %dma_wait3A_217 = arith.constant 0 : i32
      %dma_wait3A_218 = arith.constant 0 : i32
      %dma_wait3A_219 = tpu.memref_slice %arg2[%dma_wait3A_217, %dma_wait3A_218] : memref<20000x128xf32, #tpu.memory_space<hbm>> -> memref<20000x128xf32, #tpu.memory_space<hbm>>
      tpu.wait_indirect_dma semaphore(%arg11 : memref<!tpu.dma_semaphore, #tpu.memory_space<semaphore_mem>>) src(%dma_wait3A_219 : memref<20000x128xf32, #tpu.memory_space<hbm>>) dst(%dma_wait3A_214 : memref<80x128xf32, #tpu.memory_space<vmem>>)
      %ge3A_220 = arith.constant 2 : i32
      %ge3A_221 = arith.cmpi sge, %add3A_201, %ge3A_220 : i32
      %convert_element_type3A_222 = arith.extui %ge3A_221 : i1 to i32
      %cond3A_223 = arith.constant 0 : i32
      %cond3A_224 = arith.cmpi ne, %convert_element_type3A_222, %cond3A_223 : i32
      scf.if %cond3A_224 {
        %dma_wait3A_255 = arith.constant 0 : i32
        %dma_wait3A_256 = arith.constant 0 : i32
        %dma_wait3A_257 = tpu.memref_slice %arg9[%scan3A_49, %dma_wait3A_255, %dma_wait3A_256] : memref<2x80x64xi32, #tpu.memory_space<vmem>> -> memref<1x80x64xi32, #tpu.memory_space<vmem>>
        %dma_wait3A_258 = tpu.memref_squeeze %dma_wait3A_257 : memref<1x80x64xi32, #tpu.memory_space<vmem>> -> memref<80x64xi32, #tpu.memory_space<vmem>>
        %dma_wait3A_259 = arith.constant 0 : i32
        %dma_wait3A_260 = arith.constant 0 : i32
        %dma_wait3A_261 = tpu.memref_slice %arg4[%dma_wait3A_259, %dma_wait3A_260] : memref<320000x64xi32, #tpu.memory_space<hbm>> -> memref<80x64xi32, #tpu.memory_space<hbm>>
        %dma_wait3A_262 = arith.constant 0 : i32
        %dma_wait3A_263 = arith.constant 0 : i32
        %dma_wait3A_264 = tpu.memref_slice %arg4[%dma_wait3A_262, %dma_wait3A_263] : memref<320000x64xi32, #tpu.memory_space<hbm>> -> memref<80x64xi32, #tpu.memory_space<hbm>>
        %dma_wait3A_265 = arith.constant 0 : i32
        %dma_wait3A_266 = arith.constant 0 : i32
        %dma_wait3A_267 = tpu.memref_slice %arg9[%scan3A_49, %dma_wait3A_265, %dma_wait3A_266] : memref<2x80x64xi32, #tpu.memory_space<vmem>> -> memref<1x80x64xi32, #tpu.memory_space<vmem>>
        %dma_wait3A_268 = tpu.memref_squeeze %dma_wait3A_267 : memref<1x80x64xi32, #tpu.memory_space<vmem>> -> memref<80x64xi32, #tpu.memory_space<vmem>>
        tpu.wait_dma2 semaphore(%arg13 : memref<!tpu.dma_semaphore, #tpu.memory_space<semaphore_mem>>) src(%dma_wait3A_268 : memref<80x64xi32, #tpu.memory_space<vmem>>) dst(%dma_wait3A_264 : memref<80x64xi32, #tpu.memory_space<hbm>>)
      } else {
      }
      %scan3A_225 = arith.constant 0 : i32
      %scan3A_226 = arith.constant 0 : i32
      %scan3A_227 = arith.constant 20 : i32
      %scan3A_228 = arith.addi %scan3A_226, %scan3A_227 : i32
      %scan3A_229 = arith.constant 1 : i32
      %scan3A_230 = scf.for %scan3A_255 = %scan3A_226 to %scan3A_228 step %scan3A_229 iter_args(%scan3A_256 = %scan3A_225) -> (i32)  : i32 {
        %mul3A_257 = arith.constant 4 : i32
        %mul3A_258 = arith.muli %scan3A_255, %mul3A_257 : i32
        %add3A_259 = arith.constant 0 : i32
        %add3A_260 = arith.addi %mul3A_258, %add3A_259 : i32
        %get3A = arith.constant 0 : i32
        %get3A_261 = arith.constant 0 : i32
        %get3A_262 = tpu.memref_slice %arg7[%scan3A_47, %get3A, %get3A_261] : memref<2x80x128xf32, #tpu.memory_space<vmem>> -> memref<1x80x128xf32, #tpu.memory_space<vmem>>
        %get3A_263 = tpu.memref_squeeze %get3A_262 : memref<1x80x128xf32, #tpu.memory_space<vmem>> -> memref<80x128xf32, #tpu.memory_space<vmem>>
        %get3A_264 = arith.index_cast %add3A_260 : i32 to index
        %get3A_265 = arith.constant 0 : index
        %get3A_266 = tpu.vector_load %get3A_263[%get3A_264, %get3A_265] {strides = array<i32>} : memref<80x128xf32, #tpu.memory_space<vmem>>, vector<16xf32>,
        %get3A_267 = arith.constant 0 : i32
        %get3A_268 = arith.constant 0 : i32
        %get3A_269 = tpu.memref_slice %arg8[%scan3A_48, %get3A_267, %get3A_268] : memref<2x80x128xf32, #tpu.memory_space<vmem>> -> memref<1x80x128xf32, #tpu.memory_space<vmem>>
        %get3A_270 = tpu.memref_squeeze %get3A_269 : memref<1x80x128xf32, #tpu.memory_space<vmem>> -> memref<80x128xf32, #tpu.memory_space<vmem>>
        %get3A_271 = arith.index_cast %add3A_260 : i32 to index
        %get3A_272 = arith.constant 0 : index
        %get3A_273 = tpu.vector_load %get3A_270[%get3A_271, %get3A_272] {strides = array<i32>} : memref<80x128xf32, #tpu.memory_space<vmem>>, vector<16xf32>,
        %add3A_274 = arith.addf %get3A_266, %get3A_273 : vector<16xf32>
        %get3A_275 = arith.constant 0 : i32
        %get3A_276 = arith.constant 0 : i32
        %get3A_277 = tpu.memref_slice %arg7[%scan3A_47, %get3A_275, %get3A_276] : memref<2x80x128xf32, #tpu.memory_space<vmem>> -> memref<1x80x128xf32, #tpu.memory_space<vmem>>
        %get3A_278 = tpu.memref_squeeze %get3A_277 : memref<1x80x128xf32, #tpu.memory_space<vmem>> -> memref<80x128xf32, #tpu.memory_space<vmem>>
        %get3A_279 = arith.index_cast %add3A_260 : i32 to index
        %get3A_280 = arith.constant 16 : index
        %get3A_281 = tpu.vector_load %get3A_278[%get3A_279, %get3A_280] {strides = array<i32>} : memref<80x128xf32, #tpu.memory_space<vmem>>, vector<16xf32>,
        %get3A_282 = arith.constant 0 : i32
        %get3A_283 = arith.constant 0 : i32
        %get3A_284 = tpu.memref_slice %arg8[%scan3A_48, %get3A_282, %get3A_283] : memref<2x80x128xf32, #tpu.memory_space<vmem>> -> memref<1x80x128xf32, #tpu.memory_space<vmem>>
        %get3A_285 = tpu.memref_squeeze %get3A_284 : memref<1x80x128xf32, #tpu.memory_space<vmem>> -> memref<80x128xf32, #tpu.memory_space<vmem>>
        %get3A_286 = arith.index_cast %add3A_260 : i32 to index
        %get3A_287 = arith.constant 16 : index
        %get3A_288 = tpu.vector_load %get3A_285[%get3A_286, %get3A_287] {strides = array<i32>} : memref<80x128xf32, #tpu.memory_space<vmem>>, vector<16xf32>,
        %add3A_289 = arith.addf %get3A_281, %get3A_288 : vector<16xf32>
        %pack3A = tpu.pack_subelements %add3A_274, %add3A_289 {pack_format = #tpu.pack_format<interleaved>, positions = array<i32: 0, 1>} : vector<16xf32>, vector<16xf32> -> vector<32xbf16>
        %bitcast3A = vector.bitcast %pack3A : vector<32xbf16> to vector<16xi32>
        %swap3A = arith.constant 0 : i32
        %swap3A_290 = arith.constant 0 : i32
        %swap3A_291 = tpu.memref_slice %arg9[%scan3A_49, %swap3A, %swap3A_290] : memref<2x80x64xi32, #tpu.memory_space<vmem>> -> memref<1x80x64xi32, #tpu.memory_space<vmem>>
        %swap3A_292 = tpu.memref_squeeze %swap3A_291 : memref<1x80x64xi32, #tpu.memory_space<vmem>> -> memref<80x64xi32, #tpu.memory_space<vmem>>
        %swap3A_293 = arith.index_cast %add3A_260 : i32 to index
        %swap3A_294 = arith.constant 0 : index
        %swap3A_295 = tpu.vector_load %swap3A_292[%swap3A_293, %swap3A_294] {strides = array<i32>} : memref<80x64xi32, #tpu.memory_space<vmem>>, vector<16xi32>,
        tpu.vector_store %swap3A_292[%swap3A_293, %swap3A_294], %bitcast3A {strides = array<i32>} : memref<80x64xi32, #tpu.memory_space<vmem>>, vector<16xi32>,
        %get3A_296 = arith.constant 0 : i32
        %get3A_297 = arith.constant 0 : i32
        %get3A_298 = tpu.memref_slice %arg7[%scan3A_47, %get3A_296, %get3A_297] : memref<2x80x128xf32, #tpu.memory_space<vmem>> -> memref<1x80x128xf32, #tpu.memory_space<vmem>>
        %get3A_299 = tpu.memref_squeeze %get3A_298 : memref<1x80x128xf32, #tpu.memory_space<vmem>> -> memref<80x128xf32, #tpu.memory_space<vmem>>
        %get3A_300 = arith.index_cast %add3A_260 : i32 to index
        %get3A_301 = arith.constant 32 : index
        %get3A_302 = tpu.vector_load %get3A_299[%get3A_300, %get3A_301] {strides = array<i32>} : memref<80x128xf32, #tpu.memory_space<vmem>>, vector<16xf32>,
        %get3A_303 = arith.constant 0 : i32
        %get3A_304 = arith.constant 0 : i32
        %get3A_305 = tpu.memref_slice %arg8[%scan3A_48, %get3A_303, %get3A_304] : memref<2x80x128xf32, #tpu.memory_space<vmem>> -> memref<1x80x128xf32, #tpu.memory_space<vmem>>
        %get3A_306 = tpu.memref_squeeze %get3A_305 : memref<1x80x128xf32, #tpu.memory_space<vmem>> -> memref<80x128xf32, #tpu.memory_space<vmem>>
        %get3A_307 = arith.index_cast %add3A_260 : i32 to index
        %get3A_308 = arith.constant 32 : index
        %get3A_309 = tpu.vector_load %get3A_306[%get3A_307, %get3A_308] {strides = array<i32>} : memref<80x128xf32, #tpu.memory_space<vmem>>, vector<16xf32>,
        %add3A_310 = arith.addf %get3A_302, %get3A_309 : vector<16xf32>
        %get3A_311 = arith.constant 0 : i32
        %get3A_312 = arith.constant 0 : i32
        %get3A_313 = tpu.memref_slice %arg7[%scan3A_47, %get3A_311, %get3A_312] : memref<2x80x128xf32, #tpu.memory_space<vmem>> -> memref<1x80x128xf32, #tpu.memory_space<vmem>>
        %get3A_314 = tpu.memref_squeeze %get3A_313 : memref<1x80x128xf32, #tpu.memory_space<vmem>> -> memref<80x128xf32, #tpu.memory_space<vmem>>
        %get3A_315 = arith.index_cast %add3A_260 : i32 to index
        %get3A_316 = arith.constant 48 : index
        %get3A_317 = tpu.vector_load %get3A_314[%get3A_315, %get3A_316] {strides = array<i32>} : memref<80x128xf32, #tpu.memory_space<vmem>>, vector<16xf32>,
        %get3A_318 = arith.constant 0 : i32
        %get3A_319 = arith.constant 0 : i32
        %get3A_320 = tpu.memref_slice %arg8[%scan3A_48, %get3A_318, %get3A_319] : memref<2x80x128xf32, #tpu.memory_space<vmem>> -> memref<1x80x128xf32, #tpu.memory_space<vmem>>
        %get3A_321 = tpu.memref_squeeze %get3A_320 : memref<1x80x128xf32, #tpu.memory_space<vmem>> -> memref<80x128xf32, #tpu.memory_space<vmem>>
        %get3A_322 = arith.index_cast %add3A_260 : i32 to index
        %get3A_323 = arith.constant 48 : index
        %get3A_324 = tpu.vector_load %get3A_321[%get3A_322, %get3A_323] {strides = array<i32>} : memref<80x128xf32, #tpu.memory_space<vmem>>, vector<16xf32>,
        %add3A_325 = arith.addf %get3A_317, %get3A_324 : vector<16xf32>
        %pack3A_326 = tpu.pack_subelements %add3A_310, %add3A_325 {pack_format = #tpu.pack_format<interleaved>, positions = array<i32: 0, 1>} : vector<16xf32>, vector<16xf32> -> vector<32xbf16>
        %bitcast3A_327 = vector.bitcast %pack3A_326 : vector<32xbf16> to vector<16xi32>
        %swap3A_328 = arith.constant 0 : i32
        %swap3A_329 = arith.constant 0 : i32
        %swap3A_330 = tpu.memref_slice %arg9[%scan3A_49, %swap3A_328, %swap3A_329] : memref<2x80x64xi32, #tpu.memory_space<vmem>> -> memref<1x80x64xi32, #tpu.memory_space<vmem>>
        %swap3A_331 = tpu.memref_squeeze %swap3A_330 : memref<1x80x64xi32, #tpu.memory_space<vmem>> -> memref<80x64xi32, #tpu.memory_space<vmem>>
        %swap3A_332 = arith.index_cast %add3A_260 : i32 to index
        %swap3A_333 = arith.constant 16 : index
        %swap3A_334 = tpu.vector_load %swap3A_331[%swap3A_332, %swap3A_333] {strides = array<i32>} : memref<80x64xi32, #tpu.memory_space<vmem>>, vector<16xi32>,
        tpu.vector_store %swap3A_331[%swap3A_332, %swap3A_333], %bitcast3A_327 {strides = array<i32>} : memref<80x64xi32, #tpu.memory_space<vmem>>, vector<16xi32>,
        %get3A_335 = arith.constant 0 : i32
        %get3A_336 = arith.constant 0 : i32
        %get3A_337 = tpu.memref_slice %arg7[%scan3A_47, %get3A_335, %get3A_336] : memref<2x80x128xf32, #tpu.memory_space<vmem>> -> memref<1x80x128xf32, #tpu.memory_space<vmem>>
        %get3A_338 = tpu.memref_squeeze %get3A_337 : memref<1x80x128xf32, #tpu.memory_space<vmem>> -> memref<80x128xf32, #tpu.memory_space<vmem>>
        %get3A_339 = arith.index_cast %add3A_260 : i32 to index
        %get3A_340 = arith.constant 64 : index
        %get3A_341 = tpu.vector_load %get3A_338[%get3A_339, %get3A_340] {strides = array<i32>} : memref<80x128xf32, #tpu.memory_space<vmem>>, vector<16xf32>,
        %get3A_342 = arith.constant 0 : i32
        %get3A_343 = arith.constant 0 : i32
        %get3A_344 = tpu.memref_slice %arg8[%scan3A_48, %get3A_342, %get3A_343] : memref<2x80x128xf32, #tpu.memory_space<vmem>> -> memref<1x80x128xf32, #tpu.memory_space<vmem>>
        %get3A_345 = tpu.memref_squeeze %get3A_344 : memref<1x80x128xf32, #tpu.memory_space<vmem>> -> memref<80x128xf32, #tpu.memory_space<vmem>>
        %get3A_346 = arith.index_cast %add3A_260 : i32 to index
        %get3A_347 = arith.constant 64 : index
        %get3A_348 = tpu.vector_load %get3A_345[%get3A_346, %get3A_347] {strides = array<i32>} : memref<80x128xf32, #tpu.memory_space<vmem>>, vector<16xf32>,
        %add3A_349 = arith.addf %get3A_341, %get3A_348 : vector<16xf32>
        %get3A_350 = arith.constant 0 : i32
        %get3A_351 = arith.constant 0 : i32
        %get3A_352 = tpu.memref_slice %arg7[%scan3A_47, %get3A_350, %get3A_351] : memref<2x80x128xf32, #tpu.memory_space<vmem>> -> memref<1x80x128xf32, #tpu.memory_space<vmem>>
        %get3A_353 = tpu.memref_squeeze %get3A_352 : memref<1x80x128xf32, #tpu.memory_space<vmem>> -> memref<80x128xf32, #tpu.memory_space<vmem>>
        %get3A_354 = arith.index_cast %add3A_260 : i32 to index
        %get3A_355 = arith.constant 80 : index
        %get3A_356 = tpu.vector_load %get3A_353[%get3A_354, %get3A_355] {strides = array<i32>} : memref<80x128xf32, #tpu.memory_space<vmem>>, vector<16xf32>,
        %get3A_357 = arith.constant 0 : i32
        %get3A_358 = arith.constant 0 : i32
        %get3A_359 = tpu.memref_slice %arg8[%scan3A_48, %get3A_357, %get3A_358] : memref<2x80x128xf32, #tpu.memory_space<vmem>> -> memref<1x80x128xf32, #tpu.memory_space<vmem>>
        %get3A_360 = tpu.memref_squeeze %get3A_359 : memref<1x80x128xf32, #tpu.memory_space<vmem>> -> memref<80x128xf32, #tpu.memory_space<vmem>>
        %get3A_361 = arith.index_cast %add3A_260 : i32 to index
        %get3A_362 = arith.constant 80 : index
        %get3A_363 = tpu.vector_load %get3A_360[%get3A_361, %get3A_362] {strides = array<i32>} : memref<80x128xf32, #tpu.memory_space<vmem>>, vector<16xf32>,
        %add3A_364 = arith.addf %get3A_356, %get3A_363 : vector<16xf32>
        %pack3A_365 = tpu.pack_subelements %add3A_349, %add3A_364 {pack_format = #tpu.pack_format<interleaved>, positions = array<i32: 0, 1>} : vector<16xf32>, vector<16xf32> -> vector<32xbf16>
        %bitcast3A_366 = vector.bitcast %pack3A_365 : vector<32xbf16> to vector<16xi32>
        %swap3A_367 = arith.constant 0 : i32
        %swap3A_368 = arith.constant 0 : i32
        %swap3A_369 = tpu.memref_slice %arg9[%scan3A_49, %swap3A_367, %swap3A_368] : memref<2x80x64xi32, #tpu.memory_space<vmem>> -> memref<1x80x64xi32, #tpu.memory_space<vmem>>
        %swap3A_370 = tpu.memref_squeeze %swap3A_369 : memref<1x80x64xi32, #tpu.memory_space<vmem>> -> memref<80x64xi32, #tpu.memory_space<vmem>>
        %swap3A_371 = arith.index_cast %add3A_260 : i32 to index
        %swap3A_372 = arith.constant 32 : index
        %swap3A_373 = tpu.vector_load %swap3A_370[%swap3A_371, %swap3A_372] {strides = array<i32>} : memref<80x64xi32, #tpu.memory_space<vmem>>, vector<16xi32>,
        tpu.vector_store %swap3A_370[%swap3A_371, %swap3A_372], %bitcast3A_366 {strides = array<i32>} : memref<80x64xi32, #tpu.memory_space<vmem>>, vector<16xi32>,
        %get3A_374 = arith.constant 0 : i32
        %get3A_375 = arith.constant 0 : i32
        %get3A_376 = tpu.memref_slice %arg7[%scan3A_47, %get3A_374, %get3A_375] : memref<2x80x128xf32, #tpu.memory_space<vmem>> -> memref<1x80x128xf32, #tpu.memory_space<vmem>>
        %get3A_377 = tpu.memref_squeeze %get3A_376 : memref<1x80x128xf32, #tpu.memory_space<vmem>> -> memref<80x128xf32, #tpu.memory_space<vmem>>
        %get3A_378 = arith.index_cast %add3A_260 : i32 to index
        %get3A_379 = arith.constant 96 : index
        %get3A_380 = tpu.vector_load %get3A_377[%get3A_378, %get3A_379] {strides = array<i32>} : memref<80x128xf32, #tpu.memory_space<vmem>>, vector<16xf32>,
        %get3A_381 = arith.constant 0 : i32
        %get3A_382 = arith.constant 0 : i32
        %get3A_383 = tpu.memref_slice %arg8[%scan3A_48, %get3A_381, %get3A_382] : memref<2x80x128xf32, #tpu.memory_space<vmem>> -> memref<1x80x128xf32, #tpu.memory_space<vmem>>
        %get3A_384 = tpu.memref_squeeze %get3A_383 : memref<1x80x128xf32, #tpu.memory_space<vmem>> -> memref<80x128xf32, #tpu.memory_space<vmem>>
        %get3A_385 = arith.index_cast %add3A_260 : i32 to index
        %get3A_386 = arith.constant 96 : index
        %get3A_387 = tpu.vector_load %get3A_384[%get3A_385, %get3A_386] {strides = array<i32>} : memref<80x128xf32, #tpu.memory_space<vmem>>, vector<16xf32>,
        %add3A_388 = arith.addf %get3A_380, %get3A_387 : vector<16xf32>
        %get3A_389 = arith.constant 0 : i32
        %get3A_390 = arith.constant 0 : i32
        %get3A_391 = tpu.memref_slice %arg7[%scan3A_47, %get3A_389, %get3A_390] : memref<2x80x128xf32, #tpu.memory_space<vmem>> -> memref<1x80x128xf32, #tpu.memory_space<vmem>>
        %get3A_392 = tpu.memref_squeeze %get3A_391 : memref<1x80x128xf32, #tpu.memory_space<vmem>> -> memref<80x128xf32, #tpu.memory_space<vmem>>
        %get3A_393 = arith.index_cast %add3A_260 : i32 to index
        %get3A_394 = arith.constant 112 : index
        %get3A_395 = tpu.vector_load %get3A_392[%get3A_393, %get3A_394] {strides = array<i32>} : memref<80x128xf32, #tpu.memory_space<vmem>>, vector<16xf32>,
        %get3A_396 = arith.constant 0 : i32
        %get3A_397 = arith.constant 0 : i32
        %get3A_398 = tpu.memref_slice %arg8[%scan3A_48, %get3A_396, %get3A_397] : memref<2x80x128xf32, #tpu.memory_space<vmem>> -> memref<1x80x128xf32, #tpu.memory_space<vmem>>
        %get3A_399 = tpu.memref_squeeze %get3A_398 : memref<1x80x128xf32, #tpu.memory_space<vmem>> -> memref<80x128xf32, #tpu.memory_space<vmem>>
        %get3A_400 = arith.index_cast %add3A_260 : i32 to index
        %get3A_401 = arith.constant 112 : index
        %get3A_402 = tpu.vector_load %get3A_399[%get3A_400, %get3A_401] {strides = array<i32>} : memref<80x128xf32, #tpu.memory_space<vmem>>, vector<16xf32>,
        %add3A_403 = arith.addf %get3A_395, %get3A_402 : vector<16xf32>
        %pack3A_404 = tpu.pack_subelements %add3A_388, %add3A_403 {pack_format = #tpu.pack_format<interleaved>, positions = array<i32: 0, 1>} : vector<16xf32>, vector<16xf32> -> vector<32xbf16>
        %bitcast3A_405 = vector.bitcast %pack3A_404 : vector<32xbf16> to vector<16xi32>
        %swap3A_406 = arith.constant 0 : i32
        %swap3A_407 = arith.constant 0 : i32
        %swap3A_408 = tpu.memref_slice %arg9[%scan3A_49, %swap3A_406, %swap3A_407] : memref<2x80x64xi32, #tpu.memory_space<vmem>> -> memref<1x80x64xi32, #tpu.memory_space<vmem>>
        %swap3A_409 = tpu.memref_squeeze %swap3A_408 : memref<1x80x64xi32, #tpu.memory_space<vmem>> -> memref<80x64xi32, #tpu.memory_space<vmem>>
        %swap3A_410 = arith.index_cast %add3A_260 : i32 to index
        %swap3A_411 = arith.constant 48 : index
        %swap3A_412 = tpu.vector_load %swap3A_409[%swap3A_410, %swap3A_411] {strides = array<i32>} : memref<80x64xi32, #tpu.memory_space<vmem>>, vector<16xi32>,
        tpu.vector_store %swap3A_409[%swap3A_410, %swap3A_411], %bitcast3A_405 {strides = array<i32>} : memref<80x64xi32, #tpu.memory_space<vmem>>, vector<16xi32>,
        %add3A_413 = arith.constant 1 : i32
        %add3A_414 = arith.addi %mul3A_258, %add3A_413 : i32
        %get3A_415 = arith.constant 0 : i32
        %get3A_416 = arith.constant 0 : i32
        %get3A_417 = tpu.memref_slice %arg7[%scan3A_47, %get3A_415, %get3A_416] : memref<2x80x128xf32, #tpu.memory_space<vmem>> -> memref<1x80x128xf32, #tpu.memory_space<vmem>>
        %get3A_418 = tpu.memref_squeeze %get3A_417 : memref<1x80x128xf32, #tpu.memory_space<vmem>> -> memref<80x128xf32, #tpu.memory_space<vmem>>
        %get3A_419 = arith.index_cast %add3A_414 : i32 to index
        %get3A_420 = arith.constant 0 : index
        %get3A_421 = tpu.vector_load %get3A_418[%get3A_419, %get3A_420] {strides = array<i32>} : memref<80x128xf32, #tpu.memory_space<vmem>>, vector<16xf32>,
        %get3A_422 = arith.constant 0 : i32
        %get3A_423 = arith.constant 0 : i32
        %get3A_424 = tpu.memref_slice %arg8[%scan3A_48, %get3A_422, %get3A_423] : memref<2x80x128xf32, #tpu.memory_space<vmem>> -> memref<1x80x128xf32, #tpu.memory_space<vmem>>
        %get3A_425 = tpu.memref_squeeze %get3A_424 : memref<1x80x128xf32, #tpu.memory_space<vmem>> -> memref<80x128xf32, #tpu.memory_space<vmem>>
        %get3A_426 = arith.index_cast %add3A_414 : i32 to index
        %get3A_427 = arith.constant 0 : index
        %get3A_428 = tpu.vector_load %get3A_425[%get3A_426, %get3A_427] {strides = array<i32>} : memref<80x128xf32, #tpu.memory_space<vmem>>, vector<16xf32>,
        %add3A_429 = arith.addf %get3A_421, %get3A_428 : vector<16xf32>
        %get3A_430 = arith.constant 0 : i32
        %get3A_431 = arith.constant 0 : i32
        %get3A_432 = tpu.memref_slice %arg7[%scan3A_47, %get3A_430, %get3A_431] : memref<2x80x128xf32, #tpu.memory_space<vmem>> -> memref<1x80x128xf32, #tpu.memory_space<vmem>>
        %get3A_433 = tpu.memref_squeeze %get3A_432 : memref<1x80x128xf32, #tpu.memory_space<vmem>> -> memref<80x128xf32, #tpu.memory_space<vmem>>
        %get3A_434 = arith.index_cast %add3A_414 : i32 to index
        %get3A_435 = arith.constant 16 : index
        %get3A_436 = tpu.vector_load %get3A_433[%get3A_434, %get3A_435] {strides = array<i32>} : memref<80x128xf32, #tpu.memory_space<vmem>>, vector<16xf32>,
        %get3A_437 = arith.constant 0 : i32
        %get3A_438 = arith.constant 0 : i32
        %get3A_439 = tpu.memref_slice %arg8[%scan3A_48, %get3A_437, %get3A_438] : memref<2x80x128xf32, #tpu.memory_space<vmem>> -> memref<1x80x128xf32, #tpu.memory_space<vmem>>
        %get3A_440 = tpu.memref_squeeze %get3A_439 : memref<1x80x128xf32, #tpu.memory_space<vmem>> -> memref<80x128xf32, #tpu.memory_space<vmem>>
        %get3A_441 = arith.index_cast %add3A_414 : i32 to index
        %get3A_442 = arith.constant 16 : index
        %get3A_443 = tpu.vector_load %get3A_440[%get3A_441, %get3A_442] {strides = array<i32>} : memref<80x128xf32, #tpu.memory_space<vmem>>, vector<16xf32>,
        %add3A_444 = arith.addf %get3A_436, %get3A_443 : vector<16xf32>
        %pack3A_445 = tpu.pack_subelements %add3A_429, %add3A_444 {pack_format = #tpu.pack_format<interleaved>, positions = array<i32: 0, 1>} : vector<16xf32>, vector<16xf32> -> vector<32xbf16>
        %bitcast3A_446 = vector.bitcast %pack3A_445 : vector<32xbf16> to vector<16xi32>
        %swap3A_447 = arith.constant 0 : i32
        %swap3A_448 = arith.constant 0 : i32
        %swap3A_449 = tpu.memref_slice %arg9[%scan3A_49, %swap3A_447, %swap3A_448] : memref<2x80x64xi32, #tpu.memory_space<vmem>> -> memref<1x80x64xi32, #tpu.memory_space<vmem>>
        %swap3A_450 = tpu.memref_squeeze %swap3A_449 : memref<1x80x64xi32, #tpu.memory_space<vmem>> -> memref<80x64xi32, #tpu.memory_space<vmem>>
        %swap3A_451 = arith.index_cast %add3A_414 : i32 to index
        %swap3A_452 = arith.constant 0 : index
        %swap3A_453 = tpu.vector_load %swap3A_450[%swap3A_451, %swap3A_452] {strides = array<i32>} : memref<80x64xi32, #tpu.memory_space<vmem>>, vector<16xi32>,
        tpu.vector_store %swap3A_450[%swap3A_451, %swap3A_452], %bitcast3A_446 {strides = array<i32>} : memref<80x64xi32, #tpu.memory_space<vmem>>, vector<16xi32>,
        %get3A_454 = arith.constant 0 : i32
        %get3A_455 = arith.constant 0 : i32
        %get3A_456 = tpu.memref_slice %arg7[%scan3A_47, %get3A_454, %get3A_455] : memref<2x80x128xf32, #tpu.memory_space<vmem>> -> memref<1x80x128xf32, #tpu.memory_space<vmem>>
        %get3A_457 = tpu.memref_squeeze %get3A_456 : memref<1x80x128xf32, #tpu.memory_space<vmem>> -> memref<80x128xf32, #tpu.memory_space<vmem>>
        %get3A_458 = arith.index_cast %add3A_414 : i32 to index
        %get3A_459 = arith.constant 32 : index
        %get3A_460 = tpu.vector_load %get3A_457[%get3A_458, %get3A_459] {strides = array<i32>} : memref<80x128xf32, #tpu.memory_space<vmem>>, vector<16xf32>,
        %get3A_461 = arith.constant 0 : i32
        %get3A_462 = arith.constant 0 : i32
        %get3A_463 = tpu.memref_slice %arg8[%scan3A_48, %get3A_461, %get3A_462] : memref<2x80x128xf32, #tpu.memory_space<vmem>> -> memref<1x80x128xf32, #tpu.memory_space<vmem>>
        %get3A_464 = tpu.memref_squeeze %get3A_463 : memref<1x80x128xf32, #tpu.memory_space<vmem>> -> memref<80x128xf32, #tpu.memory_space<vmem>>
        %get3A_465 = arith.index_cast %add3A_414 : i32 to index
        %get3A_466 = arith.constant 32 : index
        %get3A_467 = tpu.vector_load %get3A_464[%get3A_465, %get3A_466] {strides = array<i32>} : memref<80x128xf32, #tpu.memory_space<vmem>>, vector<16xf32>,
        %add3A_468 = arith.addf %get3A_460, %get3A_467 : vector<16xf32>
        %get3A_469 = arith.constant 0 : i32
        %get3A_470 = arith.constant 0 : i32
        %get3A_471 = tpu.memref_slice %arg7[%scan3A_47, %get3A_469, %get3A_470] : memref<2x80x128xf32, #tpu.memory_space<vmem>> -> memref<1x80x128xf32, #tpu.memory_space<vmem>>
        %get3A_472 = tpu.memref_squeeze %get3A_471 : memref<1x80x128xf32, #tpu.memory_space<vmem>> -> memref<80x128xf32, #tpu.memory_space<vmem>>
        %get3A_473 = arith.index_cast %add3A_414 : i32 to index
        %get3A_474 = arith.constant 48 : index
        %get3A_475 = tpu.vector_load %get3A_472[%get3A_473, %get3A_474] {strides = array<i32>} : memref<80x128xf32, #tpu.memory_space<vmem>>, vector<16xf32>,
        %get3A_476 = arith.constant 0 : i32
        %get3A_477 = arith.constant 0 : i32
        %get3A_478 = tpu.memref_slice %arg8[%scan3A_48, %get3A_476, %get3A_477] : memref<2x80x128xf32, #tpu.memory_space<vmem>> -> memref<1x80x128xf32, #tpu.memory_space<vmem>>
        %get3A_479 = tpu.memref_squeeze %get3A_478 : memref<1x80x128xf32, #tpu.memory_space<vmem>> -> memref<80x128xf32, #tpu.memory_space<vmem>>
        %get3A_480 = arith.index_cast %add3A_414 : i32 to index
        %get3A_481 = arith.constant 48 : index
        %get3A_482 = tpu.vector_load %get3A_479[%get3A_480, %get3A_481] {strides = array<i32>} : memref<80x128xf32, #tpu.memory_space<vmem>>, vector<16xf32>,
        %add3A_483 = arith.addf %get3A_475, %get3A_482 : vector<16xf32>
        %pack3A_484 = tpu.pack_subelements %add3A_468, %add3A_483 {pack_format = #tpu.pack_format<interleaved>, positions = array<i32: 0, 1>} : vector<16xf32>, vector<16xf32> -> vector<32xbf16>
        %bitcast3A_485 = vector.bitcast %pack3A_484 : vector<32xbf16> to vector<16xi32>
        %swap3A_486 = arith.constant 0 : i32
        %swap3A_487 = arith.constant 0 : i32
        %swap3A_488 = tpu.memref_slice %arg9[%scan3A_49, %swap3A_486, %swap3A_487] : memref<2x80x64xi32, #tpu.memory_space<vmem>> -> memref<1x80x64xi32, #tpu.memory_space<vmem>>
        %swap3A_489 = tpu.memref_squeeze %swap3A_488 : memref<1x80x64xi32, #tpu.memory_space<vmem>> -> memref<80x64xi32, #tpu.memory_space<vmem>>
        %swap3A_490 = arith.index_cast %add3A_414 : i32 to index
        %swap3A_491 = arith.constant 16 : index
        %swap3A_492 = tpu.vector_load %swap3A_489[%swap3A_490, %swap3A_491] {strides = array<i32>} : memref<80x64xi32, #tpu.memory_space<vmem>>, vector<16xi32>,
        tpu.vector_store %swap3A_489[%swap3A_490, %swap3A_491], %bitcast3A_485 {strides = array<i32>} : memref<80x64xi32, #tpu.memory_space<vmem>>, vector<16xi32>,
        %get3A_493 = arith.constant 0 : i32
        %get3A_494 = arith.constant 0 : i32
        %get3A_495 = tpu.memref_slice %arg7[%scan3A_47, %get3A_493, %get3A_494] : memref<2x80x128xf32, #tpu.memory_space<vmem>> -> memref<1x80x128xf32, #tpu.memory_space<vmem>>
        %get3A_496 = tpu.memref_squeeze %get3A_495 : memref<1x80x128xf32, #tpu.memory_space<vmem>> -> memref<80x128xf32, #tpu.memory_space<vmem>>
        %get3A_497 = arith.index_cast %add3A_414 : i32 to index
        %get3A_498 = arith.constant 64 : index
        %get3A_499 = tpu.vector_load %get3A_496[%get3A_497, %get3A_498] {strides = array<i32>} : memref<80x128xf32, #tpu.memory_space<vmem>>, vector<16xf32>,
        %get3A_500 = arith.constant 0 : i32
        %get3A_501 = arith.constant 0 : i32
        %get3A_502 = tpu.memref_slice %arg8[%scan3A_48, %get3A_500, %get3A_501] : memref<2x80x128xf32, #tpu.memory_space<vmem>> -> memref<1x80x128xf32, #tpu.memory_space<vmem>>
        %get3A_503 = tpu.memref_squeeze %get3A_502 : memref<1x80x128xf32, #tpu.memory_space<vmem>> -> memref<80x128xf32, #tpu.memory_space<vmem>>
        %get3A_504 = arith.index_cast %add3A_414 : i32 to index
        %get3A_505 = arith.constant 64 : index
        %get3A_506 = tpu.vector_load %get3A_503[%get3A_504, %get3A_505] {strides = array<i32>} : memref<80x128xf32, #tpu.memory_space<vmem>>, vector<16xf32>,
        %add3A_507 = arith.addf %get3A_499, %get3A_506 : vector<16xf32>
        %get3A_508 = arith.constant 0 : i32
        %get3A_509 = arith.constant 0 : i32
        %get3A_510 = tpu.memref_slice %arg7[%scan3A_47, %get3A_508, %get3A_509] : memref<2x80x128xf32, #tpu.memory_space<vmem>> -> memref<1x80x128xf32, #tpu.memory_space<vmem>>
        %get3A_511 = tpu.memref_squeeze %get3A_510 : memref<1x80x128xf32, #tpu.memory_space<vmem>> -> memref<80x128xf32, #tpu.memory_space<vmem>>
        %get3A_512 = arith.index_cast %add3A_414 : i32 to index
        %get3A_513 = arith.constant 80 : index
        %get3A_514 = tpu.vector_load %get3A_511[%get3A_512, %get3A_513] {strides = array<i32>} : memref<80x128xf32, #tpu.memory_space<vmem>>, vector<16xf32>,
        %get3A_515 = arith.constant 0 : i32
        %get3A_516 = arith.constant 0 : i32
        %get3A_517 = tpu.memref_slice %arg8[%scan3A_48, %get3A_515, %get3A_516] : memref<2x80x128xf32, #tpu.memory_space<vmem>> -> memref<1x80x128xf32, #tpu.memory_space<vmem>>
        %get3A_518 = tpu.memref_squeeze %get3A_517 : memref<1x80x128xf32, #tpu.memory_space<vmem>> -> memref<80x128xf32, #tpu.memory_space<vmem>>
        %get3A_519 = arith.index_cast %add3A_414 : i32 to index
        %get3A_520 = arith.constant 80 : index
        %get3A_521 = tpu.vector_load %get3A_518[%get3A_519, %get3A_520] {strides = array<i32>} : memref<80x128xf32, #tpu.memory_space<vmem>>, vector<16xf32>,
        %add3A_522 = arith.addf %get3A_514, %get3A_521 : vector<16xf32>
        %pack3A_523 = tpu.pack_subelements %add3A_507, %add3A_522 {pack_format = #tpu.pack_format<interleaved>, positions = array<i32: 0, 1>} : vector<16xf32>, vector<16xf32> -> vector<32xbf16>
        %bitcast3A_524 = vector.bitcast %pack3A_523 : vector<32xbf16> to vector<16xi32>
        %swap3A_525 = arith.constant 0 : i32
        %swap3A_526 = arith.constant 0 : i32
        %swap3A_527 = tpu.memref_slice %arg9[%scan3A_49, %swap3A_525, %swap3A_526] : memref<2x80x64xi32, #tpu.memory_space<vmem>> -> memref<1x80x64xi32, #tpu.memory_space<vmem>>
        %swap3A_528 = tpu.memref_squeeze %swap3A_527 : memref<1x80x64xi32, #tpu.memory_space<vmem>> -> memref<80x64xi32, #tpu.memory_space<vmem>>
        %swap3A_529 = arith.index_cast %add3A_414 : i32 to index
        %swap3A_530 = arith.constant 32 : index
        %swap3A_531 = tpu.vector_load %swap3A_528[%swap3A_529, %swap3A_530] {strides = array<i32>} : memref<80x64xi32, #tpu.memory_space<vmem>>, vector<16xi32>,
        tpu.vector_store %swap3A_528[%swap3A_529, %swap3A_530], %bitcast3A_524 {strides = array<i32>} : memref<80x64xi32, #tpu.memory_space<vmem>>, vector<16xi32>,
        %get3A_532 = arith.constant 0 : i32
        %get3A_533 = arith.constant 0 : i32
        %get3A_534 = tpu.memref_slice %arg7[%scan3A_47, %get3A_532, %get3A_533] : memref<2x80x128xf32, #tpu.memory_space<vmem>> -> memref<1x80x128xf32, #tpu.memory_space<vmem>>
        %get3A_535 = tpu.memref_squeeze %get3A_534 : memref<1x80x128xf32, #tpu.memory_space<vmem>> -> memref<80x128xf32, #tpu.memory_space<vmem>>
        %get3A_536 = arith.index_cast %add3A_414 : i32 to index
        %get3A_537 = arith.constant 96 : index
        %get3A_538 = tpu.vector_load %get3A_535[%get3A_536, %get3A_537] {strides = array<i32>} : memref<80x128xf32, #tpu.memory_space<vmem>>, vector<16xf32>,
        %get3A_539 = arith.constant 0 : i32
        %get3A_540 = arith.constant 0 : i32
        %get3A_541 = tpu.memref_slice %arg8[%scan3A_48, %get3A_539, %get3A_540] : memref<2x80x128xf32, #tpu.memory_space<vmem>> -> memref<1x80x128xf32, #tpu.memory_space<vmem>>
        %get3A_542 = tpu.memref_squeeze %get3A_541 : memref<1x80x128xf32, #tpu.memory_space<vmem>> -> memref<80x128xf32, #tpu.memory_space<vmem>>
        %get3A_543 = arith.index_cast %add3A_414 : i32 to index
        %get3A_544 = arith.constant 96 : index
        %get3A_545 = tpu.vector_load %get3A_542[%get3A_543, %get3A_544] {strides = array<i32>} : memref<80x128xf32, #tpu.memory_space<vmem>>, vector<16xf32>,
        %add3A_546 = arith.addf %get3A_538, %get3A_545 : vector<16xf32>
        %get3A_547 = arith.constant 0 : i32
        %get3A_548 = arith.constant 0 : i32
        %get3A_549 = tpu.memref_slice %arg7[%scan3A_47, %get3A_547, %get3A_548] : memref<2x80x128xf32, #tpu.memory_space<vmem>> -> memref<1x80x128xf32, #tpu.memory_space<vmem>>
        %get3A_550 = tpu.memref_squeeze %get3A_549 : memref<1x80x128xf32, #tpu.memory_space<vmem>> -> memref<80x128xf32, #tpu.memory_space<vmem>>
        %get3A_551 = arith.index_cast %add3A_414 : i32 to index
        %get3A_552 = arith.constant 112 : index
        %get3A_553 = tpu.vector_load %get3A_550[%get3A_551, %get3A_552] {strides = array<i32>} : memref<80x128xf32, #tpu.memory_space<vmem>>, vector<16xf32>,
        %get3A_554 = arith.constant 0 : i32
        %get3A_555 = arith.constant 0 : i32
        %get3A_556 = tpu.memref_slice %arg8[%scan3A_48, %get3A_554, %get3A_555] : memref<2x80x128xf32, #tpu.memory_space<vmem>> -> memref<1x80x128xf32, #tpu.memory_space<vmem>>
        %get3A_557 = tpu.memref_squeeze %get3A_556 : memref<1x80x128xf32, #tpu.memory_space<vmem>> -> memref<80x128xf32, #tpu.memory_space<vmem>>
        %get3A_558 = arith.index_cast %add3A_414 : i32 to index
        %get3A_559 = arith.constant 112 : index
        %get3A_560 = tpu.vector_load %get3A_557[%get3A_558, %get3A_559] {strides = array<i32>} : memref<80x128xf32, #tpu.memory_space<vmem>>, vector<16xf32>,
        %add3A_561 = arith.addf %get3A_553, %get3A_560 : vector<16xf32>
        %pack3A_562 = tpu.pack_subelements %add3A_546, %add3A_561 {pack_format = #tpu.pack_format<interleaved>, positions = array<i32: 0, 1>} : vector<16xf32>, vector<16xf32> -> vector<32xbf16>
        %bitcast3A_563 = vector.bitcast %pack3A_562 : vector<32xbf16> to vector<16xi32>
        %swap3A_564 = arith.constant 0 : i32
        %swap3A_565 = arith.constant 0 : i32
        %swap3A_566 = tpu.memref_slice %arg9[%scan3A_49, %swap3A_564, %swap3A_565] : memref<2x80x64xi32, #tpu.memory_space<vmem>> -> memref<1x80x64xi32, #tpu.memory_space<vmem>>
        %swap3A_567 = tpu.memref_squeeze %swap3A_566 : memref<1x80x64xi32, #tpu.memory_space<vmem>> -> memref<80x64xi32, #tpu.memory_space<vmem>>
        %swap3A_568 = arith.index_cast %add3A_414 : i32 to index
        %swap3A_569 = arith.constant 48 : index
        %swap3A_570 = tpu.vector_load %swap3A_567[%swap3A_568, %swap3A_569] {strides = array<i32>} : memref<80x64xi32, #tpu.memory_space<vmem>>, vector<16xi32>,
        tpu.vector_store %swap3A_567[%swap3A_568, %swap3A_569], %bitcast3A_563 {strides = array<i32>} : memref<80x64xi32, #tpu.memory_space<vmem>>, vector<16xi32>,
        %add3A_571 = arith.constant 2 : i32
        %add3A_572 = arith.addi %mul3A_258, %add3A_571 : i32
        %get3A_573 = arith.constant 0 : i32
        %get3A_574 = arith.constant 0 : i32
        %get3A_575 = tpu.memref_slice %arg7[%scan3A_47, %get3A_573, %get3A_574] : memref<2x80x128xf32, #tpu.memory_space<vmem>> -> memref<1x80x128xf32, #tpu.memory_space<vmem>>
        %get3A_576 = tpu.memref_squeeze %get3A_575 : memref<1x80x128xf32, #tpu.memory_space<vmem>> -> memref<80x128xf32, #tpu.memory_space<vmem>>
        %get3A_577 = arith.index_cast %add3A_572 : i32 to index
        %get3A_578 = arith.constant 0 : index
        %get3A_579 = tpu.vector_load %get3A_576[%get3A_577, %get3A_578] {strides = array<i32>} : memref<80x128xf32, #tpu.memory_space<vmem>>, vector<16xf32>,
        %get3A_580 = arith.constant 0 : i32
        %get3A_581 = arith.constant 0 : i32
        %get3A_582 = tpu.memref_slice %arg8[%scan3A_48, %get3A_580, %get3A_581] : memref<2x80x128xf32, #tpu.memory_space<vmem>> -> memref<1x80x128xf32, #tpu.memory_space<vmem>>
        %get3A_583 = tpu.memref_squeeze %get3A_582 : memref<1x80x128xf32, #tpu.memory_space<vmem>> -> memref<80x128xf32, #tpu.memory_space<vmem>>
        %get3A_584 = arith.index_cast %add3A_572 : i32 to index
        %get3A_585 = arith.constant 0 : index
        %get3A_586 = tpu.vector_load %get3A_583[%get3A_584, %get3A_585] {strides = array<i32>} : memref<80x128xf32, #tpu.memory_space<vmem>>, vector<16xf32>,
        %add3A_587 = arith.addf %get3A_579, %get3A_586 : vector<16xf32>
        %get3A_588 = arith.constant 0 : i32
        %get3A_589 = arith.constant 0 : i32
        %get3A_590 = tpu.memref_slice %arg7[%scan3A_47, %get3A_588, %get3A_589] : memref<2x80x128xf32, #tpu.memory_space<vmem>> -> memref<1x80x128xf32, #tpu.memory_space<vmem>>
        %get3A_591 = tpu.memref_squeeze %get3A_590 : memref<1x80x128xf32, #tpu.memory_space<vmem>> -> memref<80x128xf32, #tpu.memory_space<vmem>>
        %get3A_592 = arith.index_cast %add3A_572 : i32 to index
        %get3A_593 = arith.constant 16 : index
        %get3A_594 = tpu.vector_load %get3A_591[%get3A_592, %get3A_593] {strides = array<i32>} : memref<80x128xf32, #tpu.memory_space<vmem>>, vector<16xf32>,
        %get3A_595 = arith.constant 0 : i32
        %get3A_596 = arith.constant 0 : i32
        %get3A_597 = tpu.memref_slice %arg8[%scan3A_48, %get3A_595, %get3A_596] : memref<2x80x128xf32, #tpu.memory_space<vmem>> -> memref<1x80x128xf32, #tpu.memory_space<vmem>>
        %get3A_598 = tpu.memref_squeeze %get3A_597 : memref<1x80x128xf32, #tpu.memory_space<vmem>> -> memref<80x128xf32, #tpu.memory_space<vmem>>
        %get3A_599 = arith.index_cast %add3A_572 : i32 to index
        %get3A_600 = arith.constant 16 : index
        %get3A_601 = tpu.vector_load %get3A_598[%get3A_599, %get3A_600] {strides = array<i32>} : memref<80x128xf32, #tpu.memory_space<vmem>>, vector<16xf32>,
        %add3A_602 = arith.addf %get3A_594, %get3A_601 : vector<16xf32>
        %pack3A_603 = tpu.pack_subelements %add3A_587, %add3A_602 {pack_format = #tpu.pack_format<interleaved>, positions = array<i32: 0, 1>} : vector<16xf32>, vector<16xf32> -> vector<32xbf16>
        %bitcast3A_604 = vector.bitcast %pack3A_603 : vector<32xbf16> to vector<16xi32>
        %swap3A_605 = arith.constant 0 : i32
        %swap3A_606 = arith.constant 0 : i32
        %swap3A_607 = tpu.memref_slice %arg9[%scan3A_49, %swap3A_605, %swap3A_606] : memref<2x80x64xi32, #tpu.memory_space<vmem>> -> memref<1x80x64xi32, #tpu.memory_space<vmem>>
        %swap3A_608 = tpu.memref_squeeze %swap3A_607 : memref<1x80x64xi32, #tpu.memory_space<vmem>> -> memref<80x64xi32, #tpu.memory_space<vmem>>
        %swap3A_609 = arith.index_cast %add3A_572 : i32 to index
        %swap3A_610 = arith.constant 0 : index
        %swap3A_611 = tpu.vector_load %swap3A_608[%swap3A_609, %swap3A_610] {strides = array<i32>} : memref<80x64xi32, #tpu.memory_space<vmem>>, vector<16xi32>,
        tpu.vector_store %swap3A_608[%swap3A_609, %swap3A_610], %bitcast3A_604 {strides = array<i32>} : memref<80x64xi32, #tpu.memory_space<vmem>>, vector<16xi32>,
        %get3A_612 = arith.constant 0 : i32
        %get3A_613 = arith.constant 0 : i32
        %get3A_614 = tpu.memref_slice %arg7[%scan3A_47, %get3A_612, %get3A_613] : memref<2x80x128xf32, #tpu.memory_space<vmem>> -> memref<1x80x128xf32, #tpu.memory_space<vmem>>
        %get3A_615 = tpu.memref_squeeze %get3A_614 : memref<1x80x128xf32, #tpu.memory_space<vmem>> -> memref<80x128xf32, #tpu.memory_space<vmem>>
        %get3A_616 = arith.index_cast %add3A_572 : i32 to index
        %get3A_617 = arith.constant 32 : index
        %get3A_618 = tpu.vector_load %get3A_615[%get3A_616, %get3A_617] {strides = array<i32>} : memref<80x128xf32, #tpu.memory_space<vmem>>, vector<16xf32>,
        %get3A_619 = arith.constant 0 : i32
        %get3A_620 = arith.constant 0 : i32
        %get3A_621 = tpu.memref_slice %arg8[%scan3A_48, %get3A_619, %get3A_620] : memref<2x80x128xf32, #tpu.memory_space<vmem>> -> memref<1x80x128xf32, #tpu.memory_space<vmem>>
        %get3A_622 = tpu.memref_squeeze %get3A_621 : memref<1x80x128xf32, #tpu.memory_space<vmem>> -> memref<80x128xf32, #tpu.memory_space<vmem>>
        %get3A_623 = arith.index_cast %add3A_572 : i32 to index
        %get3A_624 = arith.constant 32 : index
        %get3A_625 = tpu.vector_load %get3A_622[%get3A_623, %get3A_624] {strides = array<i32>} : memref<80x128xf32, #tpu.memory_space<vmem>>, vector<16xf32>,
        %add3A_626 = arith.addf %get3A_618, %get3A_625 : vector<16xf32>
        %get3A_627 = arith.constant 0 : i32
        %get3A_628 = arith.constant 0 : i32
        %get3A_629 = tpu.memref_slice %arg7[%scan3A_47, %get3A_627, %get3A_628] : memref<2x80x128xf32, #tpu.memory_space<vmem>> -> memref<1x80x128xf32, #tpu.memory_space<vmem>>
        %get3A_630 = tpu.memref_squeeze %get3A_629 : memref<1x80x128xf32, #tpu.memory_space<vmem>> -> memref<80x128xf32, #tpu.memory_space<vmem>>
        %get3A_631 = arith.index_cast %add3A_572 : i32 to index
        %get3A_632 = arith.constant 48 : index
        %get3A_633 = tpu.vector_load %get3A_630[%get3A_631, %get3A_632] {strides = array<i32>} : memref<80x128xf32, #tpu.memory_space<vmem>>, vector<16xf32>,
        %get3A_634 = arith.constant 0 : i32
        %get3A_635 = arith.constant 0 : i32
        %get3A_636 = tpu.memref_slice %arg8[%scan3A_48, %get3A_634, %get3A_635] : memref<2x80x128xf32, #tpu.memory_space<vmem>> -> memref<1x80x128xf32, #tpu.memory_space<vmem>>
        %get3A_637 = tpu.memref_squeeze %get3A_636 : memref<1x80x128xf32, #tpu.memory_space<vmem>> -> memref<80x128xf32, #tpu.memory_space<vmem>>
        %get3A_638 = arith.index_cast %add3A_572 : i32 to index
        %get3A_639 = arith.constant 48 : index
        %get3A_640 = tpu.vector_load %get3A_637[%get3A_638, %get3A_639] {strides = array<i32>} : memref<80x128xf32, #tpu.memory_space<vmem>>, vector<16xf32>,
        %add3A_641 = arith.addf %get3A_633, %get3A_640 : vector<16xf32>
        %pack3A_642 = tpu.pack_subelements %add3A_626, %add3A_641 {pack_format = #tpu.pack_format<interleaved>, positions = array<i32: 0, 1>} : vector<16xf32>, vector<16xf32> -> vector<32xbf16>
        %bitcast3A_643 = vector.bitcast %pack3A_642 : vector<32xbf16> to vector<16xi32>
        %swap3A_644 = arith.constant 0 : i32
        %swap3A_645 = arith.constant 0 : i32
        %swap3A_646 = tpu.memref_slice %arg9[%scan3A_49, %swap3A_644, %swap3A_645] : memref<2x80x64xi32, #tpu.memory_space<vmem>> -> memref<1x80x64xi32, #tpu.memory_space<vmem>>
        %swap3A_647 = tpu.memref_squeeze %swap3A_646 : memref<1x80x64xi32, #tpu.memory_space<vmem>> -> memref<80x64xi32, #tpu.memory_space<vmem>>
        %swap3A_648 = arith.index_cast %add3A_572 : i32 to index
        %swap3A_649 = arith.constant 16 : index
        %swap3A_650 = tpu.vector_load %swap3A_647[%swap3A_648, %swap3A_649] {strides = array<i32>} : memref<80x64xi32, #tpu.memory_space<vmem>>, vector<16xi32>,
        tpu.vector_store %swap3A_647[%swap3A_648, %swap3A_649], %bitcast3A_643 {strides = array<i32>} : memref<80x64xi32, #tpu.memory_space<vmem>>, vector<16xi32>,
        %get3A_651 = arith.constant 0 : i32
        %get3A_652 = arith.constant 0 : i32
        %get3A_653 = tpu.memref_slice %arg7[%scan3A_47, %get3A_651, %get3A_652] : memref<2x80x128xf32, #tpu.memory_space<vmem>> -> memref<1x80x128xf32, #tpu.memory_space<vmem>>
        %get3A_654 = tpu.memref_squeeze %get3A_653 : memref<1x80x128xf32, #tpu.memory_space<vmem>> -> memref<80x128xf32, #tpu.memory_space<vmem>>
        %get3A_655 = arith.index_cast %add3A_572 : i32 to index
        %get3A_656 = arith.constant 64 : index
        %get3A_657 = tpu.vector_load %get3A_654[%get3A_655, %get3A_656] {strides = array<i32>} : memref<80x128xf32, #tpu.memory_space<vmem>>, vector<16xf32>,
        %get3A_658 = arith.constant 0 : i32
        %get3A_659 = arith.constant 0 : i32
        %get3A_660 = tpu.memref_slice %arg8[%scan3A_48, %get3A_658, %get3A_659] : memref<2x80x128xf32, #tpu.memory_space<vmem>> -> memref<1x80x128xf32, #tpu.memory_space<vmem>>
        %get3A_661 = tpu.memref_squeeze %get3A_660 : memref<1x80x128xf32, #tpu.memory_space<vmem>> -> memref<80x128xf32, #tpu.memory_space<vmem>>
        %get3A_662 = arith.index_cast %add3A_572 : i32 to index
        %get3A_663 = arith.constant 64 : index
        %get3A_664 = tpu.vector_load %get3A_661[%get3A_662, %get3A_663] {strides = array<i32>} : memref<80x128xf32, #tpu.memory_space<vmem>>, vector<16xf32>,
        %add3A_665 = arith.addf %get3A_657, %get3A_664 : vector<16xf32>
        %get3A_666 = arith.constant 0 : i32
        %get3A_667 = arith.constant 0 : i32
        %get3A_668 = tpu.memref_slice %arg7[%scan3A_47, %get3A_666, %get3A_667] : memref<2x80x128xf32, #tpu.memory_space<vmem>> -> memref<1x80x128xf32, #tpu.memory_space<vmem>>
        %get3A_669 = tpu.memref_squeeze %get3A_668 : memref<1x80x128xf32, #tpu.memory_space<vmem>> -> memref<80x128xf32, #tpu.memory_space<vmem>>
        %get3A_670 = arith.index_cast %add3A_572 : i32 to index
        %get3A_671 = arith.constant 80 : index
        %get3A_672 = tpu.vector_load %get3A_669[%get3A_670, %get3A_671] {strides = array<i32>} : memref<80x128xf32, #tpu.memory_space<vmem>>, vector<16xf32>,
        %get3A_673 = arith.constant 0 : i32
        %get3A_674 = arith.constant 0 : i32
        %get3A_675 = tpu.memref_slice %arg8[%scan3A_48, %get3A_673, %get3A_674] : memref<2x80x128xf32, #tpu.memory_space<vmem>> -> memref<1x80x128xf32, #tpu.memory_space<vmem>>
        %get3A_676 = tpu.memref_squeeze %get3A_675 : memref<1x80x128xf32, #tpu.memory_space<vmem>> -> memref<80x128xf32, #tpu.memory_space<vmem>>
        %get3A_677 = arith.index_cast %add3A_572 : i32 to index
        %get3A_678 = arith.constant 80 : index
        %get3A_679 = tpu.vector_load %get3A_676[%get3A_677, %get3A_678] {strides = array<i32>} : memref<80x128xf32, #tpu.memory_space<vmem>>, vector<16xf32>,
        %add3A_680 = arith.addf %get3A_672, %get3A_679 : vector<16xf32>
        %pack3A_681 = tpu.pack_subelements %add3A_665, %add3A_680 {pack_format = #tpu.pack_format<interleaved>, positions = array<i32: 0, 1>} : vector<16xf32>, vector<16xf32> -> vector<32xbf16>
        %bitcast3A_682 = vector.bitcast %pack3A_681 : vector<32xbf16> to vector<16xi32>
        %swap3A_683 = arith.constant 0 : i32
        %swap3A_684 = arith.constant 0 : i32
        %swap3A_685 = tpu.memref_slice %arg9[%scan3A_49, %swap3A_683, %swap3A_684] : memref<2x80x64xi32, #tpu.memory_space<vmem>> -> memref<1x80x64xi32, #tpu.memory_space<vmem>>
        %swap3A_686 = tpu.memref_squeeze %swap3A_685 : memref<1x80x64xi32, #tpu.memory_space<vmem>> -> memref<80x64xi32, #tpu.memory_space<vmem>>
        %swap3A_687 = arith.index_cast %add3A_572 : i32 to index
        %swap3A_688 = arith.constant 32 : index
        %swap3A_689 = tpu.vector_load %swap3A_686[%swap3A_687, %swap3A_688] {strides = array<i32>} : memref<80x64xi32, #tpu.memory_space<vmem>>, vector<16xi32>,
        tpu.vector_store %swap3A_686[%swap3A_687, %swap3A_688], %bitcast3A_682 {strides = array<i32>} : memref<80x64xi32, #tpu.memory_space<vmem>>, vector<16xi32>,
        %get3A_690 = arith.constant 0 : i32
        %get3A_691 = arith.constant 0 : i32
        %get3A_692 = tpu.memref_slice %arg7[%scan3A_47, %get3A_690, %get3A_691] : memref<2x80x128xf32, #tpu.memory_space<vmem>> -> memref<1x80x128xf32, #tpu.memory_space<vmem>>
        %get3A_693 = tpu.memref_squeeze %get3A_692 : memref<1x80x128xf32, #tpu.memory_space<vmem>> -> memref<80x128xf32, #tpu.memory_space<vmem>>
        %get3A_694 = arith.index_cast %add3A_572 : i32 to index
        %get3A_695 = arith.constant 96 : index
        %get3A_696 = tpu.vector_load %get3A_693[%get3A_694, %get3A_695] {strides = array<i32>} : memref<80x128xf32, #tpu.memory_space<vmem>>, vector<16xf32>,
        %get3A_697 = arith.constant 0 : i32
        %get3A_698 = arith.constant 0 : i32
        %get3A_699 = tpu.memref_slice %arg8[%scan3A_48, %get3A_697, %get3A_698] : memref<2x80x128xf32, #tpu.memory_space<vmem>> -> memref<1x80x128xf32, #tpu.memory_space<vmem>>
        %get3A_700 = tpu.memref_squeeze %get3A_699 : memref<1x80x128xf32, #tpu.memory_space<vmem>> -> memref<80x128xf32, #tpu.memory_space<vmem>>
        %get3A_701 = arith.index_cast %add3A_572 : i32 to index
        %get3A_702 = arith.constant 96 : index
        %get3A_703 = tpu.vector_load %get3A_700[%get3A_701, %get3A_702] {strides = array<i32>} : memref<80x128xf32, #tpu.memory_space<vmem>>, vector<16xf32>,
        %add3A_704 = arith.addf %get3A_696, %get3A_703 : vector<16xf32>
        %get3A_705 = arith.constant 0 : i32
        %get3A_706 = arith.constant 0 : i32
        %get3A_707 = tpu.memref_slice %arg7[%scan3A_47, %get3A_705, %get3A_706] : memref<2x80x128xf32, #tpu.memory_space<vmem>> -> memref<1x80x128xf32, #tpu.memory_space<vmem>>
        %get3A_708 = tpu.memref_squeeze %get3A_707 : memref<1x80x128xf32, #tpu.memory_space<vmem>> -> memref<80x128xf32, #tpu.memory_space<vmem>>
        %get3A_709 = arith.index_cast %add3A_572 : i32 to index
        %get3A_710 = arith.constant 112 : index
        %get3A_711 = tpu.vector_load %get3A_708[%get3A_709, %get3A_710] {strides = array<i32>} : memref<80x128xf32, #tpu.memory_space<vmem>>, vector<16xf32>,
        %get3A_712 = arith.constant 0 : i32
        %get3A_713 = arith.constant 0 : i32
        %get3A_714 = tpu.memref_slice %arg8[%scan3A_48, %get3A_712, %get3A_713] : memref<2x80x128xf32, #tpu.memory_space<vmem>> -> memref<1x80x128xf32, #tpu.memory_space<vmem>>
        %get3A_715 = tpu.memref_squeeze %get3A_714 : memref<1x80x128xf32, #tpu.memory_space<vmem>> -> memref<80x128xf32, #tpu.memory_space<vmem>>
        %get3A_716 = arith.index_cast %add3A_572 : i32 to index
        %get3A_717 = arith.constant 112 : index
        %get3A_718 = tpu.vector_load %get3A_715[%get3A_716, %get3A_717] {strides = array<i32>} : memref<80x128xf32, #tpu.memory_space<vmem>>, vector<16xf32>,
        %add3A_719 = arith.addf %get3A_711, %get3A_718 : vector<16xf32>
        %pack3A_720 = tpu.pack_subelements %add3A_704, %add3A_719 {pack_format = #tpu.pack_format<interleaved>, positions = array<i32: 0, 1>} : vector<16xf32>, vector<16xf32> -> vector<32xbf16>
        %bitcast3A_721 = vector.bitcast %pack3A_720 : vector<32xbf16> to vector<16xi32>
        %swap3A_722 = arith.constant 0 : i32
        %swap3A_723 = arith.constant 0 : i32
        %swap3A_724 = tpu.memref_slice %arg9[%scan3A_49, %swap3A_722, %swap3A_723] : memref<2x80x64xi32, #tpu.memory_space<vmem>> -> memref<1x80x64xi32, #tpu.memory_space<vmem>>
        %swap3A_725 = tpu.memref_squeeze %swap3A_724 : memref<1x80x64xi32, #tpu.memory_space<vmem>> -> memref<80x64xi32, #tpu.memory_space<vmem>>
        %swap3A_726 = arith.index_cast %add3A_572 : i32 to index
        %swap3A_727 = arith.constant 48 : index
        %swap3A_728 = tpu.vector_load %swap3A_725[%swap3A_726, %swap3A_727] {strides = array<i32>} : memref<80x64xi32, #tpu.memory_space<vmem>>, vector<16xi32>,
        tpu.vector_store %swap3A_725[%swap3A_726, %swap3A_727], %bitcast3A_721 {strides = array<i32>} : memref<80x64xi32, #tpu.memory_space<vmem>>, vector<16xi32>,
        %add3A_729 = arith.constant 3 : i32
        %add3A_730 = arith.addi %mul3A_258, %add3A_729 : i32
        %get3A_731 = arith.constant 0 : i32
        %get3A_732 = arith.constant 0 : i32
        %get3A_733 = tpu.memref_slice %arg7[%scan3A_47, %get3A_731, %get3A_732] : memref<2x80x128xf32, #tpu.memory_space<vmem>> -> memref<1x80x128xf32, #tpu.memory_space<vmem>>
        %get3A_734 = tpu.memref_squeeze %get3A_733 : memref<1x80x128xf32, #tpu.memory_space<vmem>> -> memref<80x128xf32, #tpu.memory_space<vmem>>
        %get3A_735 = arith.index_cast %add3A_730 : i32 to index
        %get3A_736 = arith.constant 0 : index
        %get3A_737 = tpu.vector_load %get3A_734[%get3A_735, %get3A_736] {strides = array<i32>} : memref<80x128xf32, #tpu.memory_space<vmem>>, vector<16xf32>,
        %get3A_738 = arith.constant 0 : i32
        %get3A_739 = arith.constant 0 : i32
        %get3A_740 = tpu.memref_slice %arg8[%scan3A_48, %get3A_738, %get3A_739] : memref<2x80x128xf32, #tpu.memory_space<vmem>> -> memref<1x80x128xf32, #tpu.memory_space<vmem>>
        %get3A_741 = tpu.memref_squeeze %get3A_740 : memref<1x80x128xf32, #tpu.memory_space<vmem>> -> memref<80x128xf32, #tpu.memory_space<vmem>>
        %get3A_742 = arith.index_cast %add3A_730 : i32 to index
        %get3A_743 = arith.constant 0 : index
        %get3A_744 = tpu.vector_load %get3A_741[%get3A_742, %get3A_743] {strides = array<i32>} : memref<80x128xf32, #tpu.memory_space<vmem>>, vector<16xf32>,
        %add3A_745 = arith.addf %get3A_737, %get3A_744 : vector<16xf32>
        %get3A_746 = arith.constant 0 : i32
        %get3A_747 = arith.constant 0 : i32
        %get3A_748 = tpu.memref_slice %arg7[%scan3A_47, %get3A_746, %get3A_747] : memref<2x80x128xf32, #tpu.memory_space<vmem>> -> memref<1x80x128xf32, #tpu.memory_space<vmem>>
        %get3A_749 = tpu.memref_squeeze %get3A_748 : memref<1x80x128xf32, #tpu.memory_space<vmem>> -> memref<80x128xf32, #tpu.memory_space<vmem>>
        %get3A_750 = arith.index_cast %add3A_730 : i32 to index
        %get3A_751 = arith.constant 16 : index
        %get3A_752 = tpu.vector_load %get3A_749[%get3A_750, %get3A_751] {strides = array<i32>} : memref<80x128xf32, #tpu.memory_space<vmem>>, vector<16xf32>,
        %get3A_753 = arith.constant 0 : i32
        %get3A_754 = arith.constant 0 : i32
        %get3A_755 = tpu.memref_slice %arg8[%scan3A_48, %get3A_753, %get3A_754] : memref<2x80x128xf32, #tpu.memory_space<vmem>> -> memref<1x80x128xf32, #tpu.memory_space<vmem>>
        %get3A_756 = tpu.memref_squeeze %get3A_755 : memref<1x80x128xf32, #tpu.memory_space<vmem>> -> memref<80x128xf32, #tpu.memory_space<vmem>>
        %get3A_757 = arith.index_cast %add3A_730 : i32 to index
        %get3A_758 = arith.constant 16 : index
        %get3A_759 = tpu.vector_load %get3A_756[%get3A_757, %get3A_758] {strides = array<i32>} : memref<80x128xf32, #tpu.memory_space<vmem>>, vector<16xf32>,
        %add3A_760 = arith.addf %get3A_752, %get3A_759 : vector<16xf32>
        %pack3A_761 = tpu.pack_subelements %add3A_745, %add3A_760 {pack_format = #tpu.pack_format<interleaved>, positions = array<i32: 0, 1>} : vector<16xf32>, vector<16xf32> -> vector<32xbf16>
        %bitcast3A_762 = vector.bitcast %pack3A_761 : vector<32xbf16> to vector<16xi32>
        %swap3A_763 = arith.constant 0 : i32
        %swap3A_764 = arith.constant 0 : i32
        %swap3A_765 = tpu.memref_slice %arg9[%scan3A_49, %swap3A_763, %swap3A_764] : memref<2x80x64xi32, #tpu.memory_space<vmem>> -> memref<1x80x64xi32, #tpu.memory_space<vmem>>
        %swap3A_766 = tpu.memref_squeeze %swap3A_765 : memref<1x80x64xi32, #tpu.memory_space<vmem>> -> memref<80x64xi32, #tpu.memory_space<vmem>>
        %swap3A_767 = arith.index_cast %add3A_730 : i32 to index
        %swap3A_768 = arith.constant 0 : index
        %swap3A_769 = tpu.vector_load %swap3A_766[%swap3A_767, %swap3A_768] {strides = array<i32>} : memref<80x64xi32, #tpu.memory_space<vmem>>, vector<16xi32>,
        tpu.vector_store %swap3A_766[%swap3A_767, %swap3A_768], %bitcast3A_762 {strides = array<i32>} : memref<80x64xi32, #tpu.memory_space<vmem>>, vector<16xi32>,
        %get3A_770 = arith.constant 0 : i32
        %get3A_771 = arith.constant 0 : i32
        %get3A_772 = tpu.memref_slice %arg7[%scan3A_47, %get3A_770, %get3A_771] : memref<2x80x128xf32, #tpu.memory_space<vmem>> -> memref<1x80x128xf32, #tpu.memory_space<vmem>>
        %get3A_773 = tpu.memref_squeeze %get3A_772 : memref<1x80x128xf32, #tpu.memory_space<vmem>> -> memref<80x128xf32, #tpu.memory_space<vmem>>
        %get3A_774 = arith.index_cast %add3A_730 : i32 to index
        %get3A_775 = arith.constant 32 : index
        %get3A_776 = tpu.vector_load %get3A_773[%get3A_774, %get3A_775] {strides = array<i32>} : memref<80x128xf32, #tpu.memory_space<vmem>>, vector<16xf32>,
        %get3A_777 = arith.constant 0 : i32
        %get3A_778 = arith.constant 0 : i32
        %get3A_779 = tpu.memref_slice %arg8[%scan3A_48, %get3A_777, %get3A_778] : memref<2x80x128xf32, #tpu.memory_space<vmem>> -> memref<1x80x128xf32, #tpu.memory_space<vmem>>
        %get3A_780 = tpu.memref_squeeze %get3A_779 : memref<1x80x128xf32, #tpu.memory_space<vmem>> -> memref<80x128xf32, #tpu.memory_space<vmem>>
        %get3A_781 = arith.index_cast %add3A_730 : i32 to index
        %get3A_782 = arith.constant 32 : index
        %get3A_783 = tpu.vector_load %get3A_780[%get3A_781, %get3A_782] {strides = array<i32>} : memref<80x128xf32, #tpu.memory_space<vmem>>, vector<16xf32>,
        %add3A_784 = arith.addf %get3A_776, %get3A_783 : vector<16xf32>
        %get3A_785 = arith.constant 0 : i32
        %get3A_786 = arith.constant 0 : i32
        %get3A_787 = tpu.memref_slice %arg7[%scan3A_47, %get3A_785, %get3A_786] : memref<2x80x128xf32, #tpu.memory_space<vmem>> -> memref<1x80x128xf32, #tpu.memory_space<vmem>>
        %get3A_788 = tpu.memref_squeeze %get3A_787 : memref<1x80x128xf32, #tpu.memory_space<vmem>> -> memref<80x128xf32, #tpu.memory_space<vmem>>
        %get3A_789 = arith.index_cast %add3A_730 : i32 to index
        %get3A_790 = arith.constant 48 : index
        %get3A_791 = tpu.vector_load %get3A_788[%get3A_789, %get3A_790] {strides = array<i32>} : memref<80x128xf32, #tpu.memory_space<vmem>>, vector<16xf32>,
        %get3A_792 = arith.constant 0 : i32
        %get3A_793 = arith.constant 0 : i32
        %get3A_794 = tpu.memref_slice %arg8[%scan3A_48, %get3A_792, %get3A_793] : memref<2x80x128xf32, #tpu.memory_space<vmem>> -> memref<1x80x128xf32, #tpu.memory_space<vmem>>
        %get3A_795 = tpu.memref_squeeze %get3A_794 : memref<1x80x128xf32, #tpu.memory_space<vmem>> -> memref<80x128xf32, #tpu.memory_space<vmem>>
        %get3A_796 = arith.index_cast %add3A_730 : i32 to index
        %get3A_797 = arith.constant 48 : index
        %get3A_798 = tpu.vector_load %get3A_795[%get3A_796, %get3A_797] {strides = array<i32>} : memref<80x128xf32, #tpu.memory_space<vmem>>, vector<16xf32>,
        %add3A_799 = arith.addf %get3A_791, %get3A_798 : vector<16xf32>
        %pack3A_800 = tpu.pack_subelements %add3A_784, %add3A_799 {pack_format = #tpu.pack_format<interleaved>, positions = array<i32: 0, 1>} : vector<16xf32>, vector<16xf32> -> vector<32xbf16>
        %bitcast3A_801 = vector.bitcast %pack3A_800 : vector<32xbf16> to vector<16xi32>
        %swap3A_802 = arith.constant 0 : i32
        %swap3A_803 = arith.constant 0 : i32
        %swap3A_804 = tpu.memref_slice %arg9[%scan3A_49, %swap3A_802, %swap3A_803] : memref<2x80x64xi32, #tpu.memory_space<vmem>> -> memref<1x80x64xi32, #tpu.memory_space<vmem>>
        %swap3A_805 = tpu.memref_squeeze %swap3A_804 : memref<1x80x64xi32, #tpu.memory_space<vmem>> -> memref<80x64xi32, #tpu.memory_space<vmem>>
        %swap3A_806 = arith.index_cast %add3A_730 : i32 to index
        %swap3A_807 = arith.constant 16 : index
        %swap3A_808 = tpu.vector_load %swap3A_805[%swap3A_806, %swap3A_807] {strides = array<i32>} : memref<80x64xi32, #tpu.memory_space<vmem>>, vector<16xi32>,
        tpu.vector_store %swap3A_805[%swap3A_806, %swap3A_807], %bitcast3A_801 {strides = array<i32>} : memref<80x64xi32, #tpu.memory_space<vmem>>, vector<16xi32>,
        %get3A_809 = arith.constant 0 : i32
        %get3A_810 = arith.constant 0 : i32
        %get3A_811 = tpu.memref_slice %arg7[%scan3A_47, %get3A_809, %get3A_810] : memref<2x80x128xf32, #tpu.memory_space<vmem>> -> memref<1x80x128xf32, #tpu.memory_space<vmem>>
        %get3A_812 = tpu.memref_squeeze %get3A_811 : memref<1x80x128xf32, #tpu.memory_space<vmem>> -> memref<80x128xf32, #tpu.memory_space<vmem>>
        %get3A_813 = arith.index_cast %add3A_730 : i32 to index
        %get3A_814 = arith.constant 64 : index
        %get3A_815 = tpu.vector_load %get3A_812[%get3A_813, %get3A_814] {strides = array<i32>} : memref<80x128xf32, #tpu.memory_space<vmem>>, vector<16xf32>,
        %get3A_816 = arith.constant 0 : i32
        %get3A_817 = arith.constant 0 : i32
        %get3A_818 = tpu.memref_slice %arg8[%scan3A_48, %get3A_816, %get3A_817] : memref<2x80x128xf32, #tpu.memory_space<vmem>> -> memref<1x80x128xf32, #tpu.memory_space<vmem>>
        %get3A_819 = tpu.memref_squeeze %get3A_818 : memref<1x80x128xf32, #tpu.memory_space<vmem>> -> memref<80x128xf32, #tpu.memory_space<vmem>>
        %get3A_820 = arith.index_cast %add3A_730 : i32 to index
        %get3A_821 = arith.constant 64 : index
        %get3A_822 = tpu.vector_load %get3A_819[%get3A_820, %get3A_821] {strides = array<i32>} : memref<80x128xf32, #tpu.memory_space<vmem>>, vector<16xf32>,
        %add3A_823 = arith.addf %get3A_815, %get3A_822 : vector<16xf32>
        %get3A_824 = arith.constant 0 : i32
        %get3A_825 = arith.constant 0 : i32
        %get3A_826 = tpu.memref_slice %arg7[%scan3A_47, %get3A_824, %get3A_825] : memref<2x80x128xf32, #tpu.memory_space<vmem>> -> memref<1x80x128xf32, #tpu.memory_space<vmem>>
        %get3A_827 = tpu.memref_squeeze %get3A_826 : memref<1x80x128xf32, #tpu.memory_space<vmem>> -> memref<80x128xf32, #tpu.memory_space<vmem>>
        %get3A_828 = arith.index_cast %add3A_730 : i32 to index
        %get3A_829 = arith.constant 80 : index
        %get3A_830 = tpu.vector_load %get3A_827[%get3A_828, %get3A_829] {strides = array<i32>} : memref<80x128xf32, #tpu.memory_space<vmem>>, vector<16xf32>,
        %get3A_831 = arith.constant 0 : i32
        %get3A_832 = arith.constant 0 : i32
        %get3A_833 = tpu.memref_slice %arg8[%scan3A_48, %get3A_831, %get3A_832] : memref<2x80x128xf32, #tpu.memory_space<vmem>> -> memref<1x80x128xf32, #tpu.memory_space<vmem>>
        %get3A_834 = tpu.memref_squeeze %get3A_833 : memref<1x80x128xf32, #tpu.memory_space<vmem>> -> memref<80x128xf32, #tpu.memory_space<vmem>>
        %get3A_835 = arith.index_cast %add3A_730 : i32 to index
        %get3A_836 = arith.constant 80 : index
        %get3A_837 = tpu.vector_load %get3A_834[%get3A_835, %get3A_836] {strides = array<i32>} : memref<80x128xf32, #tpu.memory_space<vmem>>, vector<16xf32>,
        %add3A_838 = arith.addf %get3A_830, %get3A_837 : vector<16xf32>
        %pack3A_839 = tpu.pack_subelements %add3A_823, %add3A_838 {pack_format = #tpu.pack_format<interleaved>, positions = array<i32: 0, 1>} : vector<16xf32>, vector<16xf32> -> vector<32xbf16>
        %bitcast3A_840 = vector.bitcast %pack3A_839 : vector<32xbf16> to vector<16xi32>
        %swap3A_841 = arith.constant 0 : i32
        %swap3A_842 = arith.constant 0 : i32
        %swap3A_843 = tpu.memref_slice %arg9[%scan3A_49, %swap3A_841, %swap3A_842] : memref<2x80x64xi32, #tpu.memory_space<vmem>> -> memref<1x80x64xi32, #tpu.memory_space<vmem>>
        %swap3A_844 = tpu.memref_squeeze %swap3A_843 : memref<1x80x64xi32, #tpu.memory_space<vmem>> -> memref<80x64xi32, #tpu.memory_space<vmem>>
        %swap3A_845 = arith.index_cast %add3A_730 : i32 to index
        %swap3A_846 = arith.constant 32 : index
        %swap3A_847 = tpu.vector_load %swap3A_844[%swap3A_845, %swap3A_846] {strides = array<i32>} : memref<80x64xi32, #tpu.memory_space<vmem>>, vector<16xi32>,
        tpu.vector_store %swap3A_844[%swap3A_845, %swap3A_846], %bitcast3A_840 {strides = array<i32>} : memref<80x64xi32, #tpu.memory_space<vmem>>, vector<16xi32>,
        %get3A_848 = arith.constant 0 : i32
        %get3A_849 = arith.constant 0 : i32
        %get3A_850 = tpu.memref_slice %arg7[%scan3A_47, %get3A_848, %get3A_849] : memref<2x80x128xf32, #tpu.memory_space<vmem>> -> memref<1x80x128xf32, #tpu.memory_space<vmem>>
        %get3A_851 = tpu.memref_squeeze %get3A_850 : memref<1x80x128xf32, #tpu.memory_space<vmem>> -> memref<80x128xf32, #tpu.memory_space<vmem>>
        %get3A_852 = arith.index_cast %add3A_730 : i32 to index
        %get3A_853 = arith.constant 96 : index
        %get3A_854 = tpu.vector_load %get3A_851[%get3A_852, %get3A_853] {strides = array<i32>} : memref<80x128xf32, #tpu.memory_space<vmem>>, vector<16xf32>,
        %get3A_855 = arith.constant 0 : i32
        %get3A_856 = arith.constant 0 : i32
        %get3A_857 = tpu.memref_slice %arg8[%scan3A_48, %get3A_855, %get3A_856] : memref<2x80x128xf32, #tpu.memory_space<vmem>> -> memref<1x80x128xf32, #tpu.memory_space<vmem>>
        %get3A_858 = tpu.memref_squeeze %get3A_857 : memref<1x80x128xf32, #tpu.memory_space<vmem>> -> memref<80x128xf32, #tpu.memory_space<vmem>>
        %get3A_859 = arith.index_cast %add3A_730 : i32 to index
        %get3A_860 = arith.constant 96 : index
        %get3A_861 = tpu.vector_load %get3A_858[%get3A_859, %get3A_860] {strides = array<i32>} : memref<80x128xf32, #tpu.memory_space<vmem>>, vector<16xf32>,
        %add3A_862 = arith.addf %get3A_854, %get3A_861 : vector<16xf32>
        %get3A_863 = arith.constant 0 : i32
        %get3A_864 = arith.constant 0 : i32
        %get3A_865 = tpu.memref_slice %arg7[%scan3A_47, %get3A_863, %get3A_864] : memref<2x80x128xf32, #tpu.memory_space<vmem>> -> memref<1x80x128xf32, #tpu.memory_space<vmem>>
        %get3A_866 = tpu.memref_squeeze %get3A_865 : memref<1x80x128xf32, #tpu.memory_space<vmem>> -> memref<80x128xf32, #tpu.memory_space<vmem>>
        %get3A_867 = arith.index_cast %add3A_730 : i32 to index
        %get3A_868 = arith.constant 112 : index
        %get3A_869 = tpu.vector_load %get3A_866[%get3A_867, %get3A_868] {strides = array<i32>} : memref<80x128xf32, #tpu.memory_space<vmem>>, vector<16xf32>,
        %get3A_870 = arith.constant 0 : i32
        %get3A_871 = arith.constant 0 : i32
        %get3A_872 = tpu.memref_slice %arg8[%scan3A_48, %get3A_870, %get3A_871] : memref<2x80x128xf32, #tpu.memory_space<vmem>> -> memref<1x80x128xf32, #tpu.memory_space<vmem>>
        %get3A_873 = tpu.memref_squeeze %get3A_872 : memref<1x80x128xf32, #tpu.memory_space<vmem>> -> memref<80x128xf32, #tpu.memory_space<vmem>>
        %get3A_874 = arith.index_cast %add3A_730 : i32 to index
        %get3A_875 = arith.constant 112 : index
        %get3A_876 = tpu.vector_load %get3A_873[%get3A_874, %get3A_875] {strides = array<i32>} : memref<80x128xf32, #tpu.memory_space<vmem>>, vector<16xf32>,
        %add3A_877 = arith.addf %get3A_869, %get3A_876 : vector<16xf32>
        %pack3A_878 = tpu.pack_subelements %add3A_862, %add3A_877 {pack_format = #tpu.pack_format<interleaved>, positions = array<i32: 0, 1>} : vector<16xf32>, vector<16xf32> -> vector<32xbf16>
        %bitcast3A_879 = vector.bitcast %pack3A_878 : vector<32xbf16> to vector<16xi32>
        %swap3A_880 = arith.constant 0 : i32
        %swap3A_881 = arith.constant 0 : i32
        %swap3A_882 = tpu.memref_slice %arg9[%scan3A_49, %swap3A_880, %swap3A_881] : memref<2x80x64xi32, #tpu.memory_space<vmem>> -> memref<1x80x64xi32, #tpu.memory_space<vmem>>
        %swap3A_883 = tpu.memref_squeeze %swap3A_882 : memref<1x80x64xi32, #tpu.memory_space<vmem>> -> memref<80x64xi32, #tpu.memory_space<vmem>>
        %swap3A_884 = arith.index_cast %add3A_730 : i32 to index
        %swap3A_885 = arith.constant 48 : index
        %swap3A_886 = tpu.vector_load %swap3A_883[%swap3A_884, %swap3A_885] {strides = array<i32>} : memref<80x64xi32, #tpu.memory_space<vmem>>, vector<16xi32>,
        tpu.vector_store %swap3A_883[%swap3A_884, %swap3A_885], %bitcast3A_879 {strides = array<i32>} : memref<80x64xi32, #tpu.memory_space<vmem>>, vector<16xi32>,
        %scan3A_887 = arith.constant 0 : i32
        scf.yield %scan3A_887 : i32
      }
      %scan3A_231 = arith.constant 20 : i32
      %mul3A_232 = arith.constant 80 : i32
      %mul3A_233 = arith.muli %add3A_201, %mul3A_232 : i32
      %add3A_234 = arith.addi %mul3A_2, %mul3A_233 : i32
      %dma_start3A_235 = arith.constant 0 : i32
      %dma_start3A_236 = arith.constant 0 : i32
      %dma_start3A_237 = tpu.memref_slice %arg9[%scan3A_49, %dma_start3A_235, %dma_start3A_236] : memref<2x80x64xi32, #tpu.memory_space<vmem>> -> memref<1x80x64xi32, #tpu.memory_space<vmem>>
      %dma_start3A_238 = tpu.memref_squeeze %dma_start3A_237 : memref<1x80x64xi32, #tpu.memory_space<vmem>> -> memref<80x64xi32, #tpu.memory_space<vmem>>
      %dma_start3A_239 = arith.constant 0 : i32
      %dma_start3A_240 = tpu.memref_slice %arg4[%add3A_234, %dma_start3A_239] : memref<320000x64xi32, #tpu.memory_space<hbm>> -> memref<80x64xi32, #tpu.memory_space<hbm>>
      %dma_start3A_241 = arith.constant 0 : i32
      %dma_start3A_242 = tpu.memref_slice %arg4[%add3A_234, %dma_start3A_241] : memref<320000x64xi32, #tpu.memory_space<hbm>> -> memref<80x64xi32, #tpu.memory_space<hbm>>
      %dma_start3A_243 = arith.constant 0 : i32
      %dma_start3A_244 = arith.constant 0 : i32
      %dma_start3A_245 = tpu.memref_slice %arg9[%scan3A_49, %dma_start3A_243, %dma_start3A_244] : memref<2x80x64xi32, #tpu.memory_space<vmem>> -> memref<1x80x64xi32, #tpu.memory_space<vmem>>
      %dma_start3A_246 = tpu.memref_squeeze %dma_start3A_245 : memref<1x80x64xi32, #tpu.memory_space<vmem>> -> memref<80x64xi32, #tpu.memory_space<vmem>>
      tpu.enqueue_dma source(%dma_start3A_246 : memref<80x64xi32, #tpu.memory_space<vmem>>) target(%dma_start3A_242 : memref<80x64xi32, #tpu.memory_space<hbm>>) target_semaphore(%arg13 : memref<!tpu.dma_semaphore, #tpu.memory_space<semaphore_mem>>)
      %add3A_247 = arith.constant 2 : i32
      %add3A_248 = arith.addi %add3A_201, %add3A_247 : i32
      %lt3A_249 = arith.constant 125 : i32
      %lt3A_250 = arith.cmpi slt, %add3A_248, %lt3A_249 : i32
      %convert_element_type3A_251 = arith.extui %lt3A_250 : i1 to i32
      %cond3A_252 = arith.constant 0 : i32
      %cond3A_253 = arith.cmpi ne, %convert_element_type3A_251, %cond3A_252 : i32
      scf.if %cond3A_253 {
        %add3A_255 = arith.constant 2 : i32
        %add3A_256 = arith.addi %add3A_201, %add3A_255 : i32
        %mul3A_257 = arith.constant 80 : i32
        %mul3A_258 = arith.muli %add3A_256, %mul3A_257 : i32
        %dma_start3A_259 = arith.constant 0 : i32
        %dma_start3A_260 = arith.constant 0 : i32
        %dma_start3A_261 = tpu.memref_slice %arg7[%scan3A_47, %dma_start3A_259, %dma_start3A_260] : memref<2x80x128xf32, #tpu.memory_space<vmem>> -> memref<1x80x128xf32, #tpu.memory_space<vmem>>
        %dma_start3A_262 = tpu.memref_squeeze %dma_start3A_261 : memref<1x80x128xf32, #tpu.memory_space<vmem>> -> memref<80x128xf32, #tpu.memory_space<vmem>>
        %dma_start3A_263 = tpu.memref_slice %arg5[%mul3A_258] : memref<10000xi32, #tpu.memory_space<vmem>> -> memref<80xi32, #tpu.memory_space<vmem>>
        %dma_start3A_264 = arith.constant 0 : i32
        %dma_start3A_265 = arith.constant 0 : i32
        %dma_start3A_266 = tpu.memref_slice %arg2[%dma_start3A_264, %dma_start3A_265] : memref<20000x128xf32, #tpu.memory_space<hbm>> -> memref<20000x128xf32, #tpu.memory_space<hbm>>
        tpu.enqueue_indirect_dma source(%dma_start3A_266 : memref<20000x128xf32, #tpu.memory_space<hbm>>) target(%dma_start3A_262 : memref<80x128xf32, #tpu.memory_space<vmem>>) offsets(%dma_start3A_263 : memref<80xi32, #tpu.memory_space<vmem>>) semaphore(%arg11 : memref<!tpu.dma_semaphore, #tpu.memory_space<semaphore_mem>>)
        %dma_start3A_267 = arith.constant 0 : i32
        %dma_start3A_268 = arith.constant 0 : i32
        %dma_start3A_269 = tpu.memref_slice %arg8[%scan3A_48, %dma_start3A_267, %dma_start3A_268] : memref<2x80x128xf32, #tpu.memory_space<vmem>> -> memref<1x80x128xf32, #tpu.memory_space<vmem>>
        %dma_start3A_270 = tpu.memref_squeeze %dma_start3A_269 : memref<1x80x128xf32, #tpu.memory_space<vmem>> -> memref<80x128xf32, #tpu.memory_space<vmem>>
        %dma_start3A_271 = tpu.memref_slice %arg6[%mul3A_258] : memref<10000xi32, #tpu.memory_space<vmem>> -> memref<80xi32, #tpu.memory_space<vmem>>
        %dma_start3A_272 = arith.constant 0 : i32
        %dma_start3A_273 = arith.constant 0 : i32
        %dma_start3A_274 = tpu.memref_slice %arg2[%dma_start3A_272, %dma_start3A_273] : memref<20000x128xf32, #tpu.memory_space<hbm>> -> memref<20000x128xf32, #tpu.memory_space<hbm>>
        tpu.enqueue_indirect_dma source(%dma_start3A_274 : memref<20000x128xf32, #tpu.memory_space<hbm>>) target(%dma_start3A_270 : memref<80x128xf32, #tpu.memory_space<vmem>>) offsets(%dma_start3A_271 : memref<80xi32, #tpu.memory_space<vmem>>) semaphore(%arg11 : memref<!tpu.dma_semaphore, #tpu.memory_space<semaphore_mem>>)
      } else {
      }
      %scan3A_254 = arith.constant 0 : i32
      scf.yield %scan3A_254 : i32
    }
    %scan3A_56 = arith.constant 62 : i32
    %dma_wait3A = arith.constant 0 : i32
    %dma_wait3A_57 = arith.constant 0 : i32
    %dma_wait3A_58 = arith.constant 0 : i32
    %dma_wait3A_59 = tpu.memref_slice %arg7[%dma_wait3A, %dma_wait3A_57, %dma_wait3A_58] : memref<2x80x128xf32, #tpu.memory_space<vmem>> -> memref<1x80x128xf32, #tpu.memory_space<vmem>>
    %dma_wait3A_60 = tpu.memref_squeeze %dma_wait3A_59 : memref<1x80x128xf32, #tpu.memory_space<vmem>> -> memref<80x128xf32, #tpu.memory_space<vmem>>
    %dma_wait3A_61 = arith.constant 0 : i32
    %dma_wait3A_62 = tpu.memref_slice %arg5[%dma_wait3A_61] : memref<10000xi32, #tpu.memory_space<vmem>> -> memref<80xi32, #tpu.memory_space<vmem>>
    %dma_wait3A_63 = arith.constant 0 : i32
    %dma_wait3A_64 = arith.constant 0 : i32
    %dma_wait3A_65 = tpu.memref_slice %arg2[%dma_wait3A_63, %dma_wait3A_64] : memref<20000x128xf32, #tpu.memory_space<hbm>> -> memref<20000x128xf32, #tpu.memory_space<hbm>>
    tpu.wait_indirect_dma semaphore(%arg10 : memref<!tpu.dma_semaphore, #tpu.memory_space<semaphore_mem>>) src(%dma_wait3A_65 : memref<20000x128xf32, #tpu.memory_space<hbm>>) dst(%dma_wait3A_60 : memref<80x128xf32, #tpu.memory_space<vmem>>)
    %dma_wait3A_66 = arith.constant 0 : i32
    %dma_wait3A_67 = arith.constant 0 : i32
    %dma_wait3A_68 = arith.constant 0 : i32
    %dma_wait3A_69 = tpu.memref_slice %arg8[%dma_wait3A_66, %dma_wait3A_67, %dma_wait3A_68] : memref<2x80x128xf32, #tpu.memory_space<vmem>> -> memref<1x80x128xf32, #tpu.memory_space<vmem>>
    %dma_wait3A_70 = tpu.memref_squeeze %dma_wait3A_69 : memref<1x80x128xf32, #tpu.memory_space<vmem>> -> memref<80x128xf32, #tpu.memory_space<vmem>>
    %dma_wait3A_71 = arith.constant 0 : i32
    %dma_wait3A_72 = tpu.memref_slice %arg6[%dma_wait3A_71] : memref<10000xi32, #tpu.memory_space<vmem>> -> memref<80xi32, #tpu.memory_space<vmem>>
    %dma_wait3A_73 = arith.constant 0 : i32
    %dma_wait3A_74 = arith.constant 0 : i32
    %dma_wait3A_75 = tpu.memref_slice %arg2[%dma_wait3A_73, %dma_wait3A_74] : memref<20000x128xf32, #tpu.memory_space<hbm>> -> memref<20000x128xf32, #tpu.memory_space<hbm>>
    tpu.wait_indirect_dma semaphore(%arg10 : memref<!tpu.dma_semaphore, #tpu.memory_space<semaphore_mem>>) src(%dma_wait3A_75 : memref<20000x128xf32, #tpu.memory_space<hbm>>) dst(%dma_wait3A_70 : memref<80x128xf32, #tpu.memory_space<vmem>>)
    %dma_wait3A_76 = arith.constant 0 : i32
    %dma_wait3A_77 = arith.constant 0 : i32
    %dma_wait3A_78 = arith.constant 0 : i32
    %dma_wait3A_79 = tpu.memref_slice %arg9[%dma_wait3A_76, %dma_wait3A_77, %dma_wait3A_78] : memref<2x80x64xi32, #tpu.memory_space<vmem>> -> memref<1x80x64xi32, #tpu.memory_space<vmem>>
    %dma_wait3A_80 = tpu.memref_squeeze %dma_wait3A_79 : memref<1x80x64xi32, #tpu.memory_space<vmem>> -> memref<80x64xi32, #tpu.memory_space<vmem>>
    %dma_wait3A_81 = arith.constant 0 : i32
    %dma_wait3A_82 = arith.constant 0 : i32
    %dma_wait3A_83 = tpu.memref_slice %arg4[%dma_wait3A_81, %dma_wait3A_82] : memref<320000x64xi32, #tpu.memory_space<hbm>> -> memref<80x64xi32, #tpu.memory_space<hbm>>
    %dma_wait3A_84 = arith.constant 0 : i32
    %dma_wait3A_85 = arith.constant 0 : i32
    %dma_wait3A_86 = tpu.memref_slice %arg4[%dma_wait3A_84, %dma_wait3A_85] : memref<320000x64xi32, #tpu.memory_space<hbm>> -> memref<80x64xi32, #tpu.memory_space<hbm>>
    %dma_wait3A_87 = arith.constant 0 : i32
    %dma_wait3A_88 = arith.constant 0 : i32
    %dma_wait3A_89 = tpu.memref_slice %arg9[%dma_wait3A_76, %dma_wait3A_87, %dma_wait3A_88] : memref<2x80x64xi32, #tpu.memory_space<vmem>> -> memref<1x80x64xi32, #tpu.memory_space<vmem>>
    %dma_wait3A_90 = tpu.memref_squeeze %dma_wait3A_89 : memref<1x80x64xi32, #tpu.memory_space<vmem>> -> memref<80x64xi32, #tpu.memory_space<vmem>>
    tpu.wait_dma2 semaphore(%arg12 : memref<!tpu.dma_semaphore, #tpu.memory_space<semaphore_mem>>) src(%dma_wait3A_90 : memref<80x64xi32, #tpu.memory_space<vmem>>) dst(%dma_wait3A_86 : memref<80x64xi32, #tpu.memory_space<hbm>>)
    %scan3A_91 = arith.constant 0 : i32
    %scan3A_92 = arith.constant 0 : i32
    %scan3A_93 = arith.constant 0 : i32
    %scan3A_94 = arith.constant 0 : i32
    %scan3A_95 = arith.constant 0 : i32
    %scan3A_96 = arith.constant 20 : i32
    %scan3A_97 = arith.addi %scan3A_95, %scan3A_96 : i32
    %scan3A_98 = arith.constant 1 : i32
    %scan3A_99 = scf.for %scan3A_146 = %scan3A_95 to %scan3A_97 step %scan3A_98 iter_args(%scan3A_147 = %scan3A_94) -> (i32)  : i32 {
      %mul3A_148 = arith.constant 4 : i32
      %mul3A_149 = arith.muli %scan3A_146, %mul3A_148 : i32
      %add3A_150 = arith.constant 0 : i32
      %add3A_151 = arith.addi %mul3A_149, %add3A_150 : i32
      %get3A = arith.constant 0 : i32
      %get3A_152 = arith.constant 0 : i32
      %get3A_153 = tpu.memref_slice %arg7[%scan3A_91, %get3A, %get3A_152] : memref<2x80x128xf32, #tpu.memory_space<vmem>> -> memref<1x80x128xf32, #tpu.memory_space<vmem>>
      %get3A_154 = tpu.memref_squeeze %get3A_153 : memref<1x80x128xf32, #tpu.memory_space<vmem>> -> memref<80x128xf32, #tpu.memory_space<vmem>>
      %get3A_155 = arith.index_cast %add3A_151 : i32 to index
      %get3A_156 = arith.constant 0 : index
      %get3A_157 = tpu.vector_load %get3A_154[%get3A_155, %get3A_156] {strides = array<i32>} : memref<80x128xf32, #tpu.memory_space<vmem>>, vector<16xf32>,
      %get3A_158 = arith.constant 0 : i32
      %get3A_159 = arith.constant 0 : i32
      %get3A_160 = tpu.memref_slice %arg8[%scan3A_92, %get3A_158, %get3A_159] : memref<2x80x128xf32, #tpu.memory_space<vmem>> -> memref<1x80x128xf32, #tpu.memory_space<vmem>>
      %get3A_161 = tpu.memref_squeeze %get3A_160 : memref<1x80x128xf32, #tpu.memory_space<vmem>> -> memref<80x128xf32, #tpu.memory_space<vmem>>
      %get3A_162 = arith.index_cast %add3A_151 : i32 to index
      %get3A_163 = arith.constant 0 : index
      %get3A_164 = tpu.vector_load %get3A_161[%get3A_162, %get3A_163] {strides = array<i32>} : memref<80x128xf32, #tpu.memory_space<vmem>>, vector<16xf32>,
      %add3A_165 = arith.addf %get3A_157, %get3A_164 : vector<16xf32>
      %get3A_166 = arith.constant 0 : i32
      %get3A_167 = arith.constant 0 : i32
      %get3A_168 = tpu.memref_slice %arg7[%scan3A_91, %get3A_166, %get3A_167] : memref<2x80x128xf32, #tpu.memory_space<vmem>> -> memref<1x80x128xf32, #tpu.memory_space<vmem>>
      %get3A_169 = tpu.memref_squeeze %get3A_168 : memref<1x80x128xf32, #tpu.memory_space<vmem>> -> memref<80x128xf32, #tpu.memory_space<vmem>>
      %get3A_170 = arith.index_cast %add3A_151 : i32 to index
      %get3A_171 = arith.constant 16 : index
      %get3A_172 = tpu.vector_load %get3A_169[%get3A_170, %get3A_171] {strides = array<i32>} : memref<80x128xf32, #tpu.memory_space<vmem>>, vector<16xf32>,
      %get3A_173 = arith.constant 0 : i32
      %get3A_174 = arith.constant 0 : i32
      %get3A_175 = tpu.memref_slice %arg8[%scan3A_92, %get3A_173, %get3A_174] : memref<2x80x128xf32, #tpu.memory_space<vmem>> -> memref<1x80x128xf32, #tpu.memory_space<vmem>>
      %get3A_176 = tpu.memref_squeeze %get3A_175 : memref<1x80x128xf32, #tpu.memory_space<vmem>> -> memref<80x128xf32, #tpu.memory_space<vmem>>
      %get3A_177 = arith.index_cast %add3A_151 : i32 to index
      %get3A_178 = arith.constant 16 : index
      %get3A_179 = tpu.vector_load %get3A_176[%get3A_177, %get3A_178] {strides = array<i32>} : memref<80x128xf32, #tpu.memory_space<vmem>>, vector<16xf32>,
      %add3A_180 = arith.addf %get3A_172, %get3A_179 : vector<16xf32>
      %pack3A = tpu.pack_subelements %add3A_165, %add3A_180 {pack_format = #tpu.pack_format<interleaved>, positions = array<i32: 0, 1>} : vector<16xf32>, vector<16xf32> -> vector<32xbf16>
      %bitcast3A = vector.bitcast %pack3A : vector<32xbf16> to vector<16xi32>
      %swap3A = arith.constant 0 : i32
      %swap3A_181 = arith.constant 0 : i32
      %swap3A_182 = tpu.memref_slice %arg9[%scan3A_93, %swap3A, %swap3A_181] : memref<2x80x64xi32, #tpu.memory_space<vmem>> -> memref<1x80x64xi32, #tpu.memory_space<vmem>>
      %swap3A_183 = tpu.memref_squeeze %swap3A_182 : memref<1x80x64xi32, #tpu.memory_space<vmem>> -> memref<80x64xi32, #tpu.memory_space<vmem>>
      %swap3A_184 = arith.index_cast %add3A_151 : i32 to index
      %swap3A_185 = arith.constant 0 : index
      %swap3A_186 = tpu.vector_load %swap3A_183[%swap3A_184, %swap3A_185] {strides = array<i32>} : memref<80x64xi32, #tpu.memory_space<vmem>>, vector<16xi32>,
      tpu.vector_store %swap3A_183[%swap3A_184, %swap3A_185], %bitcast3A {strides = array<i32>} : memref<80x64xi32, #tpu.memory_space<vmem>>, vector<16xi32>,
      %get3A_187 = arith.constant 0 : i32
      %get3A_188 = arith.constant 0 : i32
      %get3A_189 = tpu.memref_slice %arg7[%scan3A_91, %get3A_187, %get3A_188] : memref<2x80x128xf32, #tpu.memory_space<vmem>> -> memref<1x80x128xf32, #tpu.memory_space<vmem>>
      %get3A_190 = tpu.memref_squeeze %get3A_189 : memref<1x80x128xf32, #tpu.memory_space<vmem>> -> memref<80x128xf32, #tpu.memory_space<vmem>>
      %get3A_191 = arith.index_cast %add3A_151 : i32 to index
      %get3A_192 = arith.constant 32 : index
      %get3A_193 = tpu.vector_load %get3A_190[%get3A_191, %get3A_192] {strides = array<i32>} : memref<80x128xf32, #tpu.memory_space<vmem>>, vector<16xf32>,
      %get3A_194 = arith.constant 0 : i32
      %get3A_195 = arith.constant 0 : i32
      %get3A_196 = tpu.memref_slice %arg8[%scan3A_92, %get3A_194, %get3A_195] : memref<2x80x128xf32, #tpu.memory_space<vmem>> -> memref<1x80x128xf32, #tpu.memory_space<vmem>>
      %get3A_197 = tpu.memref_squeeze %get3A_196 : memref<1x80x128xf32, #tpu.memory_space<vmem>> -> memref<80x128xf32, #tpu.memory_space<vmem>>
      %get3A_198 = arith.index_cast %add3A_151 : i32 to index
      %get3A_199 = arith.constant 32 : index
      %get3A_200 = tpu.vector_load %get3A_197[%get3A_198, %get3A_199] {strides = array<i32>} : memref<80x128xf32, #tpu.memory_space<vmem>>, vector<16xf32>,
      %add3A_201 = arith.addf %get3A_193, %get3A_200 : vector<16xf32>
      %get3A_202 = arith.constant 0 : i32
      %get3A_203 = arith.constant 0 : i32
      %get3A_204 = tpu.memref_slice %arg7[%scan3A_91, %get3A_202, %get3A_203] : memref<2x80x128xf32, #tpu.memory_space<vmem>> -> memref<1x80x128xf32, #tpu.memory_space<vmem>>
      %get3A_205 = tpu.memref_squeeze %get3A_204 : memref<1x80x128xf32, #tpu.memory_space<vmem>> -> memref<80x128xf32, #tpu.memory_space<vmem>>
      %get3A_206 = arith.index_cast %add3A_151 : i32 to index
      %get3A_207 = arith.constant 48 : index
      %get3A_208 = tpu.vector_load %get3A_205[%get3A_206, %get3A_207] {strides = array<i32>} : memref<80x128xf32, #tpu.memory_space<vmem>>, vector<16xf32>,
      %get3A_209 = arith.constant 0 : i32
      %get3A_210 = arith.constant 0 : i32
      %get3A_211 = tpu.memref_slice %arg8[%scan3A_92, %get3A_209, %get3A_210] : memref<2x80x128xf32, #tpu.memory_space<vmem>> -> memref<1x80x128xf32, #tpu.memory_space<vmem>>
      %get3A_212 = tpu.memref_squeeze %get3A_211 : memref<1x80x128xf32, #tpu.memory_space<vmem>> -> memref<80x128xf32, #tpu.memory_space<vmem>>
      %get3A_213 = arith.index_cast %add3A_151 : i32 to index
      %get3A_214 = arith.constant 48 : index
      %get3A_215 = tpu.vector_load %get3A_212[%get3A_213, %get3A_214] {strides = array<i32>} : memref<80x128xf32, #tpu.memory_space<vmem>>, vector<16xf32>,
      %add3A_216 = arith.addf %get3A_208, %get3A_215 : vector<16xf32>
      %pack3A_217 = tpu.pack_subelements %add3A_201, %add3A_216 {pack_format = #tpu.pack_format<interleaved>, positions = array<i32: 0, 1>} : vector<16xf32>, vector<16xf32> -> vector<32xbf16>
      %bitcast3A_218 = vector.bitcast %pack3A_217 : vector<32xbf16> to vector<16xi32>
      %swap3A_219 = arith.constant 0 : i32
      %swap3A_220 = arith.constant 0 : i32
      %swap3A_221 = tpu.memref_slice %arg9[%scan3A_93, %swap3A_219, %swap3A_220] : memref<2x80x64xi32, #tpu.memory_space<vmem>> -> memref<1x80x64xi32, #tpu.memory_space<vmem>>
      %swap3A_222 = tpu.memref_squeeze %swap3A_221 : memref<1x80x64xi32, #tpu.memory_space<vmem>> -> memref<80x64xi32, #tpu.memory_space<vmem>>
      %swap3A_223 = arith.index_cast %add3A_151 : i32 to index
      %swap3A_224 = arith.constant 16 : index
      %swap3A_225 = tpu.vector_load %swap3A_222[%swap3A_223, %swap3A_224] {strides = array<i32>} : memref<80x64xi32, #tpu.memory_space<vmem>>, vector<16xi32>,
      tpu.vector_store %swap3A_222[%swap3A_223, %swap3A_224], %bitcast3A_218 {strides = array<i32>} : memref<80x64xi32, #tpu.memory_space<vmem>>, vector<16xi32>,
      %get3A_226 = arith.constant 0 : i32
      %get3A_227 = arith.constant 0 : i32
      %get3A_228 = tpu.memref_slice %arg7[%scan3A_91, %get3A_226, %get3A_227] : memref<2x80x128xf32, #tpu.memory_space<vmem>> -> memref<1x80x128xf32, #tpu.memory_space<vmem>>
      %get3A_229 = tpu.memref_squeeze %get3A_228 : memref<1x80x128xf32, #tpu.memory_space<vmem>> -> memref<80x128xf32, #tpu.memory_space<vmem>>
      %get3A_230 = arith.index_cast %add3A_151 : i32 to index
      %get3A_231 = arith.constant 64 : index
      %get3A_232 = tpu.vector_load %get3A_229[%get3A_230, %get3A_231] {strides = array<i32>} : memref<80x128xf32, #tpu.memory_space<vmem>>, vector<16xf32>,
      %get3A_233 = arith.constant 0 : i32
      %get3A_234 = arith.constant 0 : i32
      %get3A_235 = tpu.memref_slice %arg8[%scan3A_92, %get3A_233, %get3A_234] : memref<2x80x128xf32, #tpu.memory_space<vmem>> -> memref<1x80x128xf32, #tpu.memory_space<vmem>>
      %get3A_236 = tpu.memref_squeeze %get3A_235 : memref<1x80x128xf32, #tpu.memory_space<vmem>> -> memref<80x128xf32, #tpu.memory_space<vmem>>
      %get3A_237 = arith.index_cast %add3A_151 : i32 to index
      %get3A_238 = arith.constant 64 : index
      %get3A_239 = tpu.vector_load %get3A_236[%get3A_237, %get3A_238] {strides = array<i32>} : memref<80x128xf32, #tpu.memory_space<vmem>>, vector<16xf32>,
      %add3A_240 = arith.addf %get3A_232, %get3A_239 : vector<16xf32>
      %get3A_241 = arith.constant 0 : i32
      %get3A_242 = arith.constant 0 : i32
      %get3A_243 = tpu.memref_slice %arg7[%scan3A_91, %get3A_241, %get3A_242] : memref<2x80x128xf32, #tpu.memory_space<vmem>> -> memref<1x80x128xf32, #tpu.memory_space<vmem>>
      %get3A_244 = tpu.memref_squeeze %get3A_243 : memref<1x80x128xf32, #tpu.memory_space<vmem>> -> memref<80x128xf32, #tpu.memory_space<vmem>>
      %get3A_245 = arith.index_cast %add3A_151 : i32 to index
      %get3A_246 = arith.constant 80 : index
      %get3A_247 = tpu.vector_load %get3A_244[%get3A_245, %get3A_246] {strides = array<i32>} : memref<80x128xf32, #tpu.memory_space<vmem>>, vector<16xf32>,
      %get3A_248 = arith.constant 0 : i32
      %get3A_249 = arith.constant 0 : i32
      %get3A_250 = tpu.memref_slice %arg8[%scan3A_92, %get3A_248, %get3A_249] : memref<2x80x128xf32, #tpu.memory_space<vmem>> -> memref<1x80x128xf32, #tpu.memory_space<vmem>>
      %get3A_251 = tpu.memref_squeeze %get3A_250 : memref<1x80x128xf32, #tpu.memory_space<vmem>> -> memref<80x128xf32, #tpu.memory_space<vmem>>
      %get3A_252 = arith.index_cast %add3A_151 : i32 to index
      %get3A_253 = arith.constant 80 : index
      %get3A_254 = tpu.vector_load %get3A_251[%get3A_252, %get3A_253] {strides = array<i32>} : memref<80x128xf32, #tpu.memory_space<vmem>>, vector<16xf32>,
      %add3A_255 = arith.addf %get3A_247, %get3A_254 : vector<16xf32>
      %pack3A_256 = tpu.pack_subelements %add3A_240, %add3A_255 {pack_format = #tpu.pack_format<interleaved>, positions = array<i32: 0, 1>} : vector<16xf32>, vector<16xf32> -> vector<32xbf16>
      %bitcast3A_257 = vector.bitcast %pack3A_256 : vector<32xbf16> to vector<16xi32>
      %swap3A_258 = arith.constant 0 : i32
      %swap3A_259 = arith.constant 0 : i32
      %swap3A_260 = tpu.memref_slice %arg9[%scan3A_93, %swap3A_258, %swap3A_259] : memref<2x80x64xi32, #tpu.memory_space<vmem>> -> memref<1x80x64xi32, #tpu.memory_space<vmem>>
      %swap3A_261 = tpu.memref_squeeze %swap3A_260 : memref<1x80x64xi32, #tpu.memory_space<vmem>> -> memref<80x64xi32, #tpu.memory_space<vmem>>
      %swap3A_262 = arith.index_cast %add3A_151 : i32 to index
      %swap3A_263 = arith.constant 32 : index
      %swap3A_264 = tpu.vector_load %swap3A_261[%swap3A_262, %swap3A_263] {strides = array<i32>} : memref<80x64xi32, #tpu.memory_space<vmem>>, vector<16xi32>,
      tpu.vector_store %swap3A_261[%swap3A_262, %swap3A_263], %bitcast3A_257 {strides = array<i32>} : memref<80x64xi32, #tpu.memory_space<vmem>>, vector<16xi32>,
      %get3A_265 = arith.constant 0 : i32
      %get3A_266 = arith.constant 0 : i32
      %get3A_267 = tpu.memref_slice %arg7[%scan3A_91, %get3A_265, %get3A_266] : memref<2x80x128xf32, #tpu.memory_space<vmem>> -> memref<1x80x128xf32, #tpu.memory_space<vmem>>
      %get3A_268 = tpu.memref_squeeze %get3A_267 : memref<1x80x128xf32, #tpu.memory_space<vmem>> -> memref<80x128xf32, #tpu.memory_space<vmem>>
      %get3A_269 = arith.index_cast %add3A_151 : i32 to index
      %get3A_270 = arith.constant 96 : index
      %get3A_271 = tpu.vector_load %get3A_268[%get3A_269, %get3A_270] {strides = array<i32>} : memref<80x128xf32, #tpu.memory_space<vmem>>, vector<16xf32>,
      %get3A_272 = arith.constant 0 : i32
      %get3A_273 = arith.constant 0 : i32
      %get3A_274 = tpu.memref_slice %arg8[%scan3A_92, %get3A_272, %get3A_273] : memref<2x80x128xf32, #tpu.memory_space<vmem>> -> memref<1x80x128xf32, #tpu.memory_space<vmem>>
      %get3A_275 = tpu.memref_squeeze %get3A_274 : memref<1x80x128xf32, #tpu.memory_space<vmem>> -> memref<80x128xf32, #tpu.memory_space<vmem>>
      %get3A_276 = arith.index_cast %add3A_151 : i32 to index
      %get3A_277 = arith.constant 96 : index
      %get3A_278 = tpu.vector_load %get3A_275[%get3A_276, %get3A_277] {strides = array<i32>} : memref<80x128xf32, #tpu.memory_space<vmem>>, vector<16xf32>,
      %add3A_279 = arith.addf %get3A_271, %get3A_278 : vector<16xf32>
      %get3A_280 = arith.constant 0 : i32
      %get3A_281 = arith.constant 0 : i32
      %get3A_282 = tpu.memref_slice %arg7[%scan3A_91, %get3A_280, %get3A_281] : memref<2x80x128xf32, #tpu.memory_space<vmem>> -> memref<1x80x128xf32, #tpu.memory_space<vmem>>
      %get3A_283 = tpu.memref_squeeze %get3A_282 : memref<1x80x128xf32, #tpu.memory_space<vmem>> -> memref<80x128xf32, #tpu.memory_space<vmem>>
      %get3A_284 = arith.index_cast %add3A_151 : i32 to index
      %get3A_285 = arith.constant 112 : index
      %get3A_286 = tpu.vector_load %get3A_283[%get3A_284, %get3A_285] {strides = array<i32>} : memref<80x128xf32, #tpu.memory_space<vmem>>, vector<16xf32>,
      %get3A_287 = arith.constant 0 : i32
      %get3A_288 = arith.constant 0 : i32
      %get3A_289 = tpu.memref_slice %arg8[%scan3A_92, %get3A_287, %get3A_288] : memref<2x80x128xf32, #tpu.memory_space<vmem>> -> memref<1x80x128xf32, #tpu.memory_space<vmem>>
      %get3A_290 = tpu.memref_squeeze %get3A_289 : memref<1x80x128xf32, #tpu.memory_space<vmem>> -> memref<80x128xf32, #tpu.memory_space<vmem>>
      %get3A_291 = arith.index_cast %add3A_151 : i32 to index
      %get3A_292 = arith.constant 112 : index
      %get3A_293 = tpu.vector_load %get3A_290[%get3A_291, %get3A_292] {strides = array<i32>} : memref<80x128xf32, #tpu.memory_space<vmem>>, vector<16xf32>,
      %add3A_294 = arith.addf %get3A_286, %get3A_293 : vector<16xf32>
      %pack3A_295 = tpu.pack_subelements %add3A_279, %add3A_294 {pack_format = #tpu.pack_format<interleaved>, positions = array<i32: 0, 1>} : vector<16xf32>, vector<16xf32> -> vector<32xbf16>
      %bitcast3A_296 = vector.bitcast %pack3A_295 : vector<32xbf16> to vector<16xi32>
      %swap3A_297 = arith.constant 0 : i32
      %swap3A_298 = arith.constant 0 : i32
      %swap3A_299 = tpu.memref_slice %arg9[%scan3A_93, %swap3A_297, %swap3A_298] : memref<2x80x64xi32, #tpu.memory_space<vmem>> -> memref<1x80x64xi32, #tpu.memory_space<vmem>>
      %swap3A_300 = tpu.memref_squeeze %swap3A_299 : memref<1x80x64xi32, #tpu.memory_space<vmem>> -> memref<80x64xi32, #tpu.memory_space<vmem>>
      %swap3A_301 = arith.index_cast %add3A_151 : i32 to index
      %swap3A_302 = arith.constant 48 : index
      %swap3A_303 = tpu.vector_load %swap3A_300[%swap3A_301, %swap3A_302] {strides = array<i32>} : memref<80x64xi32, #tpu.memory_space<vmem>>, vector<16xi32>,
      tpu.vector_store %swap3A_300[%swap3A_301, %swap3A_302], %bitcast3A_296 {strides = array<i32>} : memref<80x64xi32, #tpu.memory_space<vmem>>, vector<16xi32>,
      %add3A_304 = arith.constant 1 : i32
      %add3A_305 = arith.addi %mul3A_149, %add3A_304 : i32
      %get3A_306 = arith.constant 0 : i32
      %get3A_307 = arith.constant 0 : i32
      %get3A_308 = tpu.memref_slice %arg7[%scan3A_91, %get3A_306, %get3A_307] : memref<2x80x128xf32, #tpu.memory_space<vmem>> -> memref<1x80x128xf32, #tpu.memory_space<vmem>>
      %get3A_309 = tpu.memref_squeeze %get3A_308 : memref<1x80x128xf32, #tpu.memory_space<vmem>> -> memref<80x128xf32, #tpu.memory_space<vmem>>
      %get3A_310 = arith.index_cast %add3A_305 : i32 to index
      %get3A_311 = arith.constant 0 : index
      %get3A_312 = tpu.vector_load %get3A_309[%get3A_310, %get3A_311] {strides = array<i32>} : memref<80x128xf32, #tpu.memory_space<vmem>>, vector<16xf32>,
      %get3A_313 = arith.constant 0 : i32
      %get3A_314 = arith.constant 0 : i32
      %get3A_315 = tpu.memref_slice %arg8[%scan3A_92, %get3A_313, %get3A_314] : memref<2x80x128xf32, #tpu.memory_space<vmem>> -> memref<1x80x128xf32, #tpu.memory_space<vmem>>
      %get3A_316 = tpu.memref_squeeze %get3A_315 : memref<1x80x128xf32, #tpu.memory_space<vmem>> -> memref<80x128xf32, #tpu.memory_space<vmem>>
      %get3A_317 = arith.index_cast %add3A_305 : i32 to index
      %get3A_318 = arith.constant 0 : index
      %get3A_319 = tpu.vector_load %get3A_316[%get3A_317, %get3A_318] {strides = array<i32>} : memref<80x128xf32, #tpu.memory_space<vmem>>, vector<16xf32>,
      %add3A_320 = arith.addf %get3A_312, %get3A_319 : vector<16xf32>
      %get3A_321 = arith.constant 0 : i32
      %get3A_322 = arith.constant 0 : i32
      %get3A_323 = tpu.memref_slice %arg7[%scan3A_91, %get3A_321, %get3A_322] : memref<2x80x128xf32, #tpu.memory_space<vmem>> -> memref<1x80x128xf32, #tpu.memory_space<vmem>>
      %get3A_324 = tpu.memref_squeeze %get3A_323 : memref<1x80x128xf32, #tpu.memory_space<vmem>> -> memref<80x128xf32, #tpu.memory_space<vmem>>
      %get3A_325 = arith.index_cast %add3A_305 : i32 to index
      %get3A_326 = arith.constant 16 : index
      %get3A_327 = tpu.vector_load %get3A_324[%get3A_325, %get3A_326] {strides = array<i32>} : memref<80x128xf32, #tpu.memory_space<vmem>>, vector<16xf32>,
      %get3A_328 = arith.constant 0 : i32
      %get3A_329 = arith.constant 0 : i32
      %get3A_330 = tpu.memref_slice %arg8[%scan3A_92, %get3A_328, %get3A_329] : memref<2x80x128xf32, #tpu.memory_space<vmem>> -> memref<1x80x128xf32, #tpu.memory_space<vmem>>
      %get3A_331 = tpu.memref_squeeze %get3A_330 : memref<1x80x128xf32, #tpu.memory_space<vmem>> -> memref<80x128xf32, #tpu.memory_space<vmem>>
      %get3A_332 = arith.index_cast %add3A_305 : i32 to index
      %get3A_333 = arith.constant 16 : index
      %get3A_334 = tpu.vector_load %get3A_331[%get3A_332, %get3A_333] {strides = array<i32>} : memref<80x128xf32, #tpu.memory_space<vmem>>, vector<16xf32>,
      %add3A_335 = arith.addf %get3A_327, %get3A_334 : vector<16xf32>
      %pack3A_336 = tpu.pack_subelements %add3A_320, %add3A_335 {pack_format = #tpu.pack_format<interleaved>, positions = array<i32: 0, 1>} : vector<16xf32>, vector<16xf32> -> vector<32xbf16>
      %bitcast3A_337 = vector.bitcast %pack3A_336 : vector<32xbf16> to vector<16xi32>
      %swap3A_338 = arith.constant 0 : i32
      %swap3A_339 = arith.constant 0 : i32
      %swap3A_340 = tpu.memref_slice %arg9[%scan3A_93, %swap3A_338, %swap3A_339] : memref<2x80x64xi32, #tpu.memory_space<vmem>> -> memref<1x80x64xi32, #tpu.memory_space<vmem>>
      %swap3A_341 = tpu.memref_squeeze %swap3A_340 : memref<1x80x64xi32, #tpu.memory_space<vmem>> -> memref<80x64xi32, #tpu.memory_space<vmem>>
      %swap3A_342 = arith.index_cast %add3A_305 : i32 to index
      %swap3A_343 = arith.constant 0 : index
      %swap3A_344 = tpu.vector_load %swap3A_341[%swap3A_342, %swap3A_343] {strides = array<i32>} : memref<80x64xi32, #tpu.memory_space<vmem>>, vector<16xi32>,
      tpu.vector_store %swap3A_341[%swap3A_342, %swap3A_343], %bitcast3A_337 {strides = array<i32>} : memref<80x64xi32, #tpu.memory_space<vmem>>, vector<16xi32>,
      %get3A_345 = arith.constant 0 : i32
      %get3A_346 = arith.constant 0 : i32
      %get3A_347 = tpu.memref_slice %arg7[%scan3A_91, %get3A_345, %get3A_346] : memref<2x80x128xf32, #tpu.memory_space<vmem>> -> memref<1x80x128xf32, #tpu.memory_space<vmem>>
      %get3A_348 = tpu.memref_squeeze %get3A_347 : memref<1x80x128xf32, #tpu.memory_space<vmem>> -> memref<80x128xf32, #tpu.memory_space<vmem>>
      %get3A_349 = arith.index_cast %add3A_305 : i32 to index
      %get3A_350 = arith.constant 32 : index
      %get3A_351 = tpu.vector_load %get3A_348[%get3A_349, %get3A_350] {strides = array<i32>} : memref<80x128xf32, #tpu.memory_space<vmem>>, vector<16xf32>,
      %get3A_352 = arith.constant 0 : i32
      %get3A_353 = arith.constant 0 : i32
      %get3A_354 = tpu.memref_slice %arg8[%scan3A_92, %get3A_352, %get3A_353] : memref<2x80x128xf32, #tpu.memory_space<vmem>> -> memref<1x80x128xf32, #tpu.memory_space<vmem>>
      %get3A_355 = tpu.memref_squeeze %get3A_354 : memref<1x80x128xf32, #tpu.memory_space<vmem>> -> memref<80x128xf32, #tpu.memory_space<vmem>>
      %get3A_356 = arith.index_cast %add3A_305 : i32 to index
      %get3A_357 = arith.constant 32 : index
      %get3A_358 = tpu.vector_load %get3A_355[%get3A_356, %get3A_357] {strides = array<i32>} : memref<80x128xf32, #tpu.memory_space<vmem>>, vector<16xf32>,
      %add3A_359 = arith.addf %get3A_351, %get3A_358 : vector<16xf32>
      %get3A_360 = arith.constant 0 : i32
      %get3A_361 = arith.constant 0 : i32
      %get3A_362 = tpu.memref_slice %arg7[%scan3A_91, %get3A_360, %get3A_361] : memref<2x80x128xf32, #tpu.memory_space<vmem>> -> memref<1x80x128xf32, #tpu.memory_space<vmem>>
      %get3A_363 = tpu.memref_squeeze %get3A_362 : memref<1x80x128xf32, #tpu.memory_space<vmem>> -> memref<80x128xf32, #tpu.memory_space<vmem>>
      %get3A_364 = arith.index_cast %add3A_305 : i32 to index
      %get3A_365 = arith.constant 48 : index
      %get3A_366 = tpu.vector_load %get3A_363[%get3A_364, %get3A_365] {strides = array<i32>} : memref<80x128xf32, #tpu.memory_space<vmem>>, vector<16xf32>,
      %get3A_367 = arith.constant 0 : i32
      %get3A_368 = arith.constant 0 : i32
      %get3A_369 = tpu.memref_slice %arg8[%scan3A_92, %get3A_367, %get3A_368] : memref<2x80x128xf32, #tpu.memory_space<vmem>> -> memref<1x80x128xf32, #tpu.memory_space<vmem>>
      %get3A_370 = tpu.memref_squeeze %get3A_369 : memref<1x80x128xf32, #tpu.memory_space<vmem>> -> memref<80x128xf32, #tpu.memory_space<vmem>>
      %get3A_371 = arith.index_cast %add3A_305 : i32 to index
      %get3A_372 = arith.constant 48 : index
      %get3A_373 = tpu.vector_load %get3A_370[%get3A_371, %get3A_372] {strides = array<i32>} : memref<80x128xf32, #tpu.memory_space<vmem>>, vector<16xf32>,
      %add3A_374 = arith.addf %get3A_366, %get3A_373 : vector<16xf32>
      %pack3A_375 = tpu.pack_subelements %add3A_359, %add3A_374 {pack_format = #tpu.pack_format<interleaved>, positions = array<i32: 0, 1>} : vector<16xf32>, vector<16xf32> -> vector<32xbf16>
      %bitcast3A_376 = vector.bitcast %pack3A_375 : vector<32xbf16> to vector<16xi32>
      %swap3A_377 = arith.constant 0 : i32
      %swap3A_378 = arith.constant 0 : i32
      %swap3A_379 = tpu.memref_slice %arg9[%scan3A_93, %swap3A_377, %swap3A_378] : memref<2x80x64xi32, #tpu.memory_space<vmem>> -> memref<1x80x64xi32, #tpu.memory_space<vmem>>
      %swap3A_380 = tpu.memref_squeeze %swap3A_379 : memref<1x80x64xi32, #tpu.memory_space<vmem>> -> memref<80x64xi32, #tpu.memory_space<vmem>>
      %swap3A_381 = arith.index_cast %add3A_305 : i32 to index
      %swap3A_382 = arith.constant 16 : index
      %swap3A_383 = tpu.vector_load %swap3A_380[%swap3A_381, %swap3A_382] {strides = array<i32>} : memref<80x64xi32, #tpu.memory_space<vmem>>, vector<16xi32>,
      tpu.vector_store %swap3A_380[%swap3A_381, %swap3A_382], %bitcast3A_376 {strides = array<i32>} : memref<80x64xi32, #tpu.memory_space<vmem>>, vector<16xi32>,
      %get3A_384 = arith.constant 0 : i32
      %get3A_385 = arith.constant 0 : i32
      %get3A_386 = tpu.memref_slice %arg7[%scan3A_91, %get3A_384, %get3A_385] : memref<2x80x128xf32, #tpu.memory_space<vmem>> -> memref<1x80x128xf32, #tpu.memory_space<vmem>>
      %get3A_387 = tpu.memref_squeeze %get3A_386 : memref<1x80x128xf32, #tpu.memory_space<vmem>> -> memref<80x128xf32, #tpu.memory_space<vmem>>
      %get3A_388 = arith.index_cast %add3A_305 : i32 to index
      %get3A_389 = arith.constant 64 : index
      %get3A_390 = tpu.vector_load %get3A_387[%get3A_388, %get3A_389] {strides = array<i32>} : memref<80x128xf32, #tpu.memory_space<vmem>>, vector<16xf32>,
      %get3A_391 = arith.constant 0 : i32
      %get3A_392 = arith.constant 0 : i32
      %get3A_393 = tpu.memref_slice %arg8[%scan3A_92, %get3A_391, %get3A_392] : memref<2x80x128xf32, #tpu.memory_space<vmem>> -> memref<1x80x128xf32, #tpu.memory_space<vmem>>
      %get3A_394 = tpu.memref_squeeze %get3A_393 : memref<1x80x128xf32, #tpu.memory_space<vmem>> -> memref<80x128xf32, #tpu.memory_space<vmem>>
      %get3A_395 = arith.index_cast %add3A_305 : i32 to index
      %get3A_396 = arith.constant 64 : index
      %get3A_397 = tpu.vector_load %get3A_394[%get3A_395, %get3A_396] {strides = array<i32>} : memref<80x128xf32, #tpu.memory_space<vmem>>, vector<16xf32>,
      %add3A_398 = arith.addf %get3A_390, %get3A_397 : vector<16xf32>
      %get3A_399 = arith.constant 0 : i32
      %get3A_400 = arith.constant 0 : i32
      %get3A_401 = tpu.memref_slice %arg7[%scan3A_91, %get3A_399, %get3A_400] : memref<2x80x128xf32, #tpu.memory_space<vmem>> -> memref<1x80x128xf32, #tpu.memory_space<vmem>>
      %get3A_402 = tpu.memref_squeeze %get3A_401 : memref<1x80x128xf32, #tpu.memory_space<vmem>> -> memref<80x128xf32, #tpu.memory_space<vmem>>
      %get3A_403 = arith.index_cast %add3A_305 : i32 to index
      %get3A_404 = arith.constant 80 : index
      %get3A_405 = tpu.vector_load %get3A_402[%get3A_403, %get3A_404] {strides = array<i32>} : memref<80x128xf32, #tpu.memory_space<vmem>>, vector<16xf32>,
      %get3A_406 = arith.constant 0 : i32
      %get3A_407 = arith.constant 0 : i32
      %get3A_408 = tpu.memref_slice %arg8[%scan3A_92, %get3A_406, %get3A_407] : memref<2x80x128xf32, #tpu.memory_space<vmem>> -> memref<1x80x128xf32, #tpu.memory_space<vmem>>
      %get3A_409 = tpu.memref_squeeze %get3A_408 : memref<1x80x128xf32, #tpu.memory_space<vmem>> -> memref<80x128xf32, #tpu.memory_space<vmem>>
      %get3A_410 = arith.index_cast %add3A_305 : i32 to index
      %get3A_411 = arith.constant 80 : index
      %get3A_412 = tpu.vector_load %get3A_409[%get3A_410, %get3A_411] {strides = array<i32>} : memref<80x128xf32, #tpu.memory_space<vmem>>, vector<16xf32>,
      %add3A_413 = arith.addf %get3A_405, %get3A_412 : vector<16xf32>
      %pack3A_414 = tpu.pack_subelements %add3A_398, %add3A_413 {pack_format = #tpu.pack_format<interleaved>, positions = array<i32: 0, 1>} : vector<16xf32>, vector<16xf32> -> vector<32xbf16>
      %bitcast3A_415 = vector.bitcast %pack3A_414 : vector<32xbf16> to vector<16xi32>
      %swap3A_416 = arith.constant 0 : i32
      %swap3A_417 = arith.constant 0 : i32
      %swap3A_418 = tpu.memref_slice %arg9[%scan3A_93, %swap3A_416, %swap3A_417] : memref<2x80x64xi32, #tpu.memory_space<vmem>> -> memref<1x80x64xi32, #tpu.memory_space<vmem>>
      %swap3A_419 = tpu.memref_squeeze %swap3A_418 : memref<1x80x64xi32, #tpu.memory_space<vmem>> -> memref<80x64xi32, #tpu.memory_space<vmem>>
      %swap3A_420 = arith.index_cast %add3A_305 : i32 to index
      %swap3A_421 = arith.constant 32 : index
      %swap3A_422 = tpu.vector_load %swap3A_419[%swap3A_420, %swap3A_421] {strides = array<i32>} : memref<80x64xi32, #tpu.memory_space<vmem>>, vector<16xi32>,
      tpu.vector_store %swap3A_419[%swap3A_420, %swap3A_421], %bitcast3A_415 {strides = array<i32>} : memref<80x64xi32, #tpu.memory_space<vmem>>, vector<16xi32>,
      %get3A_423 = arith.constant 0 : i32
      %get3A_424 = arith.constant 0 : i32
      %get3A_425 = tpu.memref_slice %arg7[%scan3A_91, %get3A_423, %get3A_424] : memref<2x80x128xf32, #tpu.memory_space<vmem>> -> memref<1x80x128xf32, #tpu.memory_space<vmem>>
      %get3A_426 = tpu.memref_squeeze %get3A_425 : memref<1x80x128xf32, #tpu.memory_space<vmem>> -> memref<80x128xf32, #tpu.memory_space<vmem>>
      %get3A_427 = arith.index_cast %add3A_305 : i32 to index
      %get3A_428 = arith.constant 96 : index
      %get3A_429 = tpu.vector_load %get3A_426[%get3A_427, %get3A_428] {strides = array<i32>} : memref<80x128xf32, #tpu.memory_space<vmem>>, vector<16xf32>,
      %get3A_430 = arith.constant 0 : i32
      %get3A_431 = arith.constant 0 : i32
      %get3A_432 = tpu.memref_slice %arg8[%scan3A_92, %get3A_430, %get3A_431] : memref<2x80x128xf32, #tpu.memory_space<vmem>> -> memref<1x80x128xf32, #tpu.memory_space<vmem>>
      %get3A_433 = tpu.memref_squeeze %get3A_432 : memref<1x80x128xf32, #tpu.memory_space<vmem>> -> memref<80x128xf32, #tpu.memory_space<vmem>>
      %get3A_434 = arith.index_cast %add3A_305 : i32 to index
      %get3A_435 = arith.constant 96 : index
      %get3A_436 = tpu.vector_load %get3A_433[%get3A_434, %get3A_435] {strides = array<i32>} : memref<80x128xf32, #tpu.memory_space<vmem>>, vector<16xf32>,
      %add3A_437 = arith.addf %get3A_429, %get3A_436 : vector<16xf32>
      %get3A_438 = arith.constant 0 : i32
      %get3A_439 = arith.constant 0 : i32
      %get3A_440 = tpu.memref_slice %arg7[%scan3A_91, %get3A_438, %get3A_439] : memref<2x80x128xf32, #tpu.memory_space<vmem>> -> memref<1x80x128xf32, #tpu.memory_space<vmem>>
      %get3A_441 = tpu.memref_squeeze %get3A_440 : memref<1x80x128xf32, #tpu.memory_space<vmem>> -> memref<80x128xf32, #tpu.memory_space<vmem>>
      %get3A_442 = arith.index_cast %add3A_305 : i32 to index
      %get3A_443 = arith.constant 112 : index
      %get3A_444 = tpu.vector_load %get3A_441[%get3A_442, %get3A_443] {strides = array<i32>} : memref<80x128xf32, #tpu.memory_space<vmem>>, vector<16xf32>,
      %get3A_445 = arith.constant 0 : i32
      %get3A_446 = arith.constant 0 : i32
      %get3A_447 = tpu.memref_slice %arg8[%scan3A_92, %get3A_445, %get3A_446] : memref<2x80x128xf32, #tpu.memory_space<vmem>> -> memref<1x80x128xf32, #tpu.memory_space<vmem>>
      %get3A_448 = tpu.memref_squeeze %get3A_447 : memref<1x80x128xf32, #tpu.memory_space<vmem>> -> memref<80x128xf32, #tpu.memory_space<vmem>>
      %get3A_449 = arith.index_cast %add3A_305 : i32 to index
      %get3A_450 = arith.constant 112 : index
      %get3A_451 = tpu.vector_load %get3A_448[%get3A_449, %get3A_450] {strides = array<i32>} : memref<80x128xf32, #tpu.memory_space<vmem>>, vector<16xf32>,
      %add3A_452 = arith.addf %get3A_444, %get3A_451 : vector<16xf32>
      %pack3A_453 = tpu.pack_subelements %add3A_437, %add3A_452 {pack_format = #tpu.pack_format<interleaved>, positions = array<i32: 0, 1>} : vector<16xf32>, vector<16xf32> -> vector<32xbf16>
      %bitcast3A_454 = vector.bitcast %pack3A_453 : vector<32xbf16> to vector<16xi32>
      %swap3A_455 = arith.constant 0 : i32
      %swap3A_456 = arith.constant 0 : i32
      %swap3A_457 = tpu.memref_slice %arg9[%scan3A_93, %swap3A_455, %swap3A_456] : memref<2x80x64xi32, #tpu.memory_space<vmem>> -> memref<1x80x64xi32, #tpu.memory_space<vmem>>
      %swap3A_458 = tpu.memref_squeeze %swap3A_457 : memref<1x80x64xi32, #tpu.memory_space<vmem>> -> memref<80x64xi32, #tpu.memory_space<vmem>>
      %swap3A_459 = arith.index_cast %add3A_305 : i32 to index
      %swap3A_460 = arith.constant 48 : index
      %swap3A_461 = tpu.vector_load %swap3A_458[%swap3A_459, %swap3A_460] {strides = array<i32>} : memref<80x64xi32, #tpu.memory_space<vmem>>, vector<16xi32>,
      tpu.vector_store %swap3A_458[%swap3A_459, %swap3A_460], %bitcast3A_454 {strides = array<i32>} : memref<80x64xi32, #tpu.memory_space<vmem>>, vector<16xi32>,
      %add3A_462 = arith.constant 2 : i32
      %add3A_463 = arith.addi %mul3A_149, %add3A_462 : i32
      %get3A_464 = arith.constant 0 : i32
      %get3A_465 = arith.constant 0 : i32
      %get3A_466 = tpu.memref_slice %arg7[%scan3A_91, %get3A_464, %get3A_465] : memref<2x80x128xf32, #tpu.memory_space<vmem>> -> memref<1x80x128xf32, #tpu.memory_space<vmem>>
      %get3A_467 = tpu.memref_squeeze %get3A_466 : memref<1x80x128xf32, #tpu.memory_space<vmem>> -> memref<80x128xf32, #tpu.memory_space<vmem>>
      %get3A_468 = arith.index_cast %add3A_463 : i32 to index
      %get3A_469 = arith.constant 0 : index
      %get3A_470 = tpu.vector_load %get3A_467[%get3A_468, %get3A_469] {strides = array<i32>} : memref<80x128xf32, #tpu.memory_space<vmem>>, vector<16xf32>,
      %get3A_471 = arith.constant 0 : i32
      %get3A_472 = arith.constant 0 : i32
      %get3A_473 = tpu.memref_slice %arg8[%scan3A_92, %get3A_471, %get3A_472] : memref<2x80x128xf32, #tpu.memory_space<vmem>> -> memref<1x80x128xf32, #tpu.memory_space<vmem>>
      %get3A_474 = tpu.memref_squeeze %get3A_473 : memref<1x80x128xf32, #tpu.memory_space<vmem>> -> memref<80x128xf32, #tpu.memory_space<vmem>>
      %get3A_475 = arith.index_cast %add3A_463 : i32 to index
      %get3A_476 = arith.constant 0 : index
      %get3A_477 = tpu.vector_load %get3A_474[%get3A_475, %get3A_476] {strides = array<i32>} : memref<80x128xf32, #tpu.memory_space<vmem>>, vector<16xf32>,
      %add3A_478 = arith.addf %get3A_470, %get3A_477 : vector<16xf32>
      %get3A_479 = arith.constant 0 : i32
      %get3A_480 = arith.constant 0 : i32
      %get3A_481 = tpu.memref_slice %arg7[%scan3A_91, %get3A_479, %get3A_480] : memref<2x80x128xf32, #tpu.memory_space<vmem>> -> memref<1x80x128xf32, #tpu.memory_space<vmem>>
      %get3A_482 = tpu.memref_squeeze %get3A_481 : memref<1x80x128xf32, #tpu.memory_space<vmem>> -> memref<80x128xf32, #tpu.memory_space<vmem>>
      %get3A_483 = arith.index_cast %add3A_463 : i32 to index
      %get3A_484 = arith.constant 16 : index
      %get3A_485 = tpu.vector_load %get3A_482[%get3A_483, %get3A_484] {strides = array<i32>} : memref<80x128xf32, #tpu.memory_space<vmem>>, vector<16xf32>,
      %get3A_486 = arith.constant 0 : i32
      %get3A_487 = arith.constant 0 : i32
      %get3A_488 = tpu.memref_slice %arg8[%scan3A_92, %get3A_486, %get3A_487] : memref<2x80x128xf32, #tpu.memory_space<vmem>> -> memref<1x80x128xf32, #tpu.memory_space<vmem>>
      %get3A_489 = tpu.memref_squeeze %get3A_488 : memref<1x80x128xf32, #tpu.memory_space<vmem>> -> memref<80x128xf32, #tpu.memory_space<vmem>>
      %get3A_490 = arith.index_cast %add3A_463 : i32 to index
      %get3A_491 = arith.constant 16 : index
      %get3A_492 = tpu.vector_load %get3A_489[%get3A_490, %get3A_491] {strides = array<i32>} : memref<80x128xf32, #tpu.memory_space<vmem>>, vector<16xf32>,
      %add3A_493 = arith.addf %get3A_485, %get3A_492 : vector<16xf32>
      %pack3A_494 = tpu.pack_subelements %add3A_478, %add3A_493 {pack_format = #tpu.pack_format<interleaved>, positions = array<i32: 0, 1>} : vector<16xf32>, vector<16xf32> -> vector<32xbf16>
      %bitcast3A_495 = vector.bitcast %pack3A_494 : vector<32xbf16> to vector<16xi32>
      %swap3A_496 = arith.constant 0 : i32
      %swap3A_497 = arith.constant 0 : i32
      %swap3A_498 = tpu.memref_slice %arg9[%scan3A_93, %swap3A_496, %swap3A_497] : memref<2x80x64xi32, #tpu.memory_space<vmem>> -> memref<1x80x64xi32, #tpu.memory_space<vmem>>
      %swap3A_499 = tpu.memref_squeeze %swap3A_498 : memref<1x80x64xi32, #tpu.memory_space<vmem>> -> memref<80x64xi32, #tpu.memory_space<vmem>>
      %swap3A_500 = arith.index_cast %add3A_463 : i32 to index
      %swap3A_501 = arith.constant 0 : index
      %swap3A_502 = tpu.vector_load %swap3A_499[%swap3A_500, %swap3A_501] {strides = array<i32>} : memref<80x64xi32, #tpu.memory_space<vmem>>, vector<16xi32>,
      tpu.vector_store %swap3A_499[%swap3A_500, %swap3A_501], %bitcast3A_495 {strides = array<i32>} : memref<80x64xi32, #tpu.memory_space<vmem>>, vector<16xi32>,
      %get3A_503 = arith.constant 0 : i32
      %get3A_504 = arith.constant 0 : i32
      %get3A_505 = tpu.memref_slice %arg7[%scan3A_91, %get3A_503, %get3A_504] : memref<2x80x128xf32, #tpu.memory_space<vmem>> -> memref<1x80x128xf32, #tpu.memory_space<vmem>>
      %get3A_506 = tpu.memref_squeeze %get3A_505 : memref<1x80x128xf32, #tpu.memory_space<vmem>> -> memref<80x128xf32, #tpu.memory_space<vmem>>
      %get3A_507 = arith.index_cast %add3A_463 : i32 to index
      %get3A_508 = arith.constant 32 : index
      %get3A_509 = tpu.vector_load %get3A_506[%get3A_507, %get3A_508] {strides = array<i32>} : memref<80x128xf32, #tpu.memory_space<vmem>>, vector<16xf32>,
      %get3A_510 = arith.constant 0 : i32
      %get3A_511 = arith.constant 0 : i32
      %get3A_512 = tpu.memref_slice %arg8[%scan3A_92, %get3A_510, %get3A_511] : memref<2x80x128xf32, #tpu.memory_space<vmem>> -> memref<1x80x128xf32, #tpu.memory_space<vmem>>
      %get3A_513 = tpu.memref_squeeze %get3A_512 : memref<1x80x128xf32, #tpu.memory_space<vmem>> -> memref<80x128xf32, #tpu.memory_space<vmem>>
      %get3A_514 = arith.index_cast %add3A_463 : i32 to index
      %get3A_515 = arith.constant 32 : index
      %get3A_516 = tpu.vector_load %get3A_513[%get3A_514, %get3A_515] {strides = array<i32>} : memref<80x128xf32, #tpu.memory_space<vmem>>, vector<16xf32>,
      %add3A_517 = arith.addf %get3A_509, %get3A_516 : vector<16xf32>
      %get3A_518 = arith.constant 0 : i32
      %get3A_519 = arith.constant 0 : i32
      %get3A_520 = tpu.memref_slice %arg7[%scan3A_91, %get3A_518, %get3A_519] : memref<2x80x128xf32, #tpu.memory_space<vmem>> -> memref<1x80x128xf32, #tpu.memory_space<vmem>>
      %get3A_521 = tpu.memref_squeeze %get3A_520 : memref<1x80x128xf32, #tpu.memory_space<vmem>> -> memref<80x128xf32, #tpu.memory_space<vmem>>
      %get3A_522 = arith.index_cast %add3A_463 : i32 to index
      %get3A_523 = arith.constant 48 : index
      %get3A_524 = tpu.vector_load %get3A_521[%get3A_522, %get3A_523] {strides = array<i32>} : memref<80x128xf32, #tpu.memory_space<vmem>>, vector<16xf32>,
      %get3A_525 = arith.constant 0 : i32
      %get3A_526 = arith.constant 0 : i32
      %get3A_527 = tpu.memref_slice %arg8[%scan3A_92, %get3A_525, %get3A_526] : memref<2x80x128xf32, #tpu.memory_space<vmem>> -> memref<1x80x128xf32, #tpu.memory_space<vmem>>
      %get3A_528 = tpu.memref_squeeze %get3A_527 : memref<1x80x128xf32, #tpu.memory_space<vmem>> -> memref<80x128xf32, #tpu.memory_space<vmem>>
      %get3A_529 = arith.index_cast %add3A_463 : i32 to index
      %get3A_530 = arith.constant 48 : index
      %get3A_531 = tpu.vector_load %get3A_528[%get3A_529, %get3A_530] {strides = array<i32>} : memref<80x128xf32, #tpu.memory_space<vmem>>, vector<16xf32>,
      %add3A_532 = arith.addf %get3A_524, %get3A_531 : vector<16xf32>
      %pack3A_533 = tpu.pack_subelements %add3A_517, %add3A_532 {pack_format = #tpu.pack_format<interleaved>, positions = array<i32: 0, 1>} : vector<16xf32>, vector<16xf32> -> vector<32xbf16>
      %bitcast3A_534 = vector.bitcast %pack3A_533 : vector<32xbf16> to vector<16xi32>
      %swap3A_535 = arith.constant 0 : i32
      %swap3A_536 = arith.constant 0 : i32
      %swap3A_537 = tpu.memref_slice %arg9[%scan3A_93, %swap3A_535, %swap3A_536] : memref<2x80x64xi32, #tpu.memory_space<vmem>> -> memref<1x80x64xi32, #tpu.memory_space<vmem>>
      %swap3A_538 = tpu.memref_squeeze %swap3A_537 : memref<1x80x64xi32, #tpu.memory_space<vmem>> -> memref<80x64xi32, #tpu.memory_space<vmem>>
      %swap3A_539 = arith.index_cast %add3A_463 : i32 to index
      %swap3A_540 = arith.constant 16 : index
      %swap3A_541 = tpu.vector_load %swap3A_538[%swap3A_539, %swap3A_540] {strides = array<i32>} : memref<80x64xi32, #tpu.memory_space<vmem>>, vector<16xi32>,
      tpu.vector_store %swap3A_538[%swap3A_539, %swap3A_540], %bitcast3A_534 {strides = array<i32>} : memref<80x64xi32, #tpu.memory_space<vmem>>, vector<16xi32>,
      %get3A_542 = arith.constant 0 : i32
      %get3A_543 = arith.constant 0 : i32
      %get3A_544 = tpu.memref_slice %arg7[%scan3A_91, %get3A_542, %get3A_543] : memref<2x80x128xf32, #tpu.memory_space<vmem>> -> memref<1x80x128xf32, #tpu.memory_space<vmem>>
      %get3A_545 = tpu.memref_squeeze %get3A_544 : memref<1x80x128xf32, #tpu.memory_space<vmem>> -> memref<80x128xf32, #tpu.memory_space<vmem>>
      %get3A_546 = arith.index_cast %add3A_463 : i32 to index
      %get3A_547 = arith.constant 64 : index
      %get3A_548 = tpu.vector_load %get3A_545[%get3A_546, %get3A_547] {strides = array<i32>} : memref<80x128xf32, #tpu.memory_space<vmem>>, vector<16xf32>,
      %get3A_549 = arith.constant 0 : i32
      %get3A_550 = arith.constant 0 : i32
      %get3A_551 = tpu.memref_slice %arg8[%scan3A_92, %get3A_549, %get3A_550] : memref<2x80x128xf32, #tpu.memory_space<vmem>> -> memref<1x80x128xf32, #tpu.memory_space<vmem>>
      %get3A_552 = tpu.memref_squeeze %get3A_551 : memref<1x80x128xf32, #tpu.memory_space<vmem>> -> memref<80x128xf32, #tpu.memory_space<vmem>>
      %get3A_553 = arith.index_cast %add3A_463 : i32 to index
      %get3A_554 = arith.constant 64 : index
      %get3A_555 = tpu.vector_load %get3A_552[%get3A_553, %get3A_554] {strides = array<i32>} : memref<80x128xf32, #tpu.memory_space<vmem>>, vector<16xf32>,
      %add3A_556 = arith.addf %get3A_548, %get3A_555 : vector<16xf32>
      %get3A_557 = arith.constant 0 : i32
      %get3A_558 = arith.constant 0 : i32
      %get3A_559 = tpu.memref_slice %arg7[%scan3A_91, %get3A_557, %get3A_558] : memref<2x80x128xf32, #tpu.memory_space<vmem>> -> memref<1x80x128xf32, #tpu.memory_space<vmem>>
      %get3A_560 = tpu.memref_squeeze %get3A_559 : memref<1x80x128xf32, #tpu.memory_space<vmem>> -> memref<80x128xf32, #tpu.memory_space<vmem>>
      %get3A_561 = arith.index_cast %add3A_463 : i32 to index
      %get3A_562 = arith.constant 80 : index
      %get3A_563 = tpu.vector_load %get3A_560[%get3A_561, %get3A_562] {strides = array<i32>} : memref<80x128xf32, #tpu.memory_space<vmem>>, vector<16xf32>,
      %get3A_564 = arith.constant 0 : i32
      %get3A_565 = arith.constant 0 : i32
      %get3A_566 = tpu.memref_slice %arg8[%scan3A_92, %get3A_564, %get3A_565] : memref<2x80x128xf32, #tpu.memory_space<vmem>> -> memref<1x80x128xf32, #tpu.memory_space<vmem>>
      %get3A_567 = tpu.memref_squeeze %get3A_566 : memref<1x80x128xf32, #tpu.memory_space<vmem>> -> memref<80x128xf32, #tpu.memory_space<vmem>>
      %get3A_568 = arith.index_cast %add3A_463 : i32 to index
      %get3A_569 = arith.constant 80 : index
      %get3A_570 = tpu.vector_load %get3A_567[%get3A_568, %get3A_569] {strides = array<i32>} : memref<80x128xf32, #tpu.memory_space<vmem>>, vector<16xf32>,
      %add3A_571 = arith.addf %get3A_563, %get3A_570 : vector<16xf32>
      %pack3A_572 = tpu.pack_subelements %add3A_556, %add3A_571 {pack_format = #tpu.pack_format<interleaved>, positions = array<i32: 0, 1>} : vector<16xf32>, vector<16xf32> -> vector<32xbf16>
      %bitcast3A_573 = vector.bitcast %pack3A_572 : vector<32xbf16> to vector<16xi32>
      %swap3A_574 = arith.constant 0 : i32
      %swap3A_575 = arith.constant 0 : i32
      %swap3A_576 = tpu.memref_slice %arg9[%scan3A_93, %swap3A_574, %swap3A_575] : memref<2x80x64xi32, #tpu.memory_space<vmem>> -> memref<1x80x64xi32, #tpu.memory_space<vmem>>
      %swap3A_577 = tpu.memref_squeeze %swap3A_576 : memref<1x80x64xi32, #tpu.memory_space<vmem>> -> memref<80x64xi32, #tpu.memory_space<vmem>>
      %swap3A_578 = arith.index_cast %add3A_463 : i32 to index
      %swap3A_579 = arith.constant 32 : index
      %swap3A_580 = tpu.vector_load %swap3A_577[%swap3A_578, %swap3A_579] {strides = array<i32>} : memref<80x64xi32, #tpu.memory_space<vmem>>, vector<16xi32>,
      tpu.vector_store %swap3A_577[%swap3A_578, %swap3A_579], %bitcast3A_573 {strides = array<i32>} : memref<80x64xi32, #tpu.memory_space<vmem>>, vector<16xi32>,
      %get3A_581 = arith.constant 0 : i32
      %get3A_582 = arith.constant 0 : i32
      %get3A_583 = tpu.memref_slice %arg7[%scan3A_91, %get3A_581, %get3A_582] : memref<2x80x128xf32, #tpu.memory_space<vmem>> -> memref<1x80x128xf32, #tpu.memory_space<vmem>>
      %get3A_584 = tpu.memref_squeeze %get3A_583 : memref<1x80x128xf32, #tpu.memory_space<vmem>> -> memref<80x128xf32, #tpu.memory_space<vmem>>
      %get3A_585 = arith.index_cast %add3A_463 : i32 to index
      %get3A_586 = arith.constant 96 : index
      %get3A_587 = tpu.vector_load %get3A_584[%get3A_585, %get3A_586] {strides = array<i32>} : memref<80x128xf32, #tpu.memory_space<vmem>>, vector<16xf32>,
      %get3A_588 = arith.constant 0 : i32
      %get3A_589 = arith.constant 0 : i32
      %get3A_590 = tpu.memref_slice %arg8[%scan3A_92, %get3A_588, %get3A_589] : memref<2x80x128xf32, #tpu.memory_space<vmem>> -> memref<1x80x128xf32, #tpu.memory_space<vmem>>
      %get3A_591 = tpu.memref_squeeze %get3A_590 : memref<1x80x128xf32, #tpu.memory_space<vmem>> -> memref<80x128xf32, #tpu.memory_space<vmem>>
      %get3A_592 = arith.index_cast %add3A_463 : i32 to index
      %get3A_593 = arith.constant 96 : index
      %get3A_594 = tpu.vector_load %get3A_591[%get3A_592, %get3A_593] {strides = array<i32>} : memref<80x128xf32, #tpu.memory_space<vmem>>, vector<16xf32>,
      %add3A_595 = arith.addf %get3A_587, %get3A_594 : vector<16xf32>
      %get3A_596 = arith.constant 0 : i32
      %get3A_597 = arith.constant 0 : i32
      %get3A_598 = tpu.memref_slice %arg7[%scan3A_91, %get3A_596, %get3A_597] : memref<2x80x128xf32, #tpu.memory_space<vmem>> -> memref<1x80x128xf32, #tpu.memory_space<vmem>>
      %get3A_599 = tpu.memref_squeeze %get3A_598 : memref<1x80x128xf32, #tpu.memory_space<vmem>> -> memref<80x128xf32, #tpu.memory_space<vmem>>
      %get3A_600 = arith.index_cast %add3A_463 : i32 to index
      %get3A_601 = arith.constant 112 : index
      %get3A_602 = tpu.vector_load %get3A_599[%get3A_600, %get3A_601] {strides = array<i32>} : memref<80x128xf32, #tpu.memory_space<vmem>>, vector<16xf32>,
      %get3A_603 = arith.constant 0 : i32
      %get3A_604 = arith.constant 0 : i32
      %get3A_605 = tpu.memref_slice %arg8[%scan3A_92, %get3A_603, %get3A_604] : memref<2x80x128xf32, #tpu.memory_space<vmem>> -> memref<1x80x128xf32, #tpu.memory_space<vmem>>
      %get3A_606 = tpu.memref_squeeze %get3A_605 : memref<1x80x128xf32, #tpu.memory_space<vmem>> -> memref<80x128xf32, #tpu.memory_space<vmem>>
      %get3A_607 = arith.index_cast %add3A_463 : i32 to index
      %get3A_608 = arith.constant 112 : index
      %get3A_609 = tpu.vector_load %get3A_606[%get3A_607, %get3A_608] {strides = array<i32>} : memref<80x128xf32, #tpu.memory_space<vmem>>, vector<16xf32>,
      %add3A_610 = arith.addf %get3A_602, %get3A_609 : vector<16xf32>
      %pack3A_611 = tpu.pack_subelements %add3A_595, %add3A_610 {pack_format = #tpu.pack_format<interleaved>, positions = array<i32: 0, 1>} : vector<16xf32>, vector<16xf32> -> vector<32xbf16>
      %bitcast3A_612 = vector.bitcast %pack3A_611 : vector<32xbf16> to vector<16xi32>
      %swap3A_613 = arith.constant 0 : i32
      %swap3A_614 = arith.constant 0 : i32
      %swap3A_615 = tpu.memref_slice %arg9[%scan3A_93, %swap3A_613, %swap3A_614] : memref<2x80x64xi32, #tpu.memory_space<vmem>> -> memref<1x80x64xi32, #tpu.memory_space<vmem>>
      %swap3A_616 = tpu.memref_squeeze %swap3A_615 : memref<1x80x64xi32, #tpu.memory_space<vmem>> -> memref<80x64xi32, #tpu.memory_space<vmem>>
      %swap3A_617 = arith.index_cast %add3A_463 : i32 to index
      %swap3A_618 = arith.constant 48 : index
      %swap3A_619 = tpu.vector_load %swap3A_616[%swap3A_617, %swap3A_618] {strides = array<i32>} : memref<80x64xi32, #tpu.memory_space<vmem>>, vector<16xi32>,
      tpu.vector_store %swap3A_616[%swap3A_617, %swap3A_618], %bitcast3A_612 {strides = array<i32>} : memref<80x64xi32, #tpu.memory_space<vmem>>, vector<16xi32>,
      %add3A_620 = arith.constant 3 : i32
      %add3A_621 = arith.addi %mul3A_149, %add3A_620 : i32
      %get3A_622 = arith.constant 0 : i32
      %get3A_623 = arith.constant 0 : i32
      %get3A_624 = tpu.memref_slice %arg7[%scan3A_91, %get3A_622, %get3A_623] : memref<2x80x128xf32, #tpu.memory_space<vmem>> -> memref<1x80x128xf32, #tpu.memory_space<vmem>>
      %get3A_625 = tpu.memref_squeeze %get3A_624 : memref<1x80x128xf32, #tpu.memory_space<vmem>> -> memref<80x128xf32, #tpu.memory_space<vmem>>
      %get3A_626 = arith.index_cast %add3A_621 : i32 to index
      %get3A_627 = arith.constant 0 : index
      %get3A_628 = tpu.vector_load %get3A_625[%get3A_626, %get3A_627] {strides = array<i32>} : memref<80x128xf32, #tpu.memory_space<vmem>>, vector<16xf32>,
      %get3A_629 = arith.constant 0 : i32
      %get3A_630 = arith.constant 0 : i32
      %get3A_631 = tpu.memref_slice %arg8[%scan3A_92, %get3A_629, %get3A_630] : memref<2x80x128xf32, #tpu.memory_space<vmem>> -> memref<1x80x128xf32, #tpu.memory_space<vmem>>
      %get3A_632 = tpu.memref_squeeze %get3A_631 : memref<1x80x128xf32, #tpu.memory_space<vmem>> -> memref<80x128xf32, #tpu.memory_space<vmem>>
      %get3A_633 = arith.index_cast %add3A_621 : i32 to index
      %get3A_634 = arith.constant 0 : index
      %get3A_635 = tpu.vector_load %get3A_632[%get3A_633, %get3A_634] {strides = array<i32>} : memref<80x128xf32, #tpu.memory_space<vmem>>, vector<16xf32>,
      %add3A_636 = arith.addf %get3A_628, %get3A_635 : vector<16xf32>
      %get3A_637 = arith.constant 0 : i32
      %get3A_638 = arith.constant 0 : i32
      %get3A_639 = tpu.memref_slice %arg7[%scan3A_91, %get3A_637, %get3A_638] : memref<2x80x128xf32, #tpu.memory_space<vmem>> -> memref<1x80x128xf32, #tpu.memory_space<vmem>>
      %get3A_640 = tpu.memref_squeeze %get3A_639 : memref<1x80x128xf32, #tpu.memory_space<vmem>> -> memref<80x128xf32, #tpu.memory_space<vmem>>
      %get3A_641 = arith.index_cast %add3A_621 : i32 to index
      %get3A_642 = arith.constant 16 : index
      %get3A_643 = tpu.vector_load %get3A_640[%get3A_641, %get3A_642] {strides = array<i32>} : memref<80x128xf32, #tpu.memory_space<vmem>>, vector<16xf32>,
      %get3A_644 = arith.constant 0 : i32
      %get3A_645 = arith.constant 0 : i32
      %get3A_646 = tpu.memref_slice %arg8[%scan3A_92, %get3A_644, %get3A_645] : memref<2x80x128xf32, #tpu.memory_space<vmem>> -> memref<1x80x128xf32, #tpu.memory_space<vmem>>
      %get3A_647 = tpu.memref_squeeze %get3A_646 : memref<1x80x128xf32, #tpu.memory_space<vmem>> -> memref<80x128xf32, #tpu.memory_space<vmem>>
      %get3A_648 = arith.index_cast %add3A_621 : i32 to index
      %get3A_649 = arith.constant 16 : index
      %get3A_650 = tpu.vector_load %get3A_647[%get3A_648, %get3A_649] {strides = array<i32>} : memref<80x128xf32, #tpu.memory_space<vmem>>, vector<16xf32>,
      %add3A_651 = arith.addf %get3A_643, %get3A_650 : vector<16xf32>
      %pack3A_652 = tpu.pack_subelements %add3A_636, %add3A_651 {pack_format = #tpu.pack_format<interleaved>, positions = array<i32: 0, 1>} : vector<16xf32>, vector<16xf32> -> vector<32xbf16>
      %bitcast3A_653 = vector.bitcast %pack3A_652 : vector<32xbf16> to vector<16xi32>
      %swap3A_654 = arith.constant 0 : i32
      %swap3A_655 = arith.constant 0 : i32
      %swap3A_656 = tpu.memref_slice %arg9[%scan3A_93, %swap3A_654, %swap3A_655] : memref<2x80x64xi32, #tpu.memory_space<vmem>> -> memref<1x80x64xi32, #tpu.memory_space<vmem>>
      %swap3A_657 = tpu.memref_squeeze %swap3A_656 : memref<1x80x64xi32, #tpu.memory_space<vmem>> -> memref<80x64xi32, #tpu.memory_space<vmem>>
      %swap3A_658 = arith.index_cast %add3A_621 : i32 to index
      %swap3A_659 = arith.constant 0 : index
      %swap3A_660 = tpu.vector_load %swap3A_657[%swap3A_658, %swap3A_659] {strides = array<i32>} : memref<80x64xi32, #tpu.memory_space<vmem>>, vector<16xi32>,
      tpu.vector_store %swap3A_657[%swap3A_658, %swap3A_659], %bitcast3A_653 {strides = array<i32>} : memref<80x64xi32, #tpu.memory_space<vmem>>, vector<16xi32>,
      %get3A_661 = arith.constant 0 : i32
      %get3A_662 = arith.constant 0 : i32
      %get3A_663 = tpu.memref_slice %arg7[%scan3A_91, %get3A_661, %get3A_662] : memref<2x80x128xf32, #tpu.memory_space<vmem>> -> memref<1x80x128xf32, #tpu.memory_space<vmem>>
      %get3A_664 = tpu.memref_squeeze %get3A_663 : memref<1x80x128xf32, #tpu.memory_space<vmem>> -> memref<80x128xf32, #tpu.memory_space<vmem>>
      %get3A_665 = arith.index_cast %add3A_621 : i32 to index
      %get3A_666 = arith.constant 32 : index
      %get3A_667 = tpu.vector_load %get3A_664[%get3A_665, %get3A_666] {strides = array<i32>} : memref<80x128xf32, #tpu.memory_space<vmem>>, vector<16xf32>,
      %get3A_668 = arith.constant 0 : i32
      %get3A_669 = arith.constant 0 : i32
      %get3A_670 = tpu.memref_slice %arg8[%scan3A_92, %get3A_668, %get3A_669] : memref<2x80x128xf32, #tpu.memory_space<vmem>> -> memref<1x80x128xf32, #tpu.memory_space<vmem>>
      %get3A_671 = tpu.memref_squeeze %get3A_670 : memref<1x80x128xf32, #tpu.memory_space<vmem>> -> memref<80x128xf32, #tpu.memory_space<vmem>>
      %get3A_672 = arith.index_cast %add3A_621 : i32 to index
      %get3A_673 = arith.constant 32 : index
      %get3A_674 = tpu.vector_load %get3A_671[%get3A_672, %get3A_673] {strides = array<i32>} : memref<80x128xf32, #tpu.memory_space<vmem>>, vector<16xf32>,
      %add3A_675 = arith.addf %get3A_667, %get3A_674 : vector<16xf32>
      %get3A_676 = arith.constant 0 : i32
      %get3A_677 = arith.constant 0 : i32
      %get3A_678 = tpu.memref_slice %arg7[%scan3A_91, %get3A_676, %get3A_677] : memref<2x80x128xf32, #tpu.memory_space<vmem>> -> memref<1x80x128xf32, #tpu.memory_space<vmem>>
      %get3A_679 = tpu.memref_squeeze %get3A_678 : memref<1x80x128xf32, #tpu.memory_space<vmem>> -> memref<80x128xf32, #tpu.memory_space<vmem>>
      %get3A_680 = arith.index_cast %add3A_621 : i32 to index
      %get3A_681 = arith.constant 48 : index
      %get3A_682 = tpu.vector_load %get3A_679[%get3A_680, %get3A_681] {strides = array<i32>} : memref<80x128xf32, #tpu.memory_space<vmem>>, vector<16xf32>,
      %get3A_683 = arith.constant 0 : i32
      %get3A_684 = arith.constant 0 : i32
      %get3A_685 = tpu.memref_slice %arg8[%scan3A_92, %get3A_683, %get3A_684] : memref<2x80x128xf32, #tpu.memory_space<vmem>> -> memref<1x80x128xf32, #tpu.memory_space<vmem>>
      %get3A_686 = tpu.memref_squeeze %get3A_685 : memref<1x80x128xf32, #tpu.memory_space<vmem>> -> memref<80x128xf32, #tpu.memory_space<vmem>>
      %get3A_687 = arith.index_cast %add3A_621 : i32 to index
      %get3A_688 = arith.constant 48 : index
      %get3A_689 = tpu.vector_load %get3A_686[%get3A_687, %get3A_688] {strides = array<i32>} : memref<80x128xf32, #tpu.memory_space<vmem>>, vector<16xf32>,
      %add3A_690 = arith.addf %get3A_682, %get3A_689 : vector<16xf32>
      %pack3A_691 = tpu.pack_subelements %add3A_675, %add3A_690 {pack_format = #tpu.pack_format<interleaved>, positions = array<i32: 0, 1>} : vector<16xf32>, vector<16xf32> -> vector<32xbf16>
      %bitcast3A_692 = vector.bitcast %pack3A_691 : vector<32xbf16> to vector<16xi32>
      %swap3A_693 = arith.constant 0 : i32
      %swap3A_694 = arith.constant 0 : i32
      %swap3A_695 = tpu.memref_slice %arg9[%scan3A_93, %swap3A_693, %swap3A_694] : memref<2x80x64xi32, #tpu.memory_space<vmem>> -> memref<1x80x64xi32, #tpu.memory_space<vmem>>
      %swap3A_696 = tpu.memref_squeeze %swap3A_695 : memref<1x80x64xi32, #tpu.memory_space<vmem>> -> memref<80x64xi32, #tpu.memory_space<vmem>>
      %swap3A_697 = arith.index_cast %add3A_621 : i32 to index
      %swap3A_698 = arith.constant 16 : index
      %swap3A_699 = tpu.vector_load %swap3A_696[%swap3A_697, %swap3A_698] {strides = array<i32>} : memref<80x64xi32, #tpu.memory_space<vmem>>, vector<16xi32>,
      tpu.vector_store %swap3A_696[%swap3A_697, %swap3A_698], %bitcast3A_692 {strides = array<i32>} : memref<80x64xi32, #tpu.memory_space<vmem>>, vector<16xi32>,
      %get3A_700 = arith.constant 0 : i32
      %get3A_701 = arith.constant 0 : i32
      %get3A_702 = tpu.memref_slice %arg7[%scan3A_91, %get3A_700, %get3A_701] : memref<2x80x128xf32, #tpu.memory_space<vmem>> -> memref<1x80x128xf32, #tpu.memory_space<vmem>>
      %get3A_703 = tpu.memref_squeeze %get3A_702 : memref<1x80x128xf32, #tpu.memory_space<vmem>> -> memref<80x128xf32, #tpu.memory_space<vmem>>
      %get3A_704 = arith.index_cast %add3A_621 : i32 to index
      %get3A_705 = arith.constant 64 : index
      %get3A_706 = tpu.vector_load %get3A_703[%get3A_704, %get3A_705] {strides = array<i32>} : memref<80x128xf32, #tpu.memory_space<vmem>>, vector<16xf32>,
      %get3A_707 = arith.constant 0 : i32
      %get3A_708 = arith.constant 0 : i32
      %get3A_709 = tpu.memref_slice %arg8[%scan3A_92, %get3A_707, %get3A_708] : memref<2x80x128xf32, #tpu.memory_space<vmem>> -> memref<1x80x128xf32, #tpu.memory_space<vmem>>
      %get3A_710 = tpu.memref_squeeze %get3A_709 : memref<1x80x128xf32, #tpu.memory_space<vmem>> -> memref<80x128xf32, #tpu.memory_space<vmem>>
      %get3A_711 = arith.index_cast %add3A_621 : i32 to index
      %get3A_712 = arith.constant 64 : index
      %get3A_713 = tpu.vector_load %get3A_710[%get3A_711, %get3A_712] {strides = array<i32>} : memref<80x128xf32, #tpu.memory_space<vmem>>, vector<16xf32>,
      %add3A_714 = arith.addf %get3A_706, %get3A_713 : vector<16xf32>
      %get3A_715 = arith.constant 0 : i32
      %get3A_716 = arith.constant 0 : i32
      %get3A_717 = tpu.memref_slice %arg7[%scan3A_91, %get3A_715, %get3A_716] : memref<2x80x128xf32, #tpu.memory_space<vmem>> -> memref<1x80x128xf32, #tpu.memory_space<vmem>>
      %get3A_718 = tpu.memref_squeeze %get3A_717 : memref<1x80x128xf32, #tpu.memory_space<vmem>> -> memref<80x128xf32, #tpu.memory_space<vmem>>
      %get3A_719 = arith.index_cast %add3A_621 : i32 to index
      %get3A_720 = arith.constant 80 : index
      %get3A_721 = tpu.vector_load %get3A_718[%get3A_719, %get3A_720] {strides = array<i32>} : memref<80x128xf32, #tpu.memory_space<vmem>>, vector<16xf32>,
      %get3A_722 = arith.constant 0 : i32
      %get3A_723 = arith.constant 0 : i32
      %get3A_724 = tpu.memref_slice %arg8[%scan3A_92, %get3A_722, %get3A_723] : memref<2x80x128xf32, #tpu.memory_space<vmem>> -> memref<1x80x128xf32, #tpu.memory_space<vmem>>
      %get3A_725 = tpu.memref_squeeze %get3A_724 : memref<1x80x128xf32, #tpu.memory_space<vmem>> -> memref<80x128xf32, #tpu.memory_space<vmem>>
      %get3A_726 = arith.index_cast %add3A_621 : i32 to index
      %get3A_727 = arith.constant 80 : index
      %get3A_728 = tpu.vector_load %get3A_725[%get3A_726, %get3A_727] {strides = array<i32>} : memref<80x128xf32, #tpu.memory_space<vmem>>, vector<16xf32>,
      %add3A_729 = arith.addf %get3A_721, %get3A_728 : vector<16xf32>
      %pack3A_730 = tpu.pack_subelements %add3A_714, %add3A_729 {pack_format = #tpu.pack_format<interleaved>, positions = array<i32: 0, 1>} : vector<16xf32>, vector<16xf32> -> vector<32xbf16>
      %bitcast3A_731 = vector.bitcast %pack3A_730 : vector<32xbf16> to vector<16xi32>
      %swap3A_732 = arith.constant 0 : i32
      %swap3A_733 = arith.constant 0 : i32
      %swap3A_734 = tpu.memref_slice %arg9[%scan3A_93, %swap3A_732, %swap3A_733] : memref<2x80x64xi32, #tpu.memory_space<vmem>> -> memref<1x80x64xi32, #tpu.memory_space<vmem>>
      %swap3A_735 = tpu.memref_squeeze %swap3A_734 : memref<1x80x64xi32, #tpu.memory_space<vmem>> -> memref<80x64xi32, #tpu.memory_space<vmem>>
      %swap3A_736 = arith.index_cast %add3A_621 : i32 to index
      %swap3A_737 = arith.constant 32 : index
      %swap3A_738 = tpu.vector_load %swap3A_735[%swap3A_736, %swap3A_737] {strides = array<i32>} : memref<80x64xi32, #tpu.memory_space<vmem>>, vector<16xi32>,
      tpu.vector_store %swap3A_735[%swap3A_736, %swap3A_737], %bitcast3A_731 {strides = array<i32>} : memref<80x64xi32, #tpu.memory_space<vmem>>, vector<16xi32>,
      %get3A_739 = arith.constant 0 : i32
      %get3A_740 = arith.constant 0 : i32
      %get3A_741 = tpu.memref_slice %arg7[%scan3A_91, %get3A_739, %get3A_740] : memref<2x80x128xf32, #tpu.memory_space<vmem>> -> memref<1x80x128xf32, #tpu.memory_space<vmem>>
      %get3A_742 = tpu.memref_squeeze %get3A_741 : memref<1x80x128xf32, #tpu.memory_space<vmem>> -> memref<80x128xf32, #tpu.memory_space<vmem>>
      %get3A_743 = arith.index_cast %add3A_621 : i32 to index
      %get3A_744 = arith.constant 96 : index
      %get3A_745 = tpu.vector_load %get3A_742[%get3A_743, %get3A_744] {strides = array<i32>} : memref<80x128xf32, #tpu.memory_space<vmem>>, vector<16xf32>,
      %get3A_746 = arith.constant 0 : i32
      %get3A_747 = arith.constant 0 : i32
      %get3A_748 = tpu.memref_slice %arg8[%scan3A_92, %get3A_746, %get3A_747] : memref<2x80x128xf32, #tpu.memory_space<vmem>> -> memref<1x80x128xf32, #tpu.memory_space<vmem>>
      %get3A_749 = tpu.memref_squeeze %get3A_748 : memref<1x80x128xf32, #tpu.memory_space<vmem>> -> memref<80x128xf32, #tpu.memory_space<vmem>>
      %get3A_750 = arith.index_cast %add3A_621 : i32 to index
      %get3A_751 = arith.constant 96 : index
      %get3A_752 = tpu.vector_load %get3A_749[%get3A_750, %get3A_751] {strides = array<i32>} : memref<80x128xf32, #tpu.memory_space<vmem>>, vector<16xf32>,
      %add3A_753 = arith.addf %get3A_745, %get3A_752 : vector<16xf32>
      %get3A_754 = arith.constant 0 : i32
      %get3A_755 = arith.constant 0 : i32
      %get3A_756 = tpu.memref_slice %arg7[%scan3A_91, %get3A_754, %get3A_755] : memref<2x80x128xf32, #tpu.memory_space<vmem>> -> memref<1x80x128xf32, #tpu.memory_space<vmem>>
      %get3A_757 = tpu.memref_squeeze %get3A_756 : memref<1x80x128xf32, #tpu.memory_space<vmem>> -> memref<80x128xf32, #tpu.memory_space<vmem>>
      %get3A_758 = arith.index_cast %add3A_621 : i32 to index
      %get3A_759 = arith.constant 112 : index
      %get3A_760 = tpu.vector_load %get3A_757[%get3A_758, %get3A_759] {strides = array<i32>} : memref<80x128xf32, #tpu.memory_space<vmem>>, vector<16xf32>,
      %get3A_761 = arith.constant 0 : i32
      %get3A_762 = arith.constant 0 : i32
      %get3A_763 = tpu.memref_slice %arg8[%scan3A_92, %get3A_761, %get3A_762] : memref<2x80x128xf32, #tpu.memory_space<vmem>> -> memref<1x80x128xf32, #tpu.memory_space<vmem>>
      %get3A_764 = tpu.memref_squeeze %get3A_763 : memref<1x80x128xf32, #tpu.memory_space<vmem>> -> memref<80x128xf32, #tpu.memory_space<vmem>>
      %get3A_765 = arith.index_cast %add3A_621 : i32 to index
      %get3A_766 = arith.constant 112 : index
      %get3A_767 = tpu.vector_load %get3A_764[%get3A_765, %get3A_766] {strides = array<i32>} : memref<80x128xf32, #tpu.memory_space<vmem>>, vector<16xf32>,
      %add3A_768 = arith.addf %get3A_760, %get3A_767 : vector<16xf32>
      %pack3A_769 = tpu.pack_subelements %add3A_753, %add3A_768 {pack_format = #tpu.pack_format<interleaved>, positions = array<i32: 0, 1>} : vector<16xf32>, vector<16xf32> -> vector<32xbf16>
      %bitcast3A_770 = vector.bitcast %pack3A_769 : vector<32xbf16> to vector<16xi32>
      %swap3A_771 = arith.constant 0 : i32
      %swap3A_772 = arith.constant 0 : i32
      %swap3A_773 = tpu.memref_slice %arg9[%scan3A_93, %swap3A_771, %swap3A_772] : memref<2x80x64xi32, #tpu.memory_space<vmem>> -> memref<1x80x64xi32, #tpu.memory_space<vmem>>
      %swap3A_774 = tpu.memref_squeeze %swap3A_773 : memref<1x80x64xi32, #tpu.memory_space<vmem>> -> memref<80x64xi32, #tpu.memory_space<vmem>>
      %swap3A_775 = arith.index_cast %add3A_621 : i32 to index
      %swap3A_776 = arith.constant 48 : index
      %swap3A_777 = tpu.vector_load %swap3A_774[%swap3A_775, %swap3A_776] {strides = array<i32>} : memref<80x64xi32, #tpu.memory_space<vmem>>, vector<16xi32>,
      tpu.vector_store %swap3A_774[%swap3A_775, %swap3A_776], %bitcast3A_770 {strides = array<i32>} : memref<80x64xi32, #tpu.memory_space<vmem>>, vector<16xi32>,
      %scan3A_778 = arith.constant 0 : i32
      scf.yield %scan3A_778 : i32
    }
    %scan3A_100 = arith.constant 20 : i32
    %add3A_101 = arith.constant 9920 : i32
    %add3A_102 = arith.addi %mul3A_2, %add3A_101 : i32
    %dma_start3A_103 = arith.constant 0 : i32
    %dma_start3A_104 = arith.constant 0 : i32
    %dma_start3A_105 = arith.constant 0 : i32
    %dma_start3A_106 = tpu.memref_slice %arg9[%dma_start3A_103, %dma_start3A_104, %dma_start3A_105] : memref<2x80x64xi32, #tpu.memory_space<vmem>> -> memref<1x80x64xi32, #tpu.memory_space<vmem>>
    %dma_start3A_107 = tpu.memref_squeeze %dma_start3A_106 : memref<1x80x64xi32, #tpu.memory_space<vmem>> -> memref<80x64xi32, #tpu.memory_space<vmem>>
    %dma_start3A_108 = arith.constant 0 : i32
    %dma_start3A_109 = tpu.memref_slice %arg4[%add3A_102, %dma_start3A_108] : memref<320000x64xi32, #tpu.memory_space<hbm>> -> memref<80x64xi32, #tpu.memory_space<hbm>>
    %dma_start3A_110 = arith.constant 0 : i32
    %dma_start3A_111 = tpu.memref_slice %arg4[%add3A_102, %dma_start3A_110] : memref<320000x64xi32, #tpu.memory_space<hbm>> -> memref<80x64xi32, #tpu.memory_space<hbm>>
    %dma_start3A_112 = arith.constant 0 : i32
    %dma_start3A_113 = arith.constant 0 : i32
    %dma_start3A_114 = tpu.memref_slice %arg9[%dma_start3A_103, %dma_start3A_112, %dma_start3A_113] : memref<2x80x64xi32, #tpu.memory_space<vmem>> -> memref<1x80x64xi32, #tpu.memory_space<vmem>>
    %dma_start3A_115 = tpu.memref_squeeze %dma_start3A_114 : memref<1x80x64xi32, #tpu.memory_space<vmem>> -> memref<80x64xi32, #tpu.memory_space<vmem>>
    tpu.enqueue_dma source(%dma_start3A_115 : memref<80x64xi32, #tpu.memory_space<vmem>>) target(%dma_start3A_111 : memref<80x64xi32, #tpu.memory_space<hbm>>) target_semaphore(%arg12 : memref<!tpu.dma_semaphore, #tpu.memory_space<semaphore_mem>>)
    %dma_wait3A_116 = arith.constant 1 : i32
    %dma_wait3A_117 = arith.constant 0 : i32
    %dma_wait3A_118 = arith.constant 0 : i32
    %dma_wait3A_119 = tpu.memref_slice %arg9[%dma_wait3A_116, %dma_wait3A_117, %dma_wait3A_118] : memref<2x80x64xi32, #tpu.memory_space<vmem>> -> memref<1x80x64xi32, #tpu.memory_space<vmem>>
    %dma_wait3A_120 = tpu.memref_squeeze %dma_wait3A_119 : memref<1x80x64xi32, #tpu.memory_space<vmem>> -> memref<80x64xi32, #tpu.memory_space<vmem>>
    %dma_wait3A_121 = arith.constant 0 : i32
    %dma_wait3A_122 = arith.constant 0 : i32
    %dma_wait3A_123 = tpu.memref_slice %arg4[%dma_wait3A_121, %dma_wait3A_122] : memref<320000x64xi32, #tpu.memory_space<hbm>> -> memref<80x64xi32, #tpu.memory_space<hbm>>
    %dma_wait3A_124 = arith.constant 0 : i32
    %dma_wait3A_125 = arith.constant 0 : i32
    %dma_wait3A_126 = tpu.memref_slice %arg4[%dma_wait3A_124, %dma_wait3A_125] : memref<320000x64xi32, #tpu.memory_space<hbm>> -> memref<80x64xi32, #tpu.memory_space<hbm>>
    %dma_wait3A_127 = arith.constant 0 : i32
    %dma_wait3A_128 = arith.constant 0 : i32
    %dma_wait3A_129 = tpu.memref_slice %arg9[%dma_wait3A_116, %dma_wait3A_127, %dma_wait3A_128] : memref<2x80x64xi32, #tpu.memory_space<vmem>> -> memref<1x80x64xi32, #tpu.memory_space<vmem>>
    %dma_wait3A_130 = tpu.memref_squeeze %dma_wait3A_129 : memref<1x80x64xi32, #tpu.memory_space<vmem>> -> memref<80x64xi32, #tpu.memory_space<vmem>>
    tpu.wait_dma2 semaphore(%arg13 : memref<!tpu.dma_semaphore, #tpu.memory_space<semaphore_mem>>) src(%dma_wait3A_130 : memref<80x64xi32, #tpu.memory_space<vmem>>) dst(%dma_wait3A_126 : memref<80x64xi32, #tpu.memory_space<hbm>>)
    %dma_wait3A_131 = arith.constant 0 : i32
    %dma_wait3A_132 = arith.constant 0 : i32
    %dma_wait3A_133 = arith.constant 0 : i32
    %dma_wait3A_134 = tpu.memref_slice %arg9[%dma_wait3A_131, %dma_wait3A_132, %dma_wait3A_133] : memref<2x80x64xi32, #tpu.memory_space<vmem>> -> memref<1x80x64xi32, #tpu.memory_space<vmem>>
    %dma_wait3A_135 = tpu.memref_squeeze %dma_wait3A_134 : memref<1x80x64xi32, #tpu.memory_space<vmem>> -> memref<80x64xi32, #tpu.memory_space<vmem>>
    %dma_wait3A_136 = arith.constant 0 : i32
    %dma_wait3A_137 = arith.constant 0 : i32
    %dma_wait3A_138 = tpu.memref_slice %arg4[%dma_wait3A_136, %dma_wait3A_137] : memref<320000x64xi32, #tpu.memory_space<hbm>> -> memref<80x64xi32, #tpu.memory_space<hbm>>
    %dma_wait3A_139 = arith.constant 0 : i32
    %dma_wait3A_140 = arith.constant 0 : i32
    %dma_wait3A_141 = tpu.memref_slice %arg4[%dma_wait3A_139, %dma_wait3A_140] : memref<320000x64xi32, #tpu.memory_space<hbm>> -> memref<80x64xi32, #tpu.memory_space<hbm>>
    %dma_wait3A_142 = arith.constant 0 : i32
    %dma_wait3A_143 = arith.constant 0 : i32
    %dma_wait3A_144 = tpu.memref_slice %arg9[%dma_wait3A_131, %dma_wait3A_142, %dma_wait3A_143] : memref<2x80x64xi32, #tpu.memory_space<vmem>> -> memref<1x80x64xi32, #tpu.memory_space<vmem>>
    %dma_wait3A_145 = tpu.memref_squeeze %dma_wait3A_144 : memref<1x80x64xi32, #tpu.memory_space<vmem>> -> memref<80x64xi32, #tpu.memory_space<vmem>>
    tpu.wait_dma2 semaphore(%arg12 : memref<!tpu.dma_semaphore, #tpu.memory_space<semaphore_mem>>) src(%dma_wait3A_145 : memref<80x64xi32, #tpu.memory_space<vmem>>) dst(%dma_wait3A_141 : memref<80x64xi32, #tpu.memory_space<hbm>>)
    return
  }
}

module attributes {stable_mosaic.version = 14 : i64} {
  func.func @_tc1_body(%arg0: memref<10000x128xf32, #tpu.memory_space<vmem>>, %arg1: memref<256x128xf32, #tpu.memory_space<vmem>>, %arg2: memref<1x128xf32, #tpu.memory_space<vmem>>, %arg3: memref<2500x128xi32, #tpu.memory_space<vmem>>, %arg4: memref<2500x128xi32, #tpu.memory_space<vmem>>, %arg5: memref<20000x128xf32, #tpu.memory_space<vmem>>, %arg6: memref<2x2500x128xi32, #tpu.memory_space<vmem>>) attributes {dimension_semantics = [], scalar_prefetch = 0 : i64, scratch_operands = 0 : i64, tpu.core_type = #tpu.core_type<tc>} {
    %get3A = arith.constant 0 : index
    %get3A_0 = arith.constant 0 : index
    %get3A_1 = vector.load %arg0[%get3A, %get3A_0] : memref<10000x128xf32, #tpu.memory_space<vmem>>, vector<10000x128xf32>
    %get3A_2 = arith.constant 0 : index
    %get3A_3 = arith.constant 0 : index
    %get3A_4 = vector.load %arg1[%get3A_2, %get3A_3] : memref<256x128xf32, #tpu.memory_space<vmem>>, vector<128x128xf32>
    %dot_general3A = arith.constant dense<0.000000e+00> : vector<10000x128xf32>
    %dot_general3A_5 = tpu.matmul %get3A_1, %get3A_4, %dot_general3A {dimension_numbers = #tpu.dot_dimension_numbers<[1], [0], [0], [1], [0, 0, 1, 1], [], []>, transpose_lhs_hint = false} : vector<10000x128xf32>, vector<128x128xf32>, vector<10000x128xf32> -> vector<10000x128xf32>
    %swap3A = arith.constant 0 : index
    %swap3A_6 = arith.constant 0 : index
    %swap3A_7 = vector.load %arg5[%swap3A, %swap3A_6] : memref<20000x128xf32, #tpu.memory_space<vmem>>, vector<10000x128xf32>
    tpu.vector_store %arg5[%swap3A, %swap3A_6], %dot_general3A_5 {strides = array<i32>} : memref<20000x128xf32, #tpu.memory_space<vmem>>, vector<10000x128xf32>,
    %get3A_8 = arith.constant 128 : index
    %get3A_9 = arith.constant 0 : index
    %get3A_10 = vector.load %arg1[%get3A_8, %get3A_9] : memref<256x128xf32, #tpu.memory_space<vmem>>, vector<128x128xf32>
    %dot_general3A_11 = arith.constant dense<0.000000e+00> : vector<10000x128xf32>
    %dot_general3A_12 = tpu.matmul %get3A_1, %get3A_10, %dot_general3A_11 {dimension_numbers = #tpu.dot_dimension_numbers<[1], [0], [0], [1], [0, 0, 1, 1], [], []>, transpose_lhs_hint = false} : vector<10000x128xf32>, vector<128x128xf32>, vector<10000x128xf32> -> vector<10000x128xf32>
    %get3A_13 = arith.constant 0 : index
    %get3A_14 = arith.constant 0 : index
    %get3A_15 = vector.load %arg2[%get3A_13, %get3A_14] : memref<1x128xf32, #tpu.memory_space<vmem>>, vector<1x128xf32>
    %add3A = vector.broadcast %get3A_15 : vector<1x128xf32> to vector<10000x128xf32>
    %add3A_16 = arith.addf %dot_general3A_12, %add3A : vector<10000x128xf32>
    %swap3A_17 = arith.constant 10000 : index
    %swap3A_18 = arith.constant 0 : index
    %swap3A_19 = vector.load %arg5[%swap3A_17, %swap3A_18] : memref<20000x128xf32, #tpu.memory_space<vmem>>, vector<10000x128xf32>
    tpu.vector_store %arg5[%swap3A_17, %swap3A_18], %add3A_16 {strides = array<i32>} : memref<20000x128xf32, #tpu.memory_space<vmem>>, vector<10000x128xf32>,
    %get3A_20 = arith.constant 0 : index
    %get3A_21 = arith.constant 0 : index
    %get3A_22 = vector.load %arg3[%get3A_20, %get3A_21] : memref<2500x128xi32, #tpu.memory_space<vmem>>, vector<2500x128xi32>
    %swap3A_23 = arith.constant 0 : index
    %swap3A_24 = arith.constant 0 : index
    %swap3A_25 = arith.constant 0 : index
    %swap3A_26 = vector.load %arg6[%swap3A_23, %swap3A_24, %swap3A_25] : memref<2x2500x128xi32, #tpu.memory_space<vmem>>, vector<1x2500x128xi32>
    %swap3A_27 = vector.shape_cast %swap3A_26 : vector<1x2500x128xi32> to vector<2500x128xi32>
    %swap3A_28 = vector.shape_cast %get3A_22 : vector<2500x128xi32> to vector<1x2500x128xi32>
    tpu.vector_store %arg6[%swap3A_23, %swap3A_24, %swap3A_25], %swap3A_28 {strides = array<i32>} : memref<2x2500x128xi32, #tpu.memory_space<vmem>>, vector<1x2500x128xi32>,
    %get3A_29 = arith.constant 0 : index
    %get3A_30 = arith.constant 0 : index
    %get3A_31 = vector.load %arg4[%get3A_29, %get3A_30] : memref<2500x128xi32, #tpu.memory_space<vmem>>, vector<2500x128xi32>
    %add3A_32 = arith.constant 10000 : i32
    %add3A_33 = vector.broadcast %add3A_32 : i32 to vector<2500x128xi32>
    %add3A_34 = arith.addi %get3A_31, %add3A_33 : vector<2500x128xi32>
    %swap3A_35 = arith.constant 1 : index
    %swap3A_36 = arith.constant 0 : index
    %swap3A_37 = arith.constant 0 : index
    %swap3A_38 = vector.load %arg6[%swap3A_35, %swap3A_36, %swap3A_37] : memref<2x2500x128xi32, #tpu.memory_space<vmem>>, vector<1x2500x128xi32>
    %swap3A_39 = vector.shape_cast %swap3A_38 : vector<1x2500x128xi32> to vector<2500x128xi32>
    %swap3A_40 = vector.shape_cast %add3A_34 : vector<2500x128xi32> to vector<1x2500x128xi32>
    tpu.vector_store %arg6[%swap3A_35, %swap3A_36, %swap3A_37], %swap3A_40 {strides = array<i32>} : memref<2x2500x128xi32, #tpu.memory_space<vmem>>, vector<1x2500x128xi32>,
    return
  }
}

module attributes {stable_mosaic.version = 14 : i64} {
  func.func @_tc2_body(%arg0: i32, %arg1: memref<8000x128xbf16, #tpu.memory_space<vmem>>, %arg2: memref<8000x16xf32, #tpu.memory_space<vmem>>, %arg3: memref<16x128xf32, #tpu.memory_space<vmem>>, %arg4: memref<384x128xf32, #tpu.memory_space<vmem>>, %arg5: memref<8000x128xf32, #tpu.memory_space<vmem>>) attributes {dimension_semantics = [#tpu.dimension_semantics<arbitrary>], iteration_bounds = array<i64: 40>, scalar_prefetch = 0 : i64, scratch_operands = 0 : i64, tpu.core_type = #tpu.core_type<tc>, window_params = [{transform_indices = @transform_0, window_bounds = array<i64: 8000, 128>}, {transform_indices = @transform_1, window_bounds = array<i64: 8000, 16>}, {pipeline_mode = #tpu.pipeline_mode<synchronous>, transform_indices = @transform_2, window_bounds = array<i64: 16, 128>}, {pipeline_mode = #tpu.pipeline_mode<synchronous>, transform_indices = @transform_3, window_bounds = array<i64: 384, 128>}, {transform_indices = @transform_4, window_bounds = array<i64: 8000, 128>}]} {
    %get3A = arith.constant 0 : index
    %get3A_0 = arith.constant 0 : index
    %get3A_1 = vector.load %arg3[%get3A, %get3A_0] : memref<16x128xf32, #tpu.memory_space<vmem>>, vector<16x128xf32>
    %get3A_2 = arith.constant 256 : index
    %get3A_3 = arith.constant 0 : index
    %get3A_4 = vector.load %arg4[%get3A_2, %get3A_3] : memref<384x128xf32, #tpu.memory_space<vmem>>, vector<128x128xf32>
    %dot_general3A = arith.constant dense<0.000000e+00> : vector<16x128xf32>
    %dot_general3A_5 = tpu.matmul %get3A_1, %get3A_4, %dot_general3A {dimension_numbers = #tpu.dot_dimension_numbers<[1], [0], [0], [1], [0, 0, 1, 1], [], []>, transpose_lhs_hint = false} : vector<16x128xf32>, vector<128x128xf32>, vector<16x128xf32> -> vector<16x128xf32>
    %get3A_6 = arith.constant 0 : index
    %get3A_7 = arith.constant 0 : index
    %get3A_8 = vector.load %arg2[%get3A_6, %get3A_7] : memref<8000x16xf32, #tpu.memory_space<vmem>>, vector<8000x16xf32>
    %dot_general3A_9 = arith.constant dense<0.000000e+00> : vector<8000x128xf32>
    %dot_general3A_10 = tpu.matmul %get3A_8, %dot_general3A_5, %dot_general3A_9 {dimension_numbers = #tpu.dot_dimension_numbers<[1], [0], [0], [1], [0, 0, 1, 1], [], []>, transpose_lhs_hint = false} : vector<8000x16xf32>, vector<16x128xf32>, vector<8000x128xf32> -> vector<8000x128xf32>
    %get3A_11 = arith.constant 0 : index
    %get3A_12 = arith.constant 0 : index
    %get3A_13 = vector.load %arg1[%get3A_11, %get3A_12] : memref<8000x128xbf16, #tpu.memory_space<vmem>>, vector<8000x128xbf16>
    %convert_element_type3A = arith.extf %get3A_13 : vector<8000x128xbf16> to vector<8000x128xf32>
    %add3A = arith.addf %convert_element_type3A, %dot_general3A_10 : vector<8000x128xf32>
    %neg3A = arith.constant 0.000000e+00 : f32
    %neg3A_14 = vector.broadcast %neg3A : f32 to vector<8000x128xf32>
    %neg3A_15 = arith.subf %neg3A_14, %add3A : vector<8000x128xf32>
    %exp3A = math.exp %neg3A_15 : vector<8000x128xf32>
    %add3A_16 = arith.constant 1.000000e+00 : f32
    %add3A_17 = vector.broadcast %add3A_16 : f32 to vector<8000x128xf32>
    %add3A_18 = arith.addf %add3A_17, %exp3A : vector<8000x128xf32>
    %div3A = arith.divf %add3A, %add3A_18 : vector<8000x128xf32>
    %swap3A = arith.constant 0 : index
    %swap3A_19 = arith.constant 0 : index
    %swap3A_20 = vector.load %arg5[%swap3A, %swap3A_19] : memref<8000x128xf32, #tpu.memory_space<vmem>>, vector<8000x128xf32>
    tpu.vector_store %arg5[%swap3A, %swap3A_19], %div3A {strides = array<i32>} : memref<8000x128xf32, #tpu.memory_space<vmem>>, vector<8000x128xf32>,
    return
  }
  func.func @transform_0(%arg0: i32) -> (i32, i32) {
    %c0_i32 = arith.constant 0 : i32
    %c0_i32_0 = arith.constant 0 : i32
    return %arg0, %c0_i32 : i32, i32
  }
  func.func @transform_1(%arg0: i32) -> (i32, i32) {
    %c0_i32 = arith.constant 0 : i32
    %c0_i32_0 = arith.constant 0 : i32
    return %arg0, %c0_i32 : i32, i32
  }
  func.func @transform_2(%arg0: i32) -> (i32, i32) {
    %c0_i32 = arith.constant 0 : i32
    %c0_i32_0 = arith.constant 0 : i32
    %c0_i32_1 = arith.constant 0 : i32
    return %c0_i32, %c0_i32_0 : i32, i32
  }
  func.func @transform_3(%arg0: i32) -> (i32, i32) {
    %c0_i32 = arith.constant 0 : i32
    %c0_i32_0 = arith.constant 0 : i32
    %c0_i32_1 = arith.constant 0 : i32
    return %c0_i32, %c0_i32_0 : i32, i32
  }
  func.func @transform_4(%arg0: i32) -> (i32, i32) {
    %c0_i32 = arith.constant 0 : i32
    %c0_i32_0 = arith.constant 0 : i32
    return %arg0, %c0_i32 : i32, i32
  }
}

</mosaic_0001>

<sc_bundles>
// kernel: kernel.5.cloned.1.call-start
scs
__scs_entry_jumppad:
0x0: {  	(pc) =	sbr.rel $0x88, $3  }
0x1: {  	(tag) =	ssettag $0x0;
	lr =	simm.s32 $0x1  }
0x2: {  	[smem:$0x3F9A] =	sst lr;
	_ =	strace $0xD0000000  }
0x3: {  	_ = 	snop  }
0x4: {  	_ = 	snop  }
0x5: {  	_ = 	snop  }
0x6: {  	_ = 	snop  }
0x7: {  	_ = 	snop  }
__scs_overlays_trampoline_lowered:
0x8: {  	[smem:$0x3FA9] =	sst s0  }
0x9: {  	[smem:$0x3FAA] =	sst s1  }
0xa: {  	[smem:$0x3FAB] =	sst s2  }
0xb: {  	[smem:$0x3FAC] =	sst s3  }
0xc: {  	[smem:$0x3FAD] =	sst s4  }
0xd: {  	[smem:$0x3FAE] =	sst s5  }
0xe: {  	[smem:$0x3FAF] =	sst s6  }
0xf: {  	[smem:$0x3FB0] =	sst s7  }
0x10: {  	[smem:$0x3FB1] =	sst s8  }
0x11: {  	[smem:$0x3FB2] =	sst s9;
	s0 =	simm.s32 @!p0 $0x0  }
0x12: {  	s1 =	sld [smem:$0x3F98];
	s0 =	simm.s32 @p0 $0x1  }
0x13: {  	[smem:$0x3FB3] =	sst s0;
	s0 =	simm.s32 @!p1 $0x0  }
0x14: {  	s2 =	sld [smem:$0x3F97];
	s0 =	simm.s32 @p1 $0x1  }
0x15: {  	[smem:$0x3FB4] =	sst s0;
	s0 =	simm.s32 @!p2 $0x0  }
0x16: {  	s3 =	sld [smem:$0x3FDB];
	s0 =	simm.s32 @p2 $0x1  }
0x17: {  	s4 =	simm.s32 $0x1BF5;
	[smem:$0x3FB6] =	sst s0  }
0x18: {  	s0 =	sld [smem:$0x3F99];
	_ =	swait.ge [sflag:s4], $0x0  }
0x19: {  	s7 =	sld [smem:$0x3F9A]  }
0x1a: {  	s8 =	sadd.s32 $0xFFFFE003, lr  }
0x1b: {  	s9 =	sadd.s32 $0xFFFFFEF7, lr;
	s5 =	simm.s32 $0xFFFFFFFF;
	p2 =	slt.u32 s8, $0xFFFFF086  }
0x1c: {  	p1 =	slt.u32 s9, $0xF7A;
	s5 =	simm.s32 @!p2 $0x0  }
0x1d: {  	s5 =	simm.s32 @p1 $0x1;
	p0 =	seq.s32 s7, s2  }
0x1e: {  	s7 =	smul.u32 @!p0 $0xF7A, s2;
	p2 =	seq.s32 @!p0 s5, $0x0  }
0x1f: {  	s9 =	smul.u32 $0xF7A, s1;
	s8 =	simm.s32 @!p0 $0x1BF5;
	p2 =	por !p2, p0  }
0x20: {  	[sflag:s8] =	ssyncset.s32 @!p0 $0xFFFFF086;
	s6 =	sadd.s32 @!p0 s3, s7;
	s7 =	simm.s32 @!p0 $0x108  }
0x21: {  	s3 =	sadd.s32 s3, s9;
	s6 =	sadd.s32 @!p0 $0x88, s6;
	s7 =	simm.s32 @p2 $0x1082  }
0x22: {  	[simem:s7], [sflag:s8] =	dma.local @!p0 [hbm:s6], $0xF7A  }
0x23: {  	s9 =	sor.u32 $0xD0000000, s2;
	s6 =	simm.s32 $0x108;
	_ =	swait.ge @!p0 [sflag:s8], $0x0  }
0x24: {  	s3 =	sadd.s32 $0x88, s3;
	s6 =	simm.s32 @!p1 $0x1082;
	[sflag:s4] =	ssyncset.s32 $0xFFFFF086  }
0x25: {  	[simem:s6], [sflag:s4] =	dma.local [hbm:s3], $0xF7A  }
0x26: {  	[smem:$0x3F9A] =	sst s1;
	(tag) =	ssettag s2;
	_ =	strace s9  }
0x27: {  	s1 =	sld [smem:$0x3FAA]  }
0x28: {  	s2 =	sld [smem:$0x3FAB]  }
0x29: {  	s4 =	sld [smem:$0x3FAD]  }
0x2a: {  	p0 =	seq.s32 s5, $0x0;
	s5 =	sld [smem:$0x3FAE]  }
0x2b: {  	s6 =	sld [smem:$0x3FAF]  }
0x2c: {  	s7 =	sld [smem:$0x3FB0]  }
0x2d: {  	s3 =	simm.s32 $0x108;
	s8 =	sld [smem:$0x3FB1]  }
0x2e: {  	s3 =	simm.s32 @!p0 $0x1082;
	s9 =	sld [smem:$0x3FB2]  }
0x2f: {  	lr =	sadd.s32 s0, s3;
	s0 =	sld [smem:$0x3FA9]  }
0x30: {  	s3 =	sld [smem:$0x3FAC]  }
0x31: {  	[smem:$0x3FB5] =	sst s10  }
0x32: {  	s10 =	sld [smem:$0x3FB3];
	_ =	sdelay $0x3  }
0x33: {  	p0 =	seq.s32 s10, $0x1;
	s10 =	sld [smem:$0x3FB5];
	_ =	sdelay $0x3  }
0x34: {  	[smem:$0x3FB5] =	sst s10  }
0x35: {  	s10 =	sld [smem:$0x3FB4];
	_ =	sdelay $0x3  }
0x36: {  	p1 =	seq.s32 s10, $0x1;
	s10 =	sld [smem:$0x3FB5];
	_ =	sdelay $0x3  }
0x37: {  	[smem:$0x3FB5] =	sst s10  }
0x38: {  	s10 =	sld [smem:$0x3FB6]  }
0x39: {  	_ = 	snop;
	(pc) =	sbr.ind lr, $3  }
0x3a: {  	_ = 	snop  }
0x3b: {  	_ = 	snop  }
0x3c: {  	p2 =	seq.s32 s10, $0x1;
	s10 =	sld [smem:$0x3FB5]  }
0x3d: {  	_ =	shalt  }
0x3e: {  	_ =	shalt  }
0x3f: {  	_ =	shalt  }
0x40: {  	_ =	shalt  }
0x41: {  	_ =	shalt  }
0x42: {  	_ =	shalt  }
0x43: {  	_ =	shalt  }
0x44: {  	_ =	shalt  }
0x45: {  	_ =	shalt  }
0x46: {  	_ =	shalt  }
0x47: {  	_ =	shalt  }
0x48: {  	_ =	shalt  }
0x49: {  	_ =	shalt  }
0x4a: {  	_ =	shalt  }
0x4b: {  	_ =	shalt  }
0x4c: {  	_ =	shalt  }
0x4d: {  	_ =	shalt  }
0x4e: {  	_ =	shalt  }
0x4f: {  	_ =	shalt  }
0x50: {  	_ =	shalt  }
0x51: {  	_ =	shalt  }
0x52: {  	_ =	shalt  }
0x53: {  	_ =	shalt  }
0x54: {  	_ =	shalt  }
0x55: {  	_ =	shalt  }
0x56: {  	_ =	shalt  }
0x57: {  	_ =	shalt  }
0x58: {  	_ =	shalt  }
0x59: {  	_ =	shalt  }
0x5a: {  	_ =	shalt  }
0x5b: {  	_ =	shalt  }
0x5c: {  	_ =	shalt  }
0x5d: {  	_ =	shalt  }
0x5e: {  	_ =	shalt  }
0x5f: {  	_ =	shalt  }
0x60: {  	_ =	shalt  }
0x61: {  	_ =	shalt  }
0x62: {  	_ =	shalt  }
0x63: {  	_ =	shalt  }
0x64: {  	_ =	shalt  }
0x65: {  	_ =	shalt  }
0x66: {  	_ =	shalt  }
0x67: {  	_ =	shalt  }
0x68: {  	_ =	shalt  }
0x69: {  	_ =	shalt  }
0x6a: {  	_ =	shalt  }
0x6b: {  	_ =	shalt  }
0x6c: {  	_ =	shalt  }
0x6d: {  	_ =	shalt  }
0x6e: {  	_ =	shalt  }
0x6f: {  	_ =	shalt  }
0x70: {  	_ =	shalt  }
0x71: {  	_ =	shalt  }
0x72: {  	_ =	shalt  }
0x73: {  	_ =	shalt  }
0x74: {  	_ =	shalt  }
0x75: {  	_ =	shalt  }
0x76: {  	_ =	shalt  }
0x77: {  	_ =	shalt  }
0x78: {  	_ =	shalt  }
0x79: {  	_ =	shalt  }
0x7a: {  	_ =	shalt  }
0x7b: {  	_ =	shalt  }
0x7c: {  	_ =	shalt  }
0x7d: {  	_ =	shalt  }
0x7e: {  	_ =	shalt  }
0x7f: {  	_ =	shalt  }
0x80: {  	_ =	shalt  }
0x81: {  	_ =	shalt  }
0x82: {  	_ =	shalt  }
0x83: {  	_ =	shalt  }
0x84: {  	_ =	shalt  }
0x85: {  	_ =	shalt  }
0x86: {  	_ =	shalt  }
0x87: {  	_ =	shalt  }
.Lfunc_end0:
.L_simem_size_0:
called_computation.2_lowered:
.L_overlay_start_0:
0x88: {  	s2 =	sld [smem:$0x3FD9]  }
0x89: {  	s3 =	sld [smem:$0x3FFE];
	_ =	sdelay $0x1  }
0x8a: {  	s1 =	srdreg.scid  }
0x8b: {  	s0 =	sand.u32 $0x1, s1  }
0x8c: {  	s17 =	sshll.u32 s0, $0xA;
	s2 =	sadd.s32 s3, s2  }
0x8d: {  	s2 =	sadd.s32 s2, s17  }
0x8e: {  	[smem:$0x3FC1] =	sst s2  }
0x8f: {  	_ = 	snop  }
0x90: {  	s2 =	sld [smem:$0x3FD0];
	(tm) =	ssettm $0x1  }
0x91: {  	s18 =	sld [smem:$0x3FFB];
	_ =	sdelay $0x3  }
0x92: {  	_ =	strace s18  }
0x93: {  	s3 =	sld [smem:$0x3FFC];
	_ =	sdelay $0x3  }
0x94: {  	_ =	strace s3  }
0x95: {  	s3 =	sld [smem:$0x3FFD];
	_ =	sdelay $0x3  }
0x96: {  	_ =	strace s3  }
0x97: {  	_ =	strace $0x8FFFFFFF  }
0x98: {  	s19 =	sld [smem:$0x3FDB];
	_ =	sdelay $0x1  }
0x99: {  	s4 =	simm.s32 $_scs_section_size  }
0x9a: {  	s5 =	simm.s32 $_size__tile_overlayer_lowered;
	s6 =	simm.s32 $_tile_overlayer_lowered  }
0x9b: {  	s22 =	simm.s32 $0x1BFF;
	s21 =	sshll.u32 s6, $0x1;
	s3 =	sadd.s32 s4, s19  }
0x9c: {  	s7 =	simm.s32 $0x0;
	s20 =	sshll.u32 s5, $0x1;
	s5 =	sadd.s32 s21, s3  }
0x9d: {  	[timem:s7], [sflag:s22] =	dma.local [hbm:s5], s20  }
0x9e: {  	_ =	swait.ge [sflag:s22], s20  }
0x9f: {  	s4 =	ssub.s32 $0x0, s20;
	[sflag:s22] =	ssyncset.done $0x0  }
0xa0: {  	[sflag:s22] =	ssyncadd.s32 s4;
	_ =	sdelay $0x1  }
0xa1: {  	s23 =	simm.s32 $0x1B8B  }
0xa2: {  	_ =	swait.ge [sflag:s23], $0x1  }
0xa3: {  	[sflag:s23] =	ssyncset.done $0x0  }
0xa4: {  	s25 =	simm.s32 $0x1B8E;
	s24 =	sld [smem:$0x3FFE];
	[sflag:s23] =	ssyncadd.s32 $0xFFFFFFFF  }
0xa5: {  	s26 =	simm.s32 $execute0_lowered;
	[smem:$0x3FD2] =	sst s25  }
0xa6: {  	s5 =	sshll.u32 s26, $0x1;
	_ =	strace $0x80000046;
	[dreg:$0x1] =	wrdreg $0xFFFFFFFF  }
0xa7: {  	s28 =	simm.s32 $_size_execute0_lowered;
	s3 =	sadd.s32 s3, s5;
	[dreg:$0x0] =	wrdreg $0x0  }
0xa8: {  	s5 =	sshll.u32 s28, $0x1;
	[dreg:$0x2] =	wrdreg s3  }
0xa9: {  	[dreg:$0x3] =	wrdreg s5  }
0xaa: {  	[dreg:$0x4] =	wrdreg $0xC0  }
0xab: {  	_ =	task [dreg:s7], $0x5FFFF  }
0xac: {  	[dreg:$0x1] =	wrdreg $0xFFFFFFFF  }
0xad: {  	[dreg:$0x0] =	wrdreg $0x60  }
0xae: {  	[dreg:$0x2] =	wrdreg s2  }
0xaf: {  	[dreg:$0x3] =	wrdreg s24  }
0xb0: {  	[dreg:$0x4] =	wrdreg $0x9  }
0xb1: {  	_ =	task.clear_ibuf [dreg:s7], $0x5FFFF;
	_ =	strace $0x90000046  }
0xb2: {  	s29 =	simm.s32 $0x9;
	_ =	strace $0x80000048  }
0xb3: {  	_ =	swait.ge [sflag:s29], $0x1  }
0xb4: {  	[sflag:s29] =	ssyncadd.s32 $0xFFFFFFFF  }
0xb5: {  	_ =	strace $0x90000048  }
0xb6: {  	_ =	sfence  }
0xb7: {  	s30 =	sld [smem:$0x0];
	_ =	sdelay $0x2  }
0xb8: {  	s31 =	sshll.u32 s1, $0xD;
	s1 =	sshrl.u32 s1, $0x2  }
0xb9: {  	s3 =	sand.u32 $0x4000, s31;
	s1 =	sadd.s32 s1, s30  }
0xba: {  	s0 =	sor.u32 s3, s0;
	s1 =	sshll.u32 s1, $0x11  }
0xbb: {  	s0 =	sor.u32 s1, s0  }
0xbc: {  	s0 =	sadd.s32 $0x8F2B, s0  }
0xbd: {  	[sflag:s0] =	ssyncadd.remote.s32 $0x1  }
0xbe: {  	_ =	sfence.sel $0xFFFF  }
0xbf: {  	[dreg:$0x0] =	wrdreg $0xFFFFFFFF;
	(pc) =	sbr.abs _section_cstart, $3  }
0xc0: {  	[dreg:$0x1] =	wrdreg $0xFFFFFFFF  }
0xc1: {  	_ =	task.clear_ibuf [dreg:s7], $0x2FFFF;
	_ =	strace $0x9FFFFFFF  }
0xc2: {  	(tm) =	ssettm $0x7FFFFFFF  }
0xc3: {  	_ =	shalt  }
tec
execute0_lowered:
.L_overlay_start_1:
0x0: {  	(tag) =	ssettag $0x1  }
0x1: {  	s2 =	rddreg [dreg:$0x0]  }
0x2: {  	s1 =	srdreg.scid;
	s0 =	stileid.u32  }
0x3: {  	s4 =	rddreg [dreg:$0x1];
	s3 =	simm.s32 $0x0;
	s11 =	simm.s32 $0x5  }
0x4: {  	s12 =	simm.s32 $0x2780;
	s13 =	simm.s32 $0x50;
	s14 =	simm.s32 $0x4F00  }
0x5: {  	s15 =	simm.s32 $0x9F00;
	s16 =	simm.s32 $0x7700;
	s17 =	simm.s32 $0x27D0  }
0x6: {  	s18 =	simm.s32 $0xC700;
	s19 =	simm.s32 $0x1;
	s20 =	simm.s32 $0xEF00  }
0x7: {  	s21 =	simm.s32 $0x2;
	s22 =	simm.s32 $0x11700;
	s23 =	simm.s32 $0x3  }
0x8: {  	s24 =	simm.s32 $0x4;
	s5 =	sand.u32 $0x1, s1;
	s6 =	sshll.u32 s0, $0x1  }
0x9: {  	s25 =	simm.s32 $0x0;
	s1 =	rddreg [dreg:$0x2];
	s6 =	sor.u32 s5, s6  }
0xa: {  	[smem:$0x7FF] =	sst s3;
	s5 =	ssub.s32 $0x2, s5;
	s7 =	smul.u32 $0x2780, s6  }
0xb: {  	_ =	strace $0x80000047;
	s8 =	smul.u32 $0x138800, s6;
	s9 =	sshrl.u32 s5, $0x1  }
0xc: {  	s10 =	ssub.s32 s5, s9;
	s5 =	smul.u32 $0x2710, s6;
	s7 =	sshrl.u32 s7, $0x3  }
0xd: {  	s8 =	sshrl.u32 s8, $0x3;
	s7 =	sadd.s32 s7, s4;
	s4 =	sadd.s32 $0x15A00, s4  }
0xe: {  	s10 =	smax.u32 s10, $0x1;
	s6 =	sadd.s32 $0x1E00, s7;
	s31 =	sadd.s32 s4, s8  }
0xf: {  	s7 =	sadd.s32 $0xBC00, s7;
	s8 =	sadd.s32 $0x50, s5;
	s9 =	sadd.s32 $0x26C00, s31  }
.LBB2_1:
0x10: {  	[tilespmem:s3], [sflag:$0x5] =	stream.linear.gather [hbm4b:s6+s3], $0x2780, $0x38;
	[tilespmem:$0x13F00] =	vst v63  }
0x11: {  	_ =	swait.ge [sflag:s11], $0x2780  }
0x12: {  	[sflag:s11] =	ssyncset.done $0x0  }
0x13: {  	[sflag:s11] =	ssyncadd.s32 $0xFFFFD880  }
0x14: {  	[tilespmem:s12], [sflag:$0x5] =	stream.linear.gather [hbm4b:s7+s3], $0x2780, $0x38;
	[tilespmem:$0x13F00] =	vst v63  }
0x15: {  	_ =	swait.ge [sflag:s11], $0x2780  }
0x16: {  	[sflag:s11] =	ssyncset.done $0x0  }
0x17: {  	[sflag:s11] =	ssyncadd.s32 $0xFFFFD880  }
0x18: {  	[tilespmem:s14], [sflag:$0x1] =	stream.indirect.gather [hbm4b:s2+s13], $0x80, s3, s13, $0xb8;
	[tilespmem:$0x13F00] =	vst v63  }
0x19: {  	_ = 	snop  }
0x1a: {  	[tilespmem:s15], [sflag:$0x1] =	stream.indirect.gather [hbm4b:s2+s13], $0x80, s12, s13, $0xb8;
	[tilespmem:$0x13F00] =	vst v63  }
0x1b: {  	_ = 	snop  }
0x1c: {  	[tilespmem:s16], [sflag:$0x2] =	stream.indirect.gather [hbm4b:s2+s13], $0x80, s13, s13, $0xb8;
	[tilespmem:$0x13F00] =	vst v63  }
0x1d: {  	s26 =	simm.s32 $0x0  }
0x1e: {  	[tilespmem:s18], [sflag:$0x2] =	stream.indirect.gather [hbm4b:s2+s13], $0x80, s17, s13, $0xb8;
	[tilespmem:$0x13F00] =	vst v63  }
.LBB2_2:
0x1f: {  	_ =	swait.ge [sflag:s19], $0x2800  }
0x20: {  	[sflag:s19] =	ssyncset.done $0x0  }
0x21: {  	[sflag:s19] =	ssyncadd.s32 $0xFFFFD800  }
0x22: {  	_ =	swait.ge [sflag:s19], $0x2800  }
0x23: {  	p0 =	seq.s32 s26, $0x0;
	[sflag:s19] =	ssyncset.done $0x0  }
0x24: {  	s28 =	simm.s32 @!p0 $0x3;
	[sflag:s19] =	ssyncadd.s32 $0xFFFFD800  }
0x25: {  	_ =	swait.ge @!p0 [sflag:s28], $0x2800  }
0x26: {  	[sflag:s28] =	ssyncset.done @!p0 $0x0  }
0x27: {  	[sflag:s28] =	ssyncadd.s32 @!p0 $0xFFFFD800;
	s28 =	simm.s32 $0x0  }
0x28: {  	v0 =	vld [tilespmem:s28+$0x50E0]  }
0x29: {  	v1 =	vld [tilespmem:s28+$0xA0E0]  }
0x2a: {  	v2 =	vld [tilespmem:s28+$0x50F0]  }
0x2b: {  	v3 =	vld [tilespmem:s28+$0xA0F0]  }
0x2c: {  	v4 =	vld [tilespmem:s28+$0x4F00]  }
0x2d: {  	v5 =	vld [tilespmem:s28+$0x9F00]  }
0x2e: {  	v6 =	vld [tilespmem:s28+$0x4F10]  }
0x2f: {  	v7 =	vld [tilespmem:s28+$0x9F10]  }
0x30: {  	v8 =	vld [tilespmem:s28+$0x4F20]  }
0x31: {  	v0 =	vadd.f32 v1, v0;
	v1 =	vadd.f32 v3, v2;
	v2 =	vld [tilespmem:s28+$0x9F20]  }
0x32: {  	v3 =	vld [tilespmem:s28+$0x4F30]  }
0x33: {  	v0 =	vpack.i.f32.bf16 v1, v0;
	v1 =	vld [tilespmem:s28+$0x9F30]  }
0x34: {  	[tilespmem:s28+$0xF0B0] =	vst v0;
	v0 =	vadd.f32 v5, v4;
	v4 =	vadd.f32 v7, v6;
	v5 =	vld [tilespmem:s28+$0x4F40]  }
0x35: {  	v6 =	vld [tilespmem:s28+$0x9F40]  }
0x36: {  	v0 =	vpack.i.f32.bf16 v4, v0;
	v4 =	vld [tilespmem:s28+$0x4F50]  }
0x37: {  	[tilespmem:s28+$0xEF00] =	vst v0;
	v0 =	vld [tilespmem:s28+$0x9F50]  }
0x38: {  	v7 =	vld [tilespmem:s28+$0x9F60];
	v2 =	vadd.f32 v2, v8;
	v1 =	vadd.f32 v1, v3  }
0x39: {  	v3 =	vld [tilespmem:s28+$0x4F60]  }
0x3a: {  	v1 =	vpack.i.f32.bf16 v1, v2;
	v2 =	vld [tilespmem:s28+$0x4F70]  }
0x3b: {  	[tilespmem:s28+$0xEF10] =	vst v1;
	v1 =	vld [tilespmem:s28+$0x9F70]  }
0x3c: {  	v5 =	vadd.f32 v6, v5;
	v6 =	vld [tilespmem:s28+$0x9F80];
	v0 =	vadd.f32 v0, v4  }
0x3d: {  	v4 =	vld [tilespmem:s28+$0x4F80]  }
0x3e: {  	v0 =	vpack.i.f32.bf16 v0, v5;
	v5 =	vld [tilespmem:s28+$0x4F90]  }
0x3f: {  	[tilespmem:s28+$0xEF20] =	vst v0;
	v0 =	vld [tilespmem:s28+$0x9F90]  }
0x40: {  	v3 =	vadd.f32 v7, v3;
	v7 =	vld [tilespmem:s28+$0x9FA0];
	v1 =	vadd.f32 v1, v2  }
0x41: {  	v2 =	vld [tilespmem:s28+$0x4FA0]  }
0x42: {  	v1 =	vpack.i.f32.bf16 v1, v3;
	v3 =	vld [tilespmem:s28+$0x4FB0]  }
0x43: {  	[tilespmem:s28+$0xEF30] =	vst v1;
	v1 =	vld [tilespmem:s28+$0x9FB0]  }
0x44: {  	v4 =	vadd.f32 v6, v4;
	v6 =	vld [tilespmem:s28+$0x9FC0];
	v0 =	vadd.f32 v0, v5  }
0x45: {  	v5 =	vld [tilespmem:s28+$0x4FC0]  }
0x46: {  	v0 =	vpack.i.f32.bf16 v0, v4;
	v4 =	vld [tilespmem:s28+$0x4FD0]  }
0x47: {  	[tilespmem:s28+$0xEF80] =	vst v0;
	v0 =	vld [tilespmem:s28+$0x9FD0]  }
0x48: {  	v2 =	vadd.f32 v7, v2;
	v7 =	vld [tilespmem:s28+$0x9FE0];
	v1 =	vadd.f32 v1, v3  }
0x49: {  	v3 =	vld [tilespmem:s28+$0x4FE0]  }
0x4a: {  	v1 =	vpack.i.f32.bf16 v1, v2;
	v2 =	vld [tilespmem:s28+$0x4FF0]  }
0x4b: {  	[tilespmem:s28+$0xEF90] =	vst v1;
	v1 =	vld [tilespmem:s28+$0x9FF0]  }
0x4c: {  	v5 =	vadd.f32 v6, v5;
	v6 =	vld [tilespmem:s28+$0xA000];
	v0 =	vadd.f32 v0, v4  }
0x4d: {  	v4 =	vld [tilespmem:s28+$0x5000]  }
0x4e: {  	v0 =	vpack.i.f32.bf16 v0, v5;
	v5 =	vld [tilespmem:s28+$0x5010]  }
0x4f: {  	[tilespmem:s28+$0xEFA0] =	vst v0;
	v0 =	vld [tilespmem:s28+$0xA010]  }
0x50: {  	v3 =	vadd.f32 v7, v3;
	v7 =	vld [tilespmem:s28+$0xA020];
	v1 =	vadd.f32 v1, v2  }
0x51: {  	v2 =	vld [tilespmem:s28+$0x5020]  }
0x52: {  	v1 =	vpack.i.f32.bf16 v1, v3;
	v3 =	vld [tilespmem:s28+$0x5030]  }
0x53: {  	[tilespmem:s28+$0xEFB0] =	vst v1;
	v1 =	vld [tilespmem:s28+$0xA030]  }
0x54: {  	v4 =	vadd.f32 v6, v4;
	v6 =	vld [tilespmem:s28+$0xA040];
	v0 =	vadd.f32 v0, v5  }
0x55: {  	v5 =	vld [tilespmem:s28+$0x5040]  }
0x56: {  	v0 =	vpack.i.f32.bf16 v0, v4;
	v4 =	vld [tilespmem:s28+$0x5050]  }
0x57: {  	[tilespmem:s28+$0xF000] =	vst v0;
	v0 =	vld [tilespmem:s28+$0xA050]  }
0x58: {  	v2 =	vadd.f32 v7, v2;
	v7 =	vld [tilespmem:s28+$0xA060];
	v1 =	vadd.f32 v1, v3  }
0x59: {  	v3 =	vld [tilespmem:s28+$0x5060]  }
0x5a: {  	v1 =	vpack.i.f32.bf16 v1, v2;
	v2 =	vld [tilespmem:s28+$0x5070]  }
0x5b: {  	[tilespmem:s28+$0xF010] =	vst v1;
	v1 =	vld [tilespmem:s28+$0xA070]  }
0x5c: {  	v5 =	vadd.f32 v6, v5;
	v6 =	vld [tilespmem:s28+$0xA080];
	v0 =	vadd.f32 v0, v4  }
0x5d: {  	v4 =	vld [tilespmem:s28+$0x5080]  }
0x5e: {  	v0 =	vpack.i.f32.bf16 v0, v5;
	v5 =	vld [tilespmem:s28+$0x5090]  }
0x5f: {  	[tilespmem:s28+$0xF020] =	vst v0;
	v0 =	vld [tilespmem:s28+$0xA090]  }
0x60: {  	v8 =	vld [tilespmem:s28+$0x50B0];
	v3 =	vadd.f32 v7, v3;
	v1 =	vadd.f32 v1, v2  }
0x61: {  	v7 =	vld [tilespmem:s28+$0xA0A0]  }
0x62: {  	v2 =	vld [tilespmem:s28+$0x50A0];
	v1 =	vpack.i.f32.bf16 v1, v3  }
0x63: {  	[tilespmem:s28+$0xF030] =	vst v1;
	v1 =	vld [tilespmem:s28+$0xA0B0]  }
0x64: {  	v9 =	vld [tilespmem:s28+$0xA0C0];
	v3 =	vadd.f32 v6, v4;
	v0 =	vadd.f32 v0, v5  }
0x65: {  	v5 =	vld [tilespmem:s28+$0x50C0]  }
0x66: {  	v4 =	vld [tilespmem:s28+$0xA0D0];
	v0 =	vpack.i.f32.bf16 v0, v3  }
0x67: {  	s30 =	simm.s32 $0x200;
	v3 =	vld [tilespmem:s28+$0x50D0];
	[tilespmem:s28+$0xF080] =	vst v0  }
0x68: {  	v6 =	vadd.f32 v7, v2;
	v0 =	vld [tilespmem:s30+$0x50E0];
	v7 =	vadd.f32 v1, v8  }
0x69: {  	v1 =	vld [tilespmem:s30+$0xA0E0]  }
0x6a: {  	s29 =	simm.s32 $0x1000;
	v2 =	vld [tilespmem:s30+$0x50F0];
	v5 =	vadd.f32 v9, v5;
	v6 =	vpack.i.f32.bf16 v7, v6  }
.LBB2_3:
0x6b: {  	p1 =	sne.s32 s29, $0x9800;
	v7 =	vld [tilespmem:s30+$0xA0F0];
	[tilespmem:s28+$0xF090] =	vst v6  }
0x6c: {  	v6 =	vld [tilespmem:s30+$0x4F00];
	v3 =	vadd.f32 v4, v3  }
0x6d: {  	v4 =	vld [tilespmem:s30+$0x9F00]  }
0x6e: {  	v8 =	vld [tilespmem:s30+$0x4F10];
	v3 =	vpack.i.f32.bf16 v3, v5  }
0x6f: {  	v5 =	vld [tilespmem:s30+$0x9F10];
	[tilespmem:s28+$0xF0A0] =	vst v3;
	s28 =	smov.u32 s30  }
0x70: {  	v0 =	vadd.f32 v1, v0;
	v3 =	vld [tilespmem:s28+$0x4F20];
	v1 =	vadd.f32 v7, v2  }
0x71: {  	v2 =	vld [tilespmem:s28+$0x9F20]  }
0x72: {  	v4 =	vadd.f32 v4, v6;
	v6 =	vld [tilespmem:s28+$0x4F30];
	v0 =	vpack.i.f32.bf16 v1, v0  }
0x73: {  	v1 =	vld [tilespmem:s28+$0x9F30];
	[tilespmem:s28+$0xF0B0] =	vst v0  }
0x74: {  	v0 =	vadd.f32 v5, v8;
	v5 =	vld [tilespmem:s28+$0x4F40]  }
0x75: {  	v7 =	vld [tilespmem:s28+$0x9F40]  }
0x76: {  	v0 =	vpack.i.f32.bf16 v0, v4;
	v2 =	vadd.f32 v2, v3;
	v3 =	vld [tilespmem:s28+$0x4F50]  }
0x77: {  	[tilespmem:s28+$0xEF00] =	vst v0;
	v0 =	vld [tilespmem:s28+$0x9F50]  }
0x78: {  	v1 =	vadd.f32 v1, v6;
	v4 =	vld [tilespmem:s28+$0x4F60]  }
0x79: {  	v6 =	vld [tilespmem:s28+$0x9F60]  }
0x7a: {  	v1 =	vpack.i.f32.bf16 v1, v2;
	v2 =	vadd.f32 v7, v5;
	v5 =	vld [tilespmem:s28+$0x4F70]  }
0x7b: {  	[tilespmem:s28+$0xEF10] =	vst v1;
	v1 =	vld [tilespmem:s28+$0x9F70]  }
0x7c: {  	v0 =	vadd.f32 v0, v3;
	v3 =	vld [tilespmem:s28+$0x4F80]  }
0x7d: {  	v7 =	vld [tilespmem:s28+$0x9F80]  }
0x7e: {  	v0 =	vpack.i.f32.bf16 v0, v2;
	v2 =	vadd.f32 v6, v4;
	v4 =	vld [tilespmem:s28+$0x4F90]  }
0x7f: {  	[tilespmem:s28+$0xEF20] =	vst v0;
	v0 =	vld [tilespmem:s28+$0x9F90]  }
0x80: {  	v1 =	vadd.f32 v1, v5;
	v5 =	vld [tilespmem:s28+$0x4FA0]  }
0x81: {  	v6 =	vld [tilespmem:s28+$0x9FA0]  }
0x82: {  	v1 =	vpack.i.f32.bf16 v1, v2;
	v2 =	vadd.f32 v7, v3;
	v3 =	vld [tilespmem:s28+$0x4FB0]  }
0x83: {  	[tilespmem:s28+$0xEF30] =	vst v1;
	v1 =	vld [tilespmem:s28+$0x9FB0]  }
0x84: {  	v0 =	vadd.f32 v0, v4;
	v4 =	vld [tilespmem:s28+$0x4FC0]  }
0x85: {  	v7 =	vld [tilespmem:s28+$0x9FC0]  }
0x86: {  	v0 =	vpack.i.f32.bf16 v0, v2;
	v2 =	vadd.f32 v6, v5;
	v5 =	vld [tilespmem:s28+$0x4FD0]  }
0x87: {  	[tilespmem:s28+$0xEF80] =	vst v0;
	v0 =	vld [tilespmem:s28+$0x9FD0]  }
0x88: {  	v1 =	vadd.f32 v1, v3;
	v3 =	vld [tilespmem:s28+$0x4FE0]  }
0x89: {  	v6 =	vld [tilespmem:s28+$0x9FE0]  }
0x8a: {  	v1 =	vpack.i.f32.bf16 v1, v2;
	v2 =	vadd.f32 v7, v4;
	v4 =	vld [tilespmem:s28+$0x4FF0]  }
0x8b: {  	[tilespmem:s28+$0xEF90] =	vst v1;
	v1 =	vld [tilespmem:s28+$0x9FF0]  }
0x8c: {  	v0 =	vadd.f32 v0, v5;
	v5 =	vld [tilespmem:s28+$0x5000]  }
0x8d: {  	v7 =	vld [tilespmem:s28+$0xA000]  }
0x8e: {  	v0 =	vpack.i.f32.bf16 v0, v2;
	v2 =	vadd.f32 v6, v3;
	v3 =	vld [tilespmem:s28+$0x5010]  }
0x8f: {  	[tilespmem:s28+$0xEFA0] =	vst v0;
	v0 =	vld [tilespmem:s28+$0xA010]  }
0x90: {  	v1 =	vadd.f32 v1, v4;
	v4 =	vld [tilespmem:s28+$0x5020]  }
0x91: {  	v6 =	vld [tilespmem:s28+$0xA020]  }
0x92: {  	v1 =	vpack.i.f32.bf16 v1, v2;
	v2 =	vadd.f32 v7, v5;
	v5 =	vld [tilespmem:s28+$0x5030]  }
0x93: {  	[tilespmem:s28+$0xEFB0] =	vst v1;
	v1 =	vld [tilespmem:s28+$0xA030]  }
0x94: {  	v0 =	vadd.f32 v0, v3;
	v3 =	vld [tilespmem:s28+$0x5040]  }
0x95: {  	v7 =	vld [tilespmem:s28+$0xA040]  }
0x96: {  	v0 =	vpack.i.f32.bf16 v0, v2;
	v2 =	vadd.f32 v6, v4;
	v4 =	vld [tilespmem:s28+$0x5050]  }
0x97: {  	[tilespmem:s28+$0xF000] =	vst v0;
	v0 =	vld [tilespmem:s28+$0xA050]  }
0x98: {  	v1 =	vadd.f32 v1, v5;
	v5 =	vld [tilespmem:s28+$0x5060]  }
0x99: {  	v6 =	vld [tilespmem:s28+$0xA060]  }
0x9a: {  	v1 =	vpack.i.f32.bf16 v1, v2;
	v2 =	vadd.f32 v7, v3;
	v3 =	vld [tilespmem:s28+$0x5070]  }
0x9b: {  	[tilespmem:s28+$0xF010] =	vst v1;
	v1 =	vld [tilespmem:s28+$0xA070]  }
0x9c: {  	v0 =	vadd.f32 v0, v4;
	v4 =	vld [tilespmem:s28+$0x5080]  }
0x9d: {  	v7 =	vld [tilespmem:s28+$0xA080]  }
0x9e: {  	v0 =	vpack.i.f32.bf16 v0, v2;
	v2 =	vadd.f32 v6, v5;
	v5 =	vld [tilespmem:s28+$0x5090]  }
0x9f: {  	[tilespmem:s28+$0xF020] =	vst v0;
	v0 =	vld [tilespmem:s28+$0xA090]  }
0xa0: {  	v1 =	vadd.f32 v1, v3;
	v3 =	vld [tilespmem:s28+$0x50A0]  }
0xa1: {  	v6 =	vld [tilespmem:s28+$0xA0A0]  }
0xa2: {  	v1 =	vpack.i.f32.bf16 v1, v2;
	v2 =	vadd.f32 v7, v4;
	v7 =	vld [tilespmem:s28+$0x50B0]  }
0xa3: {  	[tilespmem:s28+$0xF030] =	vst v1;
	v1 =	vld [tilespmem:s28+$0xA0B0]  }
0xa4: {  	v0 =	vadd.f32 v0, v5;
	v5 =	vld [tilespmem:s28+$0x50C0]  }
0xa5: {  	v8 =	vld [tilespmem:s28+$0xA0C0]  }
.Ltmp0:
0xa6: {  	v0 =	vpack.i.f32.bf16 v0, v2;
	v6 =	vadd.f32 v6, v3;
	v3 =	vld [tilespmem:s28+$0x50D0];
	(pc) =	sbr.rel @p1 .LBB2_3-.Ltmp0, $4  }
0xa7: {  	s30 =	sshra.s32 s29, $0x2;
	[tilespmem:s28+$0xF080] =	vst v0;
	v4 =	vld [tilespmem:s28+$0xA0D0]  }
0xa8: {  	v0 =	vld [tilespmem:s30+$0x50E0];
	v7 =	vadd.f32 v1, v7  }
0xa9: {  	v1 =	vld [tilespmem:s30+$0xA0E0]  }
0xaa: {  	s29 =	sadd.s32 $0x800, s29;
	v2 =	vld [tilespmem:s30+$0x50F0];
	v6 =	vpack.i.f32.bf16 v7, v6;
	v5 =	vadd.f32 v8, v5  }
0xab: {  	v7 =	vld [tilespmem:s30+$0xA0F0];
	[tilespmem:s28+$0xF090] =	vst v6  }
0xac: {  	v6 =	vld [tilespmem:s30+$0x4F00];
	v3 =	vadd.f32 v4, v3  }
0xad: {  	v4 =	vld [tilespmem:s30+$0x9F00]  }
0xae: {  	v8 =	vld [tilespmem:s30+$0x4F10];
	v3 =	vpack.i.f32.bf16 v3, v5  }
0xaf: {  	v5 =	vld [tilespmem:s30+$0x9F10];
	[tilespmem:s28+$0xF0A0] =	vst v3  }
0xb0: {  	v3 =	vld [tilespmem:s30+$0x4F20]  }
0xb1: {  	v0 =	vadd.f32 v1, v0;
	v1 =	vadd.f32 v7, v2;
	v2 =	vld [tilespmem:s30+$0x9F20]  }
0xb2: {  	v7 =	vld [tilespmem:s30+$0x4F30]  }
0xb3: {  	v0 =	vpack.i.f32.bf16 v1, v0;
	v1 =	vld [tilespmem:s30+$0x9F30]  }
0xb4: {  	[tilespmem:s30+$0xF0B0] =	vst v0;
	v0 =	vadd.f32 v4, v6;
	v4 =	vadd.f32 v5, v8;
	v5 =	vld [tilespmem:s30+$0x4F40]  }
0xb5: {  	v6 =	vld [tilespmem:s30+$0x9F40]  }
0xb6: {  	v0 =	vpack.i.f32.bf16 v4, v0;
	v4 =	vld [tilespmem:s30+$0x4F50]  }
0xb7: {  	[tilespmem:s30+$0xEF00] =	vst v0;
	v0 =	vld [tilespmem:s30+$0x9F50]  }
0xb8: {  	v2 =	vadd.f32 v2, v3;
	v3 =	vld [tilespmem:s30+$0x4F60]  }
0xb9: {  	v1 =	vadd.f32 v1, v7;
	v7 =	vld [tilespmem:s30+$0x9F60]  }
0xba: {  	v5 =	vadd.f32 v6, v5;
	v6 =	vld [tilespmem:s30+$0x9F80]  }
0xbb: {  	v1 =	vpack.i.f32.bf16 v1, v2;
	v2 =	vld [tilespmem:s30+$0x4F70]  }
0xbc: {  	[tilespmem:s30+$0xEF10] =	vst v1;
	v1 =	vld [tilespmem:s30+$0x9F70];
	v0 =	vadd.f32 v0, v4  }
0xbd: {  	v4 =	vld [tilespmem:s30+$0x4F80]  }
0xbe: {  	v0 =	vpack.i.f32.bf16 v0, v5;
	v5 =	vld [tilespmem:s30+$0x4F90]  }
0xbf: {  	[tilespmem:s30+$0xEF20] =	vst v0;
	v0 =	vld [tilespmem:s30+$0x9F90]  }
0xc0: {  	v3 =	vadd.f32 v7, v3;
	v7 =	vld [tilespmem:s30+$0x9FA0]  }
0xc1: {  	v1 =	vadd.f32 v1, v2;
	v2 =	vld [tilespmem:s30+$0x4FA0]  }
0xc2: {  	v4 =	vadd.f32 v6, v4;
	v6 =	vld [tilespmem:s30+$0x9FC0]  }
0xc3: {  	v1 =	vpack.i.f32.bf16 v1, v3;
	v3 =	vld [tilespmem:s30+$0x4FB0]  }
0xc4: {  	[tilespmem:s30+$0xEF30] =	vst v1;
	v1 =	vld [tilespmem:s30+$0x9FB0];
	v0 =	vadd.f32 v0, v5  }
0xc5: {  	v5 =	vld [tilespmem:s30+$0x4FC0]  }
0xc6: {  	v0 =	vpack.i.f32.bf16 v0, v4;
	v4 =	vld [tilespmem:s30+$0x4FD0]  }
0xc7: {  	[tilespmem:s30+$0xEF80] =	vst v0;
	v0 =	vld [tilespmem:s30+$0x9FD0]  }
0xc8: {  	v2 =	vadd.f32 v7, v2;
	v7 =	vld [tilespmem:s30+$0x9FE0]  }
0xc9: {  	v1 =	vadd.f32 v1, v3;
	v3 =	vld [tilespmem:s30+$0x4FE0]  }
0xca: {  	v5 =	vadd.f32 v6, v5;
	v6 =	vld [tilespmem:s30+$0xA000]  }
0xcb: {  	v1 =	vpack.i.f32.bf16 v1, v2;
	v2 =	vld [tilespmem:s30+$0x4FF0]  }
0xcc: {  	[tilespmem:s30+$0xEF90] =	vst v1;
	v1 =	vld [tilespmem:s30+$0x9FF0];
	v0 =	vadd.f32 v0, v4  }
0xcd: {  	v4 =	vld [tilespmem:s30+$0x5000]  }
0xce: {  	v0 =	vpack.i.f32.bf16 v0, v5;
	v5 =	vld [tilespmem:s30+$0x5010]  }
0xcf: {  	[tilespmem:s30+$0xEFA0] =	vst v0;
	v0 =	vld [tilespmem:s30+$0xA010]  }
0xd0: {  	v3 =	vadd.f32 v7, v3;
	v7 =	vld [tilespmem:s30+$0xA020]  }
0xd1: {  	v1 =	vadd.f32 v1, v2;
	v2 =	vld [tilespmem:s30+$0x5020]  }
0xd2: {  	v4 =	vadd.f32 v6, v4;
	v6 =	vld [tilespmem:s30+$0xA040]  }
0xd3: {  	v1 =	vpack.i.f32.bf16 v1, v3;
	v3 =	vld [tilespmem:s30+$0x5030]  }
0xd4: {  	[tilespmem:s30+$0xEFB0] =	vst v1;
	v1 =	vld [tilespmem:s30+$0xA030];
	v0 =	vadd.f32 v0, v5  }
0xd5: {  	v5 =	vld [tilespmem:s30+$0x5040]  }
0xd6: {  	v0 =	vpack.i.f32.bf16 v0, v4;
	v4 =	vld [tilespmem:s30+$0x5050]  }
0xd7: {  	[tilespmem:s30+$0xF000] =	vst v0;
	v0 =	vld [tilespmem:s30+$0xA050]  }
0xd8: {  	v2 =	vadd.f32 v7, v2;
	v7 =	vld [tilespmem:s30+$0xA060]  }
0xd9: {  	v1 =	vadd.f32 v1, v3;
	v3 =	vld [tilespmem:s30+$0x5060]  }
0xda: {  	v5 =	vadd.f32 v6, v5;
	v6 =	vld [tilespmem:s30+$0xA080]  }
0xdb: {  	v1 =	vpack.i.f32.bf16 v1, v2;
	v2 =	vld [tilespmem:s30+$0x5070]  }
0xdc: {  	[tilespmem:s30+$0xF010] =	vst v1;
	v1 =	vld [tilespmem:s30+$0xA070];
	v0 =	vadd.f32 v0, v4  }
0xdd: {  	v4 =	vld [tilespmem:s30+$0x5080]  }
0xde: {  	v0 =	vpack.i.f32.bf16 v0, v5;
	v5 =	vld [tilespmem:s30+$0x5090]  }
0xdf: {  	[tilespmem:s30+$0xF020] =	vst v0;
	v0 =	vld [tilespmem:s30+$0xA090]  }
0xe0: {  	v3 =	vadd.f32 v7, v3;
	v7 =	vld [tilespmem:s30+$0xA0A0]  }
0xe1: {  	v1 =	vadd.f32 v1, v2;
	v2 =	vld [tilespmem:s30+$0x50A0]  }
0xe2: {  	v4 =	vadd.f32 v6, v4;
	v6 =	vld [tilespmem:s30+$0xA0C0]  }
0xe3: {  	v1 =	vpack.i.f32.bf16 v1, v3;
	v3 =	vld [tilespmem:s30+$0x50B0]  }
0xe4: {  	[tilespmem:s30+$0xF030] =	vst v1;
	v1 =	vld [tilespmem:s30+$0xA0B0];
	v0 =	vadd.f32 v0, v5  }
0xe5: {  	v5 =	vld [tilespmem:s30+$0x50C0]  }
0xe6: {  	v0 =	vpack.i.f32.bf16 v0, v4;
	v4 =	vld [tilespmem:s30+$0x50D0]  }
0xe7: {  	[tilespmem:s30+$0xF080] =	vst v0;
	v0 =	vld [tilespmem:s30+$0xA0D0];
	_ =	sdelay $0x3  }
0xe8: {  	s28 =	smul.u32 $0xA0, s26;
	v2 =	vadd.f32 v7, v2;
	v1 =	vadd.f32 v1, v3  }
0xe9: {  	v3 =	vadd.f32 v6, v5;
	v0 =	vadd.f32 v0, v4  }
0xea: {  	s29 =	sadd.s32 s5, s28;
	v1 =	vpack.i.f32.bf16 v1, v2  }
0xeb: {  	s29 =	sshll.u32 s29, $0x4;
	[tilespmem:s30+$0xF090] =	vst v1;
	v0 =	vpack.i.f32.bf16 v0, v3  }
0xec: {  	s29 =	sadd.s32 s4, s29;
	[tilespmem:s30+$0xF0A0] =	vst v0  }
0xed: {  	[hbm4b:s29+s3] =	stream.linear.scatter [tilespmem:s20], [sflag:$0x3], $0x2800, $0x38;
	[tilespmem:$0x13F00] =	vst v63  }
0xee: {  	s29 =	sadd.s32 $0xA0, s28  }
0xef: {  	[tilespmem:s14], [sflag:$0x1] =	stream.indirect.gather [hbm4b:s2+s13], $0x80, s29, s13, $0xb8;
	[tilespmem:$0x13F00] =	vst v63  }
0xf0: {  	s29 =	sadd.s32 $0x2820, s28  }
0xf1: {  	[tilespmem:s15], [sflag:$0x1] =	stream.indirect.gather [hbm4b:s2+s13], $0x80, s29, s13, $0xb8;
	[tilespmem:$0x13F00] =	vst v63  }
0xf2: {  	_ =	swait.ge [sflag:s21], $0x2800  }
0xf3: {  	[sflag:s21] =	ssyncset.done $0x0  }
0xf4: {  	[sflag:s21] =	ssyncadd.s32 $0xFFFFD800  }
0xf5: {  	_ =	swait.ge [sflag:s21], $0x2800  }
0xf6: {  	[sflag:s21] =	ssyncset.done $0x0  }
0xf7: {  	s29 =	simm.s32 @!p0 $0x4;
	[sflag:s21] =	ssyncadd.s32 $0xFFFFD800  }
0xf8: {  	_ =	swait.ge @!p0 [sflag:s29], $0x2800  }
0xf9: {  	[sflag:s29] =	ssyncset.done @!p0 $0x0  }
0xfa: {  	[sflag:s29] =	ssyncadd.s32 @!p0 $0xFFFFD800;
	s29 =	simm.s32 $0x0  }
0xfb: {  	v0 =	vld [tilespmem:s29+$0x78E0]  }
0xfc: {  	v1 =	vld [tilespmem:s29+$0xC8E0]  }
0xfd: {  	v2 =	vld [tilespmem:s29+$0x78F0]  }
0xfe: {  	v3 =	vld [tilespmem:s29+$0xC8F0]  }
0xff: {  	v4 =	vld [tilespmem:s29+$0x7700]  }
0x100: {  	v5 =	vld [tilespmem:s29+$0xC700]  }
0x101: {  	v6 =	vld [tilespmem:s29+$0x7710]  }
0x102: {  	v7 =	vld [tilespmem:s29+$0xC710]  }
0x103: {  	v8 =	vld [tilespmem:s29+$0x7720]  }
0x104: {  	v0 =	vadd.f32 v1, v0;
	v1 =	vadd.f32 v3, v2;
	v2 =	vld [tilespmem:s29+$0xC720]  }
0x105: {  	v3 =	vld [tilespmem:s29+$0x7730]  }
0x106: {  	v0 =	vpack.i.f32.bf16 v1, v0;
	v1 =	vld [tilespmem:s29+$0xC730]  }
0x107: {  	[tilespmem:s29+$0x118B0] =	vst v0;
	v0 =	vadd.f32 v5, v4;
	v4 =	vadd.f32 v7, v6;
	v5 =	vld [tilespmem:s29+$0x7740]  }
0x108: {  	v6 =	vld [tilespmem:s29+$0xC740]  }
0x109: {  	v0 =	vpack.i.f32.bf16 v4, v0;
	v4 =	vld [tilespmem:s29+$0x7750]  }
0x10a: {  	[tilespmem:s29+$0x11700] =	vst v0;
	v0 =	vld [tilespmem:s29+$0xC750]  }
0x10b: {  	v7 =	vld [tilespmem:s29+$0xC760];
	v2 =	vadd.f32 v2, v8;
	v1 =	vadd.f32 v1, v3  }
0x10c: {  	v3 =	vld [tilespmem:s29+$0x7760]  }
0x10d: {  	v1 =	vpack.i.f32.bf16 v1, v2;
	v2 =	vld [tilespmem:s29+$0x7770]  }
0x10e: {  	[tilespmem:s29+$0x11710] =	vst v1;
	v1 =	vld [tilespmem:s29+$0xC770]  }
0x10f: {  	v5 =	vadd.f32 v6, v5;
	v6 =	vld [tilespmem:s29+$0xC780];
	v0 =	vadd.f32 v0, v4  }
0x110: {  	v4 =	vld [tilespmem:s29+$0x7780]  }
0x111: {  	v0 =	vpack.i.f32.bf16 v0, v5;
	v5 =	vld [tilespmem:s29+$0x7790]  }
0x112: {  	[tilespmem:s29+$0x11720] =	vst v0;
	v0 =	vld [tilespmem:s29+$0xC790]  }
0x113: {  	v3 =	vadd.f32 v7, v3;
	v7 =	vld [tilespmem:s29+$0xC7A0];
	v1 =	vadd.f32 v1, v2  }
0x114: {  	v2 =	vld [tilespmem:s29+$0x77A0]  }
0x115: {  	v1 =	vpack.i.f32.bf16 v1, v3;
	v3 =	vld [tilespmem:s29+$0x77B0]  }
0x116: {  	[tilespmem:s29+$0x11730] =	vst v1;
	v1 =	vld [tilespmem:s29+$0xC7B0]  }
0x117: {  	v4 =	vadd.f32 v6, v4;
	v6 =	vld [tilespmem:s29+$0xC7C0];
	v0 =	vadd.f32 v0, v5  }
0x118: {  	v5 =	vld [tilespmem:s29+$0x77C0]  }
0x119: {  	v0 =	vpack.i.f32.bf16 v0, v4;
	v4 =	vld [tilespmem:s29+$0x77D0]  }
0x11a: {  	[tilespmem:s29+$0x11780] =	vst v0;
	v0 =	vld [tilespmem:s29+$0xC7D0]  }
0x11b: {  	v2 =	vadd.f32 v7, v2;
	v7 =	vld [tilespmem:s29+$0xC7E0];
	v1 =	vadd.f32 v1, v3  }
0x11c: {  	v3 =	vld [tilespmem:s29+$0x77E0]  }
0x11d: {  	v1 =	vpack.i.f32.bf16 v1, v2;
	v2 =	vld [tilespmem:s29+$0x77F0]  }
0x11e: {  	[tilespmem:s29+$0x11790] =	vst v1;
	v1 =	vld [tilespmem:s29+$0xC7F0]  }
0x11f: {  	v5 =	vadd.f32 v6, v5;
	v6 =	vld [tilespmem:s29+$0xC800];
	v0 =	vadd.f32 v0, v4  }
0x120: {  	v4 =	vld [tilespmem:s29+$0x7800]  }
0x121: {  	v0 =	vpack.i.f32.bf16 v0, v5;
	v5 =	vld [tilespmem:s29+$0x7810]  }
0x122: {  	[tilespmem:s29+$0x117A0] =	vst v0;
	v0 =	vld [tilespmem:s29+$0xC810]  }
0x123: {  	v3 =	vadd.f32 v7, v3;
	v7 =	vld [tilespmem:s29+$0xC820];
	v1 =	vadd.f32 v1, v2  }
0x124: {  	v2 =	vld [tilespmem:s29+$0x7820]  }
0x125: {  	v1 =	vpack.i.f32.bf16 v1, v3;
	v3 =	vld [tilespmem:s29+$0x7830]  }
0x126: {  	[tilespmem:s29+$0x117B0] =	vst v1;
	v1 =	vld [tilespmem:s29+$0xC830]  }
0x127: {  	v4 =	vadd.f32 v6, v4;
	v6 =	vld [tilespmem:s29+$0xC840];
	v0 =	vadd.f32 v0, v5  }
0x128: {  	v5 =	vld [tilespmem:s29+$0x7840]  }
0x129: {  	v0 =	vpack.i.f32.bf16 v0, v4;
	v4 =	vld [tilespmem:s29+$0x7850]  }
0x12a: {  	[tilespmem:s29+$0x11800] =	vst v0;
	v0 =	vld [tilespmem:s29+$0xC850]  }
0x12b: {  	v2 =	vadd.f32 v7, v2;
	v7 =	vld [tilespmem:s29+$0xC860];
	v1 =	vadd.f32 v1, v3  }
0x12c: {  	v3 =	vld [tilespmem:s29+$0x7860]  }
0x12d: {  	v1 =	vpack.i.f32.bf16 v1, v2;
	v2 =	vld [tilespmem:s29+$0x7870]  }
0x12e: {  	[tilespmem:s29+$0x11810] =	vst v1;
	v1 =	vld [tilespmem:s29+$0xC870]  }
0x12f: {  	v5 =	vadd.f32 v6, v5;
	v6 =	vld [tilespmem:s29+$0xC880];
	v0 =	vadd.f32 v0, v4  }
0x130: {  	v4 =	vld [tilespmem:s29+$0x7880]  }
0x131: {  	v0 =	vpack.i.f32.bf16 v0, v5;
	v5 =	vld [tilespmem:s29+$0x7890]  }
0x132: {  	[tilespmem:s29+$0x11820] =	vst v0;
	v0 =	vld [tilespmem:s29+$0xC890]  }
0x133: {  	v8 =	vld [tilespmem:s29+$0x78B0];
	v3 =	vadd.f32 v7, v3;
	v1 =	vadd.f32 v1, v2  }
0x134: {  	v7 =	vld [tilespmem:s29+$0xC8A0]  }
0x135: {  	v2 =	vld [tilespmem:s29+$0x78A0];
	v1 =	vpack.i.f32.bf16 v1, v3  }
0x136: {  	[tilespmem:s29+$0x11830] =	vst v1;
	v1 =	vld [tilespmem:s29+$0xC8B0]  }
0x137: {  	v9 =	vld [tilespmem:s29+$0xC8C0];
	v3 =	vadd.f32 v6, v4;
	v0 =	vadd.f32 v0, v5  }
0x138: {  	v5 =	vld [tilespmem:s29+$0x78C0]  }
0x139: {  	v4 =	vld [tilespmem:s29+$0xC8D0];
	v0 =	vpack.i.f32.bf16 v0, v3  }
0x13a: {  	s31 =	simm.s32 $0x200;
	v3 =	vld [tilespmem:s29+$0x78D0];
	[tilespmem:s29+$0x11880] =	vst v0  }
0x13b: {  	v6 =	vadd.f32 v7, v2;
	v0 =	vld [tilespmem:s31+$0x78E0];
	v7 =	vadd.f32 v1, v8  }
0x13c: {  	v1 =	vld [tilespmem:s31+$0xC8E0]  }
0x13d: {  	s30 =	simm.s32 $0x1000;
	v2 =	vld [tilespmem:s31+$0x78F0];
	v5 =	vadd.f32 v9, v5;
	v6 =	vpack.i.f32.bf16 v7, v6  }
.LBB2_5:
0x13e: {  	p0 =	sne.s32 s30, $0x9800;
	v7 =	vld [tilespmem:s31+$0xC8F0];
	[tilespmem:s29+$0x11890] =	vst v6  }
0x13f: {  	v6 =	vld [tilespmem:s31+$0x7700];
	v3 =	vadd.f32 v4, v3  }
0x140: {  	v4 =	vld [tilespmem:s31+$0xC700]  }
0x141: {  	v8 =	vld [tilespmem:s31+$0x7710];
	v3 =	vpack.i.f32.bf16 v3, v5  }
0x142: {  	v5 =	vld [tilespmem:s31+$0xC710];
	[tilespmem:s29+$0x118A0] =	vst v3;
	s29 =	smov.u32 s31  }
0x143: {  	v0 =	vadd.f32 v1, v0;
	v3 =	vld [tilespmem:s29+$0x7720];
	v1 =	vadd.f32 v7, v2  }
0x144: {  	v2 =	vld [tilespmem:s29+$0xC720]  }
0x145: {  	v4 =	vadd.f32 v4, v6;
	v6 =	vld [tilespmem:s29+$0x7730];
	v0 =	vpack.i.f32.bf16 v1, v0  }
0x146: {  	v1 =	vld [tilespmem:s29+$0xC730];
	[tilespmem:s29+$0x118B0] =	vst v0  }
0x147: {  	v0 =	vadd.f32 v5, v8;
	v5 =	vld [tilespmem:s29+$0x7740]  }
0x148: {  	v7 =	vld [tilespmem:s29+$0xC740]  }
0x149: {  	v0 =	vpack.i.f32.bf16 v0, v4;
	v2 =	vadd.f32 v2, v3;
	v3 =	vld [tilespmem:s29+$0x7750]  }
0x14a: {  	[tilespmem:s29+$0x11700] =	vst v0;
	v0 =	vld [tilespmem:s29+$0xC750]  }
0x14b: {  	v1 =	vadd.f32 v1, v6;
	v4 =	vld [tilespmem:s29+$0x7760]  }
0x14c: {  	v6 =	vld [tilespmem:s29+$0xC760]  }
0x14d: {  	v1 =	vpack.i.f32.bf16 v1, v2;
	v2 =	vadd.f32 v7, v5;
	v5 =	vld [tilespmem:s29+$0x7770]  }
0x14e: {  	[tilespmem:s29+$0x11710] =	vst v1;
	v1 =	vld [tilespmem:s29+$0xC770]  }
0x14f: {  	v0 =	vadd.f32 v0, v3;
	v3 =	vld [tilespmem:s29+$0x7780]  }
0x150: {  	v7 =	vld [tilespmem:s29+$0xC780]  }
0x151: {  	v0 =	vpack.i.f32.bf16 v0, v2;
	v2 =	vadd.f32 v6, v4;
	v4 =	vld [tilespmem:s29+$0x7790]  }
0x152: {  	[tilespmem:s29+$0x11720] =	vst v0;
	v0 =	vld [tilespmem:s29+$0xC790]  }
0x153: {  	v1 =	vadd.f32 v1, v5;
	v5 =	vld [tilespmem:s29+$0x77A0]  }
0x154: {  	v6 =	vld [tilespmem:s29+$0xC7A0]  }
0x155: {  	v1 =	vpack.i.f32.bf16 v1, v2;
	v2 =	vadd.f32 v7, v3;
	v3 =	vld [tilespmem:s29+$0x77B0]  }
0x156: {  	[tilespmem:s29+$0x11730] =	vst v1;
	v1 =	vld [tilespmem:s29+$0xC7B0]  }
0x157: {  	v0 =	vadd.f32 v0, v4;
	v4 =	vld [tilespmem:s29+$0x77C0]  }
0x158: {  	v7 =	vld [tilespmem:s29+$0xC7C0]  }
0x159: {  	v0 =	vpack.i.f32.bf16 v0, v2;
	v2 =	vadd.f32 v6, v5;
	v5 =	vld [tilespmem:s29+$0x77D0]  }
0x15a: {  	[tilespmem:s29+$0x11780] =	vst v0;
	v0 =	vld [tilespmem:s29+$0xC7D0]  }
0x15b: {  	v1 =	vadd.f32 v1, v3;
	v3 =	vld [tilespmem:s29+$0x77E0]  }
0x15c: {  	v6 =	vld [tilespmem:s29+$0xC7E0]  }
0x15d: {  	v1 =	vpack.i.f32.bf16 v1, v2;
	v2 =	vadd.f32 v7, v4;
	v4 =	vld [tilespmem:s29+$0x77F0]  }
0x15e: {  	[tilespmem:s29+$0x11790] =	vst v1;
	v1 =	vld [tilespmem:s29+$0xC7F0]  }
0x15f: {  	v0 =	vadd.f32 v0, v5;
	v5 =	vld [tilespmem:s29+$0x7800]  }
0x160: {  	v7 =	vld [tilespmem:s29+$0xC800]  }
0x161: {  	v0 =	vpack.i.f32.bf16 v0, v2;
	v2 =	vadd.f32 v6, v3;
	v3 =	vld [tilespmem:s29+$0x7810]  }
0x162: {  	[tilespmem:s29+$0x117A0] =	vst v0;
	v0 =	vld [tilespmem:s29+$0xC810]  }
0x163: {  	v1 =	vadd.f32 v1, v4;
	v4 =	vld [tilespmem:s29+$0x7820]  }
0x164: {  	v6 =	vld [tilespmem:s29+$0xC820]  }
0x165: {  	v1 =	vpack.i.f32.bf16 v1, v2;
	v2 =	vadd.f32 v7, v5;
	v5 =	vld [tilespmem:s29+$0x7830]  }
0x166: {  	[tilespmem:s29+$0x117B0] =	vst v1;
	v1 =	vld [tilespmem:s29+$0xC830]  }
0x167: {  	v0 =	vadd.f32 v0, v3;
	v3 =	vld [tilespmem:s29+$0x7840]  }
0x168: {  	v7 =	vld [tilespmem:s29+$0xC840]  }
0x169: {  	v0 =	vpack.i.f32.bf16 v0, v2;
	v2 =	vadd.f32 v6, v4;
	v4 =	vld [tilespmem:s29+$0x7850]  }
0x16a: {  	[tilespmem:s29+$0x11800] =	vst v0;
	v0 =	vld [tilespmem:s29+$0xC850]  }
0x16b: {  	v1 =	vadd.f32 v1, v5;
	v5 =	vld [tilespmem:s29+$0x7860]  }
0x16c: {  	v6 =	vld [tilespmem:s29+$0xC860]  }
0x16d: {  	v1 =	vpack.i.f32.bf16 v1, v2;
	v2 =	vadd.f32 v7, v3;
	v3 =	vld [tilespmem:s29+$0x7870]  }
0x16e: {  	[tilespmem:s29+$0x11810] =	vst v1;
	v1 =	vld [tilespmem:s29+$0xC870]  }
0x16f: {  	v0 =	vadd.f32 v0, v4;
	v4 =	vld [tilespmem:s29+$0x7880]  }
0x170: {  	v7 =	vld [tilespmem:s29+$0xC880]  }
0x171: {  	v0 =	vpack.i.f32.bf16 v0, v2;
	v2 =	vadd.f32 v6, v5;
	v5 =	vld [tilespmem:s29+$0x7890]  }
0x172: {  	[tilespmem:s29+$0x11820] =	vst v0;
	v0 =	vld [tilespmem:s29+$0xC890]  }
0x173: {  	v1 =	vadd.f32 v1, v3;
	v3 =	vld [tilespmem:s29+$0x78A0]  }
0x174: {  	v6 =	vld [tilespmem:s29+$0xC8A0]  }
0x175: {  	v1 =	vpack.i.f32.bf16 v1, v2;
	v2 =	vadd.f32 v7, v4;
	v7 =	vld [tilespmem:s29+$0x78B0]  }
0x176: {  	[tilespmem:s29+$0x11830] =	vst v1;
	v1 =	vld [tilespmem:s29+$0xC8B0]  }
0x177: {  	v0 =	vadd.f32 v0, v5;
	v5 =	vld [tilespmem:s29+$0x78C0]  }
0x178: {  	v8 =	vld [tilespmem:s29+$0xC8C0]  }
.Ltmp1:
0x179: {  	v0 =	vpack.i.f32.bf16 v0, v2;
	v6 =	vadd.f32 v6, v3;
	v3 =	vld [tilespmem:s29+$0x78D0];
	(pc) =	sbr.rel @p0 .LBB2_5-.Ltmp1, $4  }
0x17a: {  	s31 =	sshra.s32 s30, $0x2;
	[tilespmem:s29+$0x11880] =	vst v0;
	v4 =	vld [tilespmem:s29+$0xC8D0]  }
0x17b: {  	v0 =	vld [tilespmem:s31+$0x78E0];
	v7 =	vadd.f32 v1, v7  }
0x17c: {  	v1 =	vld [tilespmem:s31+$0xC8E0]  }
0x17d: {  	s30 =	sadd.s32 $0x800, s30;
	v2 =	vld [tilespmem:s31+$0x78F0];
	v6 =	vpack.i.f32.bf16 v7, v6;
	v5 =	vadd.f32 v8, v5  }
0x17e: {  	v7 =	vld [tilespmem:s31+$0xC8F0];
	[tilespmem:s29+$0x11890] =	vst v6  }
0x17f: {  	v6 =	vld [tilespmem:s31+$0x7700];
	v3 =	vadd.f32 v4, v3  }
0x180: {  	v58 =	vld [tilespmem:s31+$0xC700]  }
0x181: {  	v8 =	vld [tilespmem:s31+$0x7710];
	v3 =	vpack.i.f32.bf16 v3, v5  }
0x182: {  	v59 =	vld [tilespmem:s31+$0xC710];
	[tilespmem:s29+$0x118A0] =	vst v3  }
0x183: {  	v3 =	vld [tilespmem:s31+$0x7720]  }
0x184: {  	v61 =	vld [tilespmem:s31+$0xC720]  }
0x185: {  	v62 =	vld [tilespmem:s31+$0x7730]  }
0x186: {  	v63 =	vld [tilespmem:s31+$0xC730]  }
0x187: {  	v11 =	vld [tilespmem:s31+$0x7740]  }
0x188: {  	v12 =	vld [tilespmem:s31+$0xC740]  }
0x189: {  	v13 =	vld [tilespmem:s31+$0x7750]  }
0x18a: {  	v14 =	vld [tilespmem:s31+$0xC750]  }
0x18b: {  	v15 =	vld [tilespmem:s31+$0x7760]  }
0x18c: {  	v16 =	vld [tilespmem:s31+$0xC760]  }
0x18d: {  	v17 =	vld [tilespmem:s31+$0x7770]  }
0x18e: {  	v18 =	vld [tilespmem:s31+$0xC770]  }
0x18f: {  	v19 =	vld [tilespmem:s31+$0x7780]  }
0x190: {  	v20 =	vld [tilespmem:s31+$0xC780]  }
0x191: {  	v21 =	vld [tilespmem:s31+$0x7790]  }
0x192: {  	v22 =	vld [tilespmem:s31+$0xC790]  }
0x193: {  	v23 =	vld [tilespmem:s31+$0x77A0]  }
0x194: {  	v24 =	vld [tilespmem:s31+$0xC7A0]  }
0x195: {  	v25 =	vld [tilespmem:s31+$0x77B0]  }
0x196: {  	v26 =	vld [tilespmem:s31+$0xC7B0]  }
0x197: {  	v27 =	vld [tilespmem:s31+$0x77C0]  }
0x198: {  	v28 =	vld [tilespmem:s31+$0xC7C0]  }
0x199: {  	v29 =	vld [tilespmem:s31+$0x77D0]  }
0x19a: {  	v30 =	vld [tilespmem:s31+$0xC7D0]  }
0x19b: {  	v31 =	vld [tilespmem:s31+$0x77E0]  }
0x19c: {  	v32 =	vld [tilespmem:s31+$0xC7E0]  }
0x19d: {  	v33 =	vld [tilespmem:s31+$0x77F0]  }
0x19e: {  	v34 =	vld [tilespmem:s31+$0xC7F0]  }
0x19f: {  	v35 =	vld [tilespmem:s31+$0x7800]  }
0x1a0: {  	v36 =	vld [tilespmem:s31+$0xC800]  }
0x1a1: {  	v37 =	vld [tilespmem:s31+$0x7810]  }
0x1a2: {  	v38 =	vld [tilespmem:s31+$0xC810]  }
0x1a3: {  	v39 =	vld [tilespmem:s31+$0x7820]  }
0x1a4: {  	v40 =	vld [tilespmem:s31+$0xC820]  }
0x1a5: {  	v41 =	vld [tilespmem:s31+$0x7830]  }
0x1a6: {  	v42 =	vld [tilespmem:s31+$0xC830]  }
0x1a7: {  	v43 =	vld [tilespmem:s31+$0x7840]  }
0x1a8: {  	v44 =	vld [tilespmem:s31+$0xC840]  }
0x1a9: {  	v0 =	vadd.f32 v1, v0;
	v60 =	vadd.f32 v7, v2;
	v45 =	vld [tilespmem:s31+$0x7850]  }
0x1aa: {  	v46 =	vld [tilespmem:s31+$0xC850];
	v9 =	vadd.f32 v58, v6;
	v10 =	vadd.f32 v59, v8  }
0x1ab: {  	v47 =	vld [tilespmem:s31+$0x7860];
	v0 =	vpack.i.f32.bf16 v60, v0  }
0x1ac: {  	v48 =	vld [tilespmem:s31+$0xC860];
	[tilespmem:s31+$0x118B0] =	vst v0;
	v0 =	vpack.i.f32.bf16 v10, v9;
	v2 =	vadd.f32 v61, v3;
	v1 =	vadd.f32 v63, v62  }
0x1ad: {  	v49 =	vld [tilespmem:s31+$0x7870];
	[tilespmem:s31+$0x11700] =	vst v0;
	v5 =	vadd.f32 v12, v11;
	v0 =	vadd.f32 v14, v13  }
0x1ae: {  	v50 =	vld [tilespmem:s31+$0xC870];
	v1 =	vpack.i.f32.bf16 v1, v2  }
0x1af: {  	v51 =	vld [tilespmem:s31+$0x7880];
	v3 =	vadd.f32 v16, v15;
	v0 =	vpack.i.f32.bf16 v0, v5;
	[tilespmem:s31+$0x11710] =	vst v1;
	v1 =	vadd.f32 v18, v17  }
0x1b0: {  	v52 =	vld [tilespmem:s31+$0xC880];
	v4 =	vadd.f32 v20, v19;
	[tilespmem:s31+$0x11720] =	vst v0;
	v0 =	vadd.f32 v22, v21  }
0x1b1: {  	v53 =	vld [tilespmem:s31+$0x7890];
	v1 =	vpack.i.f32.bf16 v1, v3  }
0x1b2: {  	v54 =	vld [tilespmem:s31+$0xC890];
	v2 =	vadd.f32 v24, v23;
	v0 =	vpack.i.f32.bf16 v0, v4;
	[tilespmem:s31+$0x11730] =	vst v1;
	v1 =	vadd.f32 v26, v25  }
0x1b3: {  	v55 =	vld [tilespmem:s31+$0x78A0];
	v5 =	vadd.f32 v28, v27;
	[tilespmem:s31+$0x11780] =	vst v0;
	v0 =	vadd.f32 v30, v29  }
0x1b4: {  	v56 =	vld [tilespmem:s31+$0xC8A0];
	v1 =	vpack.i.f32.bf16 v1, v2  }
0x1b5: {  	v57 =	vld [tilespmem:s31+$0x78B0];
	v3 =	vadd.f32 v32, v31;
	v0 =	vpack.i.f32.bf16 v0, v5;
	[tilespmem:s31+$0x11790] =	vst v1;
	v1 =	vadd.f32 v34, v33  }
0x1b6: {  	v58 =	vld [tilespmem:s31+$0xC8B0];
	v4 =	vadd.f32 v36, v35;
	[tilespmem:s31+$0x117A0] =	vst v0;
	v0 =	vadd.f32 v38, v37  }
0x1b7: {  	v59 =	vld [tilespmem:s31+$0x78C0];
	v1 =	vpack.i.f32.bf16 v1, v3  }
0x1b8: {  	v60 =	vld [tilespmem:s31+$0xC8C0];
	v2 =	vadd.f32 v40, v39;
	v0 =	vpack.i.f32.bf16 v0, v4;
	[tilespmem:s31+$0x117B0] =	vst v1;
	v1 =	vadd.f32 v42, v41  }
0x1b9: {  	v61 =	vld [tilespmem:s31+$0x78D0];
	v5 =	vadd.f32 v44, v43;
	[tilespmem:s31+$0x11800] =	vst v0;
	v0 =	vadd.f32 v46, v45  }
0x1ba: {  	v62 =	vld [tilespmem:s31+$0xC8D0];
	v1 =	vpack.i.f32.bf16 v1, v2  }
0x1bb: {  	v3 =	vadd.f32 v48, v47;
	v0 =	vpack.i.f32.bf16 v0, v5;
	[tilespmem:s31+$0x11810] =	vst v1;
	v1 =	vadd.f32 v50, v49  }
0x1bc: {  	v4 =	vadd.f32 v52, v51;
	[tilespmem:s31+$0x11820] =	vst v0;
	v0 =	vadd.f32 v54, v53  }
0x1bd: {  	v1 =	vpack.i.f32.bf16 v1, v3  }
0x1be: {  	p0 =	seq.s32 s26, $0x3D;
	v2 =	vadd.f32 v56, v55;
	v0 =	vpack.i.f32.bf16 v0, v4;
	[tilespmem:s31+$0x11830] =	vst v1;
	v1 =	vadd.f32 v58, v57  }
.Ltmp2:
0x1bf: {  	v63 =	vadd.f32 v60, v59;
	[tilespmem:s31+$0x11880] =	vst v0;
	v0 =	vadd.f32 v62, v61;
	(pc) =	sbr.rel @p0 .LBB2_8-.Ltmp2, $4  }
0x1c0: {  	s30 =	sadd.s32 s28, s8;
	v1 =	vpack.i.f32.bf16 v1, v2  }
0x1c1: {  	s29 =	sshll.u32 s30, $0x4;
	v0 =	vpack.i.f32.bf16 v0, v63;
	[tilespmem:s31+$0x11890] =	vst v1  }
0x1c2: {  	s29 =	sadd.s32 s4, s29;
	[tilespmem:s31+$0x118A0] =	vst v0  }
0x1c3: {  	[hbm4b:s29+s3] =	stream.linear.scatter [tilespmem:s22], [sflag:$0x4], $0x2800, $0x38;
	[tilespmem:$0x13F00] =	vst v63  }
.Ltmp3:
0x1c4: {  	(pc) =	sbr.rel .LBB2_2-.Ltmp3, $4  }
0x1c5: {  	s29 =	sadd.s32 $0xF0, s28  }
0x1c6: {  	[tilespmem:s16], [sflag:$0x2] =	stream.indirect.gather [hbm4b:s2+s13], $0x80, s29, s13, $0xb8;
	[tilespmem:$0x13F00] =	vst v63  }
0x1c7: {  	s31 =	sadd.s32 $0x2870, s28;
	s26 =	sadd.s32 $0x1, s26  }
0x1c8: {  	[tilespmem:s18], [sflag:$0x2] =	stream.indirect.gather [hbm4b:s2+s13], $0x80, s31, s13, $0xb8;
	[tilespmem:$0x13F00] =	vst v63  }
.LBB2_8:
0x1c9: {  	_ =	swait.ge [sflag:s19], $0x2800  }
0x1ca: {  	[sflag:s19] =	ssyncset.done $0x0  }
0x1cb: {  	[sflag:s19] =	ssyncadd.s32 $0xFFFFD800  }
0x1cc: {  	_ =	swait.ge [sflag:s19], $0x2800  }
0x1cd: {  	[sflag:s19] =	ssyncset.done $0x0  }
0x1ce: {  	[sflag:s19] =	ssyncadd.s32 $0xFFFFD800  }
0x1cf: {  	_ =	swait.ge [sflag:s23], $0x2800  }
0x1d0: {  	[sflag:s23] =	ssyncset.done $0x0  }
0x1d1: {  	s26 =	simm.s32 $0x0;
	[sflag:s23] =	ssyncadd.s32 $0xFFFFD800  }
0x1d2: {  	v0 =	vld [tilespmem:s26+$0x50E0]  }
0x1d3: {  	v1 =	vld [tilespmem:s26+$0xA0E0]  }
0x1d4: {  	v2 =	vld [tilespmem:s26+$0x50F0]  }
0x1d5: {  	v3 =	vld [tilespmem:s26+$0xA0F0]  }
0x1d6: {  	v4 =	vld [tilespmem:s26+$0x4F00]  }
0x1d7: {  	v5 =	vld [tilespmem:s26+$0x9F00]  }
0x1d8: {  	v6 =	vld [tilespmem:s26+$0x4F10]  }
0x1d9: {  	v7 =	vld [tilespmem:s26+$0x9F10]  }
0x1da: {  	v8 =	vld [tilespmem:s26+$0x4F20]  }
0x1db: {  	v0 =	vadd.f32 v1, v0;
	v1 =	vadd.f32 v3, v2;
	v2 =	vld [tilespmem:s26+$0x9F20]  }
0x1dc: {  	v3 =	vld [tilespmem:s26+$0x4F30]  }
0x1dd: {  	v0 =	vpack.i.f32.bf16 v1, v0;
	v1 =	vld [tilespmem:s26+$0x9F30]  }
0x1de: {  	[tilespmem:s26+$0xF0B0] =	vst v0;
	v0 =	vadd.f32 v5, v4;
	v4 =	vadd.f32 v7, v6;
	v5 =	vld [tilespmem:s26+$0x4F40]  }
0x1df: {  	v6 =	vld [tilespmem:s26+$0x9F40]  }
0x1e0: {  	v0 =	vpack.i.f32.bf16 v4, v0;
	v4 =	vld [tilespmem:s26+$0x4F50]  }
0x1e1: {  	[tilespmem:s26+$0xEF00] =	vst v0;
	v0 =	vld [tilespmem:s26+$0x9F50]  }
0x1e2: {  	v7 =	vld [tilespmem:s26+$0x9F60];
	v2 =	vadd.f32 v2, v8;
	v1 =	vadd.f32 v1, v3  }
0x1e3: {  	v3 =	vld [tilespmem:s26+$0x4F60]  }
0x1e4: {  	v1 =	vpack.i.f32.bf16 v1, v2;
	v2 =	vld [tilespmem:s26+$0x4F70]  }
0x1e5: {  	[tilespmem:s26+$0xEF10] =	vst v1;
	v1 =	vld [tilespmem:s26+$0x9F70]  }
0x1e6: {  	v5 =	vadd.f32 v6, v5;
	v6 =	vld [tilespmem:s26+$0x9F80];
	v0 =	vadd.f32 v0, v4  }
0x1e7: {  	v4 =	vld [tilespmem:s26+$0x4F80]  }
0x1e8: {  	v0 =	vpack.i.f32.bf16 v0, v5;
	v5 =	vld [tilespmem:s26+$0x4F90]  }
0x1e9: {  	[tilespmem:s26+$0xEF20] =	vst v0;
	v0 =	vld [tilespmem:s26+$0x9F90]  }
0x1ea: {  	v3 =	vadd.f32 v7, v3;
	v7 =	vld [tilespmem:s26+$0x9FA0];
	v1 =	vadd.f32 v1, v2  }
0x1eb: {  	v2 =	vld [tilespmem:s26+$0x4FA0]  }
0x1ec: {  	v1 =	vpack.i.f32.bf16 v1, v3;
	v3 =	vld [tilespmem:s26+$0x4FB0]  }
0x1ed: {  	[tilespmem:s26+$0xEF30] =	vst v1;
	v1 =	vld [tilespmem:s26+$0x9FB0]  }
0x1ee: {  	v4 =	vadd.f32 v6, v4;
	v6 =	vld [tilespmem:s26+$0x9FC0];
	v0 =	vadd.f32 v0, v5  }
0x1ef: {  	v5 =	vld [tilespmem:s26+$0x4FC0]  }
0x1f0: {  	v0 =	vpack.i.f32.bf16 v0, v4;
	v4 =	vld [tilespmem:s26+$0x4FD0]  }
0x1f1: {  	[tilespmem:s26+$0xEF80] =	vst v0;
	v0 =	vld [tilespmem:s26+$0x9FD0]  }
0x1f2: {  	v2 =	vadd.f32 v7, v2;
	v7 =	vld [tilespmem:s26+$0x9FE0];
	v1 =	vadd.f32 v1, v3  }
0x1f3: {  	v3 =	vld [tilespmem:s26+$0x4FE0]  }
0x1f4: {  	v1 =	vpack.i.f32.bf16 v1, v2;
	v2 =	vld [tilespmem:s26+$0x4FF0]  }
0x1f5: {  	[tilespmem:s26+$0xEF90] =	vst v1;
	v1 =	vld [tilespmem:s26+$0x9FF0]  }
0x1f6: {  	v5 =	vadd.f32 v6, v5;
	v6 =	vld [tilespmem:s26+$0xA000];
	v0 =	vadd.f32 v0, v4  }
0x1f7: {  	v4 =	vld [tilespmem:s26+$0x5000]  }
0x1f8: {  	v0 =	vpack.i.f32.bf16 v0, v5;
	v5 =	vld [tilespmem:s26+$0x5010]  }
0x1f9: {  	[tilespmem:s26+$0xEFA0] =	vst v0;
	v0 =	vld [tilespmem:s26+$0xA010]  }
0x1fa: {  	v3 =	vadd.f32 v7, v3;
	v7 =	vld [tilespmem:s26+$0xA020];
	v1 =	vadd.f32 v1, v2  }
0x1fb: {  	v2 =	vld [tilespmem:s26+$0x5020]  }
0x1fc: {  	v1 =	vpack.i.f32.bf16 v1, v3;
	v3 =	vld [tilespmem:s26+$0x5030]  }
0x1fd: {  	[tilespmem:s26+$0xEFB0] =	vst v1;
	v1 =	vld [tilespmem:s26+$0xA030]  }
0x1fe: {  	v4 =	vadd.f32 v6, v4;
	v6 =	vld [tilespmem:s26+$0xA040];
	v0 =	vadd.f32 v0, v5  }
0x1ff: {  	v5 =	vld [tilespmem:s26+$0x5040]  }
0x200: {  	v0 =	vpack.i.f32.bf16 v0, v4;
	v4 =	vld [tilespmem:s26+$0x5050]  }
0x201: {  	[tilespmem:s26+$0xF000] =	vst v0;
	v0 =	vld [tilespmem:s26+$0xA050]  }
0x202: {  	v2 =	vadd.f32 v7, v2;
	v7 =	vld [tilespmem:s26+$0xA060];
	v1 =	vadd.f32 v1, v3  }
0x203: {  	v3 =	vld [tilespmem:s26+$0x5060]  }
0x204: {  	v1 =	vpack.i.f32.bf16 v1, v2;
	v2 =	vld [tilespmem:s26+$0x5070]  }
0x205: {  	[tilespmem:s26+$0xF010] =	vst v1;
	v1 =	vld [tilespmem:s26+$0xA070]  }
0x206: {  	v5 =	vadd.f32 v6, v5;
	v6 =	vld [tilespmem:s26+$0xA080];
	v0 =	vadd.f32 v0, v4  }
0x207: {  	v4 =	vld [tilespmem:s26+$0x5080]  }
0x208: {  	v0 =	vpack.i.f32.bf16 v0, v5;
	v5 =	vld [tilespmem:s26+$0x5090]  }
0x209: {  	[tilespmem:s26+$0xF020] =	vst v0;
	v0 =	vld [tilespmem:s26+$0xA090]  }
0x20a: {  	v8 =	vld [tilespmem:s26+$0x50B0];
	v3 =	vadd.f32 v7, v3;
	v1 =	vadd.f32 v1, v2  }
0x20b: {  	v7 =	vld [tilespmem:s26+$0xA0A0]  }
0x20c: {  	v2 =	vld [tilespmem:s26+$0x50A0];
	v1 =	vpack.i.f32.bf16 v1, v3  }
0x20d: {  	[tilespmem:s26+$0xF030] =	vst v1;
	v1 =	vld [tilespmem:s26+$0xA0B0]  }
0x20e: {  	v9 =	vld [tilespmem:s26+$0xA0C0];
	v3 =	vadd.f32 v6, v4;
	v0 =	vadd.f32 v0, v5  }
0x20f: {  	v5 =	vld [tilespmem:s26+$0x50C0]  }
0x210: {  	v4 =	vld [tilespmem:s26+$0xA0D0];
	v0 =	vpack.i.f32.bf16 v0, v3  }
0x211: {  	s29 =	simm.s32 $0x200;
	v3 =	vld [tilespmem:s26+$0x50D0];
	[tilespmem:s26+$0xF080] =	vst v0  }
0x212: {  	v6 =	vadd.f32 v7, v2;
	v0 =	vld [tilespmem:s29+$0x50E0];
	v7 =	vadd.f32 v1, v8  }
0x213: {  	v1 =	vld [tilespmem:s29+$0xA0E0]  }
0x214: {  	s28 =	simm.s32 $0x1000;
	v2 =	vld [tilespmem:s29+$0x50F0];
	v5 =	vadd.f32 v9, v5;
	v6 =	vpack.i.f32.bf16 v7, v6  }
.LBB2_9:
0x215: {  	p0 =	sne.s32 s28, $0x9800;
	v7 =	vld [tilespmem:s29+$0xA0F0];
	[tilespmem:s26+$0xF090] =	vst v6  }
0x216: {  	v6 =	vld [tilespmem:s29+$0x4F00];
	v3 =	vadd.f32 v4, v3  }
0x217: {  	v4 =	vld [tilespmem:s29+$0x9F00]  }
0x218: {  	v8 =	vld [tilespmem:s29+$0x4F10];
	v3 =	vpack.i.f32.bf16 v3, v5  }
0x219: {  	v5 =	vld [tilespmem:s29+$0x9F10];
	[tilespmem:s26+$0xF0A0] =	vst v3;
	s26 =	smov.u32 s29  }
0x21a: {  	v0 =	vadd.f32 v1, v0;
	v3 =	vld [tilespmem:s26+$0x4F20];
	v1 =	vadd.f32 v7, v2  }
0x21b: {  	v2 =	vld [tilespmem:s26+$0x9F20]  }
0x21c: {  	v4 =	vadd.f32 v4, v6;
	v6 =	vld [tilespmem:s26+$0x4F30];
	v0 =	vpack.i.f32.bf16 v1, v0  }
0x21d: {  	v1 =	vld [tilespmem:s26+$0x9F30];
	[tilespmem:s26+$0xF0B0] =	vst v0  }
0x21e: {  	v0 =	vadd.f32 v5, v8;
	v5 =	vld [tilespmem:s26+$0x4F40]  }
0x21f: {  	v7 =	vld [tilespmem:s26+$0x9F40]  }
0x220: {  	v0 =	vpack.i.f32.bf16 v0, v4;
	v2 =	vadd.f32 v2, v3;
	v3 =	vld [tilespmem:s26+$0x4F50]  }
0x221: {  	[tilespmem:s26+$0xEF00] =	vst v0;
	v0 =	vld [tilespmem:s26+$0x9F50]  }
0x222: {  	v1 =	vadd.f32 v1, v6;
	v4 =	vld [tilespmem:s26+$0x4F60]  }
0x223: {  	v6 =	vld [tilespmem:s26+$0x9F60]  }
0x224: {  	v1 =	vpack.i.f32.bf16 v1, v2;
	v2 =	vadd.f32 v7, v5;
	v5 =	vld [tilespmem:s26+$0x4F70]  }
0x225: {  	[tilespmem:s26+$0xEF10] =	vst v1;
	v1 =	vld [tilespmem:s26+$0x9F70]  }
0x226: {  	v0 =	vadd.f32 v0, v3;
	v3 =	vld [tilespmem:s26+$0x4F80]  }
0x227: {  	v7 =	vld [tilespmem:s26+$0x9F80]  }
0x228: {  	v0 =	vpack.i.f32.bf16 v0, v2;
	v2 =	vadd.f32 v6, v4;
	v4 =	vld [tilespmem:s26+$0x4F90]  }
0x229: {  	[tilespmem:s26+$0xEF20] =	vst v0;
	v0 =	vld [tilespmem:s26+$0x9F90]  }
0x22a: {  	v1 =	vadd.f32 v1, v5;
	v5 =	vld [tilespmem:s26+$0x4FA0]  }
0x22b: {  	v6 =	vld [tilespmem:s26+$0x9FA0]  }
0x22c: {  	v1 =	vpack.i.f32.bf16 v1, v2;
	v2 =	vadd.f32 v7, v3;
	v3 =	vld [tilespmem:s26+$0x4FB0]  }
0x22d: {  	[tilespmem:s26+$0xEF30] =	vst v1;
	v1 =	vld [tilespmem:s26+$0x9FB0]  }
0x22e: {  	v0 =	vadd.f32 v0, v4;
	v4 =	vld [tilespmem:s26+$0x4FC0]  }
0x22f: {  	v7 =	vld [tilespmem:s26+$0x9FC0]  }
0x230: {  	v0 =	vpack.i.f32.bf16 v0, v2;
	v2 =	vadd.f32 v6, v5;
	v5 =	vld [tilespmem:s26+$0x4FD0]  }
0x231: {  	[tilespmem:s26+$0xEF80] =	vst v0;
	v0 =	vld [tilespmem:s26+$0x9FD0]  }
0x232: {  	v1 =	vadd.f32 v1, v3;
	v3 =	vld [tilespmem:s26+$0x4FE0]  }
0x233: {  	v6 =	vld [tilespmem:s26+$0x9FE0]  }
0x234: {  	v1 =	vpack.i.f32.bf16 v1, v2;
	v2 =	vadd.f32 v7, v4;
	v4 =	vld [tilespmem:s26+$0x4FF0]  }
0x235: {  	[tilespmem:s26+$0xEF90] =	vst v1;
	v1 =	vld [tilespmem:s26+$0x9FF0]  }
0x236: {  	v0 =	vadd.f32 v0, v5;
	v5 =	vld [tilespmem:s26+$0x5000]  }
0x237: {  	v7 =	vld [tilespmem:s26+$0xA000]  }
0x238: {  	v0 =	vpack.i.f32.bf16 v0, v2;
	v2 =	vadd.f32 v6, v3;
	v3 =	vld [tilespmem:s26+$0x5010]  }
0x239: {  	[tilespmem:s26+$0xEFA0] =	vst v0;
	v0 =	vld [tilespmem:s26+$0xA010]  }
0x23a: {  	v1 =	vadd.f32 v1, v4;
	v4 =	vld [tilespmem:s26+$0x5020]  }
0x23b: {  	v6 =	vld [tilespmem:s26+$0xA020]  }
0x23c: {  	v1 =	vpack.i.f32.bf16 v1, v2;
	v2 =	vadd.f32 v7, v5;
	v5 =	vld [tilespmem:s26+$0x5030]  }
0x23d: {  	[tilespmem:s26+$0xEFB0] =	vst v1;
	v1 =	vld [tilespmem:s26+$0xA030]  }
0x23e: {  	v0 =	vadd.f32 v0, v3;
	v3 =	vld [tilespmem:s26+$0x5040]  }
0x23f: {  	v7 =	vld [tilespmem:s26+$0xA040]  }
0x240: {  	v0 =	vpack.i.f32.bf16 v0, v2;
	v2 =	vadd.f32 v6, v4;
	v4 =	vld [tilespmem:s26+$0x5050]  }
0x241: {  	[tilespmem:s26+$0xF000] =	vst v0;
	v0 =	vld [tilespmem:s26+$0xA050]  }
0x242: {  	v1 =	vadd.f32 v1, v5;
	v5 =	vld [tilespmem:s26+$0x5060]  }
0x243: {  	v6 =	vld [tilespmem:s26+$0xA060]  }
0x244: {  	v1 =	vpack.i.f32.bf16 v1, v2;
	v2 =	vadd.f32 v7, v3;
	v3 =	vld [tilespmem:s26+$0x5070]  }
0x245: {  	[tilespmem:s26+$0xF010] =	vst v1;
	v1 =	vld [tilespmem:s26+$0xA070]  }
0x246: {  	v0 =	vadd.f32 v0, v4;
	v4 =	vld [tilespmem:s26+$0x5080]  }
0x247: {  	v7 =	vld [tilespmem:s26+$0xA080]  }
0x248: {  	v0 =	vpack.i.f32.bf16 v0, v2;
	v2 =	vadd.f32 v6, v5;
	v5 =	vld [tilespmem:s26+$0x5090]  }
0x249: {  	[tilespmem:s26+$0xF020] =	vst v0;
	v0 =	vld [tilespmem:s26+$0xA090]  }
0x24a: {  	v1 =	vadd.f32 v1, v3;
	v3 =	vld [tilespmem:s26+$0x50A0]  }
0x24b: {  	v6 =	vld [tilespmem:s26+$0xA0A0]  }
0x24c: {  	v1 =	vpack.i.f32.bf16 v1, v2;
	v2 =	vadd.f32 v7, v4;
	v7 =	vld [tilespmem:s26+$0x50B0]  }
0x24d: {  	[tilespmem:s26+$0xF030] =	vst v1;
	v1 =	vld [tilespmem:s26+$0xA0B0]  }
0x24e: {  	v0 =	vadd.f32 v0, v5;
	v5 =	vld [tilespmem:s26+$0x50C0]  }
0x24f: {  	v8 =	vld [tilespmem:s26+$0xA0C0]  }
.Ltmp4:
0x250: {  	v0 =	vpack.i.f32.bf16 v0, v2;
	v6 =	vadd.f32 v6, v3;
	v3 =	vld [tilespmem:s26+$0x50D0];
	(pc) =	sbr.rel @p0 .LBB2_9-.Ltmp4, $4  }
0x251: {  	s29 =	sshra.s32 s28, $0x2;
	[tilespmem:s26+$0xF080] =	vst v0;
	v4 =	vld [tilespmem:s26+$0xA0D0]  }
0x252: {  	v0 =	vld [tilespmem:s29+$0x50E0];
	v7 =	vadd.f32 v1, v7  }
0x253: {  	v1 =	vld [tilespmem:s29+$0xA0E0]  }
0x254: {  	s28 =	sadd.s32 $0x800, s28;
	v2 =	vld [tilespmem:s29+$0x50F0];
	v6 =	vpack.i.f32.bf16 v7, v6;
	v5 =	vadd.f32 v8, v5  }
0x255: {  	v7 =	vld [tilespmem:s29+$0xA0F0];
	[tilespmem:s26+$0xF090] =	vst v6  }
0x256: {  	v6 =	vld [tilespmem:s29+$0x4F00];
	v3 =	vadd.f32 v4, v3  }
0x257: {  	v58 =	vld [tilespmem:s29+$0x9F00]  }
0x258: {  	v8 =	vld [tilespmem:s29+$0x4F10];
	v3 =	vpack.i.f32.bf16 v3, v5  }
0x259: {  	v59 =	vld [tilespmem:s29+$0x9F10];
	[tilespmem:s26+$0xF0A0] =	vst v3  }
0x25a: {  	v3 =	vld [tilespmem:s29+$0x4F20]  }
0x25b: {  	v61 =	vld [tilespmem:s29+$0x9F20]  }
0x25c: {  	v62 =	vld [tilespmem:s29+$0x4F30]  }
0x25d: {  	v63 =	vld [tilespmem:s29+$0x9F30]  }
0x25e: {  	v11 =	vld [tilespmem:s29+$0x4F40]  }
0x25f: {  	v12 =	vld [tilespmem:s29+$0x9F40]  }
0x260: {  	v13 =	vld [tilespmem:s29+$0x4F50]  }
0x261: {  	v14 =	vld [tilespmem:s29+$0x9F50]  }
0x262: {  	v15 =	vld [tilespmem:s29+$0x4F60]  }
0x263: {  	v16 =	vld [tilespmem:s29+$0x9F60]  }
0x264: {  	v17 =	vld [tilespmem:s29+$0x4F70]  }
0x265: {  	v18 =	vld [tilespmem:s29+$0x9F70]  }
0x266: {  	v19 =	vld [tilespmem:s29+$0x4F80]  }
0x267: {  	v20 =	vld [tilespmem:s29+$0x9F80]  }
0x268: {  	v21 =	vld [tilespmem:s29+$0x4F90]  }
0x269: {  	v22 =	vld [tilespmem:s29+$0x9F90]  }
0x26a: {  	v23 =	vld [tilespmem:s29+$0x4FA0]  }
0x26b: {  	v24 =	vld [tilespmem:s29+$0x9FA0]  }
0x26c: {  	v25 =	vld [tilespmem:s29+$0x4FB0]  }
0x26d: {  	v26 =	vld [tilespmem:s29+$0x9FB0]  }
0x26e: {  	v27 =	vld [tilespmem:s29+$0x4FC0]  }
0x26f: {  	v28 =	vld [tilespmem:s29+$0x9FC0]  }
0x270: {  	v29 =	vld [tilespmem:s29+$0x4FD0]  }
0x271: {  	v30 =	vld [tilespmem:s29+$0x9FD0]  }
0x272: {  	v31 =	vld [tilespmem:s29+$0x4FE0]  }
0x273: {  	v32 =	vld [tilespmem:s29+$0x9FE0]  }
0x274: {  	v33 =	vld [tilespmem:s29+$0x4FF0]  }
0x275: {  	v34 =	vld [tilespmem:s29+$0x9FF0]  }
0x276: {  	v35 =	vld [tilespmem:s29+$0x5000]  }
0x277: {  	v36 =	vld [tilespmem:s29+$0xA000]  }
0x278: {  	v37 =	vld [tilespmem:s29+$0x5010]  }
0x279: {  	v38 =	vld [tilespmem:s29+$0xA010]  }
0x27a: {  	v39 =	vld [tilespmem:s29+$0x5020]  }
0x27b: {  	v40 =	vld [tilespmem:s29+$0xA020]  }
0x27c: {  	v41 =	vld [tilespmem:s29+$0x5030]  }
0x27d: {  	v42 =	vld [tilespmem:s29+$0xA030]  }
0x27e: {  	v43 =	vld [tilespmem:s29+$0x5040]  }
0x27f: {  	v44 =	vld [tilespmem:s29+$0xA040]  }
0x280: {  	v0 =	vadd.f32 v1, v0;
	v60 =	vadd.f32 v7, v2;
	v45 =	vld [tilespmem:s29+$0x5050]  }
0x281: {  	v46 =	vld [tilespmem:s29+$0xA050];
	v9 =	vadd.f32 v58, v6;
	v10 =	vadd.f32 v59, v8  }
0x282: {  	v47 =	vld [tilespmem:s29+$0x5060];
	v0 =	vpack.i.f32.bf16 v60, v0  }
0x283: {  	v48 =	vld [tilespmem:s29+$0xA060];
	[tilespmem:s29+$0xF0B0] =	vst v0;
	v0 =	vpack.i.f32.bf16 v10, v9;
	v2 =	vadd.f32 v61, v3;
	v1 =	vadd.f32 v63, v62  }
0x284: {  	v49 =	vld [tilespmem:s29+$0x5070];
	[tilespmem:s29+$0xEF00] =	vst v0;
	v5 =	vadd.f32 v12, v11;
	v0 =	vadd.f32 v14, v13  }
0x285: {  	v50 =	vld [tilespmem:s29+$0xA070];
	v1 =	vpack.i.f32.bf16 v1, v2  }
0x286: {  	v51 =	vld [tilespmem:s29+$0x5080];
	v3 =	vadd.f32 v16, v15;
	v0 =	vpack.i.f32.bf16 v0, v5;
	[tilespmem:s29+$0xEF10] =	vst v1;
	v1 =	vadd.f32 v18, v17  }
0x287: {  	v52 =	vld [tilespmem:s29+$0xA080];
	v4 =	vadd.f32 v20, v19;
	[tilespmem:s29+$0xEF20] =	vst v0;
	v0 =	vadd.f32 v22, v21  }
0x288: {  	v53 =	vld [tilespmem:s29+$0x5090];
	v1 =	vpack.i.f32.bf16 v1, v3  }
0x289: {  	v54 =	vld [tilespmem:s29+$0xA090];
	v2 =	vadd.f32 v24, v23;
	v0 =	vpack.i.f32.bf16 v0, v4;
	[tilespmem:s29+$0xEF30] =	vst v1;
	v1 =	vadd.f32 v26, v25  }
0x28a: {  	v55 =	vld [tilespmem:s29+$0x50A0];
	v5 =	vadd.f32 v28, v27;
	[tilespmem:s29+$0xEF80] =	vst v0;
	v0 =	vadd.f32 v30, v29  }
0x28b: {  	v56 =	vld [tilespmem:s29+$0xA0A0];
	v1 =	vpack.i.f32.bf16 v1, v2  }
0x28c: {  	v57 =	vld [tilespmem:s29+$0x50B0];
	v3 =	vadd.f32 v32, v31;
	v0 =	vpack.i.f32.bf16 v0, v5;
	[tilespmem:s29+$0xEF90] =	vst v1;
	v1 =	vadd.f32 v34, v33  }
0x28d: {  	v58 =	vld [tilespmem:s29+$0xA0B0];
	v4 =	vadd.f32 v36, v35;
	[tilespmem:s29+$0xEFA0] =	vst v0;
	v0 =	vadd.f32 v38, v37  }
0x28e: {  	v59 =	vld [tilespmem:s29+$0x50C0];
	v1 =	vpack.i.f32.bf16 v1, v3  }
0x28f: {  	v60 =	vld [tilespmem:s29+$0xA0C0];
	v2 =	vadd.f32 v40, v39;
	v0 =	vpack.i.f32.bf16 v0, v4;
	[tilespmem:s29+$0xEFB0] =	vst v1;
	v1 =	vadd.f32 v42, v41  }
0x290: {  	v61 =	vld [tilespmem:s29+$0x50D0];
	v5 =	vadd.f32 v44, v43;
	[tilespmem:s29+$0xF000] =	vst v0;
	v0 =	vadd.f32 v46, v45  }
0x291: {  	v62 =	vld [tilespmem:s29+$0xA0D0];
	v1 =	vpack.i.f32.bf16 v1, v2  }
0x292: {  	v3 =	vadd.f32 v48, v47;
	v0 =	vpack.i.f32.bf16 v0, v5;
	[tilespmem:s29+$0xF010] =	vst v1;
	v1 =	vadd.f32 v50, v49  }
0x293: {  	v4 =	vadd.f32 v52, v51;
	[tilespmem:s29+$0xF020] =	vst v0;
	v0 =	vadd.f32 v54, v53  }
0x294: {  	v1 =	vpack.i.f32.bf16 v1, v3  }
0x295: {  	v2 =	vadd.f32 v56, v55;
	v0 =	vpack.i.f32.bf16 v0, v4;
	[tilespmem:s29+$0xF030] =	vst v1;
	v1 =	vadd.f32 v58, v57  }
0x296: {  	v63 =	vadd.f32 v60, v59;
	[tilespmem:s29+$0xF080] =	vst v0;
	v0 =	vadd.f32 v62, v61  }
0x297: {  	v1 =	vpack.i.f32.bf16 v1, v2  }
0x298: {  	v0 =	vpack.i.f32.bf16 v0, v63;
	[tilespmem:s29+$0xF090] =	vst v1  }
0x299: {  	s25 =	sadd.s32 $0x1, s25;
	[tilespmem:s29+$0xF0A0] =	vst v0  }
0x29a: {  	[hbm4b:s9+s3] =	stream.linear.scatter [tilespmem:s20], [sflag:$0x3], $0x2800, $0x38;
	[tilespmem:$0x13F00] =	vst v63  }
0x29b: {  	p0 =	sne.s32 s25, s10;
	_ =	swait.ge [sflag:s24], $0x2800  }
.Ltmp5:
0x29c: {  	[sflag:s24] =	ssyncset.done $0x0;
	(pc) =	sbr.rel @p0 .LBB2_1-.Ltmp5, $4  }
0x29d: {  	[sflag:s24] =	ssyncadd.s32 $0xFFFFD800  }
0x29e: {  	_ =	swait.ge [sflag:s23], $0x2800  }
0x29f: {  	[sflag:s23] =	ssyncset.done $0x0  }
0x2a0: {  	[sflag:s23] =	ssyncadd.s32 $0xFFFFD800  }
0x2a1: {  	_ =	sfence.sel $0x180000  }
0x2a2: {  	[bflag:$0x0] =	sbarrier.arrive $0xFFFF  }
0x2a3: {  	p0 =	sne.s32 s0, $0x0;
	_ =	strace $0x90000047  }
0x2a4: {  	s0 =	sadd.s32 @!p0 $0x100000, s1;
	[bflag:$0x2] =	sbarrier.arrive $0xFFFF  }
0x2a5: {  	[sflag:s0] =	ssyncadd.tile.s32 @!p0 $0x1;
	_ =	shalt  }
.Lfunc_end2:
_tile_overlayer_lowered:
.L_overlay_start_2:
0x2a6: {  	(tag) =	ssettag $0x2  }
0x2a7: {  	s0 =	rddreg [dreg:$0x0];
	s2 =	stileid.u32  }
0x2a8: {  	s1 =	rddreg [dreg:$0x1];
	p0 =	sne.s32 s2, $0x0  }
0x2a9: {  	s3 =	rddreg [dreg:$0x2];
	[bflag:$0x3] =	sbarrier.arrive $0xFFFF;
	s2 =	simm.s32 @!p0 $0x1C05  }
0x2aa: {  	[timem:s3], [sflag:s2] =	dma.local @!p0 [hbm:s0], s1  }
0x2ab: {  	s0 =	simm.s32 @!p0 $0x5  }
0x2ac: {  	_ =	swait.ge @!p0 [sflag:s0], s1  }
0x2ad: {  	s1 =	ssub.s32 @!p0 $0x0, s1;
	[sflag:s0] =	ssyncset.done @!p0 $0x0  }
0x2ae: {  	[sflag:s0] =	ssyncadd.s32 @!p0 s1  }
0x2af: {  	[bflag:$0x3] =	sbarrier.arrive $0xFFFF  }
0x2b0: {  	_ =	shalt  }

// kernel: sparse-core-data-format-call.1.cloned.1.call-start
scs
called_computation.1_lowered:
.L_overlay_start_0:
0x0: {  	s2 =	sld [smem:$0x3FD9]  }
0x1: {  	s3 =	sld [smem:$0x3FFE];
	_ =	sdelay $0x1  }
0x2: {  	s1 =	srdreg.scid  }
0x3: {  	s0 =	sand.u32 $0x1, s1  }
0x4: {  	s18 =	sshll.u32 s0, $0xA;
	s2 =	sadd.s32 s3, s2  }
0x5: {  	s2 =	sadd.s32 s2, s18  }
0x6: {  	[smem:$0x3FC1] =	sst s2  }
0x7: {  	_ = 	snop  }
0x8: {  	s2 =	sld [smem:$0x3FD0];
	(tm) =	ssettm $0x1  }
0x9: {  	s19 =	sld [smem:$0x3FFB];
	_ =	sdelay $0x3  }
0xa: {  	_ =	strace s19  }
0xb: {  	s3 =	sld [smem:$0x3FFC];
	_ =	sdelay $0x3  }
0xc: {  	_ =	strace s3  }
0xd: {  	s3 =	sld [smem:$0x3FFD];
	_ =	sdelay $0x3  }
0xe: {  	_ =	strace s3  }
0xf: {  	_ =	strace $0x8FFFFFFF  }
0x10: {  	s20 =	sld [smem:$0x3FDB];
	_ =	sdelay $0x1  }
0x11: {  	s4 =	simm.s32 $_scs_section_size  }
0x12: {  	s5 =	simm.s32 $_size__tile_overlayer_lowered;
	s6 =	simm.s32 $_tile_overlayer_lowered  }
0x13: {  	s23 =	simm.s32 $0x1BFF;
	s22 =	sshll.u32 s6, $0x1;
	s3 =	sadd.s32 s4, s20  }
0x14: {  	s7 =	simm.s32 $0x0;
	s21 =	sshll.u32 s5, $0x1;
	s5 =	sadd.s32 s22, s3  }
0x15: {  	[timem:s7], [sflag:s23] =	dma.local [hbm:s5], s21  }
0x16: {  	_ =	swait.ge [sflag:s23], s21  }
0x17: {  	s4 =	ssub.s32 $0x0, s21;
	[sflag:s23] =	ssyncset.done $0x0  }
0x18: {  	[sflag:s23] =	ssyncadd.s32 s4;
	_ =	sdelay $0x1  }
0x19: {  	s24 =	simm.s32 $0x1B8B  }
0x1a: {  	_ =	swait.ge [sflag:s24], $0x1  }
0x1b: {  	[sflag:s24] =	ssyncset.done $0x0  }
0x1c: {  	s26 =	simm.s32 $0x1B8E;
	s25 =	sld [smem:$0x3FFE];
	[sflag:s24] =	ssyncadd.s32 $0xFFFFFFFF  }
0x1d: {  	s27 =	simm.s32 $execute0_lowered;
	[smem:$0x3FD2] =	sst s26  }
0x1e: {  	s5 =	sshll.u32 s27, $0x1;
	_ =	strace $0x80000049;
	[dreg:$0x1] =	wrdreg $0xFFFFFFFF  }
0x1f: {  	s28 =	simm.s32 $_size_execute0_lowered;
	s3 =	sadd.s32 s3, s5;
	[dreg:$0x0] =	wrdreg $0x0  }
0x20: {  	s5 =	sshll.u32 s28, $0x1;
	[dreg:$0x2] =	wrdreg s3  }
0x21: {  	[dreg:$0x3] =	wrdreg s5  }
0x22: {  	[dreg:$0x4] =	wrdreg $0xC0  }
0x23: {  	_ =	task [dreg:s7], $0x5FFFF  }
0x24: {  	[dreg:$0x1] =	wrdreg $0xFFFFFFFF  }
0x25: {  	[dreg:$0x0] =	wrdreg $0x60  }
0x26: {  	[dreg:$0x2] =	wrdreg s2  }
0x27: {  	[dreg:$0x3] =	wrdreg s25  }
0x28: {  	[dreg:$0x4] =	wrdreg $0x9  }
0x29: {  	_ =	task.clear_ibuf [dreg:s7], $0x5FFFF;
	_ =	strace $0x90000049  }
0x2a: {  	s29 =	simm.s32 $0x9;
	_ =	strace $0x8000004B  }
0x2b: {  	_ =	swait.ge [sflag:s29], $0x1  }
0x2c: {  	[sflag:s29] =	ssyncadd.s32 $0xFFFFFFFF  }
0x2d: {  	_ =	strace $0x9000004B  }
0x2e: {  	_ =	sfence  }
0x2f: {  	s30 =	sld [smem:$0x0];
	_ =	sdelay $0x2  }
0x30: {  	s31 =	sshll.u32 s1, $0xD;
	s1 =	sshrl.u32 s1, $0x2  }
0x31: {  	s3 =	sand.u32 $0x4000, s31;
	s1 =	sadd.s32 s1, s30  }
0x32: {  	s0 =	sor.u32 s3, s0;
	s1 =	sshll.u32 s1, $0x11  }
0x33: {  	s0 =	sor.u32 s1, s0  }
0x34: {  	s0 =	sadd.s32 $0x8F2B, s0  }
0x35: {  	[sflag:s0] =	ssyncadd.remote.s32 $0x1  }
0x36: {  	_ =	sfence.sel $0xFFFF  }
0x37: {  	[dreg:$0x0] =	wrdreg $0xFFFFFFFF;
	(pc) =	sbr.abs _section_cstart, $3  }
0x38: {  	[dreg:$0x1] =	wrdreg $0xFFFFFFFF  }
0x39: {  	_ =	task.clear_ibuf [dreg:s7], $0x2FFFF;
	_ =	strace $0x9FFFFFFF  }
0x3a: {  	(tm) =	ssettm $0x7FFFFFFF  }
0x3b: {  	_ =	shalt  }
tec
execute0_lowered:
.L_overlay_start_1:
0x0: {  	(tag) =	ssettag $0x1  }
0x1: {  	s0 =	srdreg.scid  }
0x2: {  	s1 =	sshll.u32 s0, $0x4  }
0x3: {  	s2 =	rddreg [dreg:$0x0];
	s0 =	stileid.u32;
	s1 =	sand.u32 $0x10, s1  }
0x4: {  	s4 =	rddreg [dreg:$0x1];
	s7 =	simm.s32 $0x1;
	s1 =	sor.u32 s0, s1  }
0x5: {  	s8 =	simm.s32 $0x2;
	s11 =	simm.s32 $0x0;
	s3 =	sshll.u32 s1, $0x7  }
0x6: {  	s10 =	simm.s32 $0x0;
	s4 =	sadd.s32 $0x1E00, s4;
	s6 =	ssub.s32 $0x4E200, s3  }
.Ltmp0:
0x7: {  	s1 =	rddreg [dreg:$0x2];
	s5 =	sand.u32 $0xF80, s6;
	(pc) =	sbr.rel .LBB1_1-.Ltmp0, $4  }
0x8: {  	_ =	strace $0x8000004A;
	s9 =	smov.u32 s3;
	p0 =	sne.s32 s5, $0x0  }
0x9: {  	s6 =	sshrl.u32 s6, $0xC;
	s5 =	simm.s32 $0x1;
	s7 =	simm.s32 @!p0 $0x0  }
0xa: {  	[sflag:s5] =	ssyncpa.u1 $0x0;
	p0 =	por $0x0, $0x0;
	s6 =	sadd.s32 s7, s6  }
0xb: {  	[sflag:s8] =	ssyncpa.u1 $0x0;
	s8 =	simm.s32 $0x271000;
	s7 =	sadd.s32 $0x1, s6  }
.LBB1_4:
0xc: {  	s14 =	sshll.u32 s11, $0x3  }
0xd: {  	s30 =	sand.u32 $0x7F, s11;
	s14 =	sand.u32 $0xFFFFFC00, s14  }
0xe: {  	s11 =	sor.u32 s30, s14  }
0xf: {  	s15 =	smulhi.u32 $0xD1B71759, s11;
	_ =	sdelay $0x1  }
0x10: {  	s14 =	smulhi.u32 $0xD1B71759, s14;
	s15 =	sshrl.u32 s15, $0x12  }
0x11: {  	s15 =	smul.u32 $0x4E200, s15  }
0x12: {  	s14 =	sshrl.u32 s14, $0x12  }
0x13: {  	s14 =	sand.u32 $0x3F, s14;
	s11 =	ssub.s32 s11, s15  }
0x14: {  	[tilespmem:s13+$0x810 ss:$0x81] =	vst.msk $0xffff, v2;
	s14 =	smul.u32 $0x9C40, s14;
	s15 =	sshrl.u32 s11, $0x3;
	s11 =	sand.u32 $0x7, s11  }
0x15: {  	[tilespmem:s13+$0x1020 ss:$0x81] =	vst.msk $0xffff, v0;
	s15 =	sadd.s32 s4, s15;
	s11 =	sshll.u32 s11, $0x12  }
0x16: {  	[tilespmem:s13+$0x0 ss:$0x81] =	vst.msk $0xffff, v1;
	s31 =	sadd.s32 s14, s15;
	s11 =	sor.u32 $0x400, s11  }
0x17: {  	[hbm4b:s31+s11] =	stream.strided.scatter [tilespmem:s12], [sflag:$0x2], $0x2000, s8, s11, $0x20;
	[tilespmem:$0x8080] =	vst v63  }
.LBB1_5:
0x18: {  	s13 =	sadd.s32 $0x1000, s9  }
0x19: {  	p2 =	sgt.s32 s13, $0x4E1FF  }
0x1a: {  	s13 =	smov.u32 @p2 s3;
	p2 =	sne.s32 s10, s7  }
.Ltmp1:
0x1b: {  	p1 =	slt.u32 s10, $0x2;
	(pc) =	sbr.rel @!p2 .LBB1_6-.Ltmp1, $4  }
0x1c: {  	s12 =	simm.s32 @!p1 $0x2  }
0x1d: {  	s14 =	sadd.s32 $0x1, s10;
	_ =	swait.ge @!p1 [sflag:s12], $0x2000  }
0x1e: {  	s11 =	smov.u32 s9;
	p0 =	por !p0, !p0;
	[sflag:s12] =	ssyncset.done @!p1 $0x0  }
0x1f: {  	s10 =	smov.u32 s14;
	s9 =	smov.u32 s13;
	[sflag:s12] =	ssyncadd.s32 @!p1 $0xFFFFE000  }
.LBB1_1:
0x20: {  	p1 =	sge.u32 s10, s6  }
0x21: {  	s12 =	sand.u32 @!p1 $0x1FFFFFF, s9  }
0x22: {  	s13 =	smulhi.u32 @!p1 $0x1A36E2F, s12;
	_ =	sdelay $0x1  }
0x23: {  	s13 =	sshrl.u32 @!p1 s13, $0xB  }
0x24: {  	s13 =	smul.u32 @!p1 $0x4E200, s13;
	_ =	sdelay $0x1  }
0x25: {  	s31 =	sadd.s32 $0xFFFFFFFF, s10;
	s14 =	sxor.u32 @!p1 $0xFFFFFFFF, s10;
	s12 =	ssub.s32 @!p1 s12, s13  }
0x26: {  	s15 =	simm.s32 @!p1 $0x80;
	s14 =	sshll.u32 @!p1 s14, $0xD;
	s12 =	sshll.u32 @!p1 s12, $0x4  }
0x27: {  	s13 =	sand.u32 @!p1 $0x2000, s14;
	s14 =	simm.s32 @!p1 $0x40;
	s12 =	sadd.s32 @!p1 s2, s12  }
0x28: {  	[tilespmem:s13], [sflag:$0x1] =	stream.strided.gather @!p1 [hbm4b:s12+s14], $0x2000, s15, s14, $0x38;
	[tilespmem:$0x8080] =	vst v63  }
0x29: {  	p1 =	sge.u32 s31, s6  }
.Ltmp2:
0x2a: {  	_ = 	snop;
	(pc) =	sbr.rel @p1 .LBB1_5-.Ltmp2, $1  }
0x2b: {  	_ =	sdelay $0x3  }
0x2c: {  	s12 =	simm.s32 $0x1  }
0x2d: {  	_ =	swait.ge [sflag:s5], $0x2000;
	s12 =	simm.s32 @!p0 $0x0  }
0x2e: {  	[sflag:s5] =	ssyncset.done $0x0;
	s13 =	sshll.u32 s12, $0xD  }
0x2f: {  	[sflag:s5] =	ssyncadd.s32 $0xFFFFE000;
	s16 =	sor.u32 $0x20, s13  }
0x30: {  	s12 =	smul.u32 $0x8100, s12;
	v3 =	vld [tilespmem:s16+$0x10]  }
0x31: {  	s30 =	sand.u32 $0x1, s10;
	v2 =	vld [tilespmem:s16+$0xFFFFFFF0]  }
0x32: {  	s13 =	smul.u32 $0x8100, s30;
	s12 =	sshrl.u32 s12, $0x2;
	v0 =	vld [tilespmem:s16+$0x0]  }
0x33: {  	v1 =	vld [tilespmem:s16+$0xFFFFFFE0];
	s14 =	sor.u32 $0x4000, s12  }
0x34: {  	s31 =	sshrl.u32 s13, $0x2;
	s13 =	sadd.s32 $0x0, s14  }
0x35: {  	s15 =	simm.s32 $0x4;
	s16 =	sadd.s32 $0x40, s16;
	s12 =	sor.u32 $0x4000, s31;
	[tilespmem:s13+$0x1830 ss:$0x81] =	vst.msk $0xffff, v3  }
.LBB1_3:
0x36: {  	v3 =	vld [tilespmem:s16+$0x10];
	p1 =	sne.s32 s15, $0x1FC;
	[tilespmem:s13+$0x810 ss:$0x81] =	vst.msk $0xffff, v2;
	s17 =	smov.u32 s15;
	s15 =	sadd.s32 $0x4, s15  }
.Ltmp3:
0x37: {  	v2 =	vld [tilespmem:s16+$0xFFFFFFF0];
	[tilespmem:s13+$0x1020 ss:$0x81] =	vst.msk $0xffff, v0;
	(pc) =	sbr.rel @p1 .LBB1_3-.Ltmp3, $4  }
0x38: {  	v0 =	vld [tilespmem:s16+$0x0];
	[tilespmem:s13+$0x0 ss:$0x81] =	vst.msk $0xffff, v1  }
0x39: {  	s13 =	sshra.s32 s17, $0x2;
	v1 =	vld [tilespmem:s16+$0xFFFFFFE0]  }
0x3a: {  	s13 =	sadd.s32 s13, s14  }
0x3b: {  	s16 =	sadd.s32 $0x40, s16;
	[tilespmem:s13+$0x1830 ss:$0x81] =	vst.msk $0xffff, v3  }
.Ltmp4:
0x3c: {  	_ = 	snop;
	(pc) =	sbr.rel .LBB1_4-.Ltmp4, $1  }
0x3d: {  	_ =	sdelay $0x3  }
.LBB1_6:
0x3e: {  	_ =	sfence.sel $0x180000  }
0x3f: {  	s2 =	simm.s32 $0x1;
	[bflag:$0x0] =	sbarrier.arrive $0xFFFF  }
0x40: {  	s31 =	simm.s32 $0x2;
	[sflag:s2] =	ssyncpa.u1 $0x1  }
0x41: {  	[sflag:s31] =	ssyncpa.u1 $0x1  }
0x42: {  	p0 =	sne.s32 s0, $0x0;
	_ =	strace $0x9000004A  }
0x43: {  	s0 =	sadd.s32 @!p0 $0x100000, s1;
	[bflag:$0x2] =	sbarrier.arrive $0xFFFF  }
0x44: {  	[sflag:s0] =	ssyncadd.tile.s32 @!p0 $0x1;
	_ =	shalt  }
.Lfunc_end1:
_tile_overlayer_lowered:
.L_overlay_start_2:
0x45: {  	(tag) =	ssettag $0x2  }
0x46: {  	s0 =	rddreg [dreg:$0x0];
	s2 =	stileid.u32  }
0x47: {  	s1 =	rddreg [dreg:$0x1];
	p0 =	sne.s32 s2, $0x0  }
0x48: {  	s3 =	rddreg [dreg:$0x2];
	[bflag:$0x3] =	sbarrier.arrive $0xFFFF;
	s2 =	simm.s32 @!p0 $0x1C01  }
0x49: {  	[timem:s3], [sflag:s2] =	dma.local @!p0 [hbm:s0], s1  }
0x4a: {  	s0 =	simm.s32 @!p0 $0x1  }
0x4b: {  	_ =	swait.ge @!p0 [sflag:s0], s1  }
0x4c: {  	s1 =	ssub.s32 @!p0 $0x0, s1;
	[sflag:s0] =	ssyncset.done @!p0 $0x0  }
0x4d: {  	[sflag:s0] =	ssyncadd.s32 @!p0 s1  }
0x4e: {  	[bflag:$0x3] =	sbarrier.arrive $0xFFFF  }
0x4f: {  	_ =	shalt  }

// kernel: sparse-core-data-format-call.cloned.1.call-start
scs
called_computation_lowered:
.L_overlay_start_0:
0x0: {  	s2 =	sld [smem:$0x3FD9]  }
0x1: {  	s3 =	sld [smem:$0x3FFE];
	_ =	sdelay $0x1  }
0x2: {  	s1 =	srdreg.scid  }
0x3: {  	s0 =	sand.u32 $0x1, s1  }
0x4: {  	s18 =	sshll.u32 s0, $0xA;
	s2 =	sadd.s32 s3, s2  }
0x5: {  	s2 =	sadd.s32 s2, s18  }
0x6: {  	[smem:$0x3FC1] =	sst s2  }
0x7: {  	_ = 	snop  }
0x8: {  	s2 =	sld [smem:$0x3FD0];
	(tm) =	ssettm $0x1  }
0x9: {  	s19 =	sld [smem:$0x3FFB];
	_ =	sdelay $0x3  }
0xa: {  	_ =	strace s19  }
0xb: {  	s3 =	sld [smem:$0x3FFC];
	_ =	sdelay $0x3  }
0xc: {  	_ =	strace s3  }
0xd: {  	s3 =	sld [smem:$0x3FFD];
	_ =	sdelay $0x3  }
0xe: {  	_ =	strace s3  }
0xf: {  	_ =	strace $0x8FFFFFFF  }
0x10: {  	s20 =	sld [smem:$0x3FDB];
	_ =	sdelay $0x1  }
0x11: {  	s4 =	simm.s32 $_scs_section_size  }
0x12: {  	s5 =	simm.s32 $_size__tile_overlayer_lowered;
	s6 =	simm.s32 $_tile_overlayer_lowered  }
0x13: {  	s23 =	simm.s32 $0x1BFF;
	s22 =	sshll.u32 s6, $0x1;
	s3 =	sadd.s32 s4, s20  }
0x14: {  	s7 =	simm.s32 $0x0;
	s21 =	sshll.u32 s5, $0x1;
	s5 =	sadd.s32 s22, s3  }
0x15: {  	[timem:s7], [sflag:s23] =	dma.local [hbm:s5], s21  }
0x16: {  	_ =	swait.ge [sflag:s23], s21  }
0x17: {  	s4 =	ssub.s32 $0x0, s21;
	[sflag:s23] =	ssyncset.done $0x0  }
0x18: {  	[sflag:s23] =	ssyncadd.s32 s4;
	_ =	sdelay $0x1  }
0x19: {  	s24 =	simm.s32 $0x1B8B  }
0x1a: {  	_ =	swait.ge [sflag:s24], $0x1  }
0x1b: {  	[sflag:s24] =	ssyncset.done $0x0  }
0x1c: {  	s26 =	simm.s32 $0x1B8E;
	s25 =	sld [smem:$0x3FFE];
	[sflag:s24] =	ssyncadd.s32 $0xFFFFFFFF  }
0x1d: {  	s27 =	simm.s32 $execute0_lowered;
	[smem:$0x3FD2] =	sst s26  }
0x1e: {  	s5 =	sshll.u32 s27, $0x1;
	_ =	strace $0x8000004C;
	[dreg:$0x1] =	wrdreg $0xFFFFFFFF  }
0x1f: {  	s28 =	simm.s32 $_size_execute0_lowered;
	s3 =	sadd.s32 s3, s5;
	[dreg:$0x0] =	wrdreg $0x0  }
0x20: {  	s5 =	sshll.u32 s28, $0x1;
	[dreg:$0x2] =	wrdreg s3  }
0x21: {  	[dreg:$0x3] =	wrdreg s5  }
0x22: {  	[dreg:$0x4] =	wrdreg $0xC0  }
0x23: {  	_ =	task [dreg:s7], $0x5FFFF  }
0x24: {  	[dreg:$0x1] =	wrdreg $0xFFFFFFFF  }
0x25: {  	[dreg:$0x0] =	wrdreg $0x60  }
0x26: {  	[dreg:$0x2] =	wrdreg s25  }
0x27: {  	[dreg:$0x3] =	wrdreg s2  }
0x28: {  	[dreg:$0x4] =	wrdreg $0x9  }
0x29: {  	_ =	task.clear_ibuf [dreg:s7], $0x5FFFF;
	_ =	strace $0x9000004C  }
0x2a: {  	s29 =	simm.s32 $0x9;
	_ =	strace $0x8000004E  }
0x2b: {  	_ =	swait.ge [sflag:s29], $0x1  }
0x2c: {  	[sflag:s29] =	ssyncadd.s32 $0xFFFFFFFF  }
0x2d: {  	_ =	strace $0x9000004E  }
0x2e: {  	_ =	sfence  }
0x2f: {  	s30 =	sld [smem:$0x0];
	_ =	sdelay $0x2  }
0x30: {  	s31 =	sshll.u32 s1, $0xD;
	s1 =	sshrl.u32 s1, $0x2  }
0x31: {  	s3 =	sand.u32 $0x4000, s31;
	s1 =	sadd.s32 s1, s30  }
0x32: {  	s0 =	sor.u32 s3, s0;
	s1 =	sshll.u32 s1, $0x11  }
0x33: {  	s0 =	sor.u32 s1, s0  }
0x34: {  	s0 =	sadd.s32 $0x8F2B, s0  }
0x35: {  	[sflag:s0] =	ssyncadd.remote.s32 $0x1  }
0x36: {  	_ =	sfence.sel $0xFFFF  }
0x37: {  	[dreg:$0x0] =	wrdreg $0xFFFFFFFF;
	(pc) =	sbr.abs _section_cstart, $3  }
0x38: {  	[dreg:$0x1] =	wrdreg $0xFFFFFFFF  }
0x39: {  	_ =	task.clear_ibuf [dreg:s7], $0x2FFFF;
	_ =	strace $0x9FFFFFFF  }
0x3a: {  	(tm) =	ssettm $0x7FFFFFFF  }
0x3b: {  	_ =	shalt  }
tec
execute0_lowered:
.L_overlay_start_1:
0x0: {  	(tag) =	ssettag $0x1  }
0x1: {  	s0 =	srdreg.scid  }
0x2: {  	s5 =	rddreg [dreg:$0x0];
	s1 =	sshll.u32 s0, $0x4  }
0x3: {  	s2 =	rddreg [dreg:$0x1];
	s0 =	stileid.u32;
	s1 =	sand.u32 $0x10, s1  }
0x4: {  	s4 =	simm.s32 $0x1;
	s8 =	simm.s32 $0x2;
	s1 =	sor.u32 s0, s1  }
0x5: {  	s12 =	simm.s32 $0x0;
	s11 =	simm.s32 $0x0;
	s3 =	sshll.u32 s1, $0x7  }
0x6: {  	s9 =	simm.s32 $0x0;
	s10 =	simm.s32 $0x0;
	s6 =	ssub.s32 $0x4E200, s3  }
.Ltmp0:
0x7: {  	s1 =	rddreg [dreg:$0x2];
	s7 =	sand.u32 $0xF80, s6;
	(pc) =	sbr.rel .LBB1_1-.Ltmp0, $4  }
0x8: {  	_ =	strace $0x8000004D;
	p0 =	sne.s32 s7, $0x0;
	s7 =	simm.s32 $0x1  }
0x9: {  	[sflag:s4] =	ssyncpa.u1 $0x0;
	s6 =	sshrl.u32 s6, $0xC;
	s7 =	simm.s32 @!p0 $0x0  }
0xa: {  	s5 =	sadd.s32 $0x1E00, s5;
	[sflag:s8] =	ssyncpa.u1 $0x0;
	s6 =	sadd.s32 s7, s6  }
0xb: {  	s8 =	smov.u32 s3;
	p0 =	por $0x0, $0x0;
	s7 =	sadd.s32 $0x1, s6  }
.LBB1_4:
0xc: {  	s12 =	sshll.u32 s12, $0x7;
	s18 =	sshll.u32 s11, $0x3  }
0xd: {  	v5 =	vld [tilespmem:s16+$0xFFFFFFD0];
	[tilespmem:s15+$0x2040 ss:$0x81] =	vst.msk $0xffff, v4;
	s19 =	sand.u32 $0xFFFFFC00, s12;
	s18 =	sand.u32 $0xFFFFFC00, s18  }
0xe: {  	v58 =	vld [tilespmem:s16+$0xFFFFFFE0];
	[tilespmem:s15+$0x2850 ss:$0x81] =	vst.msk $0xffff, v3;
	s12 =	sand.u32 $0x380, s12;
	s18 =	sadd.s32 s18, s19  }
0xf: {  	s17 =	sshra.s32 s17, $0x2;
	v59 =	vld [tilespmem:s16+$0xFFFFFFF0];
	[tilespmem:s15+$0x3060 ss:$0x81] =	vst.msk $0xffff, v2;
	s12 =	sor.u32 s12, s18  }
0x10: {  	v60 =	vld [tilespmem:s16+$0x0];
	[tilespmem:s15+$0x0 ss:$0x81] =	vst.msk $0xffff, v0;
	s14 =	sadd.s32 s17, s14;
	s12 =	sshrl.u32 s12, $0x7  }
0x11: {  	v61 =	vld [tilespmem:s16+$0x10];
	[tilespmem:s14+$0x3870 ss:$0x81] =	vst.msk $0xffff, v1;
	s28 =	smulhi.u32 $0x1A36E2F, s12  }
0x12: {  	v62 =	vld [tilespmem:s16+$0x20];
	[tilespmem:s14+$0x810 ss:$0x81] =	vst.msk $0xffff, v5  }
0x13: {  	v63 =	vld [tilespmem:s16+$0xFFFFFFC0];
	[tilespmem:s14+$0x1020 ss:$0x81] =	vst.msk $0xffff, v58;
	s15 =	sshrl.u32 s28, $0xB  }
0x14: {  	[tilespmem:s14+$0x1830 ss:$0x81] =	vst.msk $0xffff, v59;
	s15 =	smul.u32 $0x4E200, s15  }
0x15: {  	s29 =	sshrl.u32 s11, $0x3;
	[tilespmem:s14+$0x2040 ss:$0x81] =	vst.msk $0xffff, v60  }
0x16: {  	s30 =	sand.u32 $0xF, s29;
	[tilespmem:s14+$0x2850 ss:$0x81] =	vst.msk $0xffff, v61;
	s12 =	ssub.s32 s12, s15  }
0x17: {  	[tilespmem:s14+$0x3060 ss:$0x81] =	vst.msk $0xffff, v62;
	s15 =	sadd.s32 s2, s30;
	s12 =	sshll.u32 s12, $0x4  }
0x18: {  	s31 =	sand.u32 $0x7, s11;
	[tilespmem:s14+$0x0 ss:$0x81] =	vst.msk $0xffff, v63;
	s12 =	sadd.s32 s12, s15  }
0x19: {  	[hbm4b:s12+s31] =	stream.linear.scatter [tilespmem:s13], [sflag:$0x2], $0x4000, $0x20;
	[tilespmem:$0x10100] =	vst v63  }
.LBB1_5:
0x1a: {  	s13 =	sadd.s32 $0x1000, s8  }
0x1b: {  	s11 =	sadd.s32 $0x80, s9;
	s15 =	smov.u32 s9;
	p2 =	sgt.s32 s13, $0x4E1FF  }
0x1c: {  	s15 =	smov.u32 @p2 s11  }
0x1d: {  	s13 =	smov.u32 @p2 s3;
	p2 =	sgt.s32 s15, $0x7F  }
0x1e: {  	s15 =	simm.s32 @p2 $0x0;
	p2 =	sne.s32 s10, s7  }
.Ltmp1:
0x1f: {  	p1 =	slt.u32 s10, $0x2;
	(pc) =	sbr.rel @!p2 .LBB1_6-.Ltmp1, $4  }
0x20: {  	s14 =	simm.s32 @!p1 $0x2  }
0x21: {  	s12 =	smov.u32 s8;
	p0 =	por !p0, !p0;
	_ =	swait.ge @!p1 [sflag:s14], $0x4000  }
0x22: {  	s11 =	smov.u32 s9;
	[sflag:s14] =	ssyncset.done @!p1 $0x0;
	s8 =	smov.u32 s13  }
0x23: {  	s10 =	sadd.s32 $0x1, s10;
	[sflag:s14] =	ssyncadd.s32 @!p1 $0xFFFFC000;
	s9 =	smov.u32 s15  }
.LBB1_1:
0x24: {  	p1 =	sge.u32 s10, s6  }
0x25: {  	s13 =	sshrl.u32 @!p1 s9, $0x3  }
0x26: {  	s14 =	sshll.u32 @!p1 s8, $0x3;
	s13 =	smul.u32 @!p1 $0x271000, s13  }
0x27: {  	s15 =	sshll.u32 @!p1 s9, $0x7;
	s14 =	sand.u32 @!p1 $0xFFFFFC00, s14  }
0x28: {  	s13 =	sadd.s32 @!p1 s13, s14;
	s14 =	sand.u32 @!p1 $0x380, s15  }
0x29: {  	s15 =	sand.u32 @!p1 $0x7F, s8;
	s13 =	sor.u32 @!p1 s14, s13  }
0x2a: {  	s14 =	sor.u32 @!p1 s15, s13  }
0x2b: {  	s15 =	smulhi.u32 @!p1 $0xD1B71759, s14;
	_ =	sdelay $0x1  }
0x2c: {  	s13 =	smulhi.u32 @!p1 $0xD1B71759, s13;
	s15 =	sshrl.u32 @!p1 s15, $0x12  }
0x2d: {  	s15 =	smul.u32 @!p1 $0x4E200, s15  }
0x2e: {  	s31 =	sadd.s32 $0xFFFFFFFF, s10;
	s16 =	sxor.u32 @!p1 $0xFFFFFFFF, s10;
	s13 =	sshrl.u32 @!p1 s13, $0x12  }
0x2f: {  	s16 =	sshll.u32 @!p1 s16, $0xE;
	s13 =	sand.u32 @!p1 $0x7F, s13;
	s14 =	ssub.s32 @!p1 s14, s15  }
0x30: {  	s13 =	smul.u32 @!p1 $0x9C40, s13;
	s15 =	sshrl.u32 @!p1 s14, $0x3;
	s14 =	sand.u32 @!p1 $0x7, s14  }
0x31: {  	s16 =	sand.u32 @!p1 $0x4000, s16;
	s15 =	sadd.s32 @!p1 s5, s15;
	s14 =	sshll.u32 @!p1 s14, $0x12  }
0x32: {  	s13 =	sadd.s32 @!p1 s13, s15;
	s14 =	sor.u32 @!p1 $0x400, s14;
	s15 =	simm.s32 @!p1 $0x271000  }
0x33: {  	[tilespmem:s16], [sflag:$0x1] =	stream.strided.gather @!p1 [hbm4b:s13+s14], $0x4000, s15, s14, $0x38;
	[tilespmem:$0x10100] =	vst v63  }
0x34: {  	p1 =	sge.u32 s31, s6  }
.Ltmp2:
0x35: {  	_ = 	snop;
	(pc) =	sbr.rel @p1 .LBB1_5-.Ltmp2, $1  }
0x36: {  	_ =	sdelay $0x3  }
0x37: {  	s13 =	simm.s32 $0x1  }
0x38: {  	_ =	swait.ge [sflag:s4], $0x4000;
	s13 =	simm.s32 @!p0 $0x0  }
0x39: {  	[sflag:s4] =	ssyncset.done $0x0;
	s14 =	sshll.u32 s13, $0xE  }
0x3a: {  	[sflag:s4] =	ssyncadd.s32 $0xFFFFC000;
	s16 =	sor.u32 $0x40, s14  }
0x3b: {  	s13 =	smul.u32 $0x10200, s13;
	v0 =	vld [tilespmem:s16+$0x30]  }
0x3c: {  	v1 =	vld [tilespmem:s16+$0xFFFFFFD0]  }
0x3d: {  	s13 =	sshrl.u32 s13, $0x2;
	v5 =	vld [tilespmem:s16+$0xFFFFFFE0]  }
0x3e: {  	v6 =	vld [tilespmem:s16+$0xFFFFFFF0];
	s14 =	sor.u32 $0x8000, s13  }
0x3f: {  	s31 =	sand.u32 $0x1, s10;
	v4 =	vld [tilespmem:s16+$0x0];
	s15 =	sadd.s32 $0x0, s14  }
0x40: {  	v3 =	vld [tilespmem:s16+$0x10];
	s13 =	smul.u32 $0x10200, s31;
	[tilespmem:s15+$0x3870 ss:$0x81] =	vst.msk $0xffff, v0  }
0x41: {  	v2 =	vld [tilespmem:s16+$0x20];
	[tilespmem:s15+$0x810 ss:$0x81] =	vst.msk $0xffff, v1  }
0x42: {  	s13 =	sshrl.u32 s13, $0x2;
	v0 =	vld [tilespmem:s16+$0xFFFFFFC0];
	[tilespmem:s15+$0x1020 ss:$0x81] =	vst.msk $0xffff, v5;
	s16 =	sadd.s32 $0x80, s16  }
0x43: {  	s17 =	simm.s32 $0x4;
	s18 =	simm.s32 $0x8;
	s13 =	sor.u32 $0x8000, s13;
	[tilespmem:s15+$0x1830 ss:$0x81] =	vst.msk $0xffff, v6;
	v1 =	vld [tilespmem:s16+$0x30]  }
.LBB1_3:
0x44: {  	p1 =	sne.s32 s18, $0x1FC;
	v5 =	vld [tilespmem:s16+$0xFFFFFFD0];
	[tilespmem:s15+$0x2040 ss:$0x81] =	vst.msk $0xffff, v4  }
0x45: {  	v6 =	vld [tilespmem:s16+$0xFFFFFFE0];
	[tilespmem:s15+$0x2850 ss:$0x81] =	vst.msk $0xffff, v3  }
0x46: {  	s19 =	sshra.s32 s17, $0x2;
	s17 =	smov.u32 s18;
	v7 =	vld [tilespmem:s16+$0xFFFFFFF0];
	[tilespmem:s15+$0x3060 ss:$0x81] =	vst.msk $0xffff, v2  }
.Ltmp3:
0x47: {  	v4 =	vld [tilespmem:s16+$0x0];
	[tilespmem:s15+$0x0 ss:$0x81] =	vst.msk $0xffff, v0;
	s15 =	sadd.s32 s19, s14;
	(pc) =	sbr.rel @p1 .LBB1_3-.Ltmp3, $4  }
0x48: {  	v3 =	vld [tilespmem:s16+$0x10];
	[tilespmem:s15+$0x3870 ss:$0x81] =	vst.msk $0xffff, v1  }
0x49: {  	[tilespmem:s15+$0x810 ss:$0x81] =	vst.msk $0xffff, v5;
	v2 =	vld [tilespmem:s16+$0x20]  }
0x4a: {  	v0 =	vld [tilespmem:s16+$0xFFFFFFC0];
	[tilespmem:s15+$0x1020 ss:$0x81] =	vst.msk $0xffff, v6;
	s16 =	sadd.s32 $0x80, s16  }
0x4b: {  	s18 =	sadd.s32 $0x4, s18;
	v1 =	vld [tilespmem:s16+$0x30];
	[tilespmem:s15+$0x1830 ss:$0x81] =	vst.msk $0xffff, v7  }
.Ltmp4:
0x4c: {  	_ = 	snop;
	(pc) =	sbr.rel .LBB1_4-.Ltmp4, $1  }
0x4d: {  	_ =	sdelay $0x3  }
.LBB1_6:
0x4e: {  	_ =	sfence.sel $0x180000  }
0x4f: {  	s2 =	simm.s32 $0x1;
	[bflag:$0x0] =	sbarrier.arrive $0xFFFF  }
0x50: {  	s31 =	simm.s32 $0x2;
	[sflag:s2] =	ssyncpa.u1 $0x1  }
0x51: {  	[sflag:s31] =	ssyncpa.u1 $0x1  }
0x52: {  	p0 =	sne.s32 s0, $0x0;
	_ =	strace $0x9000004D  }
0x53: {  	s0 =	sadd.s32 @!p0 $0x100000, s1;
	[bflag:$0x2] =	sbarrier.arrive $0xFFFF  }
0x54: {  	[sflag:s0] =	ssyncadd.tile.s32 @!p0 $0x1;
	_ =	shalt  }
.Lfunc_end1:
_tile_overlayer_lowered:
.L_overlay_start_2:
0x55: {  	(tag) =	ssettag $0x2  }
0x56: {  	s0 =	rddreg [dreg:$0x0];
	s2 =	stileid.u32  }
0x57: {  	s1 =	rddreg [dreg:$0x1];
	p0 =	sne.s32 s2, $0x0  }
0x58: {  	s3 =	rddreg [dreg:$0x2];
	[bflag:$0x3] =	sbarrier.arrive $0xFFFF;
	s2 =	simm.s32 @!p0 $0x1C01  }
0x59: {  	[timem:s3], [sflag:s2] =	dma.local @!p0 [hbm:s0], s1  }
0x5a: {  	s0 =	simm.s32 @!p0 $0x1  }
0x5b: {  	_ =	swait.ge @!p0 [sflag:s0], s1  }
0x5c: {  	s1 =	ssub.s32 @!p0 $0x0, s1;
	[sflag:s0] =	ssyncset.done @!p0 $0x0  }
0x5d: {  	[sflag:s0] =	ssyncadd.s32 @!p0 s1  }
0x5e: {  	[bflag:$0x3] =	sbarrier.arrive $0xFFFF  }
0x5f: {  	_ =	shalt  }

</sc_bundles>
